<compile_context>
chip_gen: v7x
topology: tpu7x:2x2x1
jax: 0.10.2.dev20260603
libtpu: 0.0.44.dev20260713+nightly
codegen_flags: <defaults>
</compile_context>

<pallas_src>
import functools

import jax
import jax.numpy as jnp
from jax import lax
from jax.experimental import pallas as pl
from jax.experimental.pallas import tpu as pltpu
from jax.experimental.pallas import tpu_sc as plsc

_C = 80
_B = 16
_N = 8400
_T = 32
_NW = 32
_BPW = (_B * _T) // _NW
_LAMBDA_COORD = 5.0


def _softplus(x):
    return jnp.maximum(x, 0.0) + jnp.log1p(jnp.exp(-jnp.abs(x)))


_ATAN_COEFFS = (9.999998711639e-01, -3.333252400263e-01, 1.998488468557e-01,
                -1.415480604185e-01, 1.047753919858e-01, -7.194384542314e-02,
                3.934541314624e-02, -1.415234803516e-02, 2.398139012257e-03)


def _atan(x):
    a = jnp.abs(x)
    inv = a > 1.0
    z = jnp.where(inv, 1.0 / a, a)
    t = z * z
    p = jnp.full_like(z, _ATAN_COEFFS[-1])
    for coef in _ATAN_COEFFS[-2::-1]:
        p = p * t + coef
    p = p * z
    r = jnp.where(inv, (jnp.pi / 2.0) - p, p)
    return jnp.sign(x) * r


def _argmax_body(pb_ref, gt_ref, idx_ref, idx2_ref):
  for i in range(2):
    px1 = pb_ref[i, 0:1, :]
    py1 = pb_ref[i, 1:2, :]
    px2 = pb_ref[i, 2:3, :]
    py2 = pb_ref[i, 3:4, :]
    gt = gt_ref[i]
    gx1 = gt[:, 0:1]
    gy1 = gt[:, 1:2]
    gx2 = gt[:, 2:3]
    gy2 = gt[:, 3:4]

    parea = (px2 - px1) * (py2 - py1)
    garea = (gx2 - gx1) * (gy2 - gy1)
    ix1 = jnp.maximum(px1, gx1)
    iy1 = jnp.maximum(py1, gy1)
    ix2 = jnp.minimum(px2, gx2)
    iy2 = jnp.minimum(py2, gy2)
    inter = jnp.maximum(ix2 - ix1, 0.0) * jnp.maximum(iy2 - iy1, 0.0)
    union = parea + garea - inter
    iou = inter / (union + 1e-6)

    m = jnp.max(iou, axis=1, keepdims=True)
    lane = lax.broadcasted_iota(jnp.int32, iou.shape, 1)
    best = jnp.min(jnp.where(iou == m, lane, _N - 1), axis=1,
                   keepdims=True)
    idx2_ref[i] = best

    ident = (lax.broadcasted_iota(jnp.int32, (_T, _T), 0)
             == lax.broadcasted_iota(jnp.int32, (_T, _T), 1))
    best_t = jnp.sum(jnp.where(ident, jnp.broadcast_to(best, (_T, _T)), 0),
                     axis=0, keepdims=True)
    idx_ref[i] = best_t


def _argmax(pb, gt):
    return pl.pallas_call(
        _argmax_body,
        grid=(_B // 2,),
        in_specs=[pl.BlockSpec((2, 4, _N), lambda b: (b, 0, 0)),
                  pl.BlockSpec((2, _T, 4), lambda b: (b, 0, 0))],
        out_specs=[pl.BlockSpec((2, 1, _T), lambda b: (b, 0, 0)),
                   pl.BlockSpec((2, _T, 1), lambda b: (b, 0, 0))],
        out_shape=[jax.ShapeDtypeStruct((_B, 1, _T), jnp.int32),
                   jax.ShapeDtypeStruct((_B, _T, 1), jnp.int32)],
        compiler_params=pltpu.CompilerParams(
            dimension_semantics=("parallel",)),
    )(pb, gt)


def _losses_body(pb_ref, pc_ref, gt_ref, idx2_ref, bl_ref, ol_ref):
  for i in range(2):
    px1 = pb_ref[i, 0:1, :]
    py1 = pb_ref[i, 1:2, :]
    px2 = pb_ref[i, 2:3, :]
    py2 = pb_ref[i, 3:4, :]
    pc = pc_ref[i]
    gt = gt_ref[i]
    gx1 = gt[:, 0:1]
    gy1 = gt[:, 1:2]
    gx2 = gt[:, 2:3]
    gy2 = gt[:, 3:4]
    garea = (gx2 - gx1) * (gy2 - gy1)
    best = idx2_ref[i]

    lane = lax.broadcasted_iota(jnp.int32, (_T, _N), 1)
    onehot = lane == best
    colmask = jnp.max(jnp.where(onehot, 1.0, 0.0), axis=0, keepdims=True)
    obj = (jnp.sum(_softplus(pc)) - jnp.sum(colmask * pc)) / float(_N)
    ol_ref[i] = jnp.broadcast_to(obj, (1, 1))

    mx1 = jnp.sum(jnp.where(onehot, px1, 0.0), axis=1, keepdims=True)
    my1 = jnp.sum(jnp.where(onehot, py1, 0.0), axis=1, keepdims=True)
    mx2 = jnp.sum(jnp.where(onehot, px2, 0.0), axis=1, keepdims=True)
    my2 = jnp.sum(jnp.where(onehot, py2, 0.0), axis=1, keepdims=True)

    area1 = (mx2 - mx1) * (my2 - my1)
    left = jnp.maximum(mx1, gx1)
    top = jnp.maximum(my1, gy1)
    right = jnp.minimum(mx2, gx2)
    bottom = jnp.minimum(my2, gy2)
    wh = jnp.maximum(right - left, 0.0) * jnp.maximum(bottom - top, 0.0)
    uni = area1 + garea - wh
    iou_d = wh / (uni + 1e-6)
    cx1 = (mx1 + mx2) * 0.5
    cy1 = (my1 + my2) * 0.5
    cx2 = (gx1 + gx2) * 0.5
    cy2 = (gy1 + gy2) * 0.5
    ex1 = jnp.minimum(mx1, gx1)
    ey1 = jnp.minimum(my1, gy1)
    ex2 = jnp.maximum(mx2, gx2)
    ey2 = jnp.maximum(my2, gy2)
    c_diag = (ex2 - ex1) ** 2 + (ey2 - ey1) ** 2
    center_dist = (cx1 - cx2) ** 2 + (cy1 - cy2) ** 2
    w1 = mx2 - mx1
    h1 = my2 - my1
    w2 = gx2 - gx1
    h2 = gy2 - gy1
    v = 4.0 / (jnp.pi ** 2) * (_atan(w2 / h2) - _atan(w1 / h1)) ** 2
    alpha = v / (1.0 - iou_d + v + 1e-6)
    ciou = iou_d - center_dist / c_diag - alpha * v
    bl_ref[i] = jnp.broadcast_to(jnp.sum(1.0 - ciou) / float(_T), (1, 1))


def _losses(pb, pc, gt, idx2):
    return pl.pallas_call(
        _losses_body,
        grid=(_B // 2,),
        in_specs=[pl.BlockSpec((2, 4, _N), lambda b: (b, 0, 0)),
                  pl.BlockSpec((2, 1, _N), lambda b: (b, 0, 0)),
                  pl.BlockSpec((2, _T, 4), lambda b: (b, 0, 0)),
                  pl.BlockSpec((2, _T, 1), lambda b: (b, 0, 0))],
        out_specs=[pl.BlockSpec((2, 1, 1), lambda b: (b, 0, 0)),
                   pl.BlockSpec((2, 1, 1), lambda b: (b, 0, 0))],
        out_shape=[jax.ShapeDtypeStruct((_B, 1, 1), jnp.float32),
                   jax.ShapeDtypeStruct((_B, 1, 1), jnp.float32)],
        compiler_params=pltpu.CompilerParams(
            dimension_semantics=("parallel",)),
    )(pb, pc, gt, idx2)


def _gather_cols_sc(table, idx):
    mesh = plsc.VectorSubcoreMesh(core_axis_name="c", subcore_axis_name="s")

    nbuf = 4

    @functools.partial(
        pl.kernel, mesh=mesh,
        out_type=jax.ShapeDtypeStruct((_NW, _C, _BPW), jnp.float32),
        scratch_types=[
            pltpu.VMEM((_BPW,), jnp.int32),
            pltpu.VMEM((nbuf, _C, 128), jnp.float32),
            pltpu.VMEM((_C, _BPW), jnp.float32),
            pltpu.SemaphoreType.DMA,
        ],
        compiler_params=pltpu.CompilerParams(needs_layout_passes=False),
    )
    def k(table_hbm, idx_hbm, out_hbm, idx_v, slab_v, col_v, sem):
        wid = lax.axis_index("s") * 2 + lax.axis_index("c")
        base = wid * _BPW
        pltpu.sync_copy(idx_hbm.at[pl.ds(base, _BPW)], idx_v)
        iv = idx_v[...]
        riota = lax.iota(jnp.int32, 16)

        def fire(j):
            row0 = pl.multiple_of(((base + j) // _T) * _C, _C)
            r = iv[j]
            lt = pl.multiple_of(r - r % 128, 128)
            return pltpu.async_copy(
                table_hbm.at[pl.ds(row0, _C), pl.ds(lt, 128)],
                slab_v.at[j % nbuf], sem)

        def select(j):
            rmv = jnp.full((16,), iv[j] % 128, dtype=jnp.int32)
            for c in range(_C // 16):
                vals = plsc.load_gather(
                    slab_v.at[j % nbuf], [c * 16 + riota, rmv])
                plsc.store_scatter(
                    col_v, [c * 16 + riota,
                            jnp.full((16,), j, dtype=jnp.int32)], vals)

        cps = [fire(j) for j in range(nbuf)]
        for j in range(_BPW):
            cps[j].wait()
            select(j)
            if j + nbuf < _BPW:
                cps.append(fire(j + nbuf))
        pltpu.sync_copy(col_v, out_hbm.at[wid])

    return k(table, idx)


def _finish_body(x_ref, lab_ref, bl_ref, ol_ref, out_ref):
    x = x_ref[...]
    lab = lab_ref[...]
    cls_iota = lax.broadcasted_iota(jnp.int32, x.shape, 1)
    picked = jnp.sum(jnp.where(cls_iota == lab, x, 0.0))
    sp = jnp.sum(_softplus(x))
    cls_total = (sp - picked) / float(_T * _C * _B)
    box_total = jnp.sum(bl_ref[...]) / float(_B)
    obj_total = jnp.sum(ol_ref[...]) / float(_B)
    out_ref[...] = jnp.broadcast_to(
        _LAMBDA_COORD * box_total + obj_total + cls_total, (1, 1))


def _finish(x, labg, bl, ol):
    return pl.pallas_call(
        _finish_body,
        out_shape=jax.ShapeDtypeStruct((1, 1), jnp.float32),
    )(x, labg, bl, ol)


def kernel(pred_boxes, pred_conf, pred_cls, boxes, labels, anchors):
    del anchors
    pb = jnp.swapaxes(pred_boxes, 1, 2)
    pc = jnp.swapaxes(pred_conf, 1, 2)
    idx, idx2 = _argmax(pb, boxes)
    table = jnp.swapaxes(pred_cls, 1, 2).reshape(_B * _C, _N)
    cols = _gather_cols_sc(table, idx.reshape(_B * _T))
    bl, ol = _losses(pb, pc, boxes, idx2)
    labg = labels.reshape(_NW, 1, _BPW).astype(jnp.int32)
    out = _finish(cols, labg, bl.reshape(_B, 1), ol.reshape(_B, 1))
    return out.reshape(())

# --- scband reference (transcript-rebuilt; emitter-appended) ---
"""Pipeline reference for scband-yololoss-85349590106614 (READ-ONLY COPY).

The authoritative reference and input builder live on the scoring server;
editing this copy changes nothing except your own understanding.
"""

import jax, jax.numpy as jnp
import numpy as np

NUM_CLASSES = 80
LAMBDA_COORD = 5.0
LAMBDA_NOOBJ = 0.5


def _bce_logits(x, z):
    # numerically stable BCEWithLogits, reduction='none'
    return jnp.maximum(x, 0.0) - x * z + jnp.log1p(jnp.exp(-jnp.abs(x)))


def _box_iou(boxes1, boxes2):
    area1 = (boxes1[..., 2] - boxes1[..., 0]) * (boxes1[..., 3] - boxes1[..., 1])
    area2 = (boxes2[..., 2] - boxes2[..., 0]) * (boxes2[..., 3] - boxes2[..., 1])
    inter_x1 = jnp.maximum(boxes1[..., 0][..., None], boxes2[..., 0])
    inter_y1 = jnp.maximum(boxes1[..., 1][..., None], boxes2[..., 1])
    inter_x2 = jnp.minimum(boxes1[..., 2][..., None], boxes2[..., 2])
    inter_y2 = jnp.minimum(boxes1[..., 3][..., None], boxes2[..., 3])
    inter = jnp.clip(inter_x2 - inter_x1, 0.0) * jnp.clip(inter_y2 - inter_y1, 0.0)
    union = area1[..., None] + area2 - inter
    return inter / (union + 1e-06)


def _compute_ciou(boxes1, boxes2):
    b1e = boxes1[:, None, :]
    b2e = boxes2[None, :, :]
    area1 = (boxes1[..., 2] - boxes1[..., 0]) * (boxes1[..., 3] - boxes1[..., 1])
    area2 = (boxes2[..., 2] - boxes2[..., 0]) * (boxes2[..., 3] - boxes2[..., 1])
    left = jnp.maximum(b1e[..., 0], b2e[..., 0])
    top = jnp.maximum(b1e[..., 1], b2e[..., 1])
    right = jnp.minimum(b1e[..., 2], b2e[..., 2])
    bottom = jnp.minimum(b1e[..., 3], b2e[..., 3])
    wh = jnp.clip(right - left, 0.0) * jnp.clip(bottom - top, 0.0)
    union = area1[:, None] + area2 - wh
    iou = wh / (union + 1e-06)
    iou = jnp.diagonal(iou)
    b1_x1, b1_y1, b1_x2, b1_y2 = boxes1[:, 0], boxes1[:, 1], boxes1[:, 2], boxes1[:, 3]
    b2_x1, b2_y1, b2_x2, b2_y2 = boxes2[:, 0], boxes2[:, 1], boxes2[:, 2], boxes2[:, 3]
    b1_cx = (b1_x1 + b1_x2) / 2.0
    b1_cy = (b1_y1 + b1_y2) / 2.0
    b2_cx = (b2_x1 + b2_x2) / 2.0
    b2_cy = (b2_y1 + b2_y2) / 2.0
    c_x1 = jnp.minimum(b1_x1, b2_x1)
    c_y1 = jnp.minimum(b1_y1, b2_y1)
    c_x2 = jnp.maximum(b1_x2, b2_x2)
    c_y2 = jnp.maximum(b1_y2, b2_y2)
    c_diag = (c_x2 - c_x1) ** 2 + (c_y2 - c_y1) ** 2
    center_dist = (b1_cx - b2_cx) ** 2 + (b1_cy - b2_cy) ** 2
    w1 = b1_x2 - b1_x1
    h1 = b1_y2 - b1_y1
    w2 = b2_x2 - b2_x1
    h2 = b2_y2 - b2_y1
    v = 4.0 / (jnp.pi ** 2) * (jnp.arctan(w2 / h2) - jnp.arctan(w1 / h1)) ** 2
    alpha = v / (1.0 - iou + v + 1e-06)
    ciou = iou - center_dist / c_diag - alpha * v
    return 1.0 - ciou


def _loss(pred_boxes, pred_conf, pred_cls, boxes, labels):
    B = pred_boxes.shape[0]

    def per_image(pb, pc, pcl, bx, lb):
        pb_flat = pb.reshape(-1, 4)
        ious = _box_iou(pb_flat, bx)  # [N, T]
        best_idx = jnp.argmax(ious, axis=0)  # [T]
        N = pb_flat.shape[0]
        obj_mask = jnp.zeros((N, 1), dtype=pc.dtype).at[best_idx, 0].set(1.0)
        obj_mask = obj_mask.reshape(pc.shape)
        obj_loss = _bce_logits(pc, obj_mask).mean()
        pred_boxes_matched = pb_flat[best_idx]
        box_loss = _compute_ciou(pred_boxes_matched, bx).mean()
        pred_cls_matched = pcl.reshape(-1, NUM_CLASSES)[best_idx]
        target_cls = jax.nn.one_hot(lb, NUM_CLASSES, dtype=jnp.float32)
        class_loss = _bce_logits(pred_cls_matched, target_cls).mean()
        return box_loss, obj_loss, class_loss

    bl, ol, cl = jax.vmap(per_image)(pred_boxes, pred_conf, pred_cls, boxes, labels)
    total_box = bl.sum() / B
    total_obj = ol.sum() / B
    total_cls = cl.sum() / B
    return LAMBDA_COORD * total_box + total_obj + total_cls


def setup_inputs(seed: int = 0):
    key = jax.random.key(seed)
    k1, k2, k3, k4, k5, k6 = jax.random.split(key, 6)
    B, N, T = 16, 8400, 32
    pred_boxes = jax.random.normal(k1, (B, N, 4), dtype=jnp.float32)
    pred_conf = jax.random.normal(k2, (B, N, 1), dtype=jnp.float32)
    pred_cls = jax.random.normal(k3, (B, N, NUM_CLASSES), dtype=jnp.float32)
    raw = jax.random.uniform(k4, (B, T, 4), dtype=jnp.float32)
    x1 = raw[..., 0] * 0.5
    y1 = raw[..., 1] * 0.5
    w = raw[..., 2] * 0.4 + 0.05
    h = raw[..., 3] * 0.4 + 0.05
    boxes = jnp.stack([x1, y1, x1 + w, y1 + h], axis=-1)
    labels = jax.random.randint(k5, (B, T), 0, NUM_CLASSES)
    anchors = jax.random.uniform(k6, (3, 2), dtype=jnp.float32)
    return {"pred_boxes": pred_boxes, "pred_conf": pred_conf, "pred_cls": pred_cls,
            "boxes": boxes, "labels": labels, "anchors": anchors}


def reference(pred_boxes, pred_conf, pred_cls, boxes, labels, anchors):
    # anchors is accepted by the torch forward but never used
    return _loss(pred_boxes, pred_conf, pred_cls, boxes, labels)

if __name__ == "__main__":
    import jax
    _d = setup_inputs()
    print(jax.jit(kernel)(*tuple(_d.values())))

</pallas_src>

<mosaic_0001>
#map = affine_map<(d0, d1) -> (0, 0)>
#map1 = affine_map<(d0, d1) -> (0)>
#map2 = affine_map<(d0, d1) -> (0, 0, 0)>
module attributes {stable_mosaic.version = 14 : i64} {
  func.func @k(%arg0: i32, %arg1: i32, %arg2: memref<1280x8400xf32, #tpu.memory_space<hbm>>, %arg3: memref<512xi32, #tpu.memory_space<hbm>>, %arg4: memref<32x80x16xf32, #tpu.memory_space<hbm>>, %arg5: memref<16xi32, #tpu.memory_space<vmem>>, %arg6: memref<4x80x128xf32, #tpu.memory_space<vmem>>, %arg7: memref<80x16xf32, #tpu.memory_space<vmem>>, %arg8: memref<!tpu.dma_semaphore, #tpu.memory_space<semaphore_mem>>) attributes {dimension_semantics = [#tpu.dimension_semantics<core_parallel>, #tpu.dimension_semantics<subcore_parallel>], iteration_bounds = array<i64: 2, 16>, scalar_prefetch = 0 : i64, scratch_operands = 4 : i64, tpu.core_type = #tpu.core_type<sc_vector_subcore>, window_params = [{transform_indices = #map}, {transform_indices = #map1}, {transform_indices = #map2}]} {
    %mul3A = arith.constant 2 : i32
    %mul3A_0 = arith.muli %arg1, %mul3A : i32
    %add3A = arith.addi %mul3A_0, %arg0 : i32
    %mul3A_1 = arith.constant 16 : i32
    %mul3A_2 = arith.muli %add3A, %mul3A_1 : i32
    "tpu.region"() ({
      %run_scoped3A = tpu.sem_alloc : memref<!tpu.dma_semaphore, #tpu.memory_space<semaphore_mem>>
      %dma_start3A_2547 = tpu.memref_slice %arg3[%mul3A_2] : memref<512xi32, #tpu.memory_space<hbm>> -> memref<16xi32, #tpu.memory_space<hbm>>
      %dma_start3A_2548 = tpu.memref_slice %arg3[%mul3A_2] : memref<512xi32, #tpu.memory_space<hbm>> -> memref<16xi32, #tpu.memory_space<hbm>>
      tpu.enqueue_dma source(%dma_start3A_2548 : memref<16xi32, #tpu.memory_space<hbm>>) target(%arg5 : memref<16xi32, #tpu.memory_space<vmem>>) target_semaphore(%run_scoped3A : memref<!tpu.dma_semaphore, #tpu.memory_space<semaphore_mem>>)
      %dma_wait3A_2549 = tpu.memref_slice %arg3[%mul3A_2] : memref<512xi32, #tpu.memory_space<hbm>> -> memref<16xi32, #tpu.memory_space<hbm>>
      %dma_wait3A_2550 = tpu.memref_slice %arg3[%mul3A_2] : memref<512xi32, #tpu.memory_space<hbm>> -> memref<16xi32, #tpu.memory_space<hbm>>
      tpu.wait_dma2 semaphore(%run_scoped3A : memref<!tpu.dma_semaphore, #tpu.memory_space<semaphore_mem>>) src(%dma_wait3A_2550 : memref<16xi32, #tpu.memory_space<hbm>>) dst(%arg5 : memref<16xi32, #tpu.memory_space<vmem>>)
      tpu.yield
    }) : () -> ()
    %get3A = arith.constant 0 : index
    %get3A_3 = tpu.vector_load %arg5[%get3A] {strides = array<i32>} : memref<16xi32, #tpu.memory_space<vmem>>, vector<16xi32>,
    %iota3A = tpu.iota {dimensions = array<i32: 0>} : vector<16xi32>
    %add3A_4 = arith.constant 0 : i32
    %add3A_5 = arith.addi %mul3A_2, %add3A_4 : i32
    %jit3A = arith.constant 32 : i32
    %div3A = arith.divsi %add3A_5, %jit3A : i32
    %sign3A = arith.constant 0 : i32
    %sign3A_6 = arith.cmpi sgt, %add3A_5, %sign3A : i32
    %sign3A_7 = arith.extui %sign3A_6 : i1 to i32
    %sign3A_8 = arith.constant 0 : i32
    %sign3A_9 = arith.cmpi slt, %add3A_5, %sign3A_8 : i32
    %sign3A_10 = arith.extui %sign3A_9 : i1 to i32
    %sign3A_11 = arith.subi %sign3A_7, %sign3A_10 : i32
    %sign3A_12 = arith.constant 0 : i32
    %sign3A_13 = arith.cmpi sgt, %jit3A, %sign3A_12 : i32
    %sign3A_14 = arith.extui %sign3A_13 : i1 to i32
    %sign3A_15 = arith.constant 0 : i32
    %sign3A_16 = arith.cmpi slt, %jit3A, %sign3A_15 : i32
    %sign3A_17 = arith.extui %sign3A_16 : i1 to i32
    %sign3A_18 = arith.subi %sign3A_14, %sign3A_17 : i32
    %ne3A = arith.cmpi ne, %sign3A_11, %sign3A_18 : i32
    %rem3A = arith.remsi %add3A_5, %jit3A : i32
    %ne3A_19 = arith.constant 0 : i32
    %ne3A_20 = arith.cmpi ne, %rem3A, %ne3A_19 : i32
    %and3A = arith.andi %ne3A, %ne3A_20 : i1
    %sub3A = arith.constant 1 : i32
    %sub3A_21 = arith.subi %div3A, %sub3A : i32
    %select_n3A = arith.select %and3A, %sub3A_21, %div3A : i32
    %mul3A_22 = arith.constant 80 : i32
    %mul3A_23 = arith.muli %select_n3A, %mul3A_22 : i32
    %multiple_of3A = tpu.assume_multiple %mul3A_23, 80 : i32
    %slice3A = vector.extract_strided_slice %get3A_3 {offsets = [0], sizes = [1], strides = [1]} : vector<16xi32> to vector<1xi32>
    %squeeze3A = vector.extract %slice3A[0] : i32 from vector<1xi32>
    %jit3A_24 = arith.constant 128 : i32
    %eq3A = arith.constant 0 : i32
    %eq3A_25 = arith.cmpi eq, %jit3A_24, %eq3A : i32
    %jit3A_26 = arith.constant 1 : i32
    %select_n3A_27 = arith.select %eq3A_25, %jit3A_26, %jit3A_24 : i32
    %rem3A_28 = arith.remsi %squeeze3A, %select_n3A_27 : i32
    %ne3A_29 = arith.constant 0 : i32
    %ne3A_30 = arith.cmpi ne, %rem3A_28, %ne3A_29 : i32
    %lt3A = arith.constant 0 : i32
    %lt3A_31 = arith.cmpi slt, %rem3A_28, %lt3A : i32
    %lt3A_32 = arith.constant 0 : i32
    %lt3A_33 = arith.cmpi slt, %select_n3A_27, %lt3A_32 : i32
    %ne3A_34 = arith.xori %lt3A_31, %lt3A_33 : i1
    %and3A_35 = arith.andi %ne3A_34, %ne3A_30 : i1
    %add3A_36 = arith.addi %rem3A_28, %select_n3A_27 : i32
    %select_n3A_37 = arith.select %and3A_35, %add3A_36, %rem3A_28 : i32
    %sub3A_38 = arith.subi %squeeze3A, %select_n3A_37 : i32
    %multiple_of3A_39 = tpu.assume_multiple %sub3A_38, 128 : i32
    %dma_start3A = arith.constant 0 : i32
    %dma_start3A_40 = arith.constant 0 : i32
    %dma_start3A_41 = arith.constant 0 : i32
    %dma_start3A_42 = tpu.memref_slice %arg6[%dma_start3A, %dma_start3A_40, %dma_start3A_41] : memref<4x80x128xf32, #tpu.memory_space<vmem>> -> memref<1x80x128xf32, #tpu.memory_space<vmem>>
    %dma_start3A_43 = tpu.memref_squeeze %dma_start3A_42 : memref<1x80x128xf32, #tpu.memory_space<vmem>> -> memref<80x128xf32, #tpu.memory_space<vmem>>
    %dma_start3A_44 = tpu.memref_slice %arg2[%multiple_of3A, %multiple_of3A_39] : memref<1280x8400xf32, #tpu.memory_space<hbm>> -> memref<80x128xf32, #tpu.memory_space<hbm>>
    %dma_start3A_45 = arith.constant 0 : i32
    %dma_start3A_46 = arith.constant 0 : i32
    %dma_start3A_47 = tpu.memref_slice %arg6[%dma_start3A, %dma_start3A_45, %dma_start3A_46] : memref<4x80x128xf32, #tpu.memory_space<vmem>> -> memref<1x80x128xf32, #tpu.memory_space<vmem>>
    %dma_start3A_48 = tpu.memref_squeeze %dma_start3A_47 : memref<1x80x128xf32, #tpu.memory_space<vmem>> -> memref<80x128xf32, #tpu.memory_space<vmem>>
    %dma_start3A_49 = tpu.memref_slice %arg2[%multiple_of3A, %multiple_of3A_39] : memref<1280x8400xf32, #tpu.memory_space<hbm>> -> memref<80x128xf32, #tpu.memory_space<hbm>>
    tpu.enqueue_dma source(%dma_start3A_49 : memref<80x128xf32, #tpu.memory_space<hbm>>) target(%dma_start3A_48 : memref<80x128xf32, #tpu.memory_space<vmem>>) target_semaphore(%arg8 : memref<!tpu.dma_semaphore, #tpu.memory_space<semaphore_mem>>)
    %add3A_50 = arith.constant 1 : i32
    %add3A_51 = arith.addi %mul3A_2, %add3A_50 : i32
    %jit3A_52 = arith.constant 32 : i32
    %div3A_53 = arith.divsi %add3A_51, %jit3A_52 : i32
    %sign3A_54 = arith.constant 0 : i32
    %sign3A_55 = arith.cmpi sgt, %add3A_51, %sign3A_54 : i32
    %sign3A_56 = arith.extui %sign3A_55 : i1 to i32
    %sign3A_57 = arith.constant 0 : i32
    %sign3A_58 = arith.cmpi slt, %add3A_51, %sign3A_57 : i32
    %sign3A_59 = arith.extui %sign3A_58 : i1 to i32
    %sign3A_60 = arith.subi %sign3A_56, %sign3A_59 : i32
    %sign3A_61 = arith.constant 0 : i32
    %sign3A_62 = arith.cmpi sgt, %jit3A_52, %sign3A_61 : i32
    %sign3A_63 = arith.extui %sign3A_62 : i1 to i32
    %sign3A_64 = arith.constant 0 : i32
    %sign3A_65 = arith.cmpi slt, %jit3A_52, %sign3A_64 : i32
    %sign3A_66 = arith.extui %sign3A_65 : i1 to i32
    %sign3A_67 = arith.subi %sign3A_63, %sign3A_66 : i32
    %ne3A_68 = arith.cmpi ne, %sign3A_60, %sign3A_67 : i32
    %rem3A_69 = arith.remsi %add3A_51, %jit3A_52 : i32
    %ne3A_70 = arith.constant 0 : i32
    %ne3A_71 = arith.cmpi ne, %rem3A_69, %ne3A_70 : i32
    %and3A_72 = arith.andi %ne3A_68, %ne3A_71 : i1
    %sub3A_73 = arith.constant 1 : i32
    %sub3A_74 = arith.subi %div3A_53, %sub3A_73 : i32
    %select_n3A_75 = arith.select %and3A_72, %sub3A_74, %div3A_53 : i32
    %mul3A_76 = arith.constant 80 : i32
    %mul3A_77 = arith.muli %select_n3A_75, %mul3A_76 : i32
    %multiple_of3A_78 = tpu.assume_multiple %mul3A_77, 80 : i32
    %slice3A_79 = vector.extract_strided_slice %get3A_3 {offsets = [1], sizes = [1], strides = [1]} : vector<16xi32> to vector<1xi32>
    %squeeze3A_80 = vector.extract %slice3A_79[0] : i32 from vector<1xi32>
    %jit3A_81 = arith.constant 128 : i32
    %eq3A_82 = arith.constant 0 : i32
    %eq3A_83 = arith.cmpi eq, %jit3A_81, %eq3A_82 : i32
    %jit3A_84 = arith.constant 1 : i32
    %select_n3A_85 = arith.select %eq3A_83, %jit3A_84, %jit3A_81 : i32
    %rem3A_86 = arith.remsi %squeeze3A_80, %select_n3A_85 : i32
    %ne3A_87 = arith.constant 0 : i32
    %ne3A_88 = arith.cmpi ne, %rem3A_86, %ne3A_87 : i32
    %lt3A_89 = arith.constant 0 : i32
    %lt3A_90 = arith.cmpi slt, %rem3A_86, %lt3A_89 : i32
    %lt3A_91 = arith.constant 0 : i32
    %lt3A_92 = arith.cmpi slt, %select_n3A_85, %lt3A_91 : i32
    %ne3A_93 = arith.xori %lt3A_90, %lt3A_92 : i1
    %and3A_94 = arith.andi %ne3A_93, %ne3A_88 : i1
    %add3A_95 = arith.addi %rem3A_86, %select_n3A_85 : i32
    %select_n3A_96 = arith.select %and3A_94, %add3A_95, %rem3A_86 : i32
    %sub3A_97 = arith.subi %squeeze3A_80, %select_n3A_96 : i32
    %multiple_of3A_98 = tpu.assume_multiple %sub3A_97, 128 : i32
    %dma_start3A_99 = arith.constant 1 : i32
    %dma_start3A_100 = arith.constant 0 : i32
    %dma_start3A_101 = arith.constant 0 : i32
    %dma_start3A_102 = tpu.memref_slice %arg6[%dma_start3A_99, %dma_start3A_100, %dma_start3A_101] : memref<4x80x128xf32, #tpu.memory_space<vmem>> -> memref<1x80x128xf32, #tpu.memory_space<vmem>>
    %dma_start3A_103 = tpu.memref_squeeze %dma_start3A_102 : memref<1x80x128xf32, #tpu.memory_space<vmem>> -> memref<80x128xf32, #tpu.memory_space<vmem>>
    %dma_start3A_104 = tpu.memref_slice %arg2[%multiple_of3A_78, %multiple_of3A_98] : memref<1280x8400xf32, #tpu.memory_space<hbm>> -> memref<80x128xf32, #tpu.memory_space<hbm>>
    %dma_start3A_105 = arith.constant 0 : i32
    %dma_start3A_106 = arith.constant 0 : i32
    %dma_start3A_107 = tpu.memref_slice %arg6[%dma_start3A_99, %dma_start3A_105, %dma_start3A_106] : memref<4x80x128xf32, #tpu.memory_space<vmem>> -> memref<1x80x128xf32, #tpu.memory_space<vmem>>
    %dma_start3A_108 = tpu.memref_squeeze %dma_start3A_107 : memref<1x80x128xf32, #tpu.memory_space<vmem>> -> memref<80x128xf32, #tpu.memory_space<vmem>>
    %dma_start3A_109 = tpu.memref_slice %arg2[%multiple_of3A_78, %multiple_of3A_98] : memref<1280x8400xf32, #tpu.memory_space<hbm>> -> memref<80x128xf32, #tpu.memory_space<hbm>>
    tpu.enqueue_dma source(%dma_start3A_109 : memref<80x128xf32, #tpu.memory_space<hbm>>) target(%dma_start3A_108 : memref<80x128xf32, #tpu.memory_space<vmem>>) target_semaphore(%arg8 : memref<!tpu.dma_semaphore, #tpu.memory_space<semaphore_mem>>)
    %add3A_110 = arith.constant 2 : i32
    %add3A_111 = arith.addi %mul3A_2, %add3A_110 : i32
    %jit3A_112 = arith.constant 32 : i32
    %div3A_113 = arith.divsi %add3A_111, %jit3A_112 : i32
    %sign3A_114 = arith.constant 0 : i32
    %sign3A_115 = arith.cmpi sgt, %add3A_111, %sign3A_114 : i32
    %sign3A_116 = arith.extui %sign3A_115 : i1 to i32
    %sign3A_117 = arith.constant 0 : i32
    %sign3A_118 = arith.cmpi slt, %add3A_111, %sign3A_117 : i32
    %sign3A_119 = arith.extui %sign3A_118 : i1 to i32
    %sign3A_120 = arith.subi %sign3A_116, %sign3A_119 : i32
    %sign3A_121 = arith.constant 0 : i32
    %sign3A_122 = arith.cmpi sgt, %jit3A_112, %sign3A_121 : i32
    %sign3A_123 = arith.extui %sign3A_122 : i1 to i32
    %sign3A_124 = arith.constant 0 : i32
    %sign3A_125 = arith.cmpi slt, %jit3A_112, %sign3A_124 : i32
    %sign3A_126 = arith.extui %sign3A_125 : i1 to i32
    %sign3A_127 = arith.subi %sign3A_123, %sign3A_126 : i32
    %ne3A_128 = arith.cmpi ne, %sign3A_120, %sign3A_127 : i32
    %rem3A_129 = arith.remsi %add3A_111, %jit3A_112 : i32
    %ne3A_130 = arith.constant 0 : i32
    %ne3A_131 = arith.cmpi ne, %rem3A_129, %ne3A_130 : i32
    %and3A_132 = arith.andi %ne3A_128, %ne3A_131 : i1
    %sub3A_133 = arith.constant 1 : i32
    %sub3A_134 = arith.subi %div3A_113, %sub3A_133 : i32
    %select_n3A_135 = arith.select %and3A_132, %sub3A_134, %div3A_113 : i32
    %mul3A_136 = arith.constant 80 : i32
    %mul3A_137 = arith.muli %select_n3A_135, %mul3A_136 : i32
    %multiple_of3A_138 = tpu.assume_multiple %mul3A_137, 80 : i32
    %slice3A_139 = vector.extract_strided_slice %get3A_3 {offsets = [2], sizes = [1], strides = [1]} : vector<16xi32> to vector<1xi32>
    %squeeze3A_140 = vector.extract %slice3A_139[0] : i32 from vector<1xi32>
    %jit3A_141 = arith.constant 128 : i32
    %eq3A_142 = arith.constant 0 : i32
    %eq3A_143 = arith.cmpi eq, %jit3A_141, %eq3A_142 : i32
    %jit3A_144 = arith.constant 1 : i32
    %select_n3A_145 = arith.select %eq3A_143, %jit3A_144, %jit3A_141 : i32
    %rem3A_146 = arith.remsi %squeeze3A_140, %select_n3A_145 : i32
    %ne3A_147 = arith.constant 0 : i32
    %ne3A_148 = arith.cmpi ne, %rem3A_146, %ne3A_147 : i32
    %lt3A_149 = arith.constant 0 : i32
    %lt3A_150 = arith.cmpi slt, %rem3A_146, %lt3A_149 : i32
    %lt3A_151 = arith.constant 0 : i32
    %lt3A_152 = arith.cmpi slt, %select_n3A_145, %lt3A_151 : i32
    %ne3A_153 = arith.xori %lt3A_150, %lt3A_152 : i1
    %and3A_154 = arith.andi %ne3A_153, %ne3A_148 : i1
    %add3A_155 = arith.addi %rem3A_146, %select_n3A_145 : i32
    %select_n3A_156 = arith.select %and3A_154, %add3A_155, %rem3A_146 : i32
    %sub3A_157 = arith.subi %squeeze3A_140, %select_n3A_156 : i32
    %multiple_of3A_158 = tpu.assume_multiple %sub3A_157, 128 : i32
    %dma_start3A_159 = arith.constant 2 : i32
    %dma_start3A_160 = arith.constant 0 : i32
    %dma_start3A_161 = arith.constant 0 : i32
    %dma_start3A_162 = tpu.memref_slice %arg6[%dma_start3A_159, %dma_start3A_160, %dma_start3A_161] : memref<4x80x128xf32, #tpu.memory_space<vmem>> -> memref<1x80x128xf32, #tpu.memory_space<vmem>>
    %dma_start3A_163 = tpu.memref_squeeze %dma_start3A_162 : memref<1x80x128xf32, #tpu.memory_space<vmem>> -> memref<80x128xf32, #tpu.memory_space<vmem>>
    %dma_start3A_164 = tpu.memref_slice %arg2[%multiple_of3A_138, %multiple_of3A_158] : memref<1280x8400xf32, #tpu.memory_space<hbm>> -> memref<80x128xf32, #tpu.memory_space<hbm>>
    %dma_start3A_165 = arith.constant 0 : i32
    %dma_start3A_166 = arith.constant 0 : i32
    %dma_start3A_167 = tpu.memref_slice %arg6[%dma_start3A_159, %dma_start3A_165, %dma_start3A_166] : memref<4x80x128xf32, #tpu.memory_space<vmem>> -> memref<1x80x128xf32, #tpu.memory_space<vmem>>
    %dma_start3A_168 = tpu.memref_squeeze %dma_start3A_167 : memref<1x80x128xf32, #tpu.memory_space<vmem>> -> memref<80x128xf32, #tpu.memory_space<vmem>>
    %dma_start3A_169 = tpu.memref_slice %arg2[%multiple_of3A_138, %multiple_of3A_158] : memref<1280x8400xf32, #tpu.memory_space<hbm>> -> memref<80x128xf32, #tpu.memory_space<hbm>>
    tpu.enqueue_dma source(%dma_start3A_169 : memref<80x128xf32, #tpu.memory_space<hbm>>) target(%dma_start3A_168 : memref<80x128xf32, #tpu.memory_space<vmem>>) target_semaphore(%arg8 : memref<!tpu.dma_semaphore, #tpu.memory_space<semaphore_mem>>)
    %add3A_170 = arith.constant 3 : i32
    %add3A_171 = arith.addi %mul3A_2, %add3A_170 : i32
    %jit3A_172 = arith.constant 32 : i32
    %div3A_173 = arith.divsi %add3A_171, %jit3A_172 : i32
    %sign3A_174 = arith.constant 0 : i32
    %sign3A_175 = arith.cmpi sgt, %add3A_171, %sign3A_174 : i32
    %sign3A_176 = arith.extui %sign3A_175 : i1 to i32
    %sign3A_177 = arith.constant 0 : i32
    %sign3A_178 = arith.cmpi slt, %add3A_171, %sign3A_177 : i32
    %sign3A_179 = arith.extui %sign3A_178 : i1 to i32
    %sign3A_180 = arith.subi %sign3A_176, %sign3A_179 : i32
    %sign3A_181 = arith.constant 0 : i32
    %sign3A_182 = arith.cmpi sgt, %jit3A_172, %sign3A_181 : i32
    %sign3A_183 = arith.extui %sign3A_182 : i1 to i32
    %sign3A_184 = arith.constant 0 : i32
    %sign3A_185 = arith.cmpi slt, %jit3A_172, %sign3A_184 : i32
    %sign3A_186 = arith.extui %sign3A_185 : i1 to i32
    %sign3A_187 = arith.subi %sign3A_183, %sign3A_186 : i32
    %ne3A_188 = arith.cmpi ne, %sign3A_180, %sign3A_187 : i32
    %rem3A_189 = arith.remsi %add3A_171, %jit3A_172 : i32
    %ne3A_190 = arith.constant 0 : i32
    %ne3A_191 = arith.cmpi ne, %rem3A_189, %ne3A_190 : i32
    %and3A_192 = arith.andi %ne3A_188, %ne3A_191 : i1
    %sub3A_193 = arith.constant 1 : i32
    %sub3A_194 = arith.subi %div3A_173, %sub3A_193 : i32
    %select_n3A_195 = arith.select %and3A_192, %sub3A_194, %div3A_173 : i32
    %mul3A_196 = arith.constant 80 : i32
    %mul3A_197 = arith.muli %select_n3A_195, %mul3A_196 : i32
    %multiple_of3A_198 = tpu.assume_multiple %mul3A_197, 80 : i32
    %slice3A_199 = vector.extract_strided_slice %get3A_3 {offsets = [3], sizes = [1], strides = [1]} : vector<16xi32> to vector<1xi32>
    %squeeze3A_200 = vector.extract %slice3A_199[0] : i32 from vector<1xi32>
    %jit3A_201 = arith.constant 128 : i32
    %eq3A_202 = arith.constant 0 : i32
    %eq3A_203 = arith.cmpi eq, %jit3A_201, %eq3A_202 : i32
    %jit3A_204 = arith.constant 1 : i32
    %select_n3A_205 = arith.select %eq3A_203, %jit3A_204, %jit3A_201 : i32
    %rem3A_206 = arith.remsi %squeeze3A_200, %select_n3A_205 : i32
    %ne3A_207 = arith.constant 0 : i32
    %ne3A_208 = arith.cmpi ne, %rem3A_206, %ne3A_207 : i32
    %lt3A_209 = arith.constant 0 : i32
    %lt3A_210 = arith.cmpi slt, %rem3A_206, %lt3A_209 : i32
    %lt3A_211 = arith.constant 0 : i32
    %lt3A_212 = arith.cmpi slt, %select_n3A_205, %lt3A_211 : i32
    %ne3A_213 = arith.xori %lt3A_210, %lt3A_212 : i1
    %and3A_214 = arith.andi %ne3A_213, %ne3A_208 : i1
    %add3A_215 = arith.addi %rem3A_206, %select_n3A_205 : i32
    %select_n3A_216 = arith.select %and3A_214, %add3A_215, %rem3A_206 : i32
    %sub3A_217 = arith.subi %squeeze3A_200, %select_n3A_216 : i32
    %multiple_of3A_218 = tpu.assume_multiple %sub3A_217, 128 : i32
    %dma_start3A_219 = arith.constant 3 : i32
    %dma_start3A_220 = arith.constant 0 : i32
    %dma_start3A_221 = arith.constant 0 : i32
    %dma_start3A_222 = tpu.memref_slice %arg6[%dma_start3A_219, %dma_start3A_220, %dma_start3A_221] : memref<4x80x128xf32, #tpu.memory_space<vmem>> -> memref<1x80x128xf32, #tpu.memory_space<vmem>>
    %dma_start3A_223 = tpu.memref_squeeze %dma_start3A_222 : memref<1x80x128xf32, #tpu.memory_space<vmem>> -> memref<80x128xf32, #tpu.memory_space<vmem>>
    %dma_start3A_224 = tpu.memref_slice %arg2[%multiple_of3A_198, %multiple_of3A_218] : memref<1280x8400xf32, #tpu.memory_space<hbm>> -> memref<80x128xf32, #tpu.memory_space<hbm>>
    %dma_start3A_225 = arith.constant 0 : i32
    %dma_start3A_226 = arith.constant 0 : i32
    %dma_start3A_227 = tpu.memref_slice %arg6[%dma_start3A_219, %dma_start3A_225, %dma_start3A_226] : memref<4x80x128xf32, #tpu.memory_space<vmem>> -> memref<1x80x128xf32, #tpu.memory_space<vmem>>
    %dma_start3A_228 = tpu.memref_squeeze %dma_start3A_227 : memref<1x80x128xf32, #tpu.memory_space<vmem>> -> memref<80x128xf32, #tpu.memory_space<vmem>>
    %dma_start3A_229 = tpu.memref_slice %arg2[%multiple_of3A_198, %multiple_of3A_218] : memref<1280x8400xf32, #tpu.memory_space<hbm>> -> memref<80x128xf32, #tpu.memory_space<hbm>>
    tpu.enqueue_dma source(%dma_start3A_229 : memref<80x128xf32, #tpu.memory_space<hbm>>) target(%dma_start3A_228 : memref<80x128xf32, #tpu.memory_space<vmem>>) target_semaphore(%arg8 : memref<!tpu.dma_semaphore, #tpu.memory_space<semaphore_mem>>)
    %dma_wait3A = arith.constant 0 : i32
    %dma_wait3A_230 = arith.constant 0 : i32
    %dma_wait3A_231 = arith.constant 0 : i32
    %dma_wait3A_232 = tpu.memref_slice %arg6[%dma_wait3A, %dma_wait3A_230, %dma_wait3A_231] : memref<4x80x128xf32, #tpu.memory_space<vmem>> -> memref<1x80x128xf32, #tpu.memory_space<vmem>>
    %dma_wait3A_233 = tpu.memref_squeeze %dma_wait3A_232 : memref<1x80x128xf32, #tpu.memory_space<vmem>> -> memref<80x128xf32, #tpu.memory_space<vmem>>
    %dma_wait3A_234 = tpu.memref_slice %arg2[%multiple_of3A, %multiple_of3A_39] : memref<1280x8400xf32, #tpu.memory_space<hbm>> -> memref<80x128xf32, #tpu.memory_space<hbm>>
    %dma_wait3A_235 = arith.constant 0 : i32
    %dma_wait3A_236 = arith.constant 0 : i32
    %dma_wait3A_237 = tpu.memref_slice %arg6[%dma_wait3A, %dma_wait3A_235, %dma_wait3A_236] : memref<4x80x128xf32, #tpu.memory_space<vmem>> -> memref<1x80x128xf32, #tpu.memory_space<vmem>>
    %dma_wait3A_238 = tpu.memref_squeeze %dma_wait3A_237 : memref<1x80x128xf32, #tpu.memory_space<vmem>> -> memref<80x128xf32, #tpu.memory_space<vmem>>
    %dma_wait3A_239 = tpu.memref_slice %arg2[%multiple_of3A, %multiple_of3A_39] : memref<1280x8400xf32, #tpu.memory_space<hbm>> -> memref<80x128xf32, #tpu.memory_space<hbm>>
    tpu.wait_dma2 semaphore(%arg8 : memref<!tpu.dma_semaphore, #tpu.memory_space<semaphore_mem>>) src(%dma_wait3A_239 : memref<80x128xf32, #tpu.memory_space<hbm>>) dst(%dma_wait3A_238 : memref<80x128xf32, #tpu.memory_space<vmem>>)
    %slice3A_240 = vector.extract_strided_slice %get3A_3 {offsets = [0], sizes = [1], strides = [1]} : vector<16xi32> to vector<1xi32>
    %squeeze3A_241 = vector.extract %slice3A_240[0] : i32 from vector<1xi32>
    %jit3A_242 = arith.constant 128 : i32
    %eq3A_243 = arith.constant 0 : i32
    %eq3A_244 = arith.cmpi eq, %jit3A_242, %eq3A_243 : i32
    %jit3A_245 = arith.constant 1 : i32
    %select_n3A_246 = arith.select %eq3A_244, %jit3A_245, %jit3A_242 : i32
    %rem3A_247 = arith.remsi %squeeze3A_241, %select_n3A_246 : i32
    %ne3A_248 = arith.constant 0 : i32
    %ne3A_249 = arith.cmpi ne, %rem3A_247, %ne3A_248 : i32
    %lt3A_250 = arith.constant 0 : i32
    %lt3A_251 = arith.cmpi slt, %rem3A_247, %lt3A_250 : i32
    %lt3A_252 = arith.constant 0 : i32
    %lt3A_253 = arith.cmpi slt, %select_n3A_246, %lt3A_252 : i32
    %ne3A_254 = arith.xori %lt3A_251, %lt3A_253 : i1
    %and3A_255 = arith.andi %ne3A_254, %ne3A_249 : i1
    %add3A_256 = arith.addi %rem3A_247, %select_n3A_246 : i32
    %select_n3A_257 = arith.select %and3A_255, %add3A_256, %rem3A_247 : i32
    %broadcast_in_dim3A = vector.broadcast %select_n3A_257 : i32 to vector<16xi32>
    %add3A_258 = arith.constant 0 : i32
    %add3A_259 = vector.broadcast %add3A_258 : i32 to vector<16xi32>
    %add3A_260 = arith.addi %add3A_259, %iota3A : vector<16xi32>
    %gather3A = arith.constant 0 : i32
    %gather3A_261 = arith.constant 0 : i32
    %gather3A_262 = arith.constant 0 : i32
    %gather3A_263 = tpu.memref_slice %arg6[%gather3A, %gather3A_261, %gather3A_262] : memref<4x80x128xf32, #tpu.memory_space<vmem>> -> memref<1x80x128xf32, #tpu.memory_space<vmem>>
    %gather3A_264 = tpu.memref_squeeze %gather3A_263 : memref<1x80x128xf32, #tpu.memory_space<vmem>> -> memref<80x128xf32, #tpu.memory_space<vmem>>
    %gather3A_265 = tpu.vector_load_idx %gather3A_264[%add3A_260, %broadcast_in_dim3A] : memref<80x128xf32, #tpu.memory_space<vmem>>[vector<16xi32>, vector<16xi32>], vector<16xf32>,
    %add3A_266 = arith.constant 0 : i32
    %add3A_267 = vector.broadcast %add3A_266 : i32 to vector<16xi32>
    %add3A_268 = arith.addi %add3A_267, %iota3A : vector<16xi32>
    %broadcast_in_dim3A_269 = arith.constant 0 : i32
    %broadcast_in_dim3A_270 = vector.broadcast %broadcast_in_dim3A_269 : i32 to vector<16xi32>
    tpu.vector_store_idx %arg7[%add3A_268, %broadcast_in_dim3A_270], %gather3A_265 : memref<80x16xf32, #tpu.memory_space<vmem>>[vector<16xi32>, vector<16xi32>], vector<16xf32>,
    %add3A_271 = arith.constant 16 : i32
    %add3A_272 = vector.broadcast %add3A_271 : i32 to vector<16xi32>
    %add3A_273 = arith.addi %add3A_272, %iota3A : vector<16xi32>
    %gather3A_274 = arith.constant 0 : i32
    %gather3A_275 = arith.constant 0 : i32
    %gather3A_276 = arith.constant 0 : i32
    %gather3A_277 = tpu.memref_slice %arg6[%gather3A_274, %gather3A_275, %gather3A_276] : memref<4x80x128xf32, #tpu.memory_space<vmem>> -> memref<1x80x128xf32, #tpu.memory_space<vmem>>
    %gather3A_278 = tpu.memref_squeeze %gather3A_277 : memref<1x80x128xf32, #tpu.memory_space<vmem>> -> memref<80x128xf32, #tpu.memory_space<vmem>>
    %gather3A_279 = tpu.vector_load_idx %gather3A_278[%add3A_273, %broadcast_in_dim3A] : memref<80x128xf32, #tpu.memory_space<vmem>>[vector<16xi32>, vector<16xi32>], vector<16xf32>,
    %add3A_280 = arith.constant 16 : i32
    %add3A_281 = vector.broadcast %add3A_280 : i32 to vector<16xi32>
    %add3A_282 = arith.addi %add3A_281, %iota3A : vector<16xi32>
    %broadcast_in_dim3A_283 = arith.constant 0 : i32
    %broadcast_in_dim3A_284 = vector.broadcast %broadcast_in_dim3A_283 : i32 to vector<16xi32>
    tpu.vector_store_idx %arg7[%add3A_282, %broadcast_in_dim3A_284], %gather3A_279 : memref<80x16xf32, #tpu.memory_space<vmem>>[vector<16xi32>, vector<16xi32>], vector<16xf32>,
    %add3A_285 = arith.constant 32 : i32
    %add3A_286 = vector.broadcast %add3A_285 : i32 to vector<16xi32>
    %add3A_287 = arith.addi %add3A_286, %iota3A : vector<16xi32>
    %gather3A_288 = arith.constant 0 : i32
    %gather3A_289 = arith.constant 0 : i32
    %gather3A_290 = arith.constant 0 : i32
    %gather3A_291 = tpu.memref_slice %arg6[%gather3A_288, %gather3A_289, %gather3A_290] : memref<4x80x128xf32, #tpu.memory_space<vmem>> -> memref<1x80x128xf32, #tpu.memory_space<vmem>>
    %gather3A_292 = tpu.memref_squeeze %gather3A_291 : memref<1x80x128xf32, #tpu.memory_space<vmem>> -> memref<80x128xf32, #tpu.memory_space<vmem>>
    %gather3A_293 = tpu.vector_load_idx %gather3A_292[%add3A_287, %broadcast_in_dim3A] : memref<80x128xf32, #tpu.memory_space<vmem>>[vector<16xi32>, vector<16xi32>], vector<16xf32>,
    %add3A_294 = arith.constant 32 : i32
    %add3A_295 = vector.broadcast %add3A_294 : i32 to vector<16xi32>
    %add3A_296 = arith.addi %add3A_295, %iota3A : vector<16xi32>
    %broadcast_in_dim3A_297 = arith.constant 0 : i32
    %broadcast_in_dim3A_298 = vector.broadcast %broadcast_in_dim3A_297 : i32 to vector<16xi32>
    tpu.vector_store_idx %arg7[%add3A_296, %broadcast_in_dim3A_298], %gather3A_293 : memref<80x16xf32, #tpu.memory_space<vmem>>[vector<16xi32>, vector<16xi32>], vector<16xf32>,
    %add3A_299 = arith.constant 48 : i32
    %add3A_300 = vector.broadcast %add3A_299 : i32 to vector<16xi32>
    %add3A_301 = arith.addi %add3A_300, %iota3A : vector<16xi32>
    %gather3A_302 = arith.constant 0 : i32
    %gather3A_303 = arith.constant 0 : i32
    %gather3A_304 = arith.constant 0 : i32
    %gather3A_305 = tpu.memref_slice %arg6[%gather3A_302, %gather3A_303, %gather3A_304] : memref<4x80x128xf32, #tpu.memory_space<vmem>> -> memref<1x80x128xf32, #tpu.memory_space<vmem>>
    %gather3A_306 = tpu.memref_squeeze %gather3A_305 : memref<1x80x128xf32, #tpu.memory_space<vmem>> -> memref<80x128xf32, #tpu.memory_space<vmem>>
    %gather3A_307 = tpu.vector_load_idx %gather3A_306[%add3A_301, %broadcast_in_dim3A] : memref<80x128xf32, #tpu.memory_space<vmem>>[vector<16xi32>, vector<16xi32>], vector<16xf32>,
    %add3A_308 = arith.constant 48 : i32
    %add3A_309 = vector.broadcast %add3A_308 : i32 to vector<16xi32>
    %add3A_310 = arith.addi %add3A_309, %iota3A : vector<16xi32>
    %broadcast_in_dim3A_311 = arith.constant 0 : i32
    %broadcast_in_dim3A_312 = vector.broadcast %broadcast_in_dim3A_311 : i32 to vector<16xi32>
    tpu.vector_store_idx %arg7[%add3A_310, %broadcast_in_dim3A_312], %gather3A_307 : memref<80x16xf32, #tpu.memory_space<vmem>>[vector<16xi32>, vector<16xi32>], vector<16xf32>,
    %add3A_313 = arith.constant 64 : i32
    %add3A_314 = vector.broadcast %add3A_313 : i32 to vector<16xi32>
    %add3A_315 = arith.addi %add3A_314, %iota3A : vector<16xi32>
    %gather3A_316 = arith.constant 0 : i32
    %gather3A_317 = arith.constant 0 : i32
    %gather3A_318 = arith.constant 0 : i32
    %gather3A_319 = tpu.memref_slice %arg6[%gather3A_316, %gather3A_317, %gather3A_318] : memref<4x80x128xf32, #tpu.memory_space<vmem>> -> memref<1x80x128xf32, #tpu.memory_space<vmem>>
    %gather3A_320 = tpu.memref_squeeze %gather3A_319 : memref<1x80x128xf32, #tpu.memory_space<vmem>> -> memref<80x128xf32, #tpu.memory_space<vmem>>
    %gather3A_321 = tpu.vector_load_idx %gather3A_320[%add3A_315, %broadcast_in_dim3A] : memref<80x128xf32, #tpu.memory_space<vmem>>[vector<16xi32>, vector<16xi32>], vector<16xf32>,
    %add3A_322 = arith.constant 64 : i32
    %add3A_323 = vector.broadcast %add3A_322 : i32 to vector<16xi32>
    %add3A_324 = arith.addi %add3A_323, %iota3A : vector<16xi32>
    %broadcast_in_dim3A_325 = arith.constant 0 : i32
    %broadcast_in_dim3A_326 = vector.broadcast %broadcast_in_dim3A_325 : i32 to vector<16xi32>
    tpu.vector_store_idx %arg7[%add3A_324, %broadcast_in_dim3A_326], %gather3A_321 : memref<80x16xf32, #tpu.memory_space<vmem>>[vector<16xi32>, vector<16xi32>], vector<16xf32>,
    %add3A_327 = arith.constant 4 : i32
    %add3A_328 = arith.addi %mul3A_2, %add3A_327 : i32
    %jit3A_329 = arith.constant 32 : i32
    %div3A_330 = arith.divsi %add3A_328, %jit3A_329 : i32
    %sign3A_331 = arith.constant 0 : i32
    %sign3A_332 = arith.cmpi sgt, %add3A_328, %sign3A_331 : i32
    %sign3A_333 = arith.extui %sign3A_332 : i1 to i32
    %sign3A_334 = arith.constant 0 : i32
    %sign3A_335 = arith.cmpi slt, %add3A_328, %sign3A_334 : i32
    %sign3A_336 = arith.extui %sign3A_335 : i1 to i32
    %sign3A_337 = arith.subi %sign3A_333, %sign3A_336 : i32
    %sign3A_338 = arith.constant 0 : i32
    %sign3A_339 = arith.cmpi sgt, %jit3A_329, %sign3A_338 : i32
    %sign3A_340 = arith.extui %sign3A_339 : i1 to i32
    %sign3A_341 = arith.constant 0 : i32
    %sign3A_342 = arith.cmpi slt, %jit3A_329, %sign3A_341 : i32
    %sign3A_343 = arith.extui %sign3A_342 : i1 to i32
    %sign3A_344 = arith.subi %sign3A_340, %sign3A_343 : i32
    %ne3A_345 = arith.cmpi ne, %sign3A_337, %sign3A_344 : i32
    %rem3A_346 = arith.remsi %add3A_328, %jit3A_329 : i32
    %ne3A_347 = arith.constant 0 : i32
    %ne3A_348 = arith.cmpi ne, %rem3A_346, %ne3A_347 : i32
    %and3A_349 = arith.andi %ne3A_345, %ne3A_348 : i1
    %sub3A_350 = arith.constant 1 : i32
    %sub3A_351 = arith.subi %div3A_330, %sub3A_350 : i32
    %select_n3A_352 = arith.select %and3A_349, %sub3A_351, %div3A_330 : i32
    %mul3A_353 = arith.constant 80 : i32
    %mul3A_354 = arith.muli %select_n3A_352, %mul3A_353 : i32
    %multiple_of3A_355 = tpu.assume_multiple %mul3A_354, 80 : i32
    %slice3A_356 = vector.extract_strided_slice %get3A_3 {offsets = [4], sizes = [1], strides = [1]} : vector<16xi32> to vector<1xi32>
    %squeeze3A_357 = vector.extract %slice3A_356[0] : i32 from vector<1xi32>
    %jit3A_358 = arith.constant 128 : i32
    %eq3A_359 = arith.constant 0 : i32
    %eq3A_360 = arith.cmpi eq, %jit3A_358, %eq3A_359 : i32
    %jit3A_361 = arith.constant 1 : i32
    %select_n3A_362 = arith.select %eq3A_360, %jit3A_361, %jit3A_358 : i32
    %rem3A_363 = arith.remsi %squeeze3A_357, %select_n3A_362 : i32
    %ne3A_364 = arith.constant 0 : i32
    %ne3A_365 = arith.cmpi ne, %rem3A_363, %ne3A_364 : i32
    %lt3A_366 = arith.constant 0 : i32
    %lt3A_367 = arith.cmpi slt, %rem3A_363, %lt3A_366 : i32
    %lt3A_368 = arith.constant 0 : i32
    %lt3A_369 = arith.cmpi slt, %select_n3A_362, %lt3A_368 : i32
    %ne3A_370 = arith.xori %lt3A_367, %lt3A_369 : i1
    %and3A_371 = arith.andi %ne3A_370, %ne3A_365 : i1
    %add3A_372 = arith.addi %rem3A_363, %select_n3A_362 : i32
    %select_n3A_373 = arith.select %and3A_371, %add3A_372, %rem3A_363 : i32
    %sub3A_374 = arith.subi %squeeze3A_357, %select_n3A_373 : i32
    %multiple_of3A_375 = tpu.assume_multiple %sub3A_374, 128 : i32
    %dma_start3A_376 = arith.constant 0 : i32
    %dma_start3A_377 = arith.constant 0 : i32
    %dma_start3A_378 = arith.constant 0 : i32
    %dma_start3A_379 = tpu.memref_slice %arg6[%dma_start3A_376, %dma_start3A_377, %dma_start3A_378] : memref<4x80x128xf32, #tpu.memory_space<vmem>> -> memref<1x80x128xf32, #tpu.memory_space<vmem>>
    %dma_start3A_380 = tpu.memref_squeeze %dma_start3A_379 : memref<1x80x128xf32, #tpu.memory_space<vmem>> -> memref<80x128xf32, #tpu.memory_space<vmem>>
    %dma_start3A_381 = tpu.memref_slice %arg2[%multiple_of3A_355, %multiple_of3A_375] : memref<1280x8400xf32, #tpu.memory_space<hbm>> -> memref<80x128xf32, #tpu.memory_space<hbm>>
    %dma_start3A_382 = arith.constant 0 : i32
    %dma_start3A_383 = arith.constant 0 : i32
    %dma_start3A_384 = tpu.memref_slice %arg6[%dma_start3A_376, %dma_start3A_382, %dma_start3A_383] : memref<4x80x128xf32, #tpu.memory_space<vmem>> -> memref<1x80x128xf32, #tpu.memory_space<vmem>>
    %dma_start3A_385 = tpu.memref_squeeze %dma_start3A_384 : memref<1x80x128xf32, #tpu.memory_space<vmem>> -> memref<80x128xf32, #tpu.memory_space<vmem>>
    %dma_start3A_386 = tpu.memref_slice %arg2[%multiple_of3A_355, %multiple_of3A_375] : memref<1280x8400xf32, #tpu.memory_space<hbm>> -> memref<80x128xf32, #tpu.memory_space<hbm>>
    tpu.enqueue_dma source(%dma_start3A_386 : memref<80x128xf32, #tpu.memory_space<hbm>>) target(%dma_start3A_385 : memref<80x128xf32, #tpu.memory_space<vmem>>) target_semaphore(%arg8 : memref<!tpu.dma_semaphore, #tpu.memory_space<semaphore_mem>>)
    %dma_wait3A_387 = arith.constant 1 : i32
    %dma_wait3A_388 = arith.constant 0 : i32
    %dma_wait3A_389 = arith.constant 0 : i32
    %dma_wait3A_390 = tpu.memref_slice %arg6[%dma_wait3A_387, %dma_wait3A_388, %dma_wait3A_389] : memref<4x80x128xf32, #tpu.memory_space<vmem>> -> memref<1x80x128xf32, #tpu.memory_space<vmem>>
    %dma_wait3A_391 = tpu.memref_squeeze %dma_wait3A_390 : memref<1x80x128xf32, #tpu.memory_space<vmem>> -> memref<80x128xf32, #tpu.memory_space<vmem>>
    %dma_wait3A_392 = tpu.memref_slice %arg2[%multiple_of3A_78, %multiple_of3A_98] : memref<1280x8400xf32, #tpu.memory_space<hbm>> -> memref<80x128xf32, #tpu.memory_space<hbm>>
    %dma_wait3A_393 = arith.constant 0 : i32
    %dma_wait3A_394 = arith.constant 0 : i32
    %dma_wait3A_395 = tpu.memref_slice %arg6[%dma_wait3A_387, %dma_wait3A_393, %dma_wait3A_394] : memref<4x80x128xf32, #tpu.memory_space<vmem>> -> memref<1x80x128xf32, #tpu.memory_space<vmem>>
    %dma_wait3A_396 = tpu.memref_squeeze %dma_wait3A_395 : memref<1x80x128xf32, #tpu.memory_space<vmem>> -> memref<80x128xf32, #tpu.memory_space<vmem>>
    %dma_wait3A_397 = tpu.memref_slice %arg2[%multiple_of3A_78, %multiple_of3A_98] : memref<1280x8400xf32, #tpu.memory_space<hbm>> -> memref<80x128xf32, #tpu.memory_space<hbm>>
    tpu.wait_dma2 semaphore(%arg8 : memref<!tpu.dma_semaphore, #tpu.memory_space<semaphore_mem>>) src(%dma_wait3A_397 : memref<80x128xf32, #tpu.memory_space<hbm>>) dst(%dma_wait3A_396 : memref<80x128xf32, #tpu.memory_space<vmem>>)
    %slice3A_398 = vector.extract_strided_slice %get3A_3 {offsets = [1], sizes = [1], strides = [1]} : vector<16xi32> to vector<1xi32>
    %squeeze3A_399 = vector.extract %slice3A_398[0] : i32 from vector<1xi32>
    %jit3A_400 = arith.constant 128 : i32
    %eq3A_401 = arith.constant 0 : i32
    %eq3A_402 = arith.cmpi eq, %jit3A_400, %eq3A_401 : i32
    %jit3A_403 = arith.constant 1 : i32
    %select_n3A_404 = arith.select %eq3A_402, %jit3A_403, %jit3A_400 : i32
    %rem3A_405 = arith.remsi %squeeze3A_399, %select_n3A_404 : i32
    %ne3A_406 = arith.constant 0 : i32
    %ne3A_407 = arith.cmpi ne, %rem3A_405, %ne3A_406 : i32
    %lt3A_408 = arith.constant 0 : i32
    %lt3A_409 = arith.cmpi slt, %rem3A_405, %lt3A_408 : i32
    %lt3A_410 = arith.constant 0 : i32
    %lt3A_411 = arith.cmpi slt, %select_n3A_404, %lt3A_410 : i32
    %ne3A_412 = arith.xori %lt3A_409, %lt3A_411 : i1
    %and3A_413 = arith.andi %ne3A_412, %ne3A_407 : i1
    %add3A_414 = arith.addi %rem3A_405, %select_n3A_404 : i32
    %select_n3A_415 = arith.select %and3A_413, %add3A_414, %rem3A_405 : i32
    %broadcast_in_dim3A_416 = vector.broadcast %select_n3A_415 : i32 to vector<16xi32>
    %add3A_417 = arith.constant 0 : i32
    %add3A_418 = vector.broadcast %add3A_417 : i32 to vector<16xi32>
    %add3A_419 = arith.addi %add3A_418, %iota3A : vector<16xi32>
    %gather3A_420 = arith.constant 1 : i32
    %gather3A_421 = arith.constant 0 : i32
    %gather3A_422 = arith.constant 0 : i32
    %gather3A_423 = tpu.memref_slice %arg6[%gather3A_420, %gather3A_421, %gather3A_422] : memref<4x80x128xf32, #tpu.memory_space<vmem>> -> memref<1x80x128xf32, #tpu.memory_space<vmem>>
    %gather3A_424 = tpu.memref_squeeze %gather3A_423 : memref<1x80x128xf32, #tpu.memory_space<vmem>> -> memref<80x128xf32, #tpu.memory_space<vmem>>
    %gather3A_425 = tpu.vector_load_idx %gather3A_424[%add3A_419, %broadcast_in_dim3A_416] : memref<80x128xf32, #tpu.memory_space<vmem>>[vector<16xi32>, vector<16xi32>], vector<16xf32>,
    %add3A_426 = arith.constant 0 : i32
    %add3A_427 = vector.broadcast %add3A_426 : i32 to vector<16xi32>
    %add3A_428 = arith.addi %add3A_427, %iota3A : vector<16xi32>
    %broadcast_in_dim3A_429 = arith.constant 1 : i32
    %broadcast_in_dim3A_430 = vector.broadcast %broadcast_in_dim3A_429 : i32 to vector<16xi32>
    tpu.vector_store_idx %arg7[%add3A_428, %broadcast_in_dim3A_430], %gather3A_425 : memref<80x16xf32, #tpu.memory_space<vmem>>[vector<16xi32>, vector<16xi32>], vector<16xf32>,
    %add3A_431 = arith.constant 16 : i32
    %add3A_432 = vector.broadcast %add3A_431 : i32 to vector<16xi32>
    %add3A_433 = arith.addi %add3A_432, %iota3A : vector<16xi32>
    %gather3A_434 = arith.constant 1 : i32
    %gather3A_435 = arith.constant 0 : i32
    %gather3A_436 = arith.constant 0 : i32
    %gather3A_437 = tpu.memref_slice %arg6[%gather3A_434, %gather3A_435, %gather3A_436] : memref<4x80x128xf32, #tpu.memory_space<vmem>> -> memref<1x80x128xf32, #tpu.memory_space<vmem>>
    %gather3A_438 = tpu.memref_squeeze %gather3A_437 : memref<1x80x128xf32, #tpu.memory_space<vmem>> -> memref<80x128xf32, #tpu.memory_space<vmem>>
    %gather3A_439 = tpu.vector_load_idx %gather3A_438[%add3A_433, %broadcast_in_dim3A_416] : memref<80x128xf32, #tpu.memory_space<vmem>>[vector<16xi32>, vector<16xi32>], vector<16xf32>,
    %add3A_440 = arith.constant 16 : i32
    %add3A_441 = vector.broadcast %add3A_440 : i32 to vector<16xi32>
    %add3A_442 = arith.addi %add3A_441, %iota3A : vector<16xi32>
    %broadcast_in_dim3A_443 = arith.constant 1 : i32
    %broadcast_in_dim3A_444 = vector.broadcast %broadcast_in_dim3A_443 : i32 to vector<16xi32>
    tpu.vector_store_idx %arg7[%add3A_442, %broadcast_in_dim3A_444], %gather3A_439 : memref<80x16xf32, #tpu.memory_space<vmem>>[vector<16xi32>, vector<16xi32>], vector<16xf32>,
    %add3A_445 = arith.constant 32 : i32
    %add3A_446 = vector.broadcast %add3A_445 : i32 to vector<16xi32>
    %add3A_447 = arith.addi %add3A_446, %iota3A : vector<16xi32>
    %gather3A_448 = arith.constant 1 : i32
    %gather3A_449 = arith.constant 0 : i32
    %gather3A_450 = arith.constant 0 : i32
    %gather3A_451 = tpu.memref_slice %arg6[%gather3A_448, %gather3A_449, %gather3A_450] : memref<4x80x128xf32, #tpu.memory_space<vmem>> -> memref<1x80x128xf32, #tpu.memory_space<vmem>>
    %gather3A_452 = tpu.memref_squeeze %gather3A_451 : memref<1x80x128xf32, #tpu.memory_space<vmem>> -> memref<80x128xf32, #tpu.memory_space<vmem>>
    %gather3A_453 = tpu.vector_load_idx %gather3A_452[%add3A_447, %broadcast_in_dim3A_416] : memref<80x128xf32, #tpu.memory_space<vmem>>[vector<16xi32>, vector<16xi32>], vector<16xf32>,
    %add3A_454 = arith.constant 32 : i32
    %add3A_455 = vector.broadcast %add3A_454 : i32 to vector<16xi32>
    %add3A_456 = arith.addi %add3A_455, %iota3A : vector<16xi32>
    %broadcast_in_dim3A_457 = arith.constant 1 : i32
    %broadcast_in_dim3A_458 = vector.broadcast %broadcast_in_dim3A_457 : i32 to vector<16xi32>
    tpu.vector_store_idx %arg7[%add3A_456, %broadcast_in_dim3A_458], %gather3A_453 : memref<80x16xf32, #tpu.memory_space<vmem>>[vector<16xi32>, vector<16xi32>], vector<16xf32>,
    %add3A_459 = arith.constant 48 : i32
    %add3A_460 = vector.broadcast %add3A_459 : i32 to vector<16xi32>
    %add3A_461 = arith.addi %add3A_460, %iota3A : vector<16xi32>
    %gather3A_462 = arith.constant 1 : i32
    %gather3A_463 = arith.constant 0 : i32
    %gather3A_464 = arith.constant 0 : i32
    %gather3A_465 = tpu.memref_slice %arg6[%gather3A_462, %gather3A_463, %gather3A_464] : memref<4x80x128xf32, #tpu.memory_space<vmem>> -> memref<1x80x128xf32, #tpu.memory_space<vmem>>
    %gather3A_466 = tpu.memref_squeeze %gather3A_465 : memref<1x80x128xf32, #tpu.memory_space<vmem>> -> memref<80x128xf32, #tpu.memory_space<vmem>>
    %gather3A_467 = tpu.vector_load_idx %gather3A_466[%add3A_461, %broadcast_in_dim3A_416] : memref<80x128xf32, #tpu.memory_space<vmem>>[vector<16xi32>, vector<16xi32>], vector<16xf32>,
    %add3A_468 = arith.constant 48 : i32
    %add3A_469 = vector.broadcast %add3A_468 : i32 to vector<16xi32>
    %add3A_470 = arith.addi %add3A_469, %iota3A : vector<16xi32>
    %broadcast_in_dim3A_471 = arith.constant 1 : i32
    %broadcast_in_dim3A_472 = vector.broadcast %broadcast_in_dim3A_471 : i32 to vector<16xi32>
    tpu.vector_store_idx %arg7[%add3A_470, %broadcast_in_dim3A_472], %gather3A_467 : memref<80x16xf32, #tpu.memory_space<vmem>>[vector<16xi32>, vector<16xi32>], vector<16xf32>,
    %add3A_473 = arith.constant 64 : i32
    %add3A_474 = vector.broadcast %add3A_473 : i32 to vector<16xi32>
    %add3A_475 = arith.addi %add3A_474, %iota3A : vector<16xi32>
    %gather3A_476 = arith.constant 1 : i32
    %gather3A_477 = arith.constant 0 : i32
    %gather3A_478 = arith.constant 0 : i32
    %gather3A_479 = tpu.memref_slice %arg6[%gather3A_476, %gather3A_477, %gather3A_478] : memref<4x80x128xf32, #tpu.memory_space<vmem>> -> memref<1x80x128xf32, #tpu.memory_space<vmem>>
    %gather3A_480 = tpu.memref_squeeze %gather3A_479 : memref<1x80x128xf32, #tpu.memory_space<vmem>> -> memref<80x128xf32, #tpu.memory_space<vmem>>
    %gather3A_481 = tpu.vector_load_idx %gather3A_480[%add3A_475, %broadcast_in_dim3A_416] : memref<80x128xf32, #tpu.memory_space<vmem>>[vector<16xi32>, vector<16xi32>], vector<16xf32>,
    %add3A_482 = arith.constant 64 : i32
    %add3A_483 = vector.broadcast %add3A_482 : i32 to vector<16xi32>
    %add3A_484 = arith.addi %add3A_483, %iota3A : vector<16xi32>
    %broadcast_in_dim3A_485 = arith.constant 1 : i32
    %broadcast_in_dim3A_486 = vector.broadcast %broadcast_in_dim3A_485 : i32 to vector<16xi32>
    tpu.vector_store_idx %arg7[%add3A_484, %broadcast_in_dim3A_486], %gather3A_481 : memref<80x16xf32, #tpu.memory_space<vmem>>[vector<16xi32>, vector<16xi32>], vector<16xf32>,
    %add3A_487 = arith.constant 5 : i32
    %add3A_488 = arith.addi %mul3A_2, %add3A_487 : i32
    %jit3A_489 = arith.constant 32 : i32
    %div3A_490 = arith.divsi %add3A_488, %jit3A_489 : i32
    %sign3A_491 = arith.constant 0 : i32
    %sign3A_492 = arith.cmpi sgt, %add3A_488, %sign3A_491 : i32
    %sign3A_493 = arith.extui %sign3A_492 : i1 to i32
    %sign3A_494 = arith.constant 0 : i32
    %sign3A_495 = arith.cmpi slt, %add3A_488, %sign3A_494 : i32
    %sign3A_496 = arith.extui %sign3A_495 : i1 to i32
    %sign3A_497 = arith.subi %sign3A_493, %sign3A_496 : i32
    %sign3A_498 = arith.constant 0 : i32
    %sign3A_499 = arith.cmpi sgt, %jit3A_489, %sign3A_498 : i32
    %sign3A_500 = arith.extui %sign3A_499 : i1 to i32
    %sign3A_501 = arith.constant 0 : i32
    %sign3A_502 = arith.cmpi slt, %jit3A_489, %sign3A_501 : i32
    %sign3A_503 = arith.extui %sign3A_502 : i1 to i32
    %sign3A_504 = arith.subi %sign3A_500, %sign3A_503 : i32
    %ne3A_505 = arith.cmpi ne, %sign3A_497, %sign3A_504 : i32
    %rem3A_506 = arith.remsi %add3A_488, %jit3A_489 : i32
    %ne3A_507 = arith.constant 0 : i32
    %ne3A_508 = arith.cmpi ne, %rem3A_506, %ne3A_507 : i32
    %and3A_509 = arith.andi %ne3A_505, %ne3A_508 : i1
    %sub3A_510 = arith.constant 1 : i32
    %sub3A_511 = arith.subi %div3A_490, %sub3A_510 : i32
    %select_n3A_512 = arith.select %and3A_509, %sub3A_511, %div3A_490 : i32
    %mul3A_513 = arith.constant 80 : i32
    %mul3A_514 = arith.muli %select_n3A_512, %mul3A_513 : i32
    %multiple_of3A_515 = tpu.assume_multiple %mul3A_514, 80 : i32
    %slice3A_516 = vector.extract_strided_slice %get3A_3 {offsets = [5], sizes = [1], strides = [1]} : vector<16xi32> to vector<1xi32>
    %squeeze3A_517 = vector.extract %slice3A_516[0] : i32 from vector<1xi32>
    %jit3A_518 = arith.constant 128 : i32
    %eq3A_519 = arith.constant 0 : i32
    %eq3A_520 = arith.cmpi eq, %jit3A_518, %eq3A_519 : i32
    %jit3A_521 = arith.constant 1 : i32
    %select_n3A_522 = arith.select %eq3A_520, %jit3A_521, %jit3A_518 : i32
    %rem3A_523 = arith.remsi %squeeze3A_517, %select_n3A_522 : i32
    %ne3A_524 = arith.constant 0 : i32
    %ne3A_525 = arith.cmpi ne, %rem3A_523, %ne3A_524 : i32
    %lt3A_526 = arith.constant 0 : i32
    %lt3A_527 = arith.cmpi slt, %rem3A_523, %lt3A_526 : i32
    %lt3A_528 = arith.constant 0 : i32
    %lt3A_529 = arith.cmpi slt, %select_n3A_522, %lt3A_528 : i32
    %ne3A_530 = arith.xori %lt3A_527, %lt3A_529 : i1
    %and3A_531 = arith.andi %ne3A_530, %ne3A_525 : i1
    %add3A_532 = arith.addi %rem3A_523, %select_n3A_522 : i32
    %select_n3A_533 = arith.select %and3A_531, %add3A_532, %rem3A_523 : i32
    %sub3A_534 = arith.subi %squeeze3A_517, %select_n3A_533 : i32
    %multiple_of3A_535 = tpu.assume_multiple %sub3A_534, 128 : i32
    %dma_start3A_536 = arith.constant 1 : i32
    %dma_start3A_537 = arith.constant 0 : i32
    %dma_start3A_538 = arith.constant 0 : i32
    %dma_start3A_539 = tpu.memref_slice %arg6[%dma_start3A_536, %dma_start3A_537, %dma_start3A_538] : memref<4x80x128xf32, #tpu.memory_space<vmem>> -> memref<1x80x128xf32, #tpu.memory_space<vmem>>
    %dma_start3A_540 = tpu.memref_squeeze %dma_start3A_539 : memref<1x80x128xf32, #tpu.memory_space<vmem>> -> memref<80x128xf32, #tpu.memory_space<vmem>>
    %dma_start3A_541 = tpu.memref_slice %arg2[%multiple_of3A_515, %multiple_of3A_535] : memref<1280x8400xf32, #tpu.memory_space<hbm>> -> memref<80x128xf32, #tpu.memory_space<hbm>>
    %dma_start3A_542 = arith.constant 0 : i32
    %dma_start3A_543 = arith.constant 0 : i32
    %dma_start3A_544 = tpu.memref_slice %arg6[%dma_start3A_536, %dma_start3A_542, %dma_start3A_543] : memref<4x80x128xf32, #tpu.memory_space<vmem>> -> memref<1x80x128xf32, #tpu.memory_space<vmem>>
    %dma_start3A_545 = tpu.memref_squeeze %dma_start3A_544 : memref<1x80x128xf32, #tpu.memory_space<vmem>> -> memref<80x128xf32, #tpu.memory_space<vmem>>
    %dma_start3A_546 = tpu.memref_slice %arg2[%multiple_of3A_515, %multiple_of3A_535] : memref<1280x8400xf32, #tpu.memory_space<hbm>> -> memref<80x128xf32, #tpu.memory_space<hbm>>
    tpu.enqueue_dma source(%dma_start3A_546 : memref<80x128xf32, #tpu.memory_space<hbm>>) target(%dma_start3A_545 : memref<80x128xf32, #tpu.memory_space<vmem>>) target_semaphore(%arg8 : memref<!tpu.dma_semaphore, #tpu.memory_space<semaphore_mem>>)
    %dma_wait3A_547 = arith.constant 2 : i32
    %dma_wait3A_548 = arith.constant 0 : i32
    %dma_wait3A_549 = arith.constant 0 : i32
    %dma_wait3A_550 = tpu.memref_slice %arg6[%dma_wait3A_547, %dma_wait3A_548, %dma_wait3A_549] : memref<4x80x128xf32, #tpu.memory_space<vmem>> -> memref<1x80x128xf32, #tpu.memory_space<vmem>>
    %dma_wait3A_551 = tpu.memref_squeeze %dma_wait3A_550 : memref<1x80x128xf32, #tpu.memory_space<vmem>> -> memref<80x128xf32, #tpu.memory_space<vmem>>
    %dma_wait3A_552 = tpu.memref_slice %arg2[%multiple_of3A_138, %multiple_of3A_158] : memref<1280x8400xf32, #tpu.memory_space<hbm>> -> memref<80x128xf32, #tpu.memory_space<hbm>>
    %dma_wait3A_553 = arith.constant 0 : i32
    %dma_wait3A_554 = arith.constant 0 : i32
    %dma_wait3A_555 = tpu.memref_slice %arg6[%dma_wait3A_547, %dma_wait3A_553, %dma_wait3A_554] : memref<4x80x128xf32, #tpu.memory_space<vmem>> -> memref<1x80x128xf32, #tpu.memory_space<vmem>>
    %dma_wait3A_556 = tpu.memref_squeeze %dma_wait3A_555 : memref<1x80x128xf32, #tpu.memory_space<vmem>> -> memref<80x128xf32, #tpu.memory_space<vmem>>
    %dma_wait3A_557 = tpu.memref_slice %arg2[%multiple_of3A_138, %multiple_of3A_158] : memref<1280x8400xf32, #tpu.memory_space<hbm>> -> memref<80x128xf32, #tpu.memory_space<hbm>>
    tpu.wait_dma2 semaphore(%arg8 : memref<!tpu.dma_semaphore, #tpu.memory_space<semaphore_mem>>) src(%dma_wait3A_557 : memref<80x128xf32, #tpu.memory_space<hbm>>) dst(%dma_wait3A_556 : memref<80x128xf32, #tpu.memory_space<vmem>>)
    %slice3A_558 = vector.extract_strided_slice %get3A_3 {offsets = [2], sizes = [1], strides = [1]} : vector<16xi32> to vector<1xi32>
    %squeeze3A_559 = vector.extract %slice3A_558[0] : i32 from vector<1xi32>
    %jit3A_560 = arith.constant 128 : i32
    %eq3A_561 = arith.constant 0 : i32
    %eq3A_562 = arith.cmpi eq, %jit3A_560, %eq3A_561 : i32
    %jit3A_563 = arith.constant 1 : i32
    %select_n3A_564 = arith.select %eq3A_562, %jit3A_563, %jit3A_560 : i32
    %rem3A_565 = arith.remsi %squeeze3A_559, %select_n3A_564 : i32
    %ne3A_566 = arith.constant 0 : i32
    %ne3A_567 = arith.cmpi ne, %rem3A_565, %ne3A_566 : i32
    %lt3A_568 = arith.constant 0 : i32
    %lt3A_569 = arith.cmpi slt, %rem3A_565, %lt3A_568 : i32
    %lt3A_570 = arith.constant 0 : i32
    %lt3A_571 = arith.cmpi slt, %select_n3A_564, %lt3A_570 : i32
    %ne3A_572 = arith.xori %lt3A_569, %lt3A_571 : i1
    %and3A_573 = arith.andi %ne3A_572, %ne3A_567 : i1
    %add3A_574 = arith.addi %rem3A_565, %select_n3A_564 : i32
    %select_n3A_575 = arith.select %and3A_573, %add3A_574, %rem3A_565 : i32
    %broadcast_in_dim3A_576 = vector.broadcast %select_n3A_575 : i32 to vector<16xi32>
    %add3A_577 = arith.constant 0 : i32
    %add3A_578 = vector.broadcast %add3A_577 : i32 to vector<16xi32>
    %add3A_579 = arith.addi %add3A_578, %iota3A : vector<16xi32>
    %gather3A_580 = arith.constant 2 : i32
    %gather3A_581 = arith.constant 0 : i32
    %gather3A_582 = arith.constant 0 : i32
    %gather3A_583 = tpu.memref_slice %arg6[%gather3A_580, %gather3A_581, %gather3A_582] : memref<4x80x128xf32, #tpu.memory_space<vmem>> -> memref<1x80x128xf32, #tpu.memory_space<vmem>>
    %gather3A_584 = tpu.memref_squeeze %gather3A_583 : memref<1x80x128xf32, #tpu.memory_space<vmem>> -> memref<80x128xf32, #tpu.memory_space<vmem>>
    %gather3A_585 = tpu.vector_load_idx %gather3A_584[%add3A_579, %broadcast_in_dim3A_576] : memref<80x128xf32, #tpu.memory_space<vmem>>[vector<16xi32>, vector<16xi32>], vector<16xf32>,
    %add3A_586 = arith.constant 0 : i32
    %add3A_587 = vector.broadcast %add3A_586 : i32 to vector<16xi32>
    %add3A_588 = arith.addi %add3A_587, %iota3A : vector<16xi32>
    %broadcast_in_dim3A_589 = arith.constant 2 : i32
    %broadcast_in_dim3A_590 = vector.broadcast %broadcast_in_dim3A_589 : i32 to vector<16xi32>
    tpu.vector_store_idx %arg7[%add3A_588, %broadcast_in_dim3A_590], %gather3A_585 : memref<80x16xf32, #tpu.memory_space<vmem>>[vector<16xi32>, vector<16xi32>], vector<16xf32>,
    %add3A_591 = arith.constant 16 : i32
    %add3A_592 = vector.broadcast %add3A_591 : i32 to vector<16xi32>
    %add3A_593 = arith.addi %add3A_592, %iota3A : vector<16xi32>
    %gather3A_594 = arith.constant 2 : i32
    %gather3A_595 = arith.constant 0 : i32
    %gather3A_596 = arith.constant 0 : i32
    %gather3A_597 = tpu.memref_slice %arg6[%gather3A_594, %gather3A_595, %gather3A_596] : memref<4x80x128xf32, #tpu.memory_space<vmem>> -> memref<1x80x128xf32, #tpu.memory_space<vmem>>
    %gather3A_598 = tpu.memref_squeeze %gather3A_597 : memref<1x80x128xf32, #tpu.memory_space<vmem>> -> memref<80x128xf32, #tpu.memory_space<vmem>>
    %gather3A_599 = tpu.vector_load_idx %gather3A_598[%add3A_593, %broadcast_in_dim3A_576] : memref<80x128xf32, #tpu.memory_space<vmem>>[vector<16xi32>, vector<16xi32>], vector<16xf32>,
    %add3A_600 = arith.constant 16 : i32
    %add3A_601 = vector.broadcast %add3A_600 : i32 to vector<16xi32>
    %add3A_602 = arith.addi %add3A_601, %iota3A : vector<16xi32>
    %broadcast_in_dim3A_603 = arith.constant 2 : i32
    %broadcast_in_dim3A_604 = vector.broadcast %broadcast_in_dim3A_603 : i32 to vector<16xi32>
    tpu.vector_store_idx %arg7[%add3A_602, %broadcast_in_dim3A_604], %gather3A_599 : memref<80x16xf32, #tpu.memory_space<vmem>>[vector<16xi32>, vector<16xi32>], vector<16xf32>,
    %add3A_605 = arith.constant 32 : i32
    %add3A_606 = vector.broadcast %add3A_605 : i32 to vector<16xi32>
    %add3A_607 = arith.addi %add3A_606, %iota3A : vector<16xi32>
    %gather3A_608 = arith.constant 2 : i32
    %gather3A_609 = arith.constant 0 : i32
    %gather3A_610 = arith.constant 0 : i32
    %gather3A_611 = tpu.memref_slice %arg6[%gather3A_608, %gather3A_609, %gather3A_610] : memref<4x80x128xf32, #tpu.memory_space<vmem>> -> memref<1x80x128xf32, #tpu.memory_space<vmem>>
    %gather3A_612 = tpu.memref_squeeze %gather3A_611 : memref<1x80x128xf32, #tpu.memory_space<vmem>> -> memref<80x128xf32, #tpu.memory_space<vmem>>
    %gather3A_613 = tpu.vector_load_idx %gather3A_612[%add3A_607, %broadcast_in_dim3A_576] : memref<80x128xf32, #tpu.memory_space<vmem>>[vector<16xi32>, vector<16xi32>], vector<16xf32>,
    %add3A_614 = arith.constant 32 : i32
    %add3A_615 = vector.broadcast %add3A_614 : i32 to vector<16xi32>
    %add3A_616 = arith.addi %add3A_615, %iota3A : vector<16xi32>
    %broadcast_in_dim3A_617 = arith.constant 2 : i32
    %broadcast_in_dim3A_618 = vector.broadcast %broadcast_in_dim3A_617 : i32 to vector<16xi32>
    tpu.vector_store_idx %arg7[%add3A_616, %broadcast_in_dim3A_618], %gather3A_613 : memref<80x16xf32, #tpu.memory_space<vmem>>[vector<16xi32>, vector<16xi32>], vector<16xf32>,
    %add3A_619 = arith.constant 48 : i32
    %add3A_620 = vector.broadcast %add3A_619 : i32 to vector<16xi32>
    %add3A_621 = arith.addi %add3A_620, %iota3A : vector<16xi32>
    %gather3A_622 = arith.constant 2 : i32
    %gather3A_623 = arith.constant 0 : i32
    %gather3A_624 = arith.constant 0 : i32
    %gather3A_625 = tpu.memref_slice %arg6[%gather3A_622, %gather3A_623, %gather3A_624] : memref<4x80x128xf32, #tpu.memory_space<vmem>> -> memref<1x80x128xf32, #tpu.memory_space<vmem>>
    %gather3A_626 = tpu.memref_squeeze %gather3A_625 : memref<1x80x128xf32, #tpu.memory_space<vmem>> -> memref<80x128xf32, #tpu.memory_space<vmem>>
    %gather3A_627 = tpu.vector_load_idx %gather3A_626[%add3A_621, %broadcast_in_dim3A_576] : memref<80x128xf32, #tpu.memory_space<vmem>>[vector<16xi32>, vector<16xi32>], vector<16xf32>,
    %add3A_628 = arith.constant 48 : i32
    %add3A_629 = vector.broadcast %add3A_628 : i32 to vector<16xi32>
    %add3A_630 = arith.addi %add3A_629, %iota3A : vector<16xi32>
    %broadcast_in_dim3A_631 = arith.constant 2 : i32
    %broadcast_in_dim3A_632 = vector.broadcast %broadcast_in_dim3A_631 : i32 to vector<16xi32>
    tpu.vector_store_idx %arg7[%add3A_630, %broadcast_in_dim3A_632], %gather3A_627 : memref<80x16xf32, #tpu.memory_space<vmem>>[vector<16xi32>, vector<16xi32>], vector<16xf32>,
    %add3A_633 = arith.constant 64 : i32
    %add3A_634 = vector.broadcast %add3A_633 : i32 to vector<16xi32>
    %add3A_635 = arith.addi %add3A_634, %iota3A : vector<16xi32>
    %gather3A_636 = arith.constant 2 : i32
    %gather3A_637 = arith.constant 0 : i32
    %gather3A_638 = arith.constant 0 : i32
    %gather3A_639 = tpu.memref_slice %arg6[%gather3A_636, %gather3A_637, %gather3A_638] : memref<4x80x128xf32, #tpu.memory_space<vmem>> -> memref<1x80x128xf32, #tpu.memory_space<vmem>>
    %gather3A_640 = tpu.memref_squeeze %gather3A_639 : memref<1x80x128xf32, #tpu.memory_space<vmem>> -> memref<80x128xf32, #tpu.memory_space<vmem>>
    %gather3A_641 = tpu.vector_load_idx %gather3A_640[%add3A_635, %broadcast_in_dim3A_576] : memref<80x128xf32, #tpu.memory_space<vmem>>[vector<16xi32>, vector<16xi32>], vector<16xf32>,
    %add3A_642 = arith.constant 64 : i32
    %add3A_643 = vector.broadcast %add3A_642 : i32 to vector<16xi32>
    %add3A_644 = arith.addi %add3A_643, %iota3A : vector<16xi32>
    %broadcast_in_dim3A_645 = arith.constant 2 : i32
    %broadcast_in_dim3A_646 = vector.broadcast %broadcast_in_dim3A_645 : i32 to vector<16xi32>
    tpu.vector_store_idx %arg7[%add3A_644, %broadcast_in_dim3A_646], %gather3A_641 : memref<80x16xf32, #tpu.memory_space<vmem>>[vector<16xi32>, vector<16xi32>], vector<16xf32>,
    %add3A_647 = arith.constant 6 : i32
    %add3A_648 = arith.addi %mul3A_2, %add3A_647 : i32
    %jit3A_649 = arith.constant 32 : i32
    %div3A_650 = arith.divsi %add3A_648, %jit3A_649 : i32
    %sign3A_651 = arith.constant 0 : i32
    %sign3A_652 = arith.cmpi sgt, %add3A_648, %sign3A_651 : i32
    %sign3A_653 = arith.extui %sign3A_652 : i1 to i32
    %sign3A_654 = arith.constant 0 : i32
    %sign3A_655 = arith.cmpi slt, %add3A_648, %sign3A_654 : i32
    %sign3A_656 = arith.extui %sign3A_655 : i1 to i32
    %sign3A_657 = arith.subi %sign3A_653, %sign3A_656 : i32
    %sign3A_658 = arith.constant 0 : i32
    %sign3A_659 = arith.cmpi sgt, %jit3A_649, %sign3A_658 : i32
    %sign3A_660 = arith.extui %sign3A_659 : i1 to i32
    %sign3A_661 = arith.constant 0 : i32
    %sign3A_662 = arith.cmpi slt, %jit3A_649, %sign3A_661 : i32
    %sign3A_663 = arith.extui %sign3A_662 : i1 to i32
    %sign3A_664 = arith.subi %sign3A_660, %sign3A_663 : i32
    %ne3A_665 = arith.cmpi ne, %sign3A_657, %sign3A_664 : i32
    %rem3A_666 = arith.remsi %add3A_648, %jit3A_649 : i32
    %ne3A_667 = arith.constant 0 : i32
    %ne3A_668 = arith.cmpi ne, %rem3A_666, %ne3A_667 : i32
    %and3A_669 = arith.andi %ne3A_665, %ne3A_668 : i1
    %sub3A_670 = arith.constant 1 : i32
    %sub3A_671 = arith.subi %div3A_650, %sub3A_670 : i32
    %select_n3A_672 = arith.select %and3A_669, %sub3A_671, %div3A_650 : i32
    %mul3A_673 = arith.constant 80 : i32
    %mul3A_674 = arith.muli %select_n3A_672, %mul3A_673 : i32
    %multiple_of3A_675 = tpu.assume_multiple %mul3A_674, 80 : i32
    %slice3A_676 = vector.extract_strided_slice %get3A_3 {offsets = [6], sizes = [1], strides = [1]} : vector<16xi32> to vector<1xi32>
    %squeeze3A_677 = vector.extract %slice3A_676[0] : i32 from vector<1xi32>
    %jit3A_678 = arith.constant 128 : i32
    %eq3A_679 = arith.constant 0 : i32
    %eq3A_680 = arith.cmpi eq, %jit3A_678, %eq3A_679 : i32
    %jit3A_681 = arith.constant 1 : i32
    %select_n3A_682 = arith.select %eq3A_680, %jit3A_681, %jit3A_678 : i32
    %rem3A_683 = arith.remsi %squeeze3A_677, %select_n3A_682 : i32
    %ne3A_684 = arith.constant 0 : i32
    %ne3A_685 = arith.cmpi ne, %rem3A_683, %ne3A_684 : i32
    %lt3A_686 = arith.constant 0 : i32
    %lt3A_687 = arith.cmpi slt, %rem3A_683, %lt3A_686 : i32
    %lt3A_688 = arith.constant 0 : i32
    %lt3A_689 = arith.cmpi slt, %select_n3A_682, %lt3A_688 : i32
    %ne3A_690 = arith.xori %lt3A_687, %lt3A_689 : i1
    %and3A_691 = arith.andi %ne3A_690, %ne3A_685 : i1
    %add3A_692 = arith.addi %rem3A_683, %select_n3A_682 : i32
    %select_n3A_693 = arith.select %and3A_691, %add3A_692, %rem3A_683 : i32
    %sub3A_694 = arith.subi %squeeze3A_677, %select_n3A_693 : i32
    %multiple_of3A_695 = tpu.assume_multiple %sub3A_694, 128 : i32
    %dma_start3A_696 = arith.constant 2 : i32
    %dma_start3A_697 = arith.constant 0 : i32
    %dma_start3A_698 = arith.constant 0 : i32
    %dma_start3A_699 = tpu.memref_slice %arg6[%dma_start3A_696, %dma_start3A_697, %dma_start3A_698] : memref<4x80x128xf32, #tpu.memory_space<vmem>> -> memref<1x80x128xf32, #tpu.memory_space<vmem>>
    %dma_start3A_700 = tpu.memref_squeeze %dma_start3A_699 : memref<1x80x128xf32, #tpu.memory_space<vmem>> -> memref<80x128xf32, #tpu.memory_space<vmem>>
    %dma_start3A_701 = tpu.memref_slice %arg2[%multiple_of3A_675, %multiple_of3A_695] : memref<1280x8400xf32, #tpu.memory_space<hbm>> -> memref<80x128xf32, #tpu.memory_space<hbm>>
    %dma_start3A_702 = arith.constant 0 : i32
    %dma_start3A_703 = arith.constant 0 : i32
    %dma_start3A_704 = tpu.memref_slice %arg6[%dma_start3A_696, %dma_start3A_702, %dma_start3A_703] : memref<4x80x128xf32, #tpu.memory_space<vmem>> -> memref<1x80x128xf32, #tpu.memory_space<vmem>>
    %dma_start3A_705 = tpu.memref_squeeze %dma_start3A_704 : memref<1x80x128xf32, #tpu.memory_space<vmem>> -> memref<80x128xf32, #tpu.memory_space<vmem>>
    %dma_start3A_706 = tpu.memref_slice %arg2[%multiple_of3A_675, %multiple_of3A_695] : memref<1280x8400xf32, #tpu.memory_space<hbm>> -> memref<80x128xf32, #tpu.memory_space<hbm>>
    tpu.enqueue_dma source(%dma_start3A_706 : memref<80x128xf32, #tpu.memory_space<hbm>>) target(%dma_start3A_705 : memref<80x128xf32, #tpu.memory_space<vmem>>) target_semaphore(%arg8 : memref<!tpu.dma_semaphore, #tpu.memory_space<semaphore_mem>>)
    %dma_wait3A_707 = arith.constant 3 : i32
    %dma_wait3A_708 = arith.constant 0 : i32
    %dma_wait3A_709 = arith.constant 0 : i32
    %dma_wait3A_710 = tpu.memref_slice %arg6[%dma_wait3A_707, %dma_wait3A_708, %dma_wait3A_709] : memref<4x80x128xf32, #tpu.memory_space<vmem>> -> memref<1x80x128xf32, #tpu.memory_space<vmem>>
    %dma_wait3A_711 = tpu.memref_squeeze %dma_wait3A_710 : memref<1x80x128xf32, #tpu.memory_space<vmem>> -> memref<80x128xf32, #tpu.memory_space<vmem>>
    %dma_wait3A_712 = tpu.memref_slice %arg2[%multiple_of3A_198, %multiple_of3A_218] : memref<1280x8400xf32, #tpu.memory_space<hbm>> -> memref<80x128xf32, #tpu.memory_space<hbm>>
    %dma_wait3A_713 = arith.constant 0 : i32
    %dma_wait3A_714 = arith.constant 0 : i32
    %dma_wait3A_715 = tpu.memref_slice %arg6[%dma_wait3A_707, %dma_wait3A_713, %dma_wait3A_714] : memref<4x80x128xf32, #tpu.memory_space<vmem>> -> memref<1x80x128xf32, #tpu.memory_space<vmem>>
    %dma_wait3A_716 = tpu.memref_squeeze %dma_wait3A_715 : memref<1x80x128xf32, #tpu.memory_space<vmem>> -> memref<80x128xf32, #tpu.memory_space<vmem>>
    %dma_wait3A_717 = tpu.memref_slice %arg2[%multiple_of3A_198, %multiple_of3A_218] : memref<1280x8400xf32, #tpu.memory_space<hbm>> -> memref<80x128xf32, #tpu.memory_space<hbm>>
    tpu.wait_dma2 semaphore(%arg8 : memref<!tpu.dma_semaphore, #tpu.memory_space<semaphore_mem>>) src(%dma_wait3A_717 : memref<80x128xf32, #tpu.memory_space<hbm>>) dst(%dma_wait3A_716 : memref<80x128xf32, #tpu.memory_space<vmem>>)
    %slice3A_718 = vector.extract_strided_slice %get3A_3 {offsets = [3], sizes = [1], strides = [1]} : vector<16xi32> to vector<1xi32>
    %squeeze3A_719 = vector.extract %slice3A_718[0] : i32 from vector<1xi32>
    %jit3A_720 = arith.constant 128 : i32
    %eq3A_721 = arith.constant 0 : i32
    %eq3A_722 = arith.cmpi eq, %jit3A_720, %eq3A_721 : i32
    %jit3A_723 = arith.constant 1 : i32
    %select_n3A_724 = arith.select %eq3A_722, %jit3A_723, %jit3A_720 : i32
    %rem3A_725 = arith.remsi %squeeze3A_719, %select_n3A_724 : i32
    %ne3A_726 = arith.constant 0 : i32
    %ne3A_727 = arith.cmpi ne, %rem3A_725, %ne3A_726 : i32
    %lt3A_728 = arith.constant 0 : i32
    %lt3A_729 = arith.cmpi slt, %rem3A_725, %lt3A_728 : i32
    %lt3A_730 = arith.constant 0 : i32
    %lt3A_731 = arith.cmpi slt, %select_n3A_724, %lt3A_730 : i32
    %ne3A_732 = arith.xori %lt3A_729, %lt3A_731 : i1
    %and3A_733 = arith.andi %ne3A_732, %ne3A_727 : i1
    %add3A_734 = arith.addi %rem3A_725, %select_n3A_724 : i32
    %select_n3A_735 = arith.select %and3A_733, %add3A_734, %rem3A_725 : i32
    %broadcast_in_dim3A_736 = vector.broadcast %select_n3A_735 : i32 to vector<16xi32>
    %add3A_737 = arith.constant 0 : i32
    %add3A_738 = vector.broadcast %add3A_737 : i32 to vector<16xi32>
    %add3A_739 = arith.addi %add3A_738, %iota3A : vector<16xi32>
    %gather3A_740 = arith.constant 3 : i32
    %gather3A_741 = arith.constant 0 : i32
    %gather3A_742 = arith.constant 0 : i32
    %gather3A_743 = tpu.memref_slice %arg6[%gather3A_740, %gather3A_741, %gather3A_742] : memref<4x80x128xf32, #tpu.memory_space<vmem>> -> memref<1x80x128xf32, #tpu.memory_space<vmem>>
    %gather3A_744 = tpu.memref_squeeze %gather3A_743 : memref<1x80x128xf32, #tpu.memory_space<vmem>> -> memref<80x128xf32, #tpu.memory_space<vmem>>
    %gather3A_745 = tpu.vector_load_idx %gather3A_744[%add3A_739, %broadcast_in_dim3A_736] : memref<80x128xf32, #tpu.memory_space<vmem>>[vector<16xi32>, vector<16xi32>], vector<16xf32>,
    %add3A_746 = arith.constant 0 : i32
    %add3A_747 = vector.broadcast %add3A_746 : i32 to vector<16xi32>
    %add3A_748 = arith.addi %add3A_747, %iota3A : vector<16xi32>
    %broadcast_in_dim3A_749 = arith.constant 3 : i32
    %broadcast_in_dim3A_750 = vector.broadcast %broadcast_in_dim3A_749 : i32 to vector<16xi32>
    tpu.vector_store_idx %arg7[%add3A_748, %broadcast_in_dim3A_750], %gather3A_745 : memref<80x16xf32, #tpu.memory_space<vmem>>[vector<16xi32>, vector<16xi32>], vector<16xf32>,
    %add3A_751 = arith.constant 16 : i32
    %add3A_752 = vector.broadcast %add3A_751 : i32 to vector<16xi32>
    %add3A_753 = arith.addi %add3A_752, %iota3A : vector<16xi32>
    %gather3A_754 = arith.constant 3 : i32
    %gather3A_755 = arith.constant 0 : i32
    %gather3A_756 = arith.constant 0 : i32
    %gather3A_757 = tpu.memref_slice %arg6[%gather3A_754, %gather3A_755, %gather3A_756] : memref<4x80x128xf32, #tpu.memory_space<vmem>> -> memref<1x80x128xf32, #tpu.memory_space<vmem>>
    %gather3A_758 = tpu.memref_squeeze %gather3A_757 : memref<1x80x128xf32, #tpu.memory_space<vmem>> -> memref<80x128xf32, #tpu.memory_space<vmem>>
    %gather3A_759 = tpu.vector_load_idx %gather3A_758[%add3A_753, %broadcast_in_dim3A_736] : memref<80x128xf32, #tpu.memory_space<vmem>>[vector<16xi32>, vector<16xi32>], vector<16xf32>,
    %add3A_760 = arith.constant 16 : i32
    %add3A_761 = vector.broadcast %add3A_760 : i32 to vector<16xi32>
    %add3A_762 = arith.addi %add3A_761, %iota3A : vector<16xi32>
    %broadcast_in_dim3A_763 = arith.constant 3 : i32
    %broadcast_in_dim3A_764 = vector.broadcast %broadcast_in_dim3A_763 : i32 to vector<16xi32>
    tpu.vector_store_idx %arg7[%add3A_762, %broadcast_in_dim3A_764], %gather3A_759 : memref<80x16xf32, #tpu.memory_space<vmem>>[vector<16xi32>, vector<16xi32>], vector<16xf32>,
    %add3A_765 = arith.constant 32 : i32
    %add3A_766 = vector.broadcast %add3A_765 : i32 to vector<16xi32>
    %add3A_767 = arith.addi %add3A_766, %iota3A : vector<16xi32>
    %gather3A_768 = arith.constant 3 : i32
    %gather3A_769 = arith.constant 0 : i32
    %gather3A_770 = arith.constant 0 : i32
    %gather3A_771 = tpu.memref_slice %arg6[%gather3A_768, %gather3A_769, %gather3A_770] : memref<4x80x128xf32, #tpu.memory_space<vmem>> -> memref<1x80x128xf32, #tpu.memory_space<vmem>>
    %gather3A_772 = tpu.memref_squeeze %gather3A_771 : memref<1x80x128xf32, #tpu.memory_space<vmem>> -> memref<80x128xf32, #tpu.memory_space<vmem>>
    %gather3A_773 = tpu.vector_load_idx %gather3A_772[%add3A_767, %broadcast_in_dim3A_736] : memref<80x128xf32, #tpu.memory_space<vmem>>[vector<16xi32>, vector<16xi32>], vector<16xf32>,
    %add3A_774 = arith.constant 32 : i32
    %add3A_775 = vector.broadcast %add3A_774 : i32 to vector<16xi32>
    %add3A_776 = arith.addi %add3A_775, %iota3A : vector<16xi32>
    %broadcast_in_dim3A_777 = arith.constant 3 : i32
    %broadcast_in_dim3A_778 = vector.broadcast %broadcast_in_dim3A_777 : i32 to vector<16xi32>
    tpu.vector_store_idx %arg7[%add3A_776, %broadcast_in_dim3A_778], %gather3A_773 : memref<80x16xf32, #tpu.memory_space<vmem>>[vector<16xi32>, vector<16xi32>], vector<16xf32>,
    %add3A_779 = arith.constant 48 : i32
    %add3A_780 = vector.broadcast %add3A_779 : i32 to vector<16xi32>
    %add3A_781 = arith.addi %add3A_780, %iota3A : vector<16xi32>
    %gather3A_782 = arith.constant 3 : i32
    %gather3A_783 = arith.constant 0 : i32
    %gather3A_784 = arith.constant 0 : i32
    %gather3A_785 = tpu.memref_slice %arg6[%gather3A_782, %gather3A_783, %gather3A_784] : memref<4x80x128xf32, #tpu.memory_space<vmem>> -> memref<1x80x128xf32, #tpu.memory_space<vmem>>
    %gather3A_786 = tpu.memref_squeeze %gather3A_785 : memref<1x80x128xf32, #tpu.memory_space<vmem>> -> memref<80x128xf32, #tpu.memory_space<vmem>>
    %gather3A_787 = tpu.vector_load_idx %gather3A_786[%add3A_781, %broadcast_in_dim3A_736] : memref<80x128xf32, #tpu.memory_space<vmem>>[vector<16xi32>, vector<16xi32>], vector<16xf32>,
    %add3A_788 = arith.constant 48 : i32
    %add3A_789 = vector.broadcast %add3A_788 : i32 to vector<16xi32>
    %add3A_790 = arith.addi %add3A_789, %iota3A : vector<16xi32>
    %broadcast_in_dim3A_791 = arith.constant 3 : i32
    %broadcast_in_dim3A_792 = vector.broadcast %broadcast_in_dim3A_791 : i32 to vector<16xi32>
    tpu.vector_store_idx %arg7[%add3A_790, %broadcast_in_dim3A_792], %gather3A_787 : memref<80x16xf32, #tpu.memory_space<vmem>>[vector<16xi32>, vector<16xi32>], vector<16xf32>,
    %add3A_793 = arith.constant 64 : i32
    %add3A_794 = vector.broadcast %add3A_793 : i32 to vector<16xi32>
    %add3A_795 = arith.addi %add3A_794, %iota3A : vector<16xi32>
    %gather3A_796 = arith.constant 3 : i32
    %gather3A_797 = arith.constant 0 : i32
    %gather3A_798 = arith.constant 0 : i32
    %gather3A_799 = tpu.memref_slice %arg6[%gather3A_796, %gather3A_797, %gather3A_798] : memref<4x80x128xf32, #tpu.memory_space<vmem>> -> memref<1x80x128xf32, #tpu.memory_space<vmem>>
    %gather3A_800 = tpu.memref_squeeze %gather3A_799 : memref<1x80x128xf32, #tpu.memory_space<vmem>> -> memref<80x128xf32, #tpu.memory_space<vmem>>
    %gather3A_801 = tpu.vector_load_idx %gather3A_800[%add3A_795, %broadcast_in_dim3A_736] : memref<80x128xf32, #tpu.memory_space<vmem>>[vector<16xi32>, vector<16xi32>], vector<16xf32>,
    %add3A_802 = arith.constant 64 : i32
    %add3A_803 = vector.broadcast %add3A_802 : i32 to vector<16xi32>
    %add3A_804 = arith.addi %add3A_803, %iota3A : vector<16xi32>
    %broadcast_in_dim3A_805 = arith.constant 3 : i32
    %broadcast_in_dim3A_806 = vector.broadcast %broadcast_in_dim3A_805 : i32 to vector<16xi32>
    tpu.vector_store_idx %arg7[%add3A_804, %broadcast_in_dim3A_806], %gather3A_801 : memref<80x16xf32, #tpu.memory_space<vmem>>[vector<16xi32>, vector<16xi32>], vector<16xf32>,
    %add3A_807 = arith.constant 7 : i32
    %add3A_808 = arith.addi %mul3A_2, %add3A_807 : i32
    %jit3A_809 = arith.constant 32 : i32
    %div3A_810 = arith.divsi %add3A_808, %jit3A_809 : i32
    %sign3A_811 = arith.constant 0 : i32
    %sign3A_812 = arith.cmpi sgt, %add3A_808, %sign3A_811 : i32
    %sign3A_813 = arith.extui %sign3A_812 : i1 to i32
    %sign3A_814 = arith.constant 0 : i32
    %sign3A_815 = arith.cmpi slt, %add3A_808, %sign3A_814 : i32
    %sign3A_816 = arith.extui %sign3A_815 : i1 to i32
    %sign3A_817 = arith.subi %sign3A_813, %sign3A_816 : i32
    %sign3A_818 = arith.constant 0 : i32
    %sign3A_819 = arith.cmpi sgt, %jit3A_809, %sign3A_818 : i32
    %sign3A_820 = arith.extui %sign3A_819 : i1 to i32
    %sign3A_821 = arith.constant 0 : i32
    %sign3A_822 = arith.cmpi slt, %jit3A_809, %sign3A_821 : i32
    %sign3A_823 = arith.extui %sign3A_822 : i1 to i32
    %sign3A_824 = arith.subi %sign3A_820, %sign3A_823 : i32
    %ne3A_825 = arith.cmpi ne, %sign3A_817, %sign3A_824 : i32
    %rem3A_826 = arith.remsi %add3A_808, %jit3A_809 : i32
    %ne3A_827 = arith.constant 0 : i32
    %ne3A_828 = arith.cmpi ne, %rem3A_826, %ne3A_827 : i32
    %and3A_829 = arith.andi %ne3A_825, %ne3A_828 : i1
    %sub3A_830 = arith.constant 1 : i32
    %sub3A_831 = arith.subi %div3A_810, %sub3A_830 : i32
    %select_n3A_832 = arith.select %and3A_829, %sub3A_831, %div3A_810 : i32
    %mul3A_833 = arith.constant 80 : i32
    %mul3A_834 = arith.muli %select_n3A_832, %mul3A_833 : i32
    %multiple_of3A_835 = tpu.assume_multiple %mul3A_834, 80 : i32
    %slice3A_836 = vector.extract_strided_slice %get3A_3 {offsets = [7], sizes = [1], strides = [1]} : vector<16xi32> to vector<1xi32>
    %squeeze3A_837 = vector.extract %slice3A_836[0] : i32 from vector<1xi32>
    %jit3A_838 = arith.constant 128 : i32
    %eq3A_839 = arith.constant 0 : i32
    %eq3A_840 = arith.cmpi eq, %jit3A_838, %eq3A_839 : i32
    %jit3A_841 = arith.constant 1 : i32
    %select_n3A_842 = arith.select %eq3A_840, %jit3A_841, %jit3A_838 : i32
    %rem3A_843 = arith.remsi %squeeze3A_837, %select_n3A_842 : i32
    %ne3A_844 = arith.constant 0 : i32
    %ne3A_845 = arith.cmpi ne, %rem3A_843, %ne3A_844 : i32
    %lt3A_846 = arith.constant 0 : i32
    %lt3A_847 = arith.cmpi slt, %rem3A_843, %lt3A_846 : i32
    %lt3A_848 = arith.constant 0 : i32
    %lt3A_849 = arith.cmpi slt, %select_n3A_842, %lt3A_848 : i32
    %ne3A_850 = arith.xori %lt3A_847, %lt3A_849 : i1
    %and3A_851 = arith.andi %ne3A_850, %ne3A_845 : i1
    %add3A_852 = arith.addi %rem3A_843, %select_n3A_842 : i32
    %select_n3A_853 = arith.select %and3A_851, %add3A_852, %rem3A_843 : i32
    %sub3A_854 = arith.subi %squeeze3A_837, %select_n3A_853 : i32
    %multiple_of3A_855 = tpu.assume_multiple %sub3A_854, 128 : i32
    %dma_start3A_856 = arith.constant 3 : i32
    %dma_start3A_857 = arith.constant 0 : i32
    %dma_start3A_858 = arith.constant 0 : i32
    %dma_start3A_859 = tpu.memref_slice %arg6[%dma_start3A_856, %dma_start3A_857, %dma_start3A_858] : memref<4x80x128xf32, #tpu.memory_space<vmem>> -> memref<1x80x128xf32, #tpu.memory_space<vmem>>
    %dma_start3A_860 = tpu.memref_squeeze %dma_start3A_859 : memref<1x80x128xf32, #tpu.memory_space<vmem>> -> memref<80x128xf32, #tpu.memory_space<vmem>>
    %dma_start3A_861 = tpu.memref_slice %arg2[%multiple_of3A_835, %multiple_of3A_855] : memref<1280x8400xf32, #tpu.memory_space<hbm>> -> memref<80x128xf32, #tpu.memory_space<hbm>>
    %dma_start3A_862 = arith.constant 0 : i32
    %dma_start3A_863 = arith.constant 0 : i32
    %dma_start3A_864 = tpu.memref_slice %arg6[%dma_start3A_856, %dma_start3A_862, %dma_start3A_863] : memref<4x80x128xf32, #tpu.memory_space<vmem>> -> memref<1x80x128xf32, #tpu.memory_space<vmem>>
    %dma_start3A_865 = tpu.memref_squeeze %dma_start3A_864 : memref<1x80x128xf32, #tpu.memory_space<vmem>> -> memref<80x128xf32, #tpu.memory_space<vmem>>
    %dma_start3A_866 = tpu.memref_slice %arg2[%multiple_of3A_835, %multiple_of3A_855] : memref<1280x8400xf32, #tpu.memory_space<hbm>> -> memref<80x128xf32, #tpu.memory_space<hbm>>
    tpu.enqueue_dma source(%dma_start3A_866 : memref<80x128xf32, #tpu.memory_space<hbm>>) target(%dma_start3A_865 : memref<80x128xf32, #tpu.memory_space<vmem>>) target_semaphore(%arg8 : memref<!tpu.dma_semaphore, #tpu.memory_space<semaphore_mem>>)
    %dma_wait3A_867 = arith.constant 0 : i32
    %dma_wait3A_868 = arith.constant 0 : i32
    %dma_wait3A_869 = arith.constant 0 : i32
    %dma_wait3A_870 = tpu.memref_slice %arg6[%dma_wait3A_867, %dma_wait3A_868, %dma_wait3A_869] : memref<4x80x128xf32, #tpu.memory_space<vmem>> -> memref<1x80x128xf32, #tpu.memory_space<vmem>>
    %dma_wait3A_871 = tpu.memref_squeeze %dma_wait3A_870 : memref<1x80x128xf32, #tpu.memory_space<vmem>> -> memref<80x128xf32, #tpu.memory_space<vmem>>
    %dma_wait3A_872 = tpu.memref_slice %arg2[%multiple_of3A_355, %multiple_of3A_375] : memref<1280x8400xf32, #tpu.memory_space<hbm>> -> memref<80x128xf32, #tpu.memory_space<hbm>>
    %dma_wait3A_873 = arith.constant 0 : i32
    %dma_wait3A_874 = arith.constant 0 : i32
    %dma_wait3A_875 = tpu.memref_slice %arg6[%dma_wait3A_867, %dma_wait3A_873, %dma_wait3A_874] : memref<4x80x128xf32, #tpu.memory_space<vmem>> -> memref<1x80x128xf32, #tpu.memory_space<vmem>>
    %dma_wait3A_876 = tpu.memref_squeeze %dma_wait3A_875 : memref<1x80x128xf32, #tpu.memory_space<vmem>> -> memref<80x128xf32, #tpu.memory_space<vmem>>
    %dma_wait3A_877 = tpu.memref_slice %arg2[%multiple_of3A_355, %multiple_of3A_375] : memref<1280x8400xf32, #tpu.memory_space<hbm>> -> memref<80x128xf32, #tpu.memory_space<hbm>>
    tpu.wait_dma2 semaphore(%arg8 : memref<!tpu.dma_semaphore, #tpu.memory_space<semaphore_mem>>) src(%dma_wait3A_877 : memref<80x128xf32, #tpu.memory_space<hbm>>) dst(%dma_wait3A_876 : memref<80x128xf32, #tpu.memory_space<vmem>>)
    %slice3A_878 = vector.extract_strided_slice %get3A_3 {offsets = [4], sizes = [1], strides = [1]} : vector<16xi32> to vector<1xi32>
    %squeeze3A_879 = vector.extract %slice3A_878[0] : i32 from vector<1xi32>
    %jit3A_880 = arith.constant 128 : i32
    %eq3A_881 = arith.constant 0 : i32
    %eq3A_882 = arith.cmpi eq, %jit3A_880, %eq3A_881 : i32
    %jit3A_883 = arith.constant 1 : i32
    %select_n3A_884 = arith.select %eq3A_882, %jit3A_883, %jit3A_880 : i32
    %rem3A_885 = arith.remsi %squeeze3A_879, %select_n3A_884 : i32
    %ne3A_886 = arith.constant 0 : i32
    %ne3A_887 = arith.cmpi ne, %rem3A_885, %ne3A_886 : i32
    %lt3A_888 = arith.constant 0 : i32
    %lt3A_889 = arith.cmpi slt, %rem3A_885, %lt3A_888 : i32
    %lt3A_890 = arith.constant 0 : i32
    %lt3A_891 = arith.cmpi slt, %select_n3A_884, %lt3A_890 : i32
    %ne3A_892 = arith.xori %lt3A_889, %lt3A_891 : i1
    %and3A_893 = arith.andi %ne3A_892, %ne3A_887 : i1
    %add3A_894 = arith.addi %rem3A_885, %select_n3A_884 : i32
    %select_n3A_895 = arith.select %and3A_893, %add3A_894, %rem3A_885 : i32
    %broadcast_in_dim3A_896 = vector.broadcast %select_n3A_895 : i32 to vector<16xi32>
    %add3A_897 = arith.constant 0 : i32
    %add3A_898 = vector.broadcast %add3A_897 : i32 to vector<16xi32>
    %add3A_899 = arith.addi %add3A_898, %iota3A : vector<16xi32>
    %gather3A_900 = arith.constant 0 : i32
    %gather3A_901 = arith.constant 0 : i32
    %gather3A_902 = arith.constant 0 : i32
    %gather3A_903 = tpu.memref_slice %arg6[%gather3A_900, %gather3A_901, %gather3A_902] : memref<4x80x128xf32, #tpu.memory_space<vmem>> -> memref<1x80x128xf32, #tpu.memory_space<vmem>>
    %gather3A_904 = tpu.memref_squeeze %gather3A_903 : memref<1x80x128xf32, #tpu.memory_space<vmem>> -> memref<80x128xf32, #tpu.memory_space<vmem>>
    %gather3A_905 = tpu.vector_load_idx %gather3A_904[%add3A_899, %broadcast_in_dim3A_896] : memref<80x128xf32, #tpu.memory_space<vmem>>[vector<16xi32>, vector<16xi32>], vector<16xf32>,
    %add3A_906 = arith.constant 0 : i32
    %add3A_907 = vector.broadcast %add3A_906 : i32 to vector<16xi32>
    %add3A_908 = arith.addi %add3A_907, %iota3A : vector<16xi32>
    %broadcast_in_dim3A_909 = arith.constant 4 : i32
    %broadcast_in_dim3A_910 = vector.broadcast %broadcast_in_dim3A_909 : i32 to vector<16xi32>
    tpu.vector_store_idx %arg7[%add3A_908, %broadcast_in_dim3A_910], %gather3A_905 : memref<80x16xf32, #tpu.memory_space<vmem>>[vector<16xi32>, vector<16xi32>], vector<16xf32>,
    %add3A_911 = arith.constant 16 : i32
    %add3A_912 = vector.broadcast %add3A_911 : i32 to vector<16xi32>
    %add3A_913 = arith.addi %add3A_912, %iota3A : vector<16xi32>
    %gather3A_914 = arith.constant 0 : i32
    %gather3A_915 = arith.constant 0 : i32
    %gather3A_916 = arith.constant 0 : i32
    %gather3A_917 = tpu.memref_slice %arg6[%gather3A_914, %gather3A_915, %gather3A_916] : memref<4x80x128xf32, #tpu.memory_space<vmem>> -> memref<1x80x128xf32, #tpu.memory_space<vmem>>
    %gather3A_918 = tpu.memref_squeeze %gather3A_917 : memref<1x80x128xf32, #tpu.memory_space<vmem>> -> memref<80x128xf32, #tpu.memory_space<vmem>>
    %gather3A_919 = tpu.vector_load_idx %gather3A_918[%add3A_913, %broadcast_in_dim3A_896] : memref<80x128xf32, #tpu.memory_space<vmem>>[vector<16xi32>, vector<16xi32>], vector<16xf32>,
    %add3A_920 = arith.constant 16 : i32
    %add3A_921 = vector.broadcast %add3A_920 : i32 to vector<16xi32>
    %add3A_922 = arith.addi %add3A_921, %iota3A : vector<16xi32>
    %broadcast_in_dim3A_923 = arith.constant 4 : i32
    %broadcast_in_dim3A_924 = vector.broadcast %broadcast_in_dim3A_923 : i32 to vector<16xi32>
    tpu.vector_store_idx %arg7[%add3A_922, %broadcast_in_dim3A_924], %gather3A_919 : memref<80x16xf32, #tpu.memory_space<vmem>>[vector<16xi32>, vector<16xi32>], vector<16xf32>,
    %add3A_925 = arith.constant 32 : i32
    %add3A_926 = vector.broadcast %add3A_925 : i32 to vector<16xi32>
    %add3A_927 = arith.addi %add3A_926, %iota3A : vector<16xi32>
    %gather3A_928 = arith.constant 0 : i32
    %gather3A_929 = arith.constant 0 : i32
    %gather3A_930 = arith.constant 0 : i32
    %gather3A_931 = tpu.memref_slice %arg6[%gather3A_928, %gather3A_929, %gather3A_930] : memref<4x80x128xf32, #tpu.memory_space<vmem>> -> memref<1x80x128xf32, #tpu.memory_space<vmem>>
    %gather3A_932 = tpu.memref_squeeze %gather3A_931 : memref<1x80x128xf32, #tpu.memory_space<vmem>> -> memref<80x128xf32, #tpu.memory_space<vmem>>
    %gather3A_933 = tpu.vector_load_idx %gather3A_932[%add3A_927, %broadcast_in_dim3A_896] : memref<80x128xf32, #tpu.memory_space<vmem>>[vector<16xi32>, vector<16xi32>], vector<16xf32>,
    %add3A_934 = arith.constant 32 : i32
    %add3A_935 = vector.broadcast %add3A_934 : i32 to vector<16xi32>
    %add3A_936 = arith.addi %add3A_935, %iota3A : vector<16xi32>
    %broadcast_in_dim3A_937 = arith.constant 4 : i32
    %broadcast_in_dim3A_938 = vector.broadcast %broadcast_in_dim3A_937 : i32 to vector<16xi32>
    tpu.vector_store_idx %arg7[%add3A_936, %broadcast_in_dim3A_938], %gather3A_933 : memref<80x16xf32, #tpu.memory_space<vmem>>[vector<16xi32>, vector<16xi32>], vector<16xf32>,
    %add3A_939 = arith.constant 48 : i32
    %add3A_940 = vector.broadcast %add3A_939 : i32 to vector<16xi32>
    %add3A_941 = arith.addi %add3A_940, %iota3A : vector<16xi32>
    %gather3A_942 = arith.constant 0 : i32
    %gather3A_943 = arith.constant 0 : i32
    %gather3A_944 = arith.constant 0 : i32
    %gather3A_945 = tpu.memref_slice %arg6[%gather3A_942, %gather3A_943, %gather3A_944] : memref<4x80x128xf32, #tpu.memory_space<vmem>> -> memref<1x80x128xf32, #tpu.memory_space<vmem>>
    %gather3A_946 = tpu.memref_squeeze %gather3A_945 : memref<1x80x128xf32, #tpu.memory_space<vmem>> -> memref<80x128xf32, #tpu.memory_space<vmem>>
    %gather3A_947 = tpu.vector_load_idx %gather3A_946[%add3A_941, %broadcast_in_dim3A_896] : memref<80x128xf32, #tpu.memory_space<vmem>>[vector<16xi32>, vector<16xi32>], vector<16xf32>,
    %add3A_948 = arith.constant 48 : i32
    %add3A_949 = vector.broadcast %add3A_948 : i32 to vector<16xi32>
    %add3A_950 = arith.addi %add3A_949, %iota3A : vector<16xi32>
    %broadcast_in_dim3A_951 = arith.constant 4 : i32
    %broadcast_in_dim3A_952 = vector.broadcast %broadcast_in_dim3A_951 : i32 to vector<16xi32>
    tpu.vector_store_idx %arg7[%add3A_950, %broadcast_in_dim3A_952], %gather3A_947 : memref<80x16xf32, #tpu.memory_space<vmem>>[vector<16xi32>, vector<16xi32>], vector<16xf32>,
    %add3A_953 = arith.constant 64 : i32
    %add3A_954 = vector.broadcast %add3A_953 : i32 to vector<16xi32>
    %add3A_955 = arith.addi %add3A_954, %iota3A : vector<16xi32>
    %gather3A_956 = arith.constant 0 : i32
    %gather3A_957 = arith.constant 0 : i32
    %gather3A_958 = arith.constant 0 : i32
    %gather3A_959 = tpu.memref_slice %arg6[%gather3A_956, %gather3A_957, %gather3A_958] : memref<4x80x128xf32, #tpu.memory_space<vmem>> -> memref<1x80x128xf32, #tpu.memory_space<vmem>>
    %gather3A_960 = tpu.memref_squeeze %gather3A_959 : memref<1x80x128xf32, #tpu.memory_space<vmem>> -> memref<80x128xf32, #tpu.memory_space<vmem>>
    %gather3A_961 = tpu.vector_load_idx %gather3A_960[%add3A_955, %broadcast_in_dim3A_896] : memref<80x128xf32, #tpu.memory_space<vmem>>[vector<16xi32>, vector<16xi32>], vector<16xf32>,
    %add3A_962 = arith.constant 64 : i32
    %add3A_963 = vector.broadcast %add3A_962 : i32 to vector<16xi32>
    %add3A_964 = arith.addi %add3A_963, %iota3A : vector<16xi32>
    %broadcast_in_dim3A_965 = arith.constant 4 : i32
    %broadcast_in_dim3A_966 = vector.broadcast %broadcast_in_dim3A_965 : i32 to vector<16xi32>
    tpu.vector_store_idx %arg7[%add3A_964, %broadcast_in_dim3A_966], %gather3A_961 : memref<80x16xf32, #tpu.memory_space<vmem>>[vector<16xi32>, vector<16xi32>], vector<16xf32>,
    %add3A_967 = arith.constant 8 : i32
    %add3A_968 = arith.addi %mul3A_2, %add3A_967 : i32
    %jit3A_969 = arith.constant 32 : i32
    %div3A_970 = arith.divsi %add3A_968, %jit3A_969 : i32
    %sign3A_971 = arith.constant 0 : i32
    %sign3A_972 = arith.cmpi sgt, %add3A_968, %sign3A_971 : i32
    %sign3A_973 = arith.extui %sign3A_972 : i1 to i32
    %sign3A_974 = arith.constant 0 : i32
    %sign3A_975 = arith.cmpi slt, %add3A_968, %sign3A_974 : i32
    %sign3A_976 = arith.extui %sign3A_975 : i1 to i32
    %sign3A_977 = arith.subi %sign3A_973, %sign3A_976 : i32
    %sign3A_978 = arith.constant 0 : i32
    %sign3A_979 = arith.cmpi sgt, %jit3A_969, %sign3A_978 : i32
    %sign3A_980 = arith.extui %sign3A_979 : i1 to i32
    %sign3A_981 = arith.constant 0 : i32
    %sign3A_982 = arith.cmpi slt, %jit3A_969, %sign3A_981 : i32
    %sign3A_983 = arith.extui %sign3A_982 : i1 to i32
    %sign3A_984 = arith.subi %sign3A_980, %sign3A_983 : i32
    %ne3A_985 = arith.cmpi ne, %sign3A_977, %sign3A_984 : i32
    %rem3A_986 = arith.remsi %add3A_968, %jit3A_969 : i32
    %ne3A_987 = arith.constant 0 : i32
    %ne3A_988 = arith.cmpi ne, %rem3A_986, %ne3A_987 : i32
    %and3A_989 = arith.andi %ne3A_985, %ne3A_988 : i1
    %sub3A_990 = arith.constant 1 : i32
    %sub3A_991 = arith.subi %div3A_970, %sub3A_990 : i32
    %select_n3A_992 = arith.select %and3A_989, %sub3A_991, %div3A_970 : i32
    %mul3A_993 = arith.constant 80 : i32
    %mul3A_994 = arith.muli %select_n3A_992, %mul3A_993 : i32
    %multiple_of3A_995 = tpu.assume_multiple %mul3A_994, 80 : i32
    %slice3A_996 = vector.extract_strided_slice %get3A_3 {offsets = [8], sizes = [1], strides = [1]} : vector<16xi32> to vector<1xi32>
    %squeeze3A_997 = vector.extract %slice3A_996[0] : i32 from vector<1xi32>
    %jit3A_998 = arith.constant 128 : i32
    %eq3A_999 = arith.constant 0 : i32
    %eq3A_1000 = arith.cmpi eq, %jit3A_998, %eq3A_999 : i32
    %jit3A_1001 = arith.constant 1 : i32
    %select_n3A_1002 = arith.select %eq3A_1000, %jit3A_1001, %jit3A_998 : i32
    %rem3A_1003 = arith.remsi %squeeze3A_997, %select_n3A_1002 : i32
    %ne3A_1004 = arith.constant 0 : i32
    %ne3A_1005 = arith.cmpi ne, %rem3A_1003, %ne3A_1004 : i32
    %lt3A_1006 = arith.constant 0 : i32
    %lt3A_1007 = arith.cmpi slt, %rem3A_1003, %lt3A_1006 : i32
    %lt3A_1008 = arith.constant 0 : i32
    %lt3A_1009 = arith.cmpi slt, %select_n3A_1002, %lt3A_1008 : i32
    %ne3A_1010 = arith.xori %lt3A_1007, %lt3A_1009 : i1
    %and3A_1011 = arith.andi %ne3A_1010, %ne3A_1005 : i1
    %add3A_1012 = arith.addi %rem3A_1003, %select_n3A_1002 : i32
    %select_n3A_1013 = arith.select %and3A_1011, %add3A_1012, %rem3A_1003 : i32
    %sub3A_1014 = arith.subi %squeeze3A_997, %select_n3A_1013 : i32
    %multiple_of3A_1015 = tpu.assume_multiple %sub3A_1014, 128 : i32
    %dma_start3A_1016 = arith.constant 0 : i32
    %dma_start3A_1017 = arith.constant 0 : i32
    %dma_start3A_1018 = arith.constant 0 : i32
    %dma_start3A_1019 = tpu.memref_slice %arg6[%dma_start3A_1016, %dma_start3A_1017, %dma_start3A_1018] : memref<4x80x128xf32, #tpu.memory_space<vmem>> -> memref<1x80x128xf32, #tpu.memory_space<vmem>>
    %dma_start3A_1020 = tpu.memref_squeeze %dma_start3A_1019 : memref<1x80x128xf32, #tpu.memory_space<vmem>> -> memref<80x128xf32, #tpu.memory_space<vmem>>
    %dma_start3A_1021 = tpu.memref_slice %arg2[%multiple_of3A_995, %multiple_of3A_1015] : memref<1280x8400xf32, #tpu.memory_space<hbm>> -> memref<80x128xf32, #tpu.memory_space<hbm>>
    %dma_start3A_1022 = arith.constant 0 : i32
    %dma_start3A_1023 = arith.constant 0 : i32
    %dma_start3A_1024 = tpu.memref_slice %arg6[%dma_start3A_1016, %dma_start3A_1022, %dma_start3A_1023] : memref<4x80x128xf32, #tpu.memory_space<vmem>> -> memref<1x80x128xf32, #tpu.memory_space<vmem>>
    %dma_start3A_1025 = tpu.memref_squeeze %dma_start3A_1024 : memref<1x80x128xf32, #tpu.memory_space<vmem>> -> memref<80x128xf32, #tpu.memory_space<vmem>>
    %dma_start3A_1026 = tpu.memref_slice %arg2[%multiple_of3A_995, %multiple_of3A_1015] : memref<1280x8400xf32, #tpu.memory_space<hbm>> -> memref<80x128xf32, #tpu.memory_space<hbm>>
    tpu.enqueue_dma source(%dma_start3A_1026 : memref<80x128xf32, #tpu.memory_space<hbm>>) target(%dma_start3A_1025 : memref<80x128xf32, #tpu.memory_space<vmem>>) target_semaphore(%arg8 : memref<!tpu.dma_semaphore, #tpu.memory_space<semaphore_mem>>)
    %dma_wait3A_1027 = arith.constant 1 : i32
    %dma_wait3A_1028 = arith.constant 0 : i32
    %dma_wait3A_1029 = arith.constant 0 : i32
    %dma_wait3A_1030 = tpu.memref_slice %arg6[%dma_wait3A_1027, %dma_wait3A_1028, %dma_wait3A_1029] : memref<4x80x128xf32, #tpu.memory_space<vmem>> -> memref<1x80x128xf32, #tpu.memory_space<vmem>>
    %dma_wait3A_1031 = tpu.memref_squeeze %dma_wait3A_1030 : memref<1x80x128xf32, #tpu.memory_space<vmem>> -> memref<80x128xf32, #tpu.memory_space<vmem>>
    %dma_wait3A_1032 = tpu.memref_slice %arg2[%multiple_of3A_515, %multiple_of3A_535] : memref<1280x8400xf32, #tpu.memory_space<hbm>> -> memref<80x128xf32, #tpu.memory_space<hbm>>
    %dma_wait3A_1033 = arith.constant 0 : i32
    %dma_wait3A_1034 = arith.constant 0 : i32
    %dma_wait3A_1035 = tpu.memref_slice %arg6[%dma_wait3A_1027, %dma_wait3A_1033, %dma_wait3A_1034] : memref<4x80x128xf32, #tpu.memory_space<vmem>> -> memref<1x80x128xf32, #tpu.memory_space<vmem>>
    %dma_wait3A_1036 = tpu.memref_squeeze %dma_wait3A_1035 : memref<1x80x128xf32, #tpu.memory_space<vmem>> -> memref<80x128xf32, #tpu.memory_space<vmem>>
    %dma_wait3A_1037 = tpu.memref_slice %arg2[%multiple_of3A_515, %multiple_of3A_535] : memref<1280x8400xf32, #tpu.memory_space<hbm>> -> memref<80x128xf32, #tpu.memory_space<hbm>>
    tpu.wait_dma2 semaphore(%arg8 : memref<!tpu.dma_semaphore, #tpu.memory_space<semaphore_mem>>) src(%dma_wait3A_1037 : memref<80x128xf32, #tpu.memory_space<hbm>>) dst(%dma_wait3A_1036 : memref<80x128xf32, #tpu.memory_space<vmem>>)
    %slice3A_1038 = vector.extract_strided_slice %get3A_3 {offsets = [5], sizes = [1], strides = [1]} : vector<16xi32> to vector<1xi32>
    %squeeze3A_1039 = vector.extract %slice3A_1038[0] : i32 from vector<1xi32>
    %jit3A_1040 = arith.constant 128 : i32
    %eq3A_1041 = arith.constant 0 : i32
    %eq3A_1042 = arith.cmpi eq, %jit3A_1040, %eq3A_1041 : i32
    %jit3A_1043 = arith.constant 1 : i32
    %select_n3A_1044 = arith.select %eq3A_1042, %jit3A_1043, %jit3A_1040 : i32
    %rem3A_1045 = arith.remsi %squeeze3A_1039, %select_n3A_1044 : i32
    %ne3A_1046 = arith.constant 0 : i32
    %ne3A_1047 = arith.cmpi ne, %rem3A_1045, %ne3A_1046 : i32
    %lt3A_1048 = arith.constant 0 : i32
    %lt3A_1049 = arith.cmpi slt, %rem3A_1045, %lt3A_1048 : i32
    %lt3A_1050 = arith.constant 0 : i32
    %lt3A_1051 = arith.cmpi slt, %select_n3A_1044, %lt3A_1050 : i32
    %ne3A_1052 = arith.xori %lt3A_1049, %lt3A_1051 : i1
    %and3A_1053 = arith.andi %ne3A_1052, %ne3A_1047 : i1
    %add3A_1054 = arith.addi %rem3A_1045, %select_n3A_1044 : i32
    %select_n3A_1055 = arith.select %and3A_1053, %add3A_1054, %rem3A_1045 : i32
    %broadcast_in_dim3A_1056 = vector.broadcast %select_n3A_1055 : i32 to vector<16xi32>
    %add3A_1057 = arith.constant 0 : i32
    %add3A_1058 = vector.broadcast %add3A_1057 : i32 to vector<16xi32>
    %add3A_1059 = arith.addi %add3A_1058, %iota3A : vector<16xi32>
    %gather3A_1060 = arith.constant 1 : i32
    %gather3A_1061 = arith.constant 0 : i32
    %gather3A_1062 = arith.constant 0 : i32
    %gather3A_1063 = tpu.memref_slice %arg6[%gather3A_1060, %gather3A_1061, %gather3A_1062] : memref<4x80x128xf32, #tpu.memory_space<vmem>> -> memref<1x80x128xf32, #tpu.memory_space<vmem>>
    %gather3A_1064 = tpu.memref_squeeze %gather3A_1063 : memref<1x80x128xf32, #tpu.memory_space<vmem>> -> memref<80x128xf32, #tpu.memory_space<vmem>>
    %gather3A_1065 = tpu.vector_load_idx %gather3A_1064[%add3A_1059, %broadcast_in_dim3A_1056] : memref<80x128xf32, #tpu.memory_space<vmem>>[vector<16xi32>, vector<16xi32>], vector<16xf32>,
    %add3A_1066 = arith.constant 0 : i32
    %add3A_1067 = vector.broadcast %add3A_1066 : i32 to vector<16xi32>
    %add3A_1068 = arith.addi %add3A_1067, %iota3A : vector<16xi32>
    %broadcast_in_dim3A_1069 = arith.constant 5 : i32
    %broadcast_in_dim3A_1070 = vector.broadcast %broadcast_in_dim3A_1069 : i32 to vector<16xi32>
    tpu.vector_store_idx %arg7[%add3A_1068, %broadcast_in_dim3A_1070], %gather3A_1065 : memref<80x16xf32, #tpu.memory_space<vmem>>[vector<16xi32>, vector<16xi32>], vector<16xf32>,
    %add3A_1071 = arith.constant 16 : i32
    %add3A_1072 = vector.broadcast %add3A_1071 : i32 to vector<16xi32>
    %add3A_1073 = arith.addi %add3A_1072, %iota3A : vector<16xi32>
    %gather3A_1074 = arith.constant 1 : i32
    %gather3A_1075 = arith.constant 0 : i32
    %gather3A_1076 = arith.constant 0 : i32
    %gather3A_1077 = tpu.memref_slice %arg6[%gather3A_1074, %gather3A_1075, %gather3A_1076] : memref<4x80x128xf32, #tpu.memory_space<vmem>> -> memref<1x80x128xf32, #tpu.memory_space<vmem>>
    %gather3A_1078 = tpu.memref_squeeze %gather3A_1077 : memref<1x80x128xf32, #tpu.memory_space<vmem>> -> memref<80x128xf32, #tpu.memory_space<vmem>>
    %gather3A_1079 = tpu.vector_load_idx %gather3A_1078[%add3A_1073, %broadcast_in_dim3A_1056] : memref<80x128xf32, #tpu.memory_space<vmem>>[vector<16xi32>, vector<16xi32>], vector<16xf32>,
    %add3A_1080 = arith.constant 16 : i32
    %add3A_1081 = vector.broadcast %add3A_1080 : i32 to vector<16xi32>
    %add3A_1082 = arith.addi %add3A_1081, %iota3A : vector<16xi32>
    %broadcast_in_dim3A_1083 = arith.constant 5 : i32
    %broadcast_in_dim3A_1084 = vector.broadcast %broadcast_in_dim3A_1083 : i32 to vector<16xi32>
    tpu.vector_store_idx %arg7[%add3A_1082, %broadcast_in_dim3A_1084], %gather3A_1079 : memref<80x16xf32, #tpu.memory_space<vmem>>[vector<16xi32>, vector<16xi32>], vector<16xf32>,
    %add3A_1085 = arith.constant 32 : i32
    %add3A_1086 = vector.broadcast %add3A_1085 : i32 to vector<16xi32>
    %add3A_1087 = arith.addi %add3A_1086, %iota3A : vector<16xi32>
    %gather3A_1088 = arith.constant 1 : i32
    %gather3A_1089 = arith.constant 0 : i32
    %gather3A_1090 = arith.constant 0 : i32
    %gather3A_1091 = tpu.memref_slice %arg6[%gather3A_1088, %gather3A_1089, %gather3A_1090] : memref<4x80x128xf32, #tpu.memory_space<vmem>> -> memref<1x80x128xf32, #tpu.memory_space<vmem>>
    %gather3A_1092 = tpu.memref_squeeze %gather3A_1091 : memref<1x80x128xf32, #tpu.memory_space<vmem>> -> memref<80x128xf32, #tpu.memory_space<vmem>>
    %gather3A_1093 = tpu.vector_load_idx %gather3A_1092[%add3A_1087, %broadcast_in_dim3A_1056] : memref<80x128xf32, #tpu.memory_space<vmem>>[vector<16xi32>, vector<16xi32>], vector<16xf32>,
    %add3A_1094 = arith.constant 32 : i32
    %add3A_1095 = vector.broadcast %add3A_1094 : i32 to vector<16xi32>
    %add3A_1096 = arith.addi %add3A_1095, %iota3A : vector<16xi32>
    %broadcast_in_dim3A_1097 = arith.constant 5 : i32
    %broadcast_in_dim3A_1098 = vector.broadcast %broadcast_in_dim3A_1097 : i32 to vector<16xi32>
    tpu.vector_store_idx %arg7[%add3A_1096, %broadcast_in_dim3A_1098], %gather3A_1093 : memref<80x16xf32, #tpu.memory_space<vmem>>[vector<16xi32>, vector<16xi32>], vector<16xf32>,
    %add3A_1099 = arith.constant 48 : i32
    %add3A_1100 = vector.broadcast %add3A_1099 : i32 to vector<16xi32>
    %add3A_1101 = arith.addi %add3A_1100, %iota3A : vector<16xi32>
    %gather3A_1102 = arith.constant 1 : i32
    %gather3A_1103 = arith.constant 0 : i32
    %gather3A_1104 = arith.constant 0 : i32
    %gather3A_1105 = tpu.memref_slice %arg6[%gather3A_1102, %gather3A_1103, %gather3A_1104] : memref<4x80x128xf32, #tpu.memory_space<vmem>> -> memref<1x80x128xf32, #tpu.memory_space<vmem>>
    %gather3A_1106 = tpu.memref_squeeze %gather3A_1105 : memref<1x80x128xf32, #tpu.memory_space<vmem>> -> memref<80x128xf32, #tpu.memory_space<vmem>>
    %gather3A_1107 = tpu.vector_load_idx %gather3A_1106[%add3A_1101, %broadcast_in_dim3A_1056] : memref<80x128xf32, #tpu.memory_space<vmem>>[vector<16xi32>, vector<16xi32>], vector<16xf32>,
    %add3A_1108 = arith.constant 48 : i32
    %add3A_1109 = vector.broadcast %add3A_1108 : i32 to vector<16xi32>
    %add3A_1110 = arith.addi %add3A_1109, %iota3A : vector<16xi32>
    %broadcast_in_dim3A_1111 = arith.constant 5 : i32
    %broadcast_in_dim3A_1112 = vector.broadcast %broadcast_in_dim3A_1111 : i32 to vector<16xi32>
    tpu.vector_store_idx %arg7[%add3A_1110, %broadcast_in_dim3A_1112], %gather3A_1107 : memref<80x16xf32, #tpu.memory_space<vmem>>[vector<16xi32>, vector<16xi32>], vector<16xf32>,
    %add3A_1113 = arith.constant 64 : i32
    %add3A_1114 = vector.broadcast %add3A_1113 : i32 to vector<16xi32>
    %add3A_1115 = arith.addi %add3A_1114, %iota3A : vector<16xi32>
    %gather3A_1116 = arith.constant 1 : i32
    %gather3A_1117 = arith.constant 0 : i32
    %gather3A_1118 = arith.constant 0 : i32
    %gather3A_1119 = tpu.memref_slice %arg6[%gather3A_1116, %gather3A_1117, %gather3A_1118] : memref<4x80x128xf32, #tpu.memory_space<vmem>> -> memref<1x80x128xf32, #tpu.memory_space<vmem>>
    %gather3A_1120 = tpu.memref_squeeze %gather3A_1119 : memref<1x80x128xf32, #tpu.memory_space<vmem>> -> memref<80x128xf32, #tpu.memory_space<vmem>>
    %gather3A_1121 = tpu.vector_load_idx %gather3A_1120[%add3A_1115, %broadcast_in_dim3A_1056] : memref<80x128xf32, #tpu.memory_space<vmem>>[vector<16xi32>, vector<16xi32>], vector<16xf32>,
    %add3A_1122 = arith.constant 64 : i32
    %add3A_1123 = vector.broadcast %add3A_1122 : i32 to vector<16xi32>
    %add3A_1124 = arith.addi %add3A_1123, %iota3A : vector<16xi32>
    %broadcast_in_dim3A_1125 = arith.constant 5 : i32
    %broadcast_in_dim3A_1126 = vector.broadcast %broadcast_in_dim3A_1125 : i32 to vector<16xi32>
    tpu.vector_store_idx %arg7[%add3A_1124, %broadcast_in_dim3A_1126], %gather3A_1121 : memref<80x16xf32, #tpu.memory_space<vmem>>[vector<16xi32>, vector<16xi32>], vector<16xf32>,
    %add3A_1127 = arith.constant 9 : i32
    %add3A_1128 = arith.addi %mul3A_2, %add3A_1127 : i32
    %jit3A_1129 = arith.constant 32 : i32
    %div3A_1130 = arith.divsi %add3A_1128, %jit3A_1129 : i32
    %sign3A_1131 = arith.constant 0 : i32
    %sign3A_1132 = arith.cmpi sgt, %add3A_1128, %sign3A_1131 : i32
    %sign3A_1133 = arith.extui %sign3A_1132 : i1 to i32
    %sign3A_1134 = arith.constant 0 : i32
    %sign3A_1135 = arith.cmpi slt, %add3A_1128, %sign3A_1134 : i32
    %sign3A_1136 = arith.extui %sign3A_1135 : i1 to i32
    %sign3A_1137 = arith.subi %sign3A_1133, %sign3A_1136 : i32
    %sign3A_1138 = arith.constant 0 : i32
    %sign3A_1139 = arith.cmpi sgt, %jit3A_1129, %sign3A_1138 : i32
    %sign3A_1140 = arith.extui %sign3A_1139 : i1 to i32
    %sign3A_1141 = arith.constant 0 : i32
    %sign3A_1142 = arith.cmpi slt, %jit3A_1129, %sign3A_1141 : i32
    %sign3A_1143 = arith.extui %sign3A_1142 : i1 to i32
    %sign3A_1144 = arith.subi %sign3A_1140, %sign3A_1143 : i32
    %ne3A_1145 = arith.cmpi ne, %sign3A_1137, %sign3A_1144 : i32
    %rem3A_1146 = arith.remsi %add3A_1128, %jit3A_1129 : i32
    %ne3A_1147 = arith.constant 0 : i32
    %ne3A_1148 = arith.cmpi ne, %rem3A_1146, %ne3A_1147 : i32
    %and3A_1149 = arith.andi %ne3A_1145, %ne3A_1148 : i1
    %sub3A_1150 = arith.constant 1 : i32
    %sub3A_1151 = arith.subi %div3A_1130, %sub3A_1150 : i32
    %select_n3A_1152 = arith.select %and3A_1149, %sub3A_1151, %div3A_1130 : i32
    %mul3A_1153 = arith.constant 80 : i32
    %mul3A_1154 = arith.muli %select_n3A_1152, %mul3A_1153 : i32
    %multiple_of3A_1155 = tpu.assume_multiple %mul3A_1154, 80 : i32
    %slice3A_1156 = vector.extract_strided_slice %get3A_3 {offsets = [9], sizes = [1], strides = [1]} : vector<16xi32> to vector<1xi32>
    %squeeze3A_1157 = vector.extract %slice3A_1156[0] : i32 from vector<1xi32>
    %jit3A_1158 = arith.constant 128 : i32
    %eq3A_1159 = arith.constant 0 : i32
    %eq3A_1160 = arith.cmpi eq, %jit3A_1158, %eq3A_1159 : i32
    %jit3A_1161 = arith.constant 1 : i32
    %select_n3A_1162 = arith.select %eq3A_1160, %jit3A_1161, %jit3A_1158 : i32
    %rem3A_1163 = arith.remsi %squeeze3A_1157, %select_n3A_1162 : i32
    %ne3A_1164 = arith.constant 0 : i32
    %ne3A_1165 = arith.cmpi ne, %rem3A_1163, %ne3A_1164 : i32
    %lt3A_1166 = arith.constant 0 : i32
    %lt3A_1167 = arith.cmpi slt, %rem3A_1163, %lt3A_1166 : i32
    %lt3A_1168 = arith.constant 0 : i32
    %lt3A_1169 = arith.cmpi slt, %select_n3A_1162, %lt3A_1168 : i32
    %ne3A_1170 = arith.xori %lt3A_1167, %lt3A_1169 : i1
    %and3A_1171 = arith.andi %ne3A_1170, %ne3A_1165 : i1
    %add3A_1172 = arith.addi %rem3A_1163, %select_n3A_1162 : i32
    %select_n3A_1173 = arith.select %and3A_1171, %add3A_1172, %rem3A_1163 : i32
    %sub3A_1174 = arith.subi %squeeze3A_1157, %select_n3A_1173 : i32
    %multiple_of3A_1175 = tpu.assume_multiple %sub3A_1174, 128 : i32
    %dma_start3A_1176 = arith.constant 1 : i32
    %dma_start3A_1177 = arith.constant 0 : i32
    %dma_start3A_1178 = arith.constant 0 : i32
    %dma_start3A_1179 = tpu.memref_slice %arg6[%dma_start3A_1176, %dma_start3A_1177, %dma_start3A_1178] : memref<4x80x128xf32, #tpu.memory_space<vmem>> -> memref<1x80x128xf32, #tpu.memory_space<vmem>>
    %dma_start3A_1180 = tpu.memref_squeeze %dma_start3A_1179 : memref<1x80x128xf32, #tpu.memory_space<vmem>> -> memref<80x128xf32, #tpu.memory_space<vmem>>
    %dma_start3A_1181 = tpu.memref_slice %arg2[%multiple_of3A_1155, %multiple_of3A_1175] : memref<1280x8400xf32, #tpu.memory_space<hbm>> -> memref<80x128xf32, #tpu.memory_space<hbm>>
    %dma_start3A_1182 = arith.constant 0 : i32
    %dma_start3A_1183 = arith.constant 0 : i32
    %dma_start3A_1184 = tpu.memref_slice %arg6[%dma_start3A_1176, %dma_start3A_1182, %dma_start3A_1183] : memref<4x80x128xf32, #tpu.memory_space<vmem>> -> memref<1x80x128xf32, #tpu.memory_space<vmem>>
    %dma_start3A_1185 = tpu.memref_squeeze %dma_start3A_1184 : memref<1x80x128xf32, #tpu.memory_space<vmem>> -> memref<80x128xf32, #tpu.memory_space<vmem>>
    %dma_start3A_1186 = tpu.memref_slice %arg2[%multiple_of3A_1155, %multiple_of3A_1175] : memref<1280x8400xf32, #tpu.memory_space<hbm>> -> memref<80x128xf32, #tpu.memory_space<hbm>>
    tpu.enqueue_dma source(%dma_start3A_1186 : memref<80x128xf32, #tpu.memory_space<hbm>>) target(%dma_start3A_1185 : memref<80x128xf32, #tpu.memory_space<vmem>>) target_semaphore(%arg8 : memref<!tpu.dma_semaphore, #tpu.memory_space<semaphore_mem>>)
    %dma_wait3A_1187 = arith.constant 2 : i32
    %dma_wait3A_1188 = arith.constant 0 : i32
    %dma_wait3A_1189 = arith.constant 0 : i32
    %dma_wait3A_1190 = tpu.memref_slice %arg6[%dma_wait3A_1187, %dma_wait3A_1188, %dma_wait3A_1189] : memref<4x80x128xf32, #tpu.memory_space<vmem>> -> memref<1x80x128xf32, #tpu.memory_space<vmem>>
    %dma_wait3A_1191 = tpu.memref_squeeze %dma_wait3A_1190 : memref<1x80x128xf32, #tpu.memory_space<vmem>> -> memref<80x128xf32, #tpu.memory_space<vmem>>
    %dma_wait3A_1192 = tpu.memref_slice %arg2[%multiple_of3A_675, %multiple_of3A_695] : memref<1280x8400xf32, #tpu.memory_space<hbm>> -> memref<80x128xf32, #tpu.memory_space<hbm>>
    %dma_wait3A_1193 = arith.constant 0 : i32
    %dma_wait3A_1194 = arith.constant 0 : i32
    %dma_wait3A_1195 = tpu.memref_slice %arg6[%dma_wait3A_1187, %dma_wait3A_1193, %dma_wait3A_1194] : memref<4x80x128xf32, #tpu.memory_space<vmem>> -> memref<1x80x128xf32, #tpu.memory_space<vmem>>
    %dma_wait3A_1196 = tpu.memref_squeeze %dma_wait3A_1195 : memref<1x80x128xf32, #tpu.memory_space<vmem>> -> memref<80x128xf32, #tpu.memory_space<vmem>>
    %dma_wait3A_1197 = tpu.memref_slice %arg2[%multiple_of3A_675, %multiple_of3A_695] : memref<1280x8400xf32, #tpu.memory_space<hbm>> -> memref<80x128xf32, #tpu.memory_space<hbm>>
    tpu.wait_dma2 semaphore(%arg8 : memref<!tpu.dma_semaphore, #tpu.memory_space<semaphore_mem>>) src(%dma_wait3A_1197 : memref<80x128xf32, #tpu.memory_space<hbm>>) dst(%dma_wait3A_1196 : memref<80x128xf32, #tpu.memory_space<vmem>>)
    %slice3A_1198 = vector.extract_strided_slice %get3A_3 {offsets = [6], sizes = [1], strides = [1]} : vector<16xi32> to vector<1xi32>
    %squeeze3A_1199 = vector.extract %slice3A_1198[0] : i32 from vector<1xi32>
    %jit3A_1200 = arith.constant 128 : i32
    %eq3A_1201 = arith.constant 0 : i32
    %eq3A_1202 = arith.cmpi eq, %jit3A_1200, %eq3A_1201 : i32
    %jit3A_1203 = arith.constant 1 : i32
    %select_n3A_1204 = arith.select %eq3A_1202, %jit3A_1203, %jit3A_1200 : i32
    %rem3A_1205 = arith.remsi %squeeze3A_1199, %select_n3A_1204 : i32
    %ne3A_1206 = arith.constant 0 : i32
    %ne3A_1207 = arith.cmpi ne, %rem3A_1205, %ne3A_1206 : i32
    %lt3A_1208 = arith.constant 0 : i32
    %lt3A_1209 = arith.cmpi slt, %rem3A_1205, %lt3A_1208 : i32
    %lt3A_1210 = arith.constant 0 : i32
    %lt3A_1211 = arith.cmpi slt, %select_n3A_1204, %lt3A_1210 : i32
    %ne3A_1212 = arith.xori %lt3A_1209, %lt3A_1211 : i1
    %and3A_1213 = arith.andi %ne3A_1212, %ne3A_1207 : i1
    %add3A_1214 = arith.addi %rem3A_1205, %select_n3A_1204 : i32
    %select_n3A_1215 = arith.select %and3A_1213, %add3A_1214, %rem3A_1205 : i32
    %broadcast_in_dim3A_1216 = vector.broadcast %select_n3A_1215 : i32 to vector<16xi32>
    %add3A_1217 = arith.constant 0 : i32
    %add3A_1218 = vector.broadcast %add3A_1217 : i32 to vector<16xi32>
    %add3A_1219 = arith.addi %add3A_1218, %iota3A : vector<16xi32>
    %gather3A_1220 = arith.constant 2 : i32
    %gather3A_1221 = arith.constant 0 : i32
    %gather3A_1222 = arith.constant 0 : i32
    %gather3A_1223 = tpu.memref_slice %arg6[%gather3A_1220, %gather3A_1221, %gather3A_1222] : memref<4x80x128xf32, #tpu.memory_space<vmem>> -> memref<1x80x128xf32, #tpu.memory_space<vmem>>
    %gather3A_1224 = tpu.memref_squeeze %gather3A_1223 : memref<1x80x128xf32, #tpu.memory_space<vmem>> -> memref<80x128xf32, #tpu.memory_space<vmem>>
    %gather3A_1225 = tpu.vector_load_idx %gather3A_1224[%add3A_1219, %broadcast_in_dim3A_1216] : memref<80x128xf32, #tpu.memory_space<vmem>>[vector<16xi32>, vector<16xi32>], vector<16xf32>,
    %add3A_1226 = arith.constant 0 : i32
    %add3A_1227 = vector.broadcast %add3A_1226 : i32 to vector<16xi32>
    %add3A_1228 = arith.addi %add3A_1227, %iota3A : vector<16xi32>
    %broadcast_in_dim3A_1229 = arith.constant 6 : i32
    %broadcast_in_dim3A_1230 = vector.broadcast %broadcast_in_dim3A_1229 : i32 to vector<16xi32>
    tpu.vector_store_idx %arg7[%add3A_1228, %broadcast_in_dim3A_1230], %gather3A_1225 : memref<80x16xf32, #tpu.memory_space<vmem>>[vector<16xi32>, vector<16xi32>], vector<16xf32>,
    %add3A_1231 = arith.constant 16 : i32
    %add3A_1232 = vector.broadcast %add3A_1231 : i32 to vector<16xi32>
    %add3A_1233 = arith.addi %add3A_1232, %iota3A : vector<16xi32>
    %gather3A_1234 = arith.constant 2 : i32
    %gather3A_1235 = arith.constant 0 : i32
    %gather3A_1236 = arith.constant 0 : i32
    %gather3A_1237 = tpu.memref_slice %arg6[%gather3A_1234, %gather3A_1235, %gather3A_1236] : memref<4x80x128xf32, #tpu.memory_space<vmem>> -> memref<1x80x128xf32, #tpu.memory_space<vmem>>
    %gather3A_1238 = tpu.memref_squeeze %gather3A_1237 : memref<1x80x128xf32, #tpu.memory_space<vmem>> -> memref<80x128xf32, #tpu.memory_space<vmem>>
    %gather3A_1239 = tpu.vector_load_idx %gather3A_1238[%add3A_1233, %broadcast_in_dim3A_1216] : memref<80x128xf32, #tpu.memory_space<vmem>>[vector<16xi32>, vector<16xi32>], vector<16xf32>,
    %add3A_1240 = arith.constant 16 : i32
    %add3A_1241 = vector.broadcast %add3A_1240 : i32 to vector<16xi32>
    %add3A_1242 = arith.addi %add3A_1241, %iota3A : vector<16xi32>
    %broadcast_in_dim3A_1243 = arith.constant 6 : i32
    %broadcast_in_dim3A_1244 = vector.broadcast %broadcast_in_dim3A_1243 : i32 to vector<16xi32>
    tpu.vector_store_idx %arg7[%add3A_1242, %broadcast_in_dim3A_1244], %gather3A_1239 : memref<80x16xf32, #tpu.memory_space<vmem>>[vector<16xi32>, vector<16xi32>], vector<16xf32>,
    %add3A_1245 = arith.constant 32 : i32
    %add3A_1246 = vector.broadcast %add3A_1245 : i32 to vector<16xi32>
    %add3A_1247 = arith.addi %add3A_1246, %iota3A : vector<16xi32>
    %gather3A_1248 = arith.constant 2 : i32
    %gather3A_1249 = arith.constant 0 : i32
    %gather3A_1250 = arith.constant 0 : i32
    %gather3A_1251 = tpu.memref_slice %arg6[%gather3A_1248, %gather3A_1249, %gather3A_1250] : memref<4x80x128xf32, #tpu.memory_space<vmem>> -> memref<1x80x128xf32, #tpu.memory_space<vmem>>
    %gather3A_1252 = tpu.memref_squeeze %gather3A_1251 : memref<1x80x128xf32, #tpu.memory_space<vmem>> -> memref<80x128xf32, #tpu.memory_space<vmem>>
    %gather3A_1253 = tpu.vector_load_idx %gather3A_1252[%add3A_1247, %broadcast_in_dim3A_1216] : memref<80x128xf32, #tpu.memory_space<vmem>>[vector<16xi32>, vector<16xi32>], vector<16xf32>,
    %add3A_1254 = arith.constant 32 : i32
    %add3A_1255 = vector.broadcast %add3A_1254 : i32 to vector<16xi32>
    %add3A_1256 = arith.addi %add3A_1255, %iota3A : vector<16xi32>
    %broadcast_in_dim3A_1257 = arith.constant 6 : i32
    %broadcast_in_dim3A_1258 = vector.broadcast %broadcast_in_dim3A_1257 : i32 to vector<16xi32>
    tpu.vector_store_idx %arg7[%add3A_1256, %broadcast_in_dim3A_1258], %gather3A_1253 : memref<80x16xf32, #tpu.memory_space<vmem>>[vector<16xi32>, vector<16xi32>], vector<16xf32>,
    %add3A_1259 = arith.constant 48 : i32
    %add3A_1260 = vector.broadcast %add3A_1259 : i32 to vector<16xi32>
    %add3A_1261 = arith.addi %add3A_1260, %iota3A : vector<16xi32>
    %gather3A_1262 = arith.constant 2 : i32
    %gather3A_1263 = arith.constant 0 : i32
    %gather3A_1264 = arith.constant 0 : i32
    %gather3A_1265 = tpu.memref_slice %arg6[%gather3A_1262, %gather3A_1263, %gather3A_1264] : memref<4x80x128xf32, #tpu.memory_space<vmem>> -> memref<1x80x128xf32, #tpu.memory_space<vmem>>
    %gather3A_1266 = tpu.memref_squeeze %gather3A_1265 : memref<1x80x128xf32, #tpu.memory_space<vmem>> -> memref<80x128xf32, #tpu.memory_space<vmem>>
    %gather3A_1267 = tpu.vector_load_idx %gather3A_1266[%add3A_1261, %broadcast_in_dim3A_1216] : memref<80x128xf32, #tpu.memory_space<vmem>>[vector<16xi32>, vector<16xi32>], vector<16xf32>,
    %add3A_1268 = arith.constant 48 : i32
    %add3A_1269 = vector.broadcast %add3A_1268 : i32 to vector<16xi32>
    %add3A_1270 = arith.addi %add3A_1269, %iota3A : vector<16xi32>
    %broadcast_in_dim3A_1271 = arith.constant 6 : i32
    %broadcast_in_dim3A_1272 = vector.broadcast %broadcast_in_dim3A_1271 : i32 to vector<16xi32>
    tpu.vector_store_idx %arg7[%add3A_1270, %broadcast_in_dim3A_1272], %gather3A_1267 : memref<80x16xf32, #tpu.memory_space<vmem>>[vector<16xi32>, vector<16xi32>], vector<16xf32>,
    %add3A_1273 = arith.constant 64 : i32
    %add3A_1274 = vector.broadcast %add3A_1273 : i32 to vector<16xi32>
    %add3A_1275 = arith.addi %add3A_1274, %iota3A : vector<16xi32>
    %gather3A_1276 = arith.constant 2 : i32
    %gather3A_1277 = arith.constant 0 : i32
    %gather3A_1278 = arith.constant 0 : i32
    %gather3A_1279 = tpu.memref_slice %arg6[%gather3A_1276, %gather3A_1277, %gather3A_1278] : memref<4x80x128xf32, #tpu.memory_space<vmem>> -> memref<1x80x128xf32, #tpu.memory_space<vmem>>
    %gather3A_1280 = tpu.memref_squeeze %gather3A_1279 : memref<1x80x128xf32, #tpu.memory_space<vmem>> -> memref<80x128xf32, #tpu.memory_space<vmem>>
    %gather3A_1281 = tpu.vector_load_idx %gather3A_1280[%add3A_1275, %broadcast_in_dim3A_1216] : memref<80x128xf32, #tpu.memory_space<vmem>>[vector<16xi32>, vector<16xi32>], vector<16xf32>,
    %add3A_1282 = arith.constant 64 : i32
    %add3A_1283 = vector.broadcast %add3A_1282 : i32 to vector<16xi32>
    %add3A_1284 = arith.addi %add3A_1283, %iota3A : vector<16xi32>
    %broadcast_in_dim3A_1285 = arith.constant 6 : i32
    %broadcast_in_dim3A_1286 = vector.broadcast %broadcast_in_dim3A_1285 : i32 to vector<16xi32>
    tpu.vector_store_idx %arg7[%add3A_1284, %broadcast_in_dim3A_1286], %gather3A_1281 : memref<80x16xf32, #tpu.memory_space<vmem>>[vector<16xi32>, vector<16xi32>], vector<16xf32>,
    %add3A_1287 = arith.constant 10 : i32
    %add3A_1288 = arith.addi %mul3A_2, %add3A_1287 : i32
    %jit3A_1289 = arith.constant 32 : i32
    %div3A_1290 = arith.divsi %add3A_1288, %jit3A_1289 : i32
    %sign3A_1291 = arith.constant 0 : i32
    %sign3A_1292 = arith.cmpi sgt, %add3A_1288, %sign3A_1291 : i32
    %sign3A_1293 = arith.extui %sign3A_1292 : i1 to i32
    %sign3A_1294 = arith.constant 0 : i32
    %sign3A_1295 = arith.cmpi slt, %add3A_1288, %sign3A_1294 : i32
    %sign3A_1296 = arith.extui %sign3A_1295 : i1 to i32
    %sign3A_1297 = arith.subi %sign3A_1293, %sign3A_1296 : i32
    %sign3A_1298 = arith.constant 0 : i32
    %sign3A_1299 = arith.cmpi sgt, %jit3A_1289, %sign3A_1298 : i32
    %sign3A_1300 = arith.extui %sign3A_1299 : i1 to i32
    %sign3A_1301 = arith.constant 0 : i32
    %sign3A_1302 = arith.cmpi slt, %jit3A_1289, %sign3A_1301 : i32
    %sign3A_1303 = arith.extui %sign3A_1302 : i1 to i32
    %sign3A_1304 = arith.subi %sign3A_1300, %sign3A_1303 : i32
    %ne3A_1305 = arith.cmpi ne, %sign3A_1297, %sign3A_1304 : i32
    %rem3A_1306 = arith.remsi %add3A_1288, %jit3A_1289 : i32
    %ne3A_1307 = arith.constant 0 : i32
    %ne3A_1308 = arith.cmpi ne, %rem3A_1306, %ne3A_1307 : i32
    %and3A_1309 = arith.andi %ne3A_1305, %ne3A_1308 : i1
    %sub3A_1310 = arith.constant 1 : i32
    %sub3A_1311 = arith.subi %div3A_1290, %sub3A_1310 : i32
    %select_n3A_1312 = arith.select %and3A_1309, %sub3A_1311, %div3A_1290 : i32
    %mul3A_1313 = arith.constant 80 : i32
    %mul3A_1314 = arith.muli %select_n3A_1312, %mul3A_1313 : i32
    %multiple_of3A_1315 = tpu.assume_multiple %mul3A_1314, 80 : i32
    %slice3A_1316 = vector.extract_strided_slice %get3A_3 {offsets = [10], sizes = [1], strides = [1]} : vector<16xi32> to vector<1xi32>
    %squeeze3A_1317 = vector.extract %slice3A_1316[0] : i32 from vector<1xi32>
    %jit3A_1318 = arith.constant 128 : i32
    %eq3A_1319 = arith.constant 0 : i32
    %eq3A_1320 = arith.cmpi eq, %jit3A_1318, %eq3A_1319 : i32
    %jit3A_1321 = arith.constant 1 : i32
    %select_n3A_1322 = arith.select %eq3A_1320, %jit3A_1321, %jit3A_1318 : i32
    %rem3A_1323 = arith.remsi %squeeze3A_1317, %select_n3A_1322 : i32
    %ne3A_1324 = arith.constant 0 : i32
    %ne3A_1325 = arith.cmpi ne, %rem3A_1323, %ne3A_1324 : i32
    %lt3A_1326 = arith.constant 0 : i32
    %lt3A_1327 = arith.cmpi slt, %rem3A_1323, %lt3A_1326 : i32
    %lt3A_1328 = arith.constant 0 : i32
    %lt3A_1329 = arith.cmpi slt, %select_n3A_1322, %lt3A_1328 : i32
    %ne3A_1330 = arith.xori %lt3A_1327, %lt3A_1329 : i1
    %and3A_1331 = arith.andi %ne3A_1330, %ne3A_1325 : i1
    %add3A_1332 = arith.addi %rem3A_1323, %select_n3A_1322 : i32
    %select_n3A_1333 = arith.select %and3A_1331, %add3A_1332, %rem3A_1323 : i32
    %sub3A_1334 = arith.subi %squeeze3A_1317, %select_n3A_1333 : i32
    %multiple_of3A_1335 = tpu.assume_multiple %sub3A_1334, 128 : i32
    %dma_start3A_1336 = arith.constant 2 : i32
    %dma_start3A_1337 = arith.constant 0 : i32
    %dma_start3A_1338 = arith.constant 0 : i32
    %dma_start3A_1339 = tpu.memref_slice %arg6[%dma_start3A_1336, %dma_start3A_1337, %dma_start3A_1338] : memref<4x80x128xf32, #tpu.memory_space<vmem>> -> memref<1x80x128xf32, #tpu.memory_space<vmem>>
    %dma_start3A_1340 = tpu.memref_squeeze %dma_start3A_1339 : memref<1x80x128xf32, #tpu.memory_space<vmem>> -> memref<80x128xf32, #tpu.memory_space<vmem>>
    %dma_start3A_1341 = tpu.memref_slice %arg2[%multiple_of3A_1315, %multiple_of3A_1335] : memref<1280x8400xf32, #tpu.memory_space<hbm>> -> memref<80x128xf32, #tpu.memory_space<hbm>>
    %dma_start3A_1342 = arith.constant 0 : i32
    %dma_start3A_1343 = arith.constant 0 : i32
    %dma_start3A_1344 = tpu.memref_slice %arg6[%dma_start3A_1336, %dma_start3A_1342, %dma_start3A_1343] : memref<4x80x128xf32, #tpu.memory_space<vmem>> -> memref<1x80x128xf32, #tpu.memory_space<vmem>>
    %dma_start3A_1345 = tpu.memref_squeeze %dma_start3A_1344 : memref<1x80x128xf32, #tpu.memory_space<vmem>> -> memref<80x128xf32, #tpu.memory_space<vmem>>
    %dma_start3A_1346 = tpu.memref_slice %arg2[%multiple_of3A_1315, %multiple_of3A_1335] : memref<1280x8400xf32, #tpu.memory_space<hbm>> -> memref<80x128xf32, #tpu.memory_space<hbm>>
    tpu.enqueue_dma source(%dma_start3A_1346 : memref<80x128xf32, #tpu.memory_space<hbm>>) target(%dma_start3A_1345 : memref<80x128xf32, #tpu.memory_space<vmem>>) target_semaphore(%arg8 : memref<!tpu.dma_semaphore, #tpu.memory_space<semaphore_mem>>)
    %dma_wait3A_1347 = arith.constant 3 : i32
    %dma_wait3A_1348 = arith.constant 0 : i32
    %dma_wait3A_1349 = arith.constant 0 : i32
    %dma_wait3A_1350 = tpu.memref_slice %arg6[%dma_wait3A_1347, %dma_wait3A_1348, %dma_wait3A_1349] : memref<4x80x128xf32, #tpu.memory_space<vmem>> -> memref<1x80x128xf32, #tpu.memory_space<vmem>>
    %dma_wait3A_1351 = tpu.memref_squeeze %dma_wait3A_1350 : memref<1x80x128xf32, #tpu.memory_space<vmem>> -> memref<80x128xf32, #tpu.memory_space<vmem>>
    %dma_wait3A_1352 = tpu.memref_slice %arg2[%multiple_of3A_835, %multiple_of3A_855] : memref<1280x8400xf32, #tpu.memory_space<hbm>> -> memref<80x128xf32, #tpu.memory_space<hbm>>
    %dma_wait3A_1353 = arith.constant 0 : i32
    %dma_wait3A_1354 = arith.constant 0 : i32
    %dma_wait3A_1355 = tpu.memref_slice %arg6[%dma_wait3A_1347, %dma_wait3A_1353, %dma_wait3A_1354] : memref<4x80x128xf32, #tpu.memory_space<vmem>> -> memref<1x80x128xf32, #tpu.memory_space<vmem>>
    %dma_wait3A_1356 = tpu.memref_squeeze %dma_wait3A_1355 : memref<1x80x128xf32, #tpu.memory_space<vmem>> -> memref<80x128xf32, #tpu.memory_space<vmem>>
    %dma_wait3A_1357 = tpu.memref_slice %arg2[%multiple_of3A_835, %multiple_of3A_855] : memref<1280x8400xf32, #tpu.memory_space<hbm>> -> memref<80x128xf32, #tpu.memory_space<hbm>>
    tpu.wait_dma2 semaphore(%arg8 : memref<!tpu.dma_semaphore, #tpu.memory_space<semaphore_mem>>) src(%dma_wait3A_1357 : memref<80x128xf32, #tpu.memory_space<hbm>>) dst(%dma_wait3A_1356 : memref<80x128xf32, #tpu.memory_space<vmem>>)
    %slice3A_1358 = vector.extract_strided_slice %get3A_3 {offsets = [7], sizes = [1], strides = [1]} : vector<16xi32> to vector<1xi32>
    %squeeze3A_1359 = vector.extract %slice3A_1358[0] : i32 from vector<1xi32>
    %jit3A_1360 = arith.constant 128 : i32
    %eq3A_1361 = arith.constant 0 : i32
    %eq3A_1362 = arith.cmpi eq, %jit3A_1360, %eq3A_1361 : i32
    %jit3A_1363 = arith.constant 1 : i32
    %select_n3A_1364 = arith.select %eq3A_1362, %jit3A_1363, %jit3A_1360 : i32
    %rem3A_1365 = arith.remsi %squeeze3A_1359, %select_n3A_1364 : i32
    %ne3A_1366 = arith.constant 0 : i32
    %ne3A_1367 = arith.cmpi ne, %rem3A_1365, %ne3A_1366 : i32
    %lt3A_1368 = arith.constant 0 : i32
    %lt3A_1369 = arith.cmpi slt, %rem3A_1365, %lt3A_1368 : i32
    %lt3A_1370 = arith.constant 0 : i32
    %lt3A_1371 = arith.cmpi slt, %select_n3A_1364, %lt3A_1370 : i32
    %ne3A_1372 = arith.xori %lt3A_1369, %lt3A_1371 : i1
    %and3A_1373 = arith.andi %ne3A_1372, %ne3A_1367 : i1
    %add3A_1374 = arith.addi %rem3A_1365, %select_n3A_1364 : i32
    %select_n3A_1375 = arith.select %and3A_1373, %add3A_1374, %rem3A_1365 : i32
    %broadcast_in_dim3A_1376 = vector.broadcast %select_n3A_1375 : i32 to vector<16xi32>
    %add3A_1377 = arith.constant 0 : i32
    %add3A_1378 = vector.broadcast %add3A_1377 : i32 to vector<16xi32>
    %add3A_1379 = arith.addi %add3A_1378, %iota3A : vector<16xi32>
    %gather3A_1380 = arith.constant 3 : i32
    %gather3A_1381 = arith.constant 0 : i32
    %gather3A_1382 = arith.constant 0 : i32
    %gather3A_1383 = tpu.memref_slice %arg6[%gather3A_1380, %gather3A_1381, %gather3A_1382] : memref<4x80x128xf32, #tpu.memory_space<vmem>> -> memref<1x80x128xf32, #tpu.memory_space<vmem>>
    %gather3A_1384 = tpu.memref_squeeze %gather3A_1383 : memref<1x80x128xf32, #tpu.memory_space<vmem>> -> memref<80x128xf32, #tpu.memory_space<vmem>>
    %gather3A_1385 = tpu.vector_load_idx %gather3A_1384[%add3A_1379, %broadcast_in_dim3A_1376] : memref<80x128xf32, #tpu.memory_space<vmem>>[vector<16xi32>, vector<16xi32>], vector<16xf32>,
    %add3A_1386 = arith.constant 0 : i32
    %add3A_1387 = vector.broadcast %add3A_1386 : i32 to vector<16xi32>
    %add3A_1388 = arith.addi %add3A_1387, %iota3A : vector<16xi32>
    %broadcast_in_dim3A_1389 = arith.constant 7 : i32
    %broadcast_in_dim3A_1390 = vector.broadcast %broadcast_in_dim3A_1389 : i32 to vector<16xi32>
    tpu.vector_store_idx %arg7[%add3A_1388, %broadcast_in_dim3A_1390], %gather3A_1385 : memref<80x16xf32, #tpu.memory_space<vmem>>[vector<16xi32>, vector<16xi32>], vector<16xf32>,
    %add3A_1391 = arith.constant 16 : i32
    %add3A_1392 = vector.broadcast %add3A_1391 : i32 to vector<16xi32>
    %add3A_1393 = arith.addi %add3A_1392, %iota3A : vector<16xi32>
    %gather3A_1394 = arith.constant 3 : i32
    %gather3A_1395 = arith.constant 0 : i32
    %gather3A_1396 = arith.constant 0 : i32
    %gather3A_1397 = tpu.memref_slice %arg6[%gather3A_1394, %gather3A_1395, %gather3A_1396] : memref<4x80x128xf32, #tpu.memory_space<vmem>> -> memref<1x80x128xf32, #tpu.memory_space<vmem>>
    %gather3A_1398 = tpu.memref_squeeze %gather3A_1397 : memref<1x80x128xf32, #tpu.memory_space<vmem>> -> memref<80x128xf32, #tpu.memory_space<vmem>>
    %gather3A_1399 = tpu.vector_load_idx %gather3A_1398[%add3A_1393, %broadcast_in_dim3A_1376] : memref<80x128xf32, #tpu.memory_space<vmem>>[vector<16xi32>, vector<16xi32>], vector<16xf32>,
    %add3A_1400 = arith.constant 16 : i32
    %add3A_1401 = vector.broadcast %add3A_1400 : i32 to vector<16xi32>
    %add3A_1402 = arith.addi %add3A_1401, %iota3A : vector<16xi32>
    %broadcast_in_dim3A_1403 = arith.constant 7 : i32
    %broadcast_in_dim3A_1404 = vector.broadcast %broadcast_in_dim3A_1403 : i32 to vector<16xi32>
    tpu.vector_store_idx %arg7[%add3A_1402, %broadcast_in_dim3A_1404], %gather3A_1399 : memref<80x16xf32, #tpu.memory_space<vmem>>[vector<16xi32>, vector<16xi32>], vector<16xf32>,
    %add3A_1405 = arith.constant 32 : i32
    %add3A_1406 = vector.broadcast %add3A_1405 : i32 to vector<16xi32>
    %add3A_1407 = arith.addi %add3A_1406, %iota3A : vector<16xi32>
    %gather3A_1408 = arith.constant 3 : i32
    %gather3A_1409 = arith.constant 0 : i32
    %gather3A_1410 = arith.constant 0 : i32
    %gather3A_1411 = tpu.memref_slice %arg6[%gather3A_1408, %gather3A_1409, %gather3A_1410] : memref<4x80x128xf32, #tpu.memory_space<vmem>> -> memref<1x80x128xf32, #tpu.memory_space<vmem>>
    %gather3A_1412 = tpu.memref_squeeze %gather3A_1411 : memref<1x80x128xf32, #tpu.memory_space<vmem>> -> memref<80x128xf32, #tpu.memory_space<vmem>>
    %gather3A_1413 = tpu.vector_load_idx %gather3A_1412[%add3A_1407, %broadcast_in_dim3A_1376] : memref<80x128xf32, #tpu.memory_space<vmem>>[vector<16xi32>, vector<16xi32>], vector<16xf32>,
    %add3A_1414 = arith.constant 32 : i32
    %add3A_1415 = vector.broadcast %add3A_1414 : i32 to vector<16xi32>
    %add3A_1416 = arith.addi %add3A_1415, %iota3A : vector<16xi32>
    %broadcast_in_dim3A_1417 = arith.constant 7 : i32
    %broadcast_in_dim3A_1418 = vector.broadcast %broadcast_in_dim3A_1417 : i32 to vector<16xi32>
    tpu.vector_store_idx %arg7[%add3A_1416, %broadcast_in_dim3A_1418], %gather3A_1413 : memref<80x16xf32, #tpu.memory_space<vmem>>[vector<16xi32>, vector<16xi32>], vector<16xf32>,
    %add3A_1419 = arith.constant 48 : i32
    %add3A_1420 = vector.broadcast %add3A_1419 : i32 to vector<16xi32>
    %add3A_1421 = arith.addi %add3A_1420, %iota3A : vector<16xi32>
    %gather3A_1422 = arith.constant 3 : i32
    %gather3A_1423 = arith.constant 0 : i32
    %gather3A_1424 = arith.constant 0 : i32
    %gather3A_1425 = tpu.memref_slice %arg6[%gather3A_1422, %gather3A_1423, %gather3A_1424] : memref<4x80x128xf32, #tpu.memory_space<vmem>> -> memref<1x80x128xf32, #tpu.memory_space<vmem>>
    %gather3A_1426 = tpu.memref_squeeze %gather3A_1425 : memref<1x80x128xf32, #tpu.memory_space<vmem>> -> memref<80x128xf32, #tpu.memory_space<vmem>>
    %gather3A_1427 = tpu.vector_load_idx %gather3A_1426[%add3A_1421, %broadcast_in_dim3A_1376] : memref<80x128xf32, #tpu.memory_space<vmem>>[vector<16xi32>, vector<16xi32>], vector<16xf32>,
    %add3A_1428 = arith.constant 48 : i32
    %add3A_1429 = vector.broadcast %add3A_1428 : i32 to vector<16xi32>
    %add3A_1430 = arith.addi %add3A_1429, %iota3A : vector<16xi32>
    %broadcast_in_dim3A_1431 = arith.constant 7 : i32
    %broadcast_in_dim3A_1432 = vector.broadcast %broadcast_in_dim3A_1431 : i32 to vector<16xi32>
    tpu.vector_store_idx %arg7[%add3A_1430, %broadcast_in_dim3A_1432], %gather3A_1427 : memref<80x16xf32, #tpu.memory_space<vmem>>[vector<16xi32>, vector<16xi32>], vector<16xf32>,
    %add3A_1433 = arith.constant 64 : i32
    %add3A_1434 = vector.broadcast %add3A_1433 : i32 to vector<16xi32>
    %add3A_1435 = arith.addi %add3A_1434, %iota3A : vector<16xi32>
    %gather3A_1436 = arith.constant 3 : i32
    %gather3A_1437 = arith.constant 0 : i32
    %gather3A_1438 = arith.constant 0 : i32
    %gather3A_1439 = tpu.memref_slice %arg6[%gather3A_1436, %gather3A_1437, %gather3A_1438] : memref<4x80x128xf32, #tpu.memory_space<vmem>> -> memref<1x80x128xf32, #tpu.memory_space<vmem>>
    %gather3A_1440 = tpu.memref_squeeze %gather3A_1439 : memref<1x80x128xf32, #tpu.memory_space<vmem>> -> memref<80x128xf32, #tpu.memory_space<vmem>>
    %gather3A_1441 = tpu.vector_load_idx %gather3A_1440[%add3A_1435, %broadcast_in_dim3A_1376] : memref<80x128xf32, #tpu.memory_space<vmem>>[vector<16xi32>, vector<16xi32>], vector<16xf32>,
    %add3A_1442 = arith.constant 64 : i32
    %add3A_1443 = vector.broadcast %add3A_1442 : i32 to vector<16xi32>
    %add3A_1444 = arith.addi %add3A_1443, %iota3A : vector<16xi32>
    %broadcast_in_dim3A_1445 = arith.constant 7 : i32
    %broadcast_in_dim3A_1446 = vector.broadcast %broadcast_in_dim3A_1445 : i32 to vector<16xi32>
    tpu.vector_store_idx %arg7[%add3A_1444, %broadcast_in_dim3A_1446], %gather3A_1441 : memref<80x16xf32, #tpu.memory_space<vmem>>[vector<16xi32>, vector<16xi32>], vector<16xf32>,
    %add3A_1447 = arith.constant 11 : i32
    %add3A_1448 = arith.addi %mul3A_2, %add3A_1447 : i32
    %jit3A_1449 = arith.constant 32 : i32
    %div3A_1450 = arith.divsi %add3A_1448, %jit3A_1449 : i32
    %sign3A_1451 = arith.constant 0 : i32
    %sign3A_1452 = arith.cmpi sgt, %add3A_1448, %sign3A_1451 : i32
    %sign3A_1453 = arith.extui %sign3A_1452 : i1 to i32
    %sign3A_1454 = arith.constant 0 : i32
    %sign3A_1455 = arith.cmpi slt, %add3A_1448, %sign3A_1454 : i32
    %sign3A_1456 = arith.extui %sign3A_1455 : i1 to i32
    %sign3A_1457 = arith.subi %sign3A_1453, %sign3A_1456 : i32
    %sign3A_1458 = arith.constant 0 : i32
    %sign3A_1459 = arith.cmpi sgt, %jit3A_1449, %sign3A_1458 : i32
    %sign3A_1460 = arith.extui %sign3A_1459 : i1 to i32
    %sign3A_1461 = arith.constant 0 : i32
    %sign3A_1462 = arith.cmpi slt, %jit3A_1449, %sign3A_1461 : i32
    %sign3A_1463 = arith.extui %sign3A_1462 : i1 to i32
    %sign3A_1464 = arith.subi %sign3A_1460, %sign3A_1463 : i32
    %ne3A_1465 = arith.cmpi ne, %sign3A_1457, %sign3A_1464 : i32
    %rem3A_1466 = arith.remsi %add3A_1448, %jit3A_1449 : i32
    %ne3A_1467 = arith.constant 0 : i32
    %ne3A_1468 = arith.cmpi ne, %rem3A_1466, %ne3A_1467 : i32
    %and3A_1469 = arith.andi %ne3A_1465, %ne3A_1468 : i1
    %sub3A_1470 = arith.constant 1 : i32
    %sub3A_1471 = arith.subi %div3A_1450, %sub3A_1470 : i32
    %select_n3A_1472 = arith.select %and3A_1469, %sub3A_1471, %div3A_1450 : i32
    %mul3A_1473 = arith.constant 80 : i32
    %mul3A_1474 = arith.muli %select_n3A_1472, %mul3A_1473 : i32
    %multiple_of3A_1475 = tpu.assume_multiple %mul3A_1474, 80 : i32
    %slice3A_1476 = vector.extract_strided_slice %get3A_3 {offsets = [11], sizes = [1], strides = [1]} : vector<16xi32> to vector<1xi32>
    %squeeze3A_1477 = vector.extract %slice3A_1476[0] : i32 from vector<1xi32>
    %jit3A_1478 = arith.constant 128 : i32
    %eq3A_1479 = arith.constant 0 : i32
    %eq3A_1480 = arith.cmpi eq, %jit3A_1478, %eq3A_1479 : i32
    %jit3A_1481 = arith.constant 1 : i32
    %select_n3A_1482 = arith.select %eq3A_1480, %jit3A_1481, %jit3A_1478 : i32
    %rem3A_1483 = arith.remsi %squeeze3A_1477, %select_n3A_1482 : i32
    %ne3A_1484 = arith.constant 0 : i32
    %ne3A_1485 = arith.cmpi ne, %rem3A_1483, %ne3A_1484 : i32
    %lt3A_1486 = arith.constant 0 : i32
    %lt3A_1487 = arith.cmpi slt, %rem3A_1483, %lt3A_1486 : i32
    %lt3A_1488 = arith.constant 0 : i32
    %lt3A_1489 = arith.cmpi slt, %select_n3A_1482, %lt3A_1488 : i32
    %ne3A_1490 = arith.xori %lt3A_1487, %lt3A_1489 : i1
    %and3A_1491 = arith.andi %ne3A_1490, %ne3A_1485 : i1
    %add3A_1492 = arith.addi %rem3A_1483, %select_n3A_1482 : i32
    %select_n3A_1493 = arith.select %and3A_1491, %add3A_1492, %rem3A_1483 : i32
    %sub3A_1494 = arith.subi %squeeze3A_1477, %select_n3A_1493 : i32
    %multiple_of3A_1495 = tpu.assume_multiple %sub3A_1494, 128 : i32
    %dma_start3A_1496 = arith.constant 3 : i32
    %dma_start3A_1497 = arith.constant 0 : i32
    %dma_start3A_1498 = arith.constant 0 : i32
    %dma_start3A_1499 = tpu.memref_slice %arg6[%dma_start3A_1496, %dma_start3A_1497, %dma_start3A_1498] : memref<4x80x128xf32, #tpu.memory_space<vmem>> -> memref<1x80x128xf32, #tpu.memory_space<vmem>>
    %dma_start3A_1500 = tpu.memref_squeeze %dma_start3A_1499 : memref<1x80x128xf32, #tpu.memory_space<vmem>> -> memref<80x128xf32, #tpu.memory_space<vmem>>
    %dma_start3A_1501 = tpu.memref_slice %arg2[%multiple_of3A_1475, %multiple_of3A_1495] : memref<1280x8400xf32, #tpu.memory_space<hbm>> -> memref<80x128xf32, #tpu.memory_space<hbm>>
    %dma_start3A_1502 = arith.constant 0 : i32
    %dma_start3A_1503 = arith.constant 0 : i32
    %dma_start3A_1504 = tpu.memref_slice %arg6[%dma_start3A_1496, %dma_start3A_1502, %dma_start3A_1503] : memref<4x80x128xf32, #tpu.memory_space<vmem>> -> memref<1x80x128xf32, #tpu.memory_space<vmem>>
    %dma_start3A_1505 = tpu.memref_squeeze %dma_start3A_1504 : memref<1x80x128xf32, #tpu.memory_space<vmem>> -> memref<80x128xf32, #tpu.memory_space<vmem>>
    %dma_start3A_1506 = tpu.memref_slice %arg2[%multiple_of3A_1475, %multiple_of3A_1495] : memref<1280x8400xf32, #tpu.memory_space<hbm>> -> memref<80x128xf32, #tpu.memory_space<hbm>>
    tpu.enqueue_dma source(%dma_start3A_1506 : memref<80x128xf32, #tpu.memory_space<hbm>>) target(%dma_start3A_1505 : memref<80x128xf32, #tpu.memory_space<vmem>>) target_semaphore(%arg8 : memref<!tpu.dma_semaphore, #tpu.memory_space<semaphore_mem>>)
    %dma_wait3A_1507 = arith.constant 0 : i32
    %dma_wait3A_1508 = arith.constant 0 : i32
    %dma_wait3A_1509 = arith.constant 0 : i32
    %dma_wait3A_1510 = tpu.memref_slice %arg6[%dma_wait3A_1507, %dma_wait3A_1508, %dma_wait3A_1509] : memref<4x80x128xf32, #tpu.memory_space<vmem>> -> memref<1x80x128xf32, #tpu.memory_space<vmem>>
    %dma_wait3A_1511 = tpu.memref_squeeze %dma_wait3A_1510 : memref<1x80x128xf32, #tpu.memory_space<vmem>> -> memref<80x128xf32, #tpu.memory_space<vmem>>
    %dma_wait3A_1512 = tpu.memref_slice %arg2[%multiple_of3A_995, %multiple_of3A_1015] : memref<1280x8400xf32, #tpu.memory_space<hbm>> -> memref<80x128xf32, #tpu.memory_space<hbm>>
    %dma_wait3A_1513 = arith.constant 0 : i32
    %dma_wait3A_1514 = arith.constant 0 : i32
    %dma_wait3A_1515 = tpu.memref_slice %arg6[%dma_wait3A_1507, %dma_wait3A_1513, %dma_wait3A_1514] : memref<4x80x128xf32, #tpu.memory_space<vmem>> -> memref<1x80x128xf32, #tpu.memory_space<vmem>>
    %dma_wait3A_1516 = tpu.memref_squeeze %dma_wait3A_1515 : memref<1x80x128xf32, #tpu.memory_space<vmem>> -> memref<80x128xf32, #tpu.memory_space<vmem>>
    %dma_wait3A_1517 = tpu.memref_slice %arg2[%multiple_of3A_995, %multiple_of3A_1015] : memref<1280x8400xf32, #tpu.memory_space<hbm>> -> memref<80x128xf32, #tpu.memory_space<hbm>>
    tpu.wait_dma2 semaphore(%arg8 : memref<!tpu.dma_semaphore, #tpu.memory_space<semaphore_mem>>) src(%dma_wait3A_1517 : memref<80x128xf32, #tpu.memory_space<hbm>>) dst(%dma_wait3A_1516 : memref<80x128xf32, #tpu.memory_space<vmem>>)
    %slice3A_1518 = vector.extract_strided_slice %get3A_3 {offsets = [8], sizes = [1], strides = [1]} : vector<16xi32> to vector<1xi32>
    %squeeze3A_1519 = vector.extract %slice3A_1518[0] : i32 from vector<1xi32>
    %jit3A_1520 = arith.constant 128 : i32
    %eq3A_1521 = arith.constant 0 : i32
    %eq3A_1522 = arith.cmpi eq, %jit3A_1520, %eq3A_1521 : i32
    %jit3A_1523 = arith.constant 1 : i32
    %select_n3A_1524 = arith.select %eq3A_1522, %jit3A_1523, %jit3A_1520 : i32
    %rem3A_1525 = arith.remsi %squeeze3A_1519, %select_n3A_1524 : i32
    %ne3A_1526 = arith.constant 0 : i32
    %ne3A_1527 = arith.cmpi ne, %rem3A_1525, %ne3A_1526 : i32
    %lt3A_1528 = arith.constant 0 : i32
    %lt3A_1529 = arith.cmpi slt, %rem3A_1525, %lt3A_1528 : i32
    %lt3A_1530 = arith.constant 0 : i32
    %lt3A_1531 = arith.cmpi slt, %select_n3A_1524, %lt3A_1530 : i32
    %ne3A_1532 = arith.xori %lt3A_1529, %lt3A_1531 : i1
    %and3A_1533 = arith.andi %ne3A_1532, %ne3A_1527 : i1
    %add3A_1534 = arith.addi %rem3A_1525, %select_n3A_1524 : i32
    %select_n3A_1535 = arith.select %and3A_1533, %add3A_1534, %rem3A_1525 : i32
    %broadcast_in_dim3A_1536 = vector.broadcast %select_n3A_1535 : i32 to vector<16xi32>
    %add3A_1537 = arith.constant 0 : i32
    %add3A_1538 = vector.broadcast %add3A_1537 : i32 to vector<16xi32>
    %add3A_1539 = arith.addi %add3A_1538, %iota3A : vector<16xi32>
    %gather3A_1540 = arith.constant 0 : i32
    %gather3A_1541 = arith.constant 0 : i32
    %gather3A_1542 = arith.constant 0 : i32
    %gather3A_1543 = tpu.memref_slice %arg6[%gather3A_1540, %gather3A_1541, %gather3A_1542] : memref<4x80x128xf32, #tpu.memory_space<vmem>> -> memref<1x80x128xf32, #tpu.memory_space<vmem>>
    %gather3A_1544 = tpu.memref_squeeze %gather3A_1543 : memref<1x80x128xf32, #tpu.memory_space<vmem>> -> memref<80x128xf32, #tpu.memory_space<vmem>>
    %gather3A_1545 = tpu.vector_load_idx %gather3A_1544[%add3A_1539, %broadcast_in_dim3A_1536] : memref<80x128xf32, #tpu.memory_space<vmem>>[vector<16xi32>, vector<16xi32>], vector<16xf32>,
    %add3A_1546 = arith.constant 0 : i32
    %add3A_1547 = vector.broadcast %add3A_1546 : i32 to vector<16xi32>
    %add3A_1548 = arith.addi %add3A_1547, %iota3A : vector<16xi32>
    %broadcast_in_dim3A_1549 = arith.constant 8 : i32
    %broadcast_in_dim3A_1550 = vector.broadcast %broadcast_in_dim3A_1549 : i32 to vector<16xi32>
    tpu.vector_store_idx %arg7[%add3A_1548, %broadcast_in_dim3A_1550], %gather3A_1545 : memref<80x16xf32, #tpu.memory_space<vmem>>[vector<16xi32>, vector<16xi32>], vector<16xf32>,
    %add3A_1551 = arith.constant 16 : i32
    %add3A_1552 = vector.broadcast %add3A_1551 : i32 to vector<16xi32>
    %add3A_1553 = arith.addi %add3A_1552, %iota3A : vector<16xi32>
    %gather3A_1554 = arith.constant 0 : i32
    %gather3A_1555 = arith.constant 0 : i32
    %gather3A_1556 = arith.constant 0 : i32
    %gather3A_1557 = tpu.memref_slice %arg6[%gather3A_1554, %gather3A_1555, %gather3A_1556] : memref<4x80x128xf32, #tpu.memory_space<vmem>> -> memref<1x80x128xf32, #tpu.memory_space<vmem>>
    %gather3A_1558 = tpu.memref_squeeze %gather3A_1557 : memref<1x80x128xf32, #tpu.memory_space<vmem>> -> memref<80x128xf32, #tpu.memory_space<vmem>>
    %gather3A_1559 = tpu.vector_load_idx %gather3A_1558[%add3A_1553, %broadcast_in_dim3A_1536] : memref<80x128xf32, #tpu.memory_space<vmem>>[vector<16xi32>, vector<16xi32>], vector<16xf32>,
    %add3A_1560 = arith.constant 16 : i32
    %add3A_1561 = vector.broadcast %add3A_1560 : i32 to vector<16xi32>
    %add3A_1562 = arith.addi %add3A_1561, %iota3A : vector<16xi32>
    %broadcast_in_dim3A_1563 = arith.constant 8 : i32
    %broadcast_in_dim3A_1564 = vector.broadcast %broadcast_in_dim3A_1563 : i32 to vector<16xi32>
    tpu.vector_store_idx %arg7[%add3A_1562, %broadcast_in_dim3A_1564], %gather3A_1559 : memref<80x16xf32, #tpu.memory_space<vmem>>[vector<16xi32>, vector<16xi32>], vector<16xf32>,
    %add3A_1565 = arith.constant 32 : i32
    %add3A_1566 = vector.broadcast %add3A_1565 : i32 to vector<16xi32>
    %add3A_1567 = arith.addi %add3A_1566, %iota3A : vector<16xi32>
    %gather3A_1568 = arith.constant 0 : i32
    %gather3A_1569 = arith.constant 0 : i32
    %gather3A_1570 = arith.constant 0 : i32
    %gather3A_1571 = tpu.memref_slice %arg6[%gather3A_1568, %gather3A_1569, %gather3A_1570] : memref<4x80x128xf32, #tpu.memory_space<vmem>> -> memref<1x80x128xf32, #tpu.memory_space<vmem>>
    %gather3A_1572 = tpu.memref_squeeze %gather3A_1571 : memref<1x80x128xf32, #tpu.memory_space<vmem>> -> memref<80x128xf32, #tpu.memory_space<vmem>>
    %gather3A_1573 = tpu.vector_load_idx %gather3A_1572[%add3A_1567, %broadcast_in_dim3A_1536] : memref<80x128xf32, #tpu.memory_space<vmem>>[vector<16xi32>, vector<16xi32>], vector<16xf32>,
    %add3A_1574 = arith.constant 32 : i32
    %add3A_1575 = vector.broadcast %add3A_1574 : i32 to vector<16xi32>
    %add3A_1576 = arith.addi %add3A_1575, %iota3A : vector<16xi32>
    %broadcast_in_dim3A_1577 = arith.constant 8 : i32
    %broadcast_in_dim3A_1578 = vector.broadcast %broadcast_in_dim3A_1577 : i32 to vector<16xi32>
    tpu.vector_store_idx %arg7[%add3A_1576, %broadcast_in_dim3A_1578], %gather3A_1573 : memref<80x16xf32, #tpu.memory_space<vmem>>[vector<16xi32>, vector<16xi32>], vector<16xf32>,
    %add3A_1579 = arith.constant 48 : i32
    %add3A_1580 = vector.broadcast %add3A_1579 : i32 to vector<16xi32>
    %add3A_1581 = arith.addi %add3A_1580, %iota3A : vector<16xi32>
    %gather3A_1582 = arith.constant 0 : i32
    %gather3A_1583 = arith.constant 0 : i32
    %gather3A_1584 = arith.constant 0 : i32
    %gather3A_1585 = tpu.memref_slice %arg6[%gather3A_1582, %gather3A_1583, %gather3A_1584] : memref<4x80x128xf32, #tpu.memory_space<vmem>> -> memref<1x80x128xf32, #tpu.memory_space<vmem>>
    %gather3A_1586 = tpu.memref_squeeze %gather3A_1585 : memref<1x80x128xf32, #tpu.memory_space<vmem>> -> memref<80x128xf32, #tpu.memory_space<vmem>>
    %gather3A_1587 = tpu.vector_load_idx %gather3A_1586[%add3A_1581, %broadcast_in_dim3A_1536] : memref<80x128xf32, #tpu.memory_space<vmem>>[vector<16xi32>, vector<16xi32>], vector<16xf32>,
    %add3A_1588 = arith.constant 48 : i32
    %add3A_1589 = vector.broadcast %add3A_1588 : i32 to vector<16xi32>
    %add3A_1590 = arith.addi %add3A_1589, %iota3A : vector<16xi32>
    %broadcast_in_dim3A_1591 = arith.constant 8 : i32
    %broadcast_in_dim3A_1592 = vector.broadcast %broadcast_in_dim3A_1591 : i32 to vector<16xi32>
    tpu.vector_store_idx %arg7[%add3A_1590, %broadcast_in_dim3A_1592], %gather3A_1587 : memref<80x16xf32, #tpu.memory_space<vmem>>[vector<16xi32>, vector<16xi32>], vector<16xf32>,
    %add3A_1593 = arith.constant 64 : i32
    %add3A_1594 = vector.broadcast %add3A_1593 : i32 to vector<16xi32>
    %add3A_1595 = arith.addi %add3A_1594, %iota3A : vector<16xi32>
    %gather3A_1596 = arith.constant 0 : i32
    %gather3A_1597 = arith.constant 0 : i32
    %gather3A_1598 = arith.constant 0 : i32
    %gather3A_1599 = tpu.memref_slice %arg6[%gather3A_1596, %gather3A_1597, %gather3A_1598] : memref<4x80x128xf32, #tpu.memory_space<vmem>> -> memref<1x80x128xf32, #tpu.memory_space<vmem>>
    %gather3A_1600 = tpu.memref_squeeze %gather3A_1599 : memref<1x80x128xf32, #tpu.memory_space<vmem>> -> memref<80x128xf32, #tpu.memory_space<vmem>>
    %gather3A_1601 = tpu.vector_load_idx %gather3A_1600[%add3A_1595, %broadcast_in_dim3A_1536] : memref<80x128xf32, #tpu.memory_space<vmem>>[vector<16xi32>, vector<16xi32>], vector<16xf32>,
    %add3A_1602 = arith.constant 64 : i32
    %add3A_1603 = vector.broadcast %add3A_1602 : i32 to vector<16xi32>
    %add3A_1604 = arith.addi %add3A_1603, %iota3A : vector<16xi32>
    %broadcast_in_dim3A_1605 = arith.constant 8 : i32
    %broadcast_in_dim3A_1606 = vector.broadcast %broadcast_in_dim3A_1605 : i32 to vector<16xi32>
    tpu.vector_store_idx %arg7[%add3A_1604, %broadcast_in_dim3A_1606], %gather3A_1601 : memref<80x16xf32, #tpu.memory_space<vmem>>[vector<16xi32>, vector<16xi32>], vector<16xf32>,
    %add3A_1607 = arith.constant 12 : i32
    %add3A_1608 = arith.addi %mul3A_2, %add3A_1607 : i32
    %jit3A_1609 = arith.constant 32 : i32
    %div3A_1610 = arith.divsi %add3A_1608, %jit3A_1609 : i32
    %sign3A_1611 = arith.constant 0 : i32
    %sign3A_1612 = arith.cmpi sgt, %add3A_1608, %sign3A_1611 : i32
    %sign3A_1613 = arith.extui %sign3A_1612 : i1 to i32
    %sign3A_1614 = arith.constant 0 : i32
    %sign3A_1615 = arith.cmpi slt, %add3A_1608, %sign3A_1614 : i32
    %sign3A_1616 = arith.extui %sign3A_1615 : i1 to i32
    %sign3A_1617 = arith.subi %sign3A_1613, %sign3A_1616 : i32
    %sign3A_1618 = arith.constant 0 : i32
    %sign3A_1619 = arith.cmpi sgt, %jit3A_1609, %sign3A_1618 : i32
    %sign3A_1620 = arith.extui %sign3A_1619 : i1 to i32
    %sign3A_1621 = arith.constant 0 : i32
    %sign3A_1622 = arith.cmpi slt, %jit3A_1609, %sign3A_1621 : i32
    %sign3A_1623 = arith.extui %sign3A_1622 : i1 to i32
    %sign3A_1624 = arith.subi %sign3A_1620, %sign3A_1623 : i32
    %ne3A_1625 = arith.cmpi ne, %sign3A_1617, %sign3A_1624 : i32
    %rem3A_1626 = arith.remsi %add3A_1608, %jit3A_1609 : i32
    %ne3A_1627 = arith.constant 0 : i32
    %ne3A_1628 = arith.cmpi ne, %rem3A_1626, %ne3A_1627 : i32
    %and3A_1629 = arith.andi %ne3A_1625, %ne3A_1628 : i1
    %sub3A_1630 = arith.constant 1 : i32
    %sub3A_1631 = arith.subi %div3A_1610, %sub3A_1630 : i32
    %select_n3A_1632 = arith.select %and3A_1629, %sub3A_1631, %div3A_1610 : i32
    %mul3A_1633 = arith.constant 80 : i32
    %mul3A_1634 = arith.muli %select_n3A_1632, %mul3A_1633 : i32
    %multiple_of3A_1635 = tpu.assume_multiple %mul3A_1634, 80 : i32
    %slice3A_1636 = vector.extract_strided_slice %get3A_3 {offsets = [12], sizes = [1], strides = [1]} : vector<16xi32> to vector<1xi32>
    %squeeze3A_1637 = vector.extract %slice3A_1636[0] : i32 from vector<1xi32>
    %jit3A_1638 = arith.constant 128 : i32
    %eq3A_1639 = arith.constant 0 : i32
    %eq3A_1640 = arith.cmpi eq, %jit3A_1638, %eq3A_1639 : i32
    %jit3A_1641 = arith.constant 1 : i32
    %select_n3A_1642 = arith.select %eq3A_1640, %jit3A_1641, %jit3A_1638 : i32
    %rem3A_1643 = arith.remsi %squeeze3A_1637, %select_n3A_1642 : i32
    %ne3A_1644 = arith.constant 0 : i32
    %ne3A_1645 = arith.cmpi ne, %rem3A_1643, %ne3A_1644 : i32
    %lt3A_1646 = arith.constant 0 : i32
    %lt3A_1647 = arith.cmpi slt, %rem3A_1643, %lt3A_1646 : i32
    %lt3A_1648 = arith.constant 0 : i32
    %lt3A_1649 = arith.cmpi slt, %select_n3A_1642, %lt3A_1648 : i32
    %ne3A_1650 = arith.xori %lt3A_1647, %lt3A_1649 : i1
    %and3A_1651 = arith.andi %ne3A_1650, %ne3A_1645 : i1
    %add3A_1652 = arith.addi %rem3A_1643, %select_n3A_1642 : i32
    %select_n3A_1653 = arith.select %and3A_1651, %add3A_1652, %rem3A_1643 : i32
    %sub3A_1654 = arith.subi %squeeze3A_1637, %select_n3A_1653 : i32
    %multiple_of3A_1655 = tpu.assume_multiple %sub3A_1654, 128 : i32
    %dma_start3A_1656 = arith.constant 0 : i32
    %dma_start3A_1657 = arith.constant 0 : i32
    %dma_start3A_1658 = arith.constant 0 : i32
    %dma_start3A_1659 = tpu.memref_slice %arg6[%dma_start3A_1656, %dma_start3A_1657, %dma_start3A_1658] : memref<4x80x128xf32, #tpu.memory_space<vmem>> -> memref<1x80x128xf32, #tpu.memory_space<vmem>>
    %dma_start3A_1660 = tpu.memref_squeeze %dma_start3A_1659 : memref<1x80x128xf32, #tpu.memory_space<vmem>> -> memref<80x128xf32, #tpu.memory_space<vmem>>
    %dma_start3A_1661 = tpu.memref_slice %arg2[%multiple_of3A_1635, %multiple_of3A_1655] : memref<1280x8400xf32, #tpu.memory_space<hbm>> -> memref<80x128xf32, #tpu.memory_space<hbm>>
    %dma_start3A_1662 = arith.constant 0 : i32
    %dma_start3A_1663 = arith.constant 0 : i32
    %dma_start3A_1664 = tpu.memref_slice %arg6[%dma_start3A_1656, %dma_start3A_1662, %dma_start3A_1663] : memref<4x80x128xf32, #tpu.memory_space<vmem>> -> memref<1x80x128xf32, #tpu.memory_space<vmem>>
    %dma_start3A_1665 = tpu.memref_squeeze %dma_start3A_1664 : memref<1x80x128xf32, #tpu.memory_space<vmem>> -> memref<80x128xf32, #tpu.memory_space<vmem>>
    %dma_start3A_1666 = tpu.memref_slice %arg2[%multiple_of3A_1635, %multiple_of3A_1655] : memref<1280x8400xf32, #tpu.memory_space<hbm>> -> memref<80x128xf32, #tpu.memory_space<hbm>>
    tpu.enqueue_dma source(%dma_start3A_1666 : memref<80x128xf32, #tpu.memory_space<hbm>>) target(%dma_start3A_1665 : memref<80x128xf32, #tpu.memory_space<vmem>>) target_semaphore(%arg8 : memref<!tpu.dma_semaphore, #tpu.memory_space<semaphore_mem>>)
    %dma_wait3A_1667 = arith.constant 1 : i32
    %dma_wait3A_1668 = arith.constant 0 : i32
    %dma_wait3A_1669 = arith.constant 0 : i32
    %dma_wait3A_1670 = tpu.memref_slice %arg6[%dma_wait3A_1667, %dma_wait3A_1668, %dma_wait3A_1669] : memref<4x80x128xf32, #tpu.memory_space<vmem>> -> memref<1x80x128xf32, #tpu.memory_space<vmem>>
    %dma_wait3A_1671 = tpu.memref_squeeze %dma_wait3A_1670 : memref<1x80x128xf32, #tpu.memory_space<vmem>> -> memref<80x128xf32, #tpu.memory_space<vmem>>
    %dma_wait3A_1672 = tpu.memref_slice %arg2[%multiple_of3A_1155, %multiple_of3A_1175] : memref<1280x8400xf32, #tpu.memory_space<hbm>> -> memref<80x128xf32, #tpu.memory_space<hbm>>
    %dma_wait3A_1673 = arith.constant 0 : i32
    %dma_wait3A_1674 = arith.constant 0 : i32
    %dma_wait3A_1675 = tpu.memref_slice %arg6[%dma_wait3A_1667, %dma_wait3A_1673, %dma_wait3A_1674] : memref<4x80x128xf32, #tpu.memory_space<vmem>> -> memref<1x80x128xf32, #tpu.memory_space<vmem>>
    %dma_wait3A_1676 = tpu.memref_squeeze %dma_wait3A_1675 : memref<1x80x128xf32, #tpu.memory_space<vmem>> -> memref<80x128xf32, #tpu.memory_space<vmem>>
    %dma_wait3A_1677 = tpu.memref_slice %arg2[%multiple_of3A_1155, %multiple_of3A_1175] : memref<1280x8400xf32, #tpu.memory_space<hbm>> -> memref<80x128xf32, #tpu.memory_space<hbm>>
    tpu.wait_dma2 semaphore(%arg8 : memref<!tpu.dma_semaphore, #tpu.memory_space<semaphore_mem>>) src(%dma_wait3A_1677 : memref<80x128xf32, #tpu.memory_space<hbm>>) dst(%dma_wait3A_1676 : memref<80x128xf32, #tpu.memory_space<vmem>>)
    %slice3A_1678 = vector.extract_strided_slice %get3A_3 {offsets = [9], sizes = [1], strides = [1]} : vector<16xi32> to vector<1xi32>
    %squeeze3A_1679 = vector.extract %slice3A_1678[0] : i32 from vector<1xi32>
    %jit3A_1680 = arith.constant 128 : i32
    %eq3A_1681 = arith.constant 0 : i32
    %eq3A_1682 = arith.cmpi eq, %jit3A_1680, %eq3A_1681 : i32
    %jit3A_1683 = arith.constant 1 : i32
    %select_n3A_1684 = arith.select %eq3A_1682, %jit3A_1683, %jit3A_1680 : i32
    %rem3A_1685 = arith.remsi %squeeze3A_1679, %select_n3A_1684 : i32
    %ne3A_1686 = arith.constant 0 : i32
    %ne3A_1687 = arith.cmpi ne, %rem3A_1685, %ne3A_1686 : i32
    %lt3A_1688 = arith.constant 0 : i32
    %lt3A_1689 = arith.cmpi slt, %rem3A_1685, %lt3A_1688 : i32
    %lt3A_1690 = arith.constant 0 : i32
    %lt3A_1691 = arith.cmpi slt, %select_n3A_1684, %lt3A_1690 : i32
    %ne3A_1692 = arith.xori %lt3A_1689, %lt3A_1691 : i1
    %and3A_1693 = arith.andi %ne3A_1692, %ne3A_1687 : i1
    %add3A_1694 = arith.addi %rem3A_1685, %select_n3A_1684 : i32
    %select_n3A_1695 = arith.select %and3A_1693, %add3A_1694, %rem3A_1685 : i32
    %broadcast_in_dim3A_1696 = vector.broadcast %select_n3A_1695 : i32 to vector<16xi32>
    %add3A_1697 = arith.constant 0 : i32
    %add3A_1698 = vector.broadcast %add3A_1697 : i32 to vector<16xi32>
    %add3A_1699 = arith.addi %add3A_1698, %iota3A : vector<16xi32>
    %gather3A_1700 = arith.constant 1 : i32
    %gather3A_1701 = arith.constant 0 : i32
    %gather3A_1702 = arith.constant 0 : i32
    %gather3A_1703 = tpu.memref_slice %arg6[%gather3A_1700, %gather3A_1701, %gather3A_1702] : memref<4x80x128xf32, #tpu.memory_space<vmem>> -> memref<1x80x128xf32, #tpu.memory_space<vmem>>
    %gather3A_1704 = tpu.memref_squeeze %gather3A_1703 : memref<1x80x128xf32, #tpu.memory_space<vmem>> -> memref<80x128xf32, #tpu.memory_space<vmem>>
    %gather3A_1705 = tpu.vector_load_idx %gather3A_1704[%add3A_1699, %broadcast_in_dim3A_1696] : memref<80x128xf32, #tpu.memory_space<vmem>>[vector<16xi32>, vector<16xi32>], vector<16xf32>,
    %add3A_1706 = arith.constant 0 : i32
    %add3A_1707 = vector.broadcast %add3A_1706 : i32 to vector<16xi32>
    %add3A_1708 = arith.addi %add3A_1707, %iota3A : vector<16xi32>
    %broadcast_in_dim3A_1709 = arith.constant 9 : i32
    %broadcast_in_dim3A_1710 = vector.broadcast %broadcast_in_dim3A_1709 : i32 to vector<16xi32>
    tpu.vector_store_idx %arg7[%add3A_1708, %broadcast_in_dim3A_1710], %gather3A_1705 : memref<80x16xf32, #tpu.memory_space<vmem>>[vector<16xi32>, vector<16xi32>], vector<16xf32>,
    %add3A_1711 = arith.constant 16 : i32
    %add3A_1712 = vector.broadcast %add3A_1711 : i32 to vector<16xi32>
    %add3A_1713 = arith.addi %add3A_1712, %iota3A : vector<16xi32>
    %gather3A_1714 = arith.constant 1 : i32
    %gather3A_1715 = arith.constant 0 : i32
    %gather3A_1716 = arith.constant 0 : i32
    %gather3A_1717 = tpu.memref_slice %arg6[%gather3A_1714, %gather3A_1715, %gather3A_1716] : memref<4x80x128xf32, #tpu.memory_space<vmem>> -> memref<1x80x128xf32, #tpu.memory_space<vmem>>
    %gather3A_1718 = tpu.memref_squeeze %gather3A_1717 : memref<1x80x128xf32, #tpu.memory_space<vmem>> -> memref<80x128xf32, #tpu.memory_space<vmem>>
    %gather3A_1719 = tpu.vector_load_idx %gather3A_1718[%add3A_1713, %broadcast_in_dim3A_1696] : memref<80x128xf32, #tpu.memory_space<vmem>>[vector<16xi32>, vector<16xi32>], vector<16xf32>,
    %add3A_1720 = arith.constant 16 : i32
    %add3A_1721 = vector.broadcast %add3A_1720 : i32 to vector<16xi32>
    %add3A_1722 = arith.addi %add3A_1721, %iota3A : vector<16xi32>
    %broadcast_in_dim3A_1723 = arith.constant 9 : i32
    %broadcast_in_dim3A_1724 = vector.broadcast %broadcast_in_dim3A_1723 : i32 to vector<16xi32>
    tpu.vector_store_idx %arg7[%add3A_1722, %broadcast_in_dim3A_1724], %gather3A_1719 : memref<80x16xf32, #tpu.memory_space<vmem>>[vector<16xi32>, vector<16xi32>], vector<16xf32>,
    %add3A_1725 = arith.constant 32 : i32
    %add3A_1726 = vector.broadcast %add3A_1725 : i32 to vector<16xi32>
    %add3A_1727 = arith.addi %add3A_1726, %iota3A : vector<16xi32>
    %gather3A_1728 = arith.constant 1 : i32
    %gather3A_1729 = arith.constant 0 : i32
    %gather3A_1730 = arith.constant 0 : i32
    %gather3A_1731 = tpu.memref_slice %arg6[%gather3A_1728, %gather3A_1729, %gather3A_1730] : memref<4x80x128xf32, #tpu.memory_space<vmem>> -> memref<1x80x128xf32, #tpu.memory_space<vmem>>
    %gather3A_1732 = tpu.memref_squeeze %gather3A_1731 : memref<1x80x128xf32, #tpu.memory_space<vmem>> -> memref<80x128xf32, #tpu.memory_space<vmem>>
    %gather3A_1733 = tpu.vector_load_idx %gather3A_1732[%add3A_1727, %broadcast_in_dim3A_1696] : memref<80x128xf32, #tpu.memory_space<vmem>>[vector<16xi32>, vector<16xi32>], vector<16xf32>,
    %add3A_1734 = arith.constant 32 : i32
    %add3A_1735 = vector.broadcast %add3A_1734 : i32 to vector<16xi32>
    %add3A_1736 = arith.addi %add3A_1735, %iota3A : vector<16xi32>
    %broadcast_in_dim3A_1737 = arith.constant 9 : i32
    %broadcast_in_dim3A_1738 = vector.broadcast %broadcast_in_dim3A_1737 : i32 to vector<16xi32>
    tpu.vector_store_idx %arg7[%add3A_1736, %broadcast_in_dim3A_1738], %gather3A_1733 : memref<80x16xf32, #tpu.memory_space<vmem>>[vector<16xi32>, vector<16xi32>], vector<16xf32>,
    %add3A_1739 = arith.constant 48 : i32
    %add3A_1740 = vector.broadcast %add3A_1739 : i32 to vector<16xi32>
    %add3A_1741 = arith.addi %add3A_1740, %iota3A : vector<16xi32>
    %gather3A_1742 = arith.constant 1 : i32
    %gather3A_1743 = arith.constant 0 : i32
    %gather3A_1744 = arith.constant 0 : i32
    %gather3A_1745 = tpu.memref_slice %arg6[%gather3A_1742, %gather3A_1743, %gather3A_1744] : memref<4x80x128xf32, #tpu.memory_space<vmem>> -> memref<1x80x128xf32, #tpu.memory_space<vmem>>
    %gather3A_1746 = tpu.memref_squeeze %gather3A_1745 : memref<1x80x128xf32, #tpu.memory_space<vmem>> -> memref<80x128xf32, #tpu.memory_space<vmem>>
    %gather3A_1747 = tpu.vector_load_idx %gather3A_1746[%add3A_1741, %broadcast_in_dim3A_1696] : memref<80x128xf32, #tpu.memory_space<vmem>>[vector<16xi32>, vector<16xi32>], vector<16xf32>,
    %add3A_1748 = arith.constant 48 : i32
    %add3A_1749 = vector.broadcast %add3A_1748 : i32 to vector<16xi32>
    %add3A_1750 = arith.addi %add3A_1749, %iota3A : vector<16xi32>
    %broadcast_in_dim3A_1751 = arith.constant 9 : i32
    %broadcast_in_dim3A_1752 = vector.broadcast %broadcast_in_dim3A_1751 : i32 to vector<16xi32>
    tpu.vector_store_idx %arg7[%add3A_1750, %broadcast_in_dim3A_1752], %gather3A_1747 : memref<80x16xf32, #tpu.memory_space<vmem>>[vector<16xi32>, vector<16xi32>], vector<16xf32>,
    %add3A_1753 = arith.constant 64 : i32
    %add3A_1754 = vector.broadcast %add3A_1753 : i32 to vector<16xi32>
    %add3A_1755 = arith.addi %add3A_1754, %iota3A : vector<16xi32>
    %gather3A_1756 = arith.constant 1 : i32
    %gather3A_1757 = arith.constant 0 : i32
    %gather3A_1758 = arith.constant 0 : i32
    %gather3A_1759 = tpu.memref_slice %arg6[%gather3A_1756, %gather3A_1757, %gather3A_1758] : memref<4x80x128xf32, #tpu.memory_space<vmem>> -> memref<1x80x128xf32, #tpu.memory_space<vmem>>
    %gather3A_1760 = tpu.memref_squeeze %gather3A_1759 : memref<1x80x128xf32, #tpu.memory_space<vmem>> -> memref<80x128xf32, #tpu.memory_space<vmem>>
    %gather3A_1761 = tpu.vector_load_idx %gather3A_1760[%add3A_1755, %broadcast_in_dim3A_1696] : memref<80x128xf32, #tpu.memory_space<vmem>>[vector<16xi32>, vector<16xi32>], vector<16xf32>,
    %add3A_1762 = arith.constant 64 : i32
    %add3A_1763 = vector.broadcast %add3A_1762 : i32 to vector<16xi32>
    %add3A_1764 = arith.addi %add3A_1763, %iota3A : vector<16xi32>
    %broadcast_in_dim3A_1765 = arith.constant 9 : i32
    %broadcast_in_dim3A_1766 = vector.broadcast %broadcast_in_dim3A_1765 : i32 to vector<16xi32>
    tpu.vector_store_idx %arg7[%add3A_1764, %broadcast_in_dim3A_1766], %gather3A_1761 : memref<80x16xf32, #tpu.memory_space<vmem>>[vector<16xi32>, vector<16xi32>], vector<16xf32>,
    %add3A_1767 = arith.constant 13 : i32
    %add3A_1768 = arith.addi %mul3A_2, %add3A_1767 : i32
    %jit3A_1769 = arith.constant 32 : i32
    %div3A_1770 = arith.divsi %add3A_1768, %jit3A_1769 : i32
    %sign3A_1771 = arith.constant 0 : i32
    %sign3A_1772 = arith.cmpi sgt, %add3A_1768, %sign3A_1771 : i32
    %sign3A_1773 = arith.extui %sign3A_1772 : i1 to i32
    %sign3A_1774 = arith.constant 0 : i32
    %sign3A_1775 = arith.cmpi slt, %add3A_1768, %sign3A_1774 : i32
    %sign3A_1776 = arith.extui %sign3A_1775 : i1 to i32
    %sign3A_1777 = arith.subi %sign3A_1773, %sign3A_1776 : i32
    %sign3A_1778 = arith.constant 0 : i32
    %sign3A_1779 = arith.cmpi sgt, %jit3A_1769, %sign3A_1778 : i32
    %sign3A_1780 = arith.extui %sign3A_1779 : i1 to i32
    %sign3A_1781 = arith.constant 0 : i32
    %sign3A_1782 = arith.cmpi slt, %jit3A_1769, %sign3A_1781 : i32
    %sign3A_1783 = arith.extui %sign3A_1782 : i1 to i32
    %sign3A_1784 = arith.subi %sign3A_1780, %sign3A_1783 : i32
    %ne3A_1785 = arith.cmpi ne, %sign3A_1777, %sign3A_1784 : i32
    %rem3A_1786 = arith.remsi %add3A_1768, %jit3A_1769 : i32
    %ne3A_1787 = arith.constant 0 : i32
    %ne3A_1788 = arith.cmpi ne, %rem3A_1786, %ne3A_1787 : i32
    %and3A_1789 = arith.andi %ne3A_1785, %ne3A_1788 : i1
    %sub3A_1790 = arith.constant 1 : i32
    %sub3A_1791 = arith.subi %div3A_1770, %sub3A_1790 : i32
    %select_n3A_1792 = arith.select %and3A_1789, %sub3A_1791, %div3A_1770 : i32
    %mul3A_1793 = arith.constant 80 : i32
    %mul3A_1794 = arith.muli %select_n3A_1792, %mul3A_1793 : i32
    %multiple_of3A_1795 = tpu.assume_multiple %mul3A_1794, 80 : i32
    %slice3A_1796 = vector.extract_strided_slice %get3A_3 {offsets = [13], sizes = [1], strides = [1]} : vector<16xi32> to vector<1xi32>
    %squeeze3A_1797 = vector.extract %slice3A_1796[0] : i32 from vector<1xi32>
    %jit3A_1798 = arith.constant 128 : i32
    %eq3A_1799 = arith.constant 0 : i32
    %eq3A_1800 = arith.cmpi eq, %jit3A_1798, %eq3A_1799 : i32
    %jit3A_1801 = arith.constant 1 : i32
    %select_n3A_1802 = arith.select %eq3A_1800, %jit3A_1801, %jit3A_1798 : i32
    %rem3A_1803 = arith.remsi %squeeze3A_1797, %select_n3A_1802 : i32
    %ne3A_1804 = arith.constant 0 : i32
    %ne3A_1805 = arith.cmpi ne, %rem3A_1803, %ne3A_1804 : i32
    %lt3A_1806 = arith.constant 0 : i32
    %lt3A_1807 = arith.cmpi slt, %rem3A_1803, %lt3A_1806 : i32
    %lt3A_1808 = arith.constant 0 : i32
    %lt3A_1809 = arith.cmpi slt, %select_n3A_1802, %lt3A_1808 : i32
    %ne3A_1810 = arith.xori %lt3A_1807, %lt3A_1809 : i1
    %and3A_1811 = arith.andi %ne3A_1810, %ne3A_1805 : i1
    %add3A_1812 = arith.addi %rem3A_1803, %select_n3A_1802 : i32
    %select_n3A_1813 = arith.select %and3A_1811, %add3A_1812, %rem3A_1803 : i32
    %sub3A_1814 = arith.subi %squeeze3A_1797, %select_n3A_1813 : i32
    %multiple_of3A_1815 = tpu.assume_multiple %sub3A_1814, 128 : i32
    %dma_start3A_1816 = arith.constant 1 : i32
    %dma_start3A_1817 = arith.constant 0 : i32
    %dma_start3A_1818 = arith.constant 0 : i32
    %dma_start3A_1819 = tpu.memref_slice %arg6[%dma_start3A_1816, %dma_start3A_1817, %dma_start3A_1818] : memref<4x80x128xf32, #tpu.memory_space<vmem>> -> memref<1x80x128xf32, #tpu.memory_space<vmem>>
    %dma_start3A_1820 = tpu.memref_squeeze %dma_start3A_1819 : memref<1x80x128xf32, #tpu.memory_space<vmem>> -> memref<80x128xf32, #tpu.memory_space<vmem>>
    %dma_start3A_1821 = tpu.memref_slice %arg2[%multiple_of3A_1795, %multiple_of3A_1815] : memref<1280x8400xf32, #tpu.memory_space<hbm>> -> memref<80x128xf32, #tpu.memory_space<hbm>>
    %dma_start3A_1822 = arith.constant 0 : i32
    %dma_start3A_1823 = arith.constant 0 : i32
    %dma_start3A_1824 = tpu.memref_slice %arg6[%dma_start3A_1816, %dma_start3A_1822, %dma_start3A_1823] : memref<4x80x128xf32, #tpu.memory_space<vmem>> -> memref<1x80x128xf32, #tpu.memory_space<vmem>>
    %dma_start3A_1825 = tpu.memref_squeeze %dma_start3A_1824 : memref<1x80x128xf32, #tpu.memory_space<vmem>> -> memref<80x128xf32, #tpu.memory_space<vmem>>
    %dma_start3A_1826 = tpu.memref_slice %arg2[%multiple_of3A_1795, %multiple_of3A_1815] : memref<1280x8400xf32, #tpu.memory_space<hbm>> -> memref<80x128xf32, #tpu.memory_space<hbm>>
    tpu.enqueue_dma source(%dma_start3A_1826 : memref<80x128xf32, #tpu.memory_space<hbm>>) target(%dma_start3A_1825 : memref<80x128xf32, #tpu.memory_space<vmem>>) target_semaphore(%arg8 : memref<!tpu.dma_semaphore, #tpu.memory_space<semaphore_mem>>)
    %dma_wait3A_1827 = arith.constant 2 : i32
    %dma_wait3A_1828 = arith.constant 0 : i32
    %dma_wait3A_1829 = arith.constant 0 : i32
    %dma_wait3A_1830 = tpu.memref_slice %arg6[%dma_wait3A_1827, %dma_wait3A_1828, %dma_wait3A_1829] : memref<4x80x128xf32, #tpu.memory_space<vmem>> -> memref<1x80x128xf32, #tpu.memory_space<vmem>>
    %dma_wait3A_1831 = tpu.memref_squeeze %dma_wait3A_1830 : memref<1x80x128xf32, #tpu.memory_space<vmem>> -> memref<80x128xf32, #tpu.memory_space<vmem>>
    %dma_wait3A_1832 = tpu.memref_slice %arg2[%multiple_of3A_1315, %multiple_of3A_1335] : memref<1280x8400xf32, #tpu.memory_space<hbm>> -> memref<80x128xf32, #tpu.memory_space<hbm>>
    %dma_wait3A_1833 = arith.constant 0 : i32
    %dma_wait3A_1834 = arith.constant 0 : i32
    %dma_wait3A_1835 = tpu.memref_slice %arg6[%dma_wait3A_1827, %dma_wait3A_1833, %dma_wait3A_1834] : memref<4x80x128xf32, #tpu.memory_space<vmem>> -> memref<1x80x128xf32, #tpu.memory_space<vmem>>
    %dma_wait3A_1836 = tpu.memref_squeeze %dma_wait3A_1835 : memref<1x80x128xf32, #tpu.memory_space<vmem>> -> memref<80x128xf32, #tpu.memory_space<vmem>>
    %dma_wait3A_1837 = tpu.memref_slice %arg2[%multiple_of3A_1315, %multiple_of3A_1335] : memref<1280x8400xf32, #tpu.memory_space<hbm>> -> memref<80x128xf32, #tpu.memory_space<hbm>>
    tpu.wait_dma2 semaphore(%arg8 : memref<!tpu.dma_semaphore, #tpu.memory_space<semaphore_mem>>) src(%dma_wait3A_1837 : memref<80x128xf32, #tpu.memory_space<hbm>>) dst(%dma_wait3A_1836 : memref<80x128xf32, #tpu.memory_space<vmem>>)
    %slice3A_1838 = vector.extract_strided_slice %get3A_3 {offsets = [10], sizes = [1], strides = [1]} : vector<16xi32> to vector<1xi32>
    %squeeze3A_1839 = vector.extract %slice3A_1838[0] : i32 from vector<1xi32>
    %jit3A_1840 = arith.constant 128 : i32
    %eq3A_1841 = arith.constant 0 : i32
    %eq3A_1842 = arith.cmpi eq, %jit3A_1840, %eq3A_1841 : i32
    %jit3A_1843 = arith.constant 1 : i32
    %select_n3A_1844 = arith.select %eq3A_1842, %jit3A_1843, %jit3A_1840 : i32
    %rem3A_1845 = arith.remsi %squeeze3A_1839, %select_n3A_1844 : i32
    %ne3A_1846 = arith.constant 0 : i32
    %ne3A_1847 = arith.cmpi ne, %rem3A_1845, %ne3A_1846 : i32
    %lt3A_1848 = arith.constant 0 : i32
    %lt3A_1849 = arith.cmpi slt, %rem3A_1845, %lt3A_1848 : i32
    %lt3A_1850 = arith.constant 0 : i32
    %lt3A_1851 = arith.cmpi slt, %select_n3A_1844, %lt3A_1850 : i32
    %ne3A_1852 = arith.xori %lt3A_1849, %lt3A_1851 : i1
    %and3A_1853 = arith.andi %ne3A_1852, %ne3A_1847 : i1
    %add3A_1854 = arith.addi %rem3A_1845, %select_n3A_1844 : i32
    %select_n3A_1855 = arith.select %and3A_1853, %add3A_1854, %rem3A_1845 : i32
    %broadcast_in_dim3A_1856 = vector.broadcast %select_n3A_1855 : i32 to vector<16xi32>
    %add3A_1857 = arith.constant 0 : i32
    %add3A_1858 = vector.broadcast %add3A_1857 : i32 to vector<16xi32>
    %add3A_1859 = arith.addi %add3A_1858, %iota3A : vector<16xi32>
    %gather3A_1860 = arith.constant 2 : i32
    %gather3A_1861 = arith.constant 0 : i32
    %gather3A_1862 = arith.constant 0 : i32
    %gather3A_1863 = tpu.memref_slice %arg6[%gather3A_1860, %gather3A_1861, %gather3A_1862] : memref<4x80x128xf32, #tpu.memory_space<vmem>> -> memref<1x80x128xf32, #tpu.memory_space<vmem>>
    %gather3A_1864 = tpu.memref_squeeze %gather3A_1863 : memref<1x80x128xf32, #tpu.memory_space<vmem>> -> memref<80x128xf32, #tpu.memory_space<vmem>>
    %gather3A_1865 = tpu.vector_load_idx %gather3A_1864[%add3A_1859, %broadcast_in_dim3A_1856] : memref<80x128xf32, #tpu.memory_space<vmem>>[vector<16xi32>, vector<16xi32>], vector<16xf32>,
    %add3A_1866 = arith.constant 0 : i32
    %add3A_1867 = vector.broadcast %add3A_1866 : i32 to vector<16xi32>
    %add3A_1868 = arith.addi %add3A_1867, %iota3A : vector<16xi32>
    %broadcast_in_dim3A_1869 = arith.constant 10 : i32
    %broadcast_in_dim3A_1870 = vector.broadcast %broadcast_in_dim3A_1869 : i32 to vector<16xi32>
    tpu.vector_store_idx %arg7[%add3A_1868, %broadcast_in_dim3A_1870], %gather3A_1865 : memref<80x16xf32, #tpu.memory_space<vmem>>[vector<16xi32>, vector<16xi32>], vector<16xf32>,
    %add3A_1871 = arith.constant 16 : i32
    %add3A_1872 = vector.broadcast %add3A_1871 : i32 to vector<16xi32>
    %add3A_1873 = arith.addi %add3A_1872, %iota3A : vector<16xi32>
    %gather3A_1874 = arith.constant 2 : i32
    %gather3A_1875 = arith.constant 0 : i32
    %gather3A_1876 = arith.constant 0 : i32
    %gather3A_1877 = tpu.memref_slice %arg6[%gather3A_1874, %gather3A_1875, %gather3A_1876] : memref<4x80x128xf32, #tpu.memory_space<vmem>> -> memref<1x80x128xf32, #tpu.memory_space<vmem>>
    %gather3A_1878 = tpu.memref_squeeze %gather3A_1877 : memref<1x80x128xf32, #tpu.memory_space<vmem>> -> memref<80x128xf32, #tpu.memory_space<vmem>>
    %gather3A_1879 = tpu.vector_load_idx %gather3A_1878[%add3A_1873, %broadcast_in_dim3A_1856] : memref<80x128xf32, #tpu.memory_space<vmem>>[vector<16xi32>, vector<16xi32>], vector<16xf32>,
    %add3A_1880 = arith.constant 16 : i32
    %add3A_1881 = vector.broadcast %add3A_1880 : i32 to vector<16xi32>
    %add3A_1882 = arith.addi %add3A_1881, %iota3A : vector<16xi32>
    %broadcast_in_dim3A_1883 = arith.constant 10 : i32
    %broadcast_in_dim3A_1884 = vector.broadcast %broadcast_in_dim3A_1883 : i32 to vector<16xi32>
    tpu.vector_store_idx %arg7[%add3A_1882, %broadcast_in_dim3A_1884], %gather3A_1879 : memref<80x16xf32, #tpu.memory_space<vmem>>[vector<16xi32>, vector<16xi32>], vector<16xf32>,
    %add3A_1885 = arith.constant 32 : i32
    %add3A_1886 = vector.broadcast %add3A_1885 : i32 to vector<16xi32>
    %add3A_1887 = arith.addi %add3A_1886, %iota3A : vector<16xi32>
    %gather3A_1888 = arith.constant 2 : i32
    %gather3A_1889 = arith.constant 0 : i32
    %gather3A_1890 = arith.constant 0 : i32
    %gather3A_1891 = tpu.memref_slice %arg6[%gather3A_1888, %gather3A_1889, %gather3A_1890] : memref<4x80x128xf32, #tpu.memory_space<vmem>> -> memref<1x80x128xf32, #tpu.memory_space<vmem>>
    %gather3A_1892 = tpu.memref_squeeze %gather3A_1891 : memref<1x80x128xf32, #tpu.memory_space<vmem>> -> memref<80x128xf32, #tpu.memory_space<vmem>>
    %gather3A_1893 = tpu.vector_load_idx %gather3A_1892[%add3A_1887, %broadcast_in_dim3A_1856] : memref<80x128xf32, #tpu.memory_space<vmem>>[vector<16xi32>, vector<16xi32>], vector<16xf32>,
    %add3A_1894 = arith.constant 32 : i32
    %add3A_1895 = vector.broadcast %add3A_1894 : i32 to vector<16xi32>
    %add3A_1896 = arith.addi %add3A_1895, %iota3A : vector<16xi32>
    %broadcast_in_dim3A_1897 = arith.constant 10 : i32
    %broadcast_in_dim3A_1898 = vector.broadcast %broadcast_in_dim3A_1897 : i32 to vector<16xi32>
    tpu.vector_store_idx %arg7[%add3A_1896, %broadcast_in_dim3A_1898], %gather3A_1893 : memref<80x16xf32, #tpu.memory_space<vmem>>[vector<16xi32>, vector<16xi32>], vector<16xf32>,
    %add3A_1899 = arith.constant 48 : i32
    %add3A_1900 = vector.broadcast %add3A_1899 : i32 to vector<16xi32>
    %add3A_1901 = arith.addi %add3A_1900, %iota3A : vector<16xi32>
    %gather3A_1902 = arith.constant 2 : i32
    %gather3A_1903 = arith.constant 0 : i32
    %gather3A_1904 = arith.constant 0 : i32
    %gather3A_1905 = tpu.memref_slice %arg6[%gather3A_1902, %gather3A_1903, %gather3A_1904] : memref<4x80x128xf32, #tpu.memory_space<vmem>> -> memref<1x80x128xf32, #tpu.memory_space<vmem>>
    %gather3A_1906 = tpu.memref_squeeze %gather3A_1905 : memref<1x80x128xf32, #tpu.memory_space<vmem>> -> memref<80x128xf32, #tpu.memory_space<vmem>>
    %gather3A_1907 = tpu.vector_load_idx %gather3A_1906[%add3A_1901, %broadcast_in_dim3A_1856] : memref<80x128xf32, #tpu.memory_space<vmem>>[vector<16xi32>, vector<16xi32>], vector<16xf32>,
    %add3A_1908 = arith.constant 48 : i32
    %add3A_1909 = vector.broadcast %add3A_1908 : i32 to vector<16xi32>
    %add3A_1910 = arith.addi %add3A_1909, %iota3A : vector<16xi32>
    %broadcast_in_dim3A_1911 = arith.constant 10 : i32
    %broadcast_in_dim3A_1912 = vector.broadcast %broadcast_in_dim3A_1911 : i32 to vector<16xi32>
    tpu.vector_store_idx %arg7[%add3A_1910, %broadcast_in_dim3A_1912], %gather3A_1907 : memref<80x16xf32, #tpu.memory_space<vmem>>[vector<16xi32>, vector<16xi32>], vector<16xf32>,
    %add3A_1913 = arith.constant 64 : i32
    %add3A_1914 = vector.broadcast %add3A_1913 : i32 to vector<16xi32>
    %add3A_1915 = arith.addi %add3A_1914, %iota3A : vector<16xi32>
    %gather3A_1916 = arith.constant 2 : i32
    %gather3A_1917 = arith.constant 0 : i32
    %gather3A_1918 = arith.constant 0 : i32
    %gather3A_1919 = tpu.memref_slice %arg6[%gather3A_1916, %gather3A_1917, %gather3A_1918] : memref<4x80x128xf32, #tpu.memory_space<vmem>> -> memref<1x80x128xf32, #tpu.memory_space<vmem>>
    %gather3A_1920 = tpu.memref_squeeze %gather3A_1919 : memref<1x80x128xf32, #tpu.memory_space<vmem>> -> memref<80x128xf32, #tpu.memory_space<vmem>>
    %gather3A_1921 = tpu.vector_load_idx %gather3A_1920[%add3A_1915, %broadcast_in_dim3A_1856] : memref<80x128xf32, #tpu.memory_space<vmem>>[vector<16xi32>, vector<16xi32>], vector<16xf32>,
    %add3A_1922 = arith.constant 64 : i32
    %add3A_1923 = vector.broadcast %add3A_1922 : i32 to vector<16xi32>
    %add3A_1924 = arith.addi %add3A_1923, %iota3A : vector<16xi32>
    %broadcast_in_dim3A_1925 = arith.constant 10 : i32
    %broadcast_in_dim3A_1926 = vector.broadcast %broadcast_in_dim3A_1925 : i32 to vector<16xi32>
    tpu.vector_store_idx %arg7[%add3A_1924, %broadcast_in_dim3A_1926], %gather3A_1921 : memref<80x16xf32, #tpu.memory_space<vmem>>[vector<16xi32>, vector<16xi32>], vector<16xf32>,
    %add3A_1927 = arith.constant 14 : i32
    %add3A_1928 = arith.addi %mul3A_2, %add3A_1927 : i32
    %jit3A_1929 = arith.constant 32 : i32
    %div3A_1930 = arith.divsi %add3A_1928, %jit3A_1929 : i32
    %sign3A_1931 = arith.constant 0 : i32
    %sign3A_1932 = arith.cmpi sgt, %add3A_1928, %sign3A_1931 : i32
    %sign3A_1933 = arith.extui %sign3A_1932 : i1 to i32
    %sign3A_1934 = arith.constant 0 : i32
    %sign3A_1935 = arith.cmpi slt, %add3A_1928, %sign3A_1934 : i32
    %sign3A_1936 = arith.extui %sign3A_1935 : i1 to i32
    %sign3A_1937 = arith.subi %sign3A_1933, %sign3A_1936 : i32
    %sign3A_1938 = arith.constant 0 : i32
    %sign3A_1939 = arith.cmpi sgt, %jit3A_1929, %sign3A_1938 : i32
    %sign3A_1940 = arith.extui %sign3A_1939 : i1 to i32
    %sign3A_1941 = arith.constant 0 : i32
    %sign3A_1942 = arith.cmpi slt, %jit3A_1929, %sign3A_1941 : i32
    %sign3A_1943 = arith.extui %sign3A_1942 : i1 to i32
    %sign3A_1944 = arith.subi %sign3A_1940, %sign3A_1943 : i32
    %ne3A_1945 = arith.cmpi ne, %sign3A_1937, %sign3A_1944 : i32
    %rem3A_1946 = arith.remsi %add3A_1928, %jit3A_1929 : i32
    %ne3A_1947 = arith.constant 0 : i32
    %ne3A_1948 = arith.cmpi ne, %rem3A_1946, %ne3A_1947 : i32
    %and3A_1949 = arith.andi %ne3A_1945, %ne3A_1948 : i1
    %sub3A_1950 = arith.constant 1 : i32
    %sub3A_1951 = arith.subi %div3A_1930, %sub3A_1950 : i32
    %select_n3A_1952 = arith.select %and3A_1949, %sub3A_1951, %div3A_1930 : i32
    %mul3A_1953 = arith.constant 80 : i32
    %mul3A_1954 = arith.muli %select_n3A_1952, %mul3A_1953 : i32
    %multiple_of3A_1955 = tpu.assume_multiple %mul3A_1954, 80 : i32
    %slice3A_1956 = vector.extract_strided_slice %get3A_3 {offsets = [14], sizes = [1], strides = [1]} : vector<16xi32> to vector<1xi32>
    %squeeze3A_1957 = vector.extract %slice3A_1956[0] : i32 from vector<1xi32>
    %jit3A_1958 = arith.constant 128 : i32
    %eq3A_1959 = arith.constant 0 : i32
    %eq3A_1960 = arith.cmpi eq, %jit3A_1958, %eq3A_1959 : i32
    %jit3A_1961 = arith.constant 1 : i32
    %select_n3A_1962 = arith.select %eq3A_1960, %jit3A_1961, %jit3A_1958 : i32
    %rem3A_1963 = arith.remsi %squeeze3A_1957, %select_n3A_1962 : i32
    %ne3A_1964 = arith.constant 0 : i32
    %ne3A_1965 = arith.cmpi ne, %rem3A_1963, %ne3A_1964 : i32
    %lt3A_1966 = arith.constant 0 : i32
    %lt3A_1967 = arith.cmpi slt, %rem3A_1963, %lt3A_1966 : i32
    %lt3A_1968 = arith.constant 0 : i32
    %lt3A_1969 = arith.cmpi slt, %select_n3A_1962, %lt3A_1968 : i32
    %ne3A_1970 = arith.xori %lt3A_1967, %lt3A_1969 : i1
    %and3A_1971 = arith.andi %ne3A_1970, %ne3A_1965 : i1
    %add3A_1972 = arith.addi %rem3A_1963, %select_n3A_1962 : i32
    %select_n3A_1973 = arith.select %and3A_1971, %add3A_1972, %rem3A_1963 : i32
    %sub3A_1974 = arith.subi %squeeze3A_1957, %select_n3A_1973 : i32
    %multiple_of3A_1975 = tpu.assume_multiple %sub3A_1974, 128 : i32
    %dma_start3A_1976 = arith.constant 2 : i32
    %dma_start3A_1977 = arith.constant 0 : i32
    %dma_start3A_1978 = arith.constant 0 : i32
    %dma_start3A_1979 = tpu.memref_slice %arg6[%dma_start3A_1976, %dma_start3A_1977, %dma_start3A_1978] : memref<4x80x128xf32, #tpu.memory_space<vmem>> -> memref<1x80x128xf32, #tpu.memory_space<vmem>>
    %dma_start3A_1980 = tpu.memref_squeeze %dma_start3A_1979 : memref<1x80x128xf32, #tpu.memory_space<vmem>> -> memref<80x128xf32, #tpu.memory_space<vmem>>
    %dma_start3A_1981 = tpu.memref_slice %arg2[%multiple_of3A_1955, %multiple_of3A_1975] : memref<1280x8400xf32, #tpu.memory_space<hbm>> -> memref<80x128xf32, #tpu.memory_space<hbm>>
    %dma_start3A_1982 = arith.constant 0 : i32
    %dma_start3A_1983 = arith.constant 0 : i32
    %dma_start3A_1984 = tpu.memref_slice %arg6[%dma_start3A_1976, %dma_start3A_1982, %dma_start3A_1983] : memref<4x80x128xf32, #tpu.memory_space<vmem>> -> memref<1x80x128xf32, #tpu.memory_space<vmem>>
    %dma_start3A_1985 = tpu.memref_squeeze %dma_start3A_1984 : memref<1x80x128xf32, #tpu.memory_space<vmem>> -> memref<80x128xf32, #tpu.memory_space<vmem>>
    %dma_start3A_1986 = tpu.memref_slice %arg2[%multiple_of3A_1955, %multiple_of3A_1975] : memref<1280x8400xf32, #tpu.memory_space<hbm>> -> memref<80x128xf32, #tpu.memory_space<hbm>>
    tpu.enqueue_dma source(%dma_start3A_1986 : memref<80x128xf32, #tpu.memory_space<hbm>>) target(%dma_start3A_1985 : memref<80x128xf32, #tpu.memory_space<vmem>>) target_semaphore(%arg8 : memref<!tpu.dma_semaphore, #tpu.memory_space<semaphore_mem>>)
    %dma_wait3A_1987 = arith.constant 3 : i32
    %dma_wait3A_1988 = arith.constant 0 : i32
    %dma_wait3A_1989 = arith.constant 0 : i32
    %dma_wait3A_1990 = tpu.memref_slice %arg6[%dma_wait3A_1987, %dma_wait3A_1988, %dma_wait3A_1989] : memref<4x80x128xf32, #tpu.memory_space<vmem>> -> memref<1x80x128xf32, #tpu.memory_space<vmem>>
    %dma_wait3A_1991 = tpu.memref_squeeze %dma_wait3A_1990 : memref<1x80x128xf32, #tpu.memory_space<vmem>> -> memref<80x128xf32, #tpu.memory_space<vmem>>
    %dma_wait3A_1992 = tpu.memref_slice %arg2[%multiple_of3A_1475, %multiple_of3A_1495] : memref<1280x8400xf32, #tpu.memory_space<hbm>> -> memref<80x128xf32, #tpu.memory_space<hbm>>
    %dma_wait3A_1993 = arith.constant 0 : i32
    %dma_wait3A_1994 = arith.constant 0 : i32
    %dma_wait3A_1995 = tpu.memref_slice %arg6[%dma_wait3A_1987, %dma_wait3A_1993, %dma_wait3A_1994] : memref<4x80x128xf32, #tpu.memory_space<vmem>> -> memref<1x80x128xf32, #tpu.memory_space<vmem>>
    %dma_wait3A_1996 = tpu.memref_squeeze %dma_wait3A_1995 : memref<1x80x128xf32, #tpu.memory_space<vmem>> -> memref<80x128xf32, #tpu.memory_space<vmem>>
    %dma_wait3A_1997 = tpu.memref_slice %arg2[%multiple_of3A_1475, %multiple_of3A_1495] : memref<1280x8400xf32, #tpu.memory_space<hbm>> -> memref<80x128xf32, #tpu.memory_space<hbm>>
    tpu.wait_dma2 semaphore(%arg8 : memref<!tpu.dma_semaphore, #tpu.memory_space<semaphore_mem>>) src(%dma_wait3A_1997 : memref<80x128xf32, #tpu.memory_space<hbm>>) dst(%dma_wait3A_1996 : memref<80x128xf32, #tpu.memory_space<vmem>>)
    %slice3A_1998 = vector.extract_strided_slice %get3A_3 {offsets = [11], sizes = [1], strides = [1]} : vector<16xi32> to vector<1xi32>
    %squeeze3A_1999 = vector.extract %slice3A_1998[0] : i32 from vector<1xi32>
    %jit3A_2000 = arith.constant 128 : i32
    %eq3A_2001 = arith.constant 0 : i32
    %eq3A_2002 = arith.cmpi eq, %jit3A_2000, %eq3A_2001 : i32
    %jit3A_2003 = arith.constant 1 : i32
    %select_n3A_2004 = arith.select %eq3A_2002, %jit3A_2003, %jit3A_2000 : i32
    %rem3A_2005 = arith.remsi %squeeze3A_1999, %select_n3A_2004 : i32
    %ne3A_2006 = arith.constant 0 : i32
    %ne3A_2007 = arith.cmpi ne, %rem3A_2005, %ne3A_2006 : i32
    %lt3A_2008 = arith.constant 0 : i32
    %lt3A_2009 = arith.cmpi slt, %rem3A_2005, %lt3A_2008 : i32
    %lt3A_2010 = arith.constant 0 : i32
    %lt3A_2011 = arith.cmpi slt, %select_n3A_2004, %lt3A_2010 : i32
    %ne3A_2012 = arith.xori %lt3A_2009, %lt3A_2011 : i1
    %and3A_2013 = arith.andi %ne3A_2012, %ne3A_2007 : i1
    %add3A_2014 = arith.addi %rem3A_2005, %select_n3A_2004 : i32
    %select_n3A_2015 = arith.select %and3A_2013, %add3A_2014, %rem3A_2005 : i32
    %broadcast_in_dim3A_2016 = vector.broadcast %select_n3A_2015 : i32 to vector<16xi32>
    %add3A_2017 = arith.constant 0 : i32
    %add3A_2018 = vector.broadcast %add3A_2017 : i32 to vector<16xi32>
    %add3A_2019 = arith.addi %add3A_2018, %iota3A : vector<16xi32>
    %gather3A_2020 = arith.constant 3 : i32
    %gather3A_2021 = arith.constant 0 : i32
    %gather3A_2022 = arith.constant 0 : i32
    %gather3A_2023 = tpu.memref_slice %arg6[%gather3A_2020, %gather3A_2021, %gather3A_2022] : memref<4x80x128xf32, #tpu.memory_space<vmem>> -> memref<1x80x128xf32, #tpu.memory_space<vmem>>
    %gather3A_2024 = tpu.memref_squeeze %gather3A_2023 : memref<1x80x128xf32, #tpu.memory_space<vmem>> -> memref<80x128xf32, #tpu.memory_space<vmem>>
    %gather3A_2025 = tpu.vector_load_idx %gather3A_2024[%add3A_2019, %broadcast_in_dim3A_2016] : memref<80x128xf32, #tpu.memory_space<vmem>>[vector<16xi32>, vector<16xi32>], vector<16xf32>,
    %add3A_2026 = arith.constant 0 : i32
    %add3A_2027 = vector.broadcast %add3A_2026 : i32 to vector<16xi32>
    %add3A_2028 = arith.addi %add3A_2027, %iota3A : vector<16xi32>
    %broadcast_in_dim3A_2029 = arith.constant 11 : i32
    %broadcast_in_dim3A_2030 = vector.broadcast %broadcast_in_dim3A_2029 : i32 to vector<16xi32>
    tpu.vector_store_idx %arg7[%add3A_2028, %broadcast_in_dim3A_2030], %gather3A_2025 : memref<80x16xf32, #tpu.memory_space<vmem>>[vector<16xi32>, vector<16xi32>], vector<16xf32>,
    %add3A_2031 = arith.constant 16 : i32
    %add3A_2032 = vector.broadcast %add3A_2031 : i32 to vector<16xi32>
    %add3A_2033 = arith.addi %add3A_2032, %iota3A : vector<16xi32>
    %gather3A_2034 = arith.constant 3 : i32
    %gather3A_2035 = arith.constant 0 : i32
    %gather3A_2036 = arith.constant 0 : i32
    %gather3A_2037 = tpu.memref_slice %arg6[%gather3A_2034, %gather3A_2035, %gather3A_2036] : memref<4x80x128xf32, #tpu.memory_space<vmem>> -> memref<1x80x128xf32, #tpu.memory_space<vmem>>
    %gather3A_2038 = tpu.memref_squeeze %gather3A_2037 : memref<1x80x128xf32, #tpu.memory_space<vmem>> -> memref<80x128xf32, #tpu.memory_space<vmem>>
    %gather3A_2039 = tpu.vector_load_idx %gather3A_2038[%add3A_2033, %broadcast_in_dim3A_2016] : memref<80x128xf32, #tpu.memory_space<vmem>>[vector<16xi32>, vector<16xi32>], vector<16xf32>,
    %add3A_2040 = arith.constant 16 : i32
    %add3A_2041 = vector.broadcast %add3A_2040 : i32 to vector<16xi32>
    %add3A_2042 = arith.addi %add3A_2041, %iota3A : vector<16xi32>
    %broadcast_in_dim3A_2043 = arith.constant 11 : i32
    %broadcast_in_dim3A_2044 = vector.broadcast %broadcast_in_dim3A_2043 : i32 to vector<16xi32>
    tpu.vector_store_idx %arg7[%add3A_2042, %broadcast_in_dim3A_2044], %gather3A_2039 : memref<80x16xf32, #tpu.memory_space<vmem>>[vector<16xi32>, vector<16xi32>], vector<16xf32>,
    %add3A_2045 = arith.constant 32 : i32
    %add3A_2046 = vector.broadcast %add3A_2045 : i32 to vector<16xi32>
    %add3A_2047 = arith.addi %add3A_2046, %iota3A : vector<16xi32>
    %gather3A_2048 = arith.constant 3 : i32
    %gather3A_2049 = arith.constant 0 : i32
    %gather3A_2050 = arith.constant 0 : i32
    %gather3A_2051 = tpu.memref_slice %arg6[%gather3A_2048, %gather3A_2049, %gather3A_2050] : memref<4x80x128xf32, #tpu.memory_space<vmem>> -> memref<1x80x128xf32, #tpu.memory_space<vmem>>
    %gather3A_2052 = tpu.memref_squeeze %gather3A_2051 : memref<1x80x128xf32, #tpu.memory_space<vmem>> -> memref<80x128xf32, #tpu.memory_space<vmem>>
    %gather3A_2053 = tpu.vector_load_idx %gather3A_2052[%add3A_2047, %broadcast_in_dim3A_2016] : memref<80x128xf32, #tpu.memory_space<vmem>>[vector<16xi32>, vector<16xi32>], vector<16xf32>,
    %add3A_2054 = arith.constant 32 : i32
    %add3A_2055 = vector.broadcast %add3A_2054 : i32 to vector<16xi32>
    %add3A_2056 = arith.addi %add3A_2055, %iota3A : vector<16xi32>
    %broadcast_in_dim3A_2057 = arith.constant 11 : i32
    %broadcast_in_dim3A_2058 = vector.broadcast %broadcast_in_dim3A_2057 : i32 to vector<16xi32>
    tpu.vector_store_idx %arg7[%add3A_2056, %broadcast_in_dim3A_2058], %gather3A_2053 : memref<80x16xf32, #tpu.memory_space<vmem>>[vector<16xi32>, vector<16xi32>], vector<16xf32>,
    %add3A_2059 = arith.constant 48 : i32
    %add3A_2060 = vector.broadcast %add3A_2059 : i32 to vector<16xi32>
    %add3A_2061 = arith.addi %add3A_2060, %iota3A : vector<16xi32>
    %gather3A_2062 = arith.constant 3 : i32
    %gather3A_2063 = arith.constant 0 : i32
    %gather3A_2064 = arith.constant 0 : i32
    %gather3A_2065 = tpu.memref_slice %arg6[%gather3A_2062, %gather3A_2063, %gather3A_2064] : memref<4x80x128xf32, #tpu.memory_space<vmem>> -> memref<1x80x128xf32, #tpu.memory_space<vmem>>
    %gather3A_2066 = tpu.memref_squeeze %gather3A_2065 : memref<1x80x128xf32, #tpu.memory_space<vmem>> -> memref<80x128xf32, #tpu.memory_space<vmem>>
    %gather3A_2067 = tpu.vector_load_idx %gather3A_2066[%add3A_2061, %broadcast_in_dim3A_2016] : memref<80x128xf32, #tpu.memory_space<vmem>>[vector<16xi32>, vector<16xi32>], vector<16xf32>,
    %add3A_2068 = arith.constant 48 : i32
    %add3A_2069 = vector.broadcast %add3A_2068 : i32 to vector<16xi32>
    %add3A_2070 = arith.addi %add3A_2069, %iota3A : vector<16xi32>
    %broadcast_in_dim3A_2071 = arith.constant 11 : i32
    %broadcast_in_dim3A_2072 = vector.broadcast %broadcast_in_dim3A_2071 : i32 to vector<16xi32>
    tpu.vector_store_idx %arg7[%add3A_2070, %broadcast_in_dim3A_2072], %gather3A_2067 : memref<80x16xf32, #tpu.memory_space<vmem>>[vector<16xi32>, vector<16xi32>], vector<16xf32>,
    %add3A_2073 = arith.constant 64 : i32
    %add3A_2074 = vector.broadcast %add3A_2073 : i32 to vector<16xi32>
    %add3A_2075 = arith.addi %add3A_2074, %iota3A : vector<16xi32>
    %gather3A_2076 = arith.constant 3 : i32
    %gather3A_2077 = arith.constant 0 : i32
    %gather3A_2078 = arith.constant 0 : i32
    %gather3A_2079 = tpu.memref_slice %arg6[%gather3A_2076, %gather3A_2077, %gather3A_2078] : memref<4x80x128xf32, #tpu.memory_space<vmem>> -> memref<1x80x128xf32, #tpu.memory_space<vmem>>
    %gather3A_2080 = tpu.memref_squeeze %gather3A_2079 : memref<1x80x128xf32, #tpu.memory_space<vmem>> -> memref<80x128xf32, #tpu.memory_space<vmem>>
    %gather3A_2081 = tpu.vector_load_idx %gather3A_2080[%add3A_2075, %broadcast_in_dim3A_2016] : memref<80x128xf32, #tpu.memory_space<vmem>>[vector<16xi32>, vector<16xi32>], vector<16xf32>,
    %add3A_2082 = arith.constant 64 : i32
    %add3A_2083 = vector.broadcast %add3A_2082 : i32 to vector<16xi32>
    %add3A_2084 = arith.addi %add3A_2083, %iota3A : vector<16xi32>
    %broadcast_in_dim3A_2085 = arith.constant 11 : i32
    %broadcast_in_dim3A_2086 = vector.broadcast %broadcast_in_dim3A_2085 : i32 to vector<16xi32>
    tpu.vector_store_idx %arg7[%add3A_2084, %broadcast_in_dim3A_2086], %gather3A_2081 : memref<80x16xf32, #tpu.memory_space<vmem>>[vector<16xi32>, vector<16xi32>], vector<16xf32>,
    %add3A_2087 = arith.constant 15 : i32
    %add3A_2088 = arith.addi %mul3A_2, %add3A_2087 : i32
    %jit3A_2089 = arith.constant 32 : i32
    %div3A_2090 = arith.divsi %add3A_2088, %jit3A_2089 : i32
    %sign3A_2091 = arith.constant 0 : i32
    %sign3A_2092 = arith.cmpi sgt, %add3A_2088, %sign3A_2091 : i32
    %sign3A_2093 = arith.extui %sign3A_2092 : i1 to i32
    %sign3A_2094 = arith.constant 0 : i32
    %sign3A_2095 = arith.cmpi slt, %add3A_2088, %sign3A_2094 : i32
    %sign3A_2096 = arith.extui %sign3A_2095 : i1 to i32
    %sign3A_2097 = arith.subi %sign3A_2093, %sign3A_2096 : i32
    %sign3A_2098 = arith.constant 0 : i32
    %sign3A_2099 = arith.cmpi sgt, %jit3A_2089, %sign3A_2098 : i32
    %sign3A_2100 = arith.extui %sign3A_2099 : i1 to i32
    %sign3A_2101 = arith.constant 0 : i32
    %sign3A_2102 = arith.cmpi slt, %jit3A_2089, %sign3A_2101 : i32
    %sign3A_2103 = arith.extui %sign3A_2102 : i1 to i32
    %sign3A_2104 = arith.subi %sign3A_2100, %sign3A_2103 : i32
    %ne3A_2105 = arith.cmpi ne, %sign3A_2097, %sign3A_2104 : i32
    %rem3A_2106 = arith.remsi %add3A_2088, %jit3A_2089 : i32
    %ne3A_2107 = arith.constant 0 : i32
    %ne3A_2108 = arith.cmpi ne, %rem3A_2106, %ne3A_2107 : i32
    %and3A_2109 = arith.andi %ne3A_2105, %ne3A_2108 : i1
    %sub3A_2110 = arith.constant 1 : i32
    %sub3A_2111 = arith.subi %div3A_2090, %sub3A_2110 : i32
    %select_n3A_2112 = arith.select %and3A_2109, %sub3A_2111, %div3A_2090 : i32
    %mul3A_2113 = arith.constant 80 : i32
    %mul3A_2114 = arith.muli %select_n3A_2112, %mul3A_2113 : i32
    %multiple_of3A_2115 = tpu.assume_multiple %mul3A_2114, 80 : i32
    %slice3A_2116 = vector.extract_strided_slice %get3A_3 {offsets = [15], sizes = [1], strides = [1]} : vector<16xi32> to vector<1xi32>
    %squeeze3A_2117 = vector.extract %slice3A_2116[0] : i32 from vector<1xi32>
    %jit3A_2118 = arith.constant 128 : i32
    %eq3A_2119 = arith.constant 0 : i32
    %eq3A_2120 = arith.cmpi eq, %jit3A_2118, %eq3A_2119 : i32
    %jit3A_2121 = arith.constant 1 : i32
    %select_n3A_2122 = arith.select %eq3A_2120, %jit3A_2121, %jit3A_2118 : i32
    %rem3A_2123 = arith.remsi %squeeze3A_2117, %select_n3A_2122 : i32
    %ne3A_2124 = arith.constant 0 : i32
    %ne3A_2125 = arith.cmpi ne, %rem3A_2123, %ne3A_2124 : i32
    %lt3A_2126 = arith.constant 0 : i32
    %lt3A_2127 = arith.cmpi slt, %rem3A_2123, %lt3A_2126 : i32
    %lt3A_2128 = arith.constant 0 : i32
    %lt3A_2129 = arith.cmpi slt, %select_n3A_2122, %lt3A_2128 : i32
    %ne3A_2130 = arith.xori %lt3A_2127, %lt3A_2129 : i1
    %and3A_2131 = arith.andi %ne3A_2130, %ne3A_2125 : i1
    %add3A_2132 = arith.addi %rem3A_2123, %select_n3A_2122 : i32
    %select_n3A_2133 = arith.select %and3A_2131, %add3A_2132, %rem3A_2123 : i32
    %sub3A_2134 = arith.subi %squeeze3A_2117, %select_n3A_2133 : i32
    %multiple_of3A_2135 = tpu.assume_multiple %sub3A_2134, 128 : i32
    %dma_start3A_2136 = arith.constant 3 : i32
    %dma_start3A_2137 = arith.constant 0 : i32
    %dma_start3A_2138 = arith.constant 0 : i32
    %dma_start3A_2139 = tpu.memref_slice %arg6[%dma_start3A_2136, %dma_start3A_2137, %dma_start3A_2138] : memref<4x80x128xf32, #tpu.memory_space<vmem>> -> memref<1x80x128xf32, #tpu.memory_space<vmem>>
    %dma_start3A_2140 = tpu.memref_squeeze %dma_start3A_2139 : memref<1x80x128xf32, #tpu.memory_space<vmem>> -> memref<80x128xf32, #tpu.memory_space<vmem>>
    %dma_start3A_2141 = tpu.memref_slice %arg2[%multiple_of3A_2115, %multiple_of3A_2135] : memref<1280x8400xf32, #tpu.memory_space<hbm>> -> memref<80x128xf32, #tpu.memory_space<hbm>>
    %dma_start3A_2142 = arith.constant 0 : i32
    %dma_start3A_2143 = arith.constant 0 : i32
    %dma_start3A_2144 = tpu.memref_slice %arg6[%dma_start3A_2136, %dma_start3A_2142, %dma_start3A_2143] : memref<4x80x128xf32, #tpu.memory_space<vmem>> -> memref<1x80x128xf32, #tpu.memory_space<vmem>>
    %dma_start3A_2145 = tpu.memref_squeeze %dma_start3A_2144 : memref<1x80x128xf32, #tpu.memory_space<vmem>> -> memref<80x128xf32, #tpu.memory_space<vmem>>
    %dma_start3A_2146 = tpu.memref_slice %arg2[%multiple_of3A_2115, %multiple_of3A_2135] : memref<1280x8400xf32, #tpu.memory_space<hbm>> -> memref<80x128xf32, #tpu.memory_space<hbm>>
    tpu.enqueue_dma source(%dma_start3A_2146 : memref<80x128xf32, #tpu.memory_space<hbm>>) target(%dma_start3A_2145 : memref<80x128xf32, #tpu.memory_space<vmem>>) target_semaphore(%arg8 : memref<!tpu.dma_semaphore, #tpu.memory_space<semaphore_mem>>)
    %dma_wait3A_2147 = arith.constant 0 : i32
    %dma_wait3A_2148 = arith.constant 0 : i32
    %dma_wait3A_2149 = arith.constant 0 : i32
    %dma_wait3A_2150 = tpu.memref_slice %arg6[%dma_wait3A_2147, %dma_wait3A_2148, %dma_wait3A_2149] : memref<4x80x128xf32, #tpu.memory_space<vmem>> -> memref<1x80x128xf32, #tpu.memory_space<vmem>>
    %dma_wait3A_2151 = tpu.memref_squeeze %dma_wait3A_2150 : memref<1x80x128xf32, #tpu.memory_space<vmem>> -> memref<80x128xf32, #tpu.memory_space<vmem>>
    %dma_wait3A_2152 = tpu.memref_slice %arg2[%multiple_of3A_1635, %multiple_of3A_1655] : memref<1280x8400xf32, #tpu.memory_space<hbm>> -> memref<80x128xf32, #tpu.memory_space<hbm>>
    %dma_wait3A_2153 = arith.constant 0 : i32
    %dma_wait3A_2154 = arith.constant 0 : i32
    %dma_wait3A_2155 = tpu.memref_slice %arg6[%dma_wait3A_2147, %dma_wait3A_2153, %dma_wait3A_2154] : memref<4x80x128xf32, #tpu.memory_space<vmem>> -> memref<1x80x128xf32, #tpu.memory_space<vmem>>
    %dma_wait3A_2156 = tpu.memref_squeeze %dma_wait3A_2155 : memref<1x80x128xf32, #tpu.memory_space<vmem>> -> memref<80x128xf32, #tpu.memory_space<vmem>>
    %dma_wait3A_2157 = tpu.memref_slice %arg2[%multiple_of3A_1635, %multiple_of3A_1655] : memref<1280x8400xf32, #tpu.memory_space<hbm>> -> memref<80x128xf32, #tpu.memory_space<hbm>>
    tpu.wait_dma2 semaphore(%arg8 : memref<!tpu.dma_semaphore, #tpu.memory_space<semaphore_mem>>) src(%dma_wait3A_2157 : memref<80x128xf32, #tpu.memory_space<hbm>>) dst(%dma_wait3A_2156 : memref<80x128xf32, #tpu.memory_space<vmem>>)
    %slice3A_2158 = vector.extract_strided_slice %get3A_3 {offsets = [12], sizes = [1], strides = [1]} : vector<16xi32> to vector<1xi32>
    %squeeze3A_2159 = vector.extract %slice3A_2158[0] : i32 from vector<1xi32>
    %jit3A_2160 = arith.constant 128 : i32
    %eq3A_2161 = arith.constant 0 : i32
    %eq3A_2162 = arith.cmpi eq, %jit3A_2160, %eq3A_2161 : i32
    %jit3A_2163 = arith.constant 1 : i32
    %select_n3A_2164 = arith.select %eq3A_2162, %jit3A_2163, %jit3A_2160 : i32
    %rem3A_2165 = arith.remsi %squeeze3A_2159, %select_n3A_2164 : i32
    %ne3A_2166 = arith.constant 0 : i32
    %ne3A_2167 = arith.cmpi ne, %rem3A_2165, %ne3A_2166 : i32
    %lt3A_2168 = arith.constant 0 : i32
    %lt3A_2169 = arith.cmpi slt, %rem3A_2165, %lt3A_2168 : i32
    %lt3A_2170 = arith.constant 0 : i32
    %lt3A_2171 = arith.cmpi slt, %select_n3A_2164, %lt3A_2170 : i32
    %ne3A_2172 = arith.xori %lt3A_2169, %lt3A_2171 : i1
    %and3A_2173 = arith.andi %ne3A_2172, %ne3A_2167 : i1
    %add3A_2174 = arith.addi %rem3A_2165, %select_n3A_2164 : i32
    %select_n3A_2175 = arith.select %and3A_2173, %add3A_2174, %rem3A_2165 : i32
    %broadcast_in_dim3A_2176 = vector.broadcast %select_n3A_2175 : i32 to vector<16xi32>
    %add3A_2177 = arith.constant 0 : i32
    %add3A_2178 = vector.broadcast %add3A_2177 : i32 to vector<16xi32>
    %add3A_2179 = arith.addi %add3A_2178, %iota3A : vector<16xi32>
    %gather3A_2180 = arith.constant 0 : i32
    %gather3A_2181 = arith.constant 0 : i32
    %gather3A_2182 = arith.constant 0 : i32
    %gather3A_2183 = tpu.memref_slice %arg6[%gather3A_2180, %gather3A_2181, %gather3A_2182] : memref<4x80x128xf32, #tpu.memory_space<vmem>> -> memref<1x80x128xf32, #tpu.memory_space<vmem>>
    %gather3A_2184 = tpu.memref_squeeze %gather3A_2183 : memref<1x80x128xf32, #tpu.memory_space<vmem>> -> memref<80x128xf32, #tpu.memory_space<vmem>>
    %gather3A_2185 = tpu.vector_load_idx %gather3A_2184[%add3A_2179, %broadcast_in_dim3A_2176] : memref<80x128xf32, #tpu.memory_space<vmem>>[vector<16xi32>, vector<16xi32>], vector<16xf32>,
    %add3A_2186 = arith.constant 0 : i32
    %add3A_2187 = vector.broadcast %add3A_2186 : i32 to vector<16xi32>
    %add3A_2188 = arith.addi %add3A_2187, %iota3A : vector<16xi32>
    %broadcast_in_dim3A_2189 = arith.constant 12 : i32
    %broadcast_in_dim3A_2190 = vector.broadcast %broadcast_in_dim3A_2189 : i32 to vector<16xi32>
    tpu.vector_store_idx %arg7[%add3A_2188, %broadcast_in_dim3A_2190], %gather3A_2185 : memref<80x16xf32, #tpu.memory_space<vmem>>[vector<16xi32>, vector<16xi32>], vector<16xf32>,
    %add3A_2191 = arith.constant 16 : i32
    %add3A_2192 = vector.broadcast %add3A_2191 : i32 to vector<16xi32>
    %add3A_2193 = arith.addi %add3A_2192, %iota3A : vector<16xi32>
    %gather3A_2194 = arith.constant 0 : i32
    %gather3A_2195 = arith.constant 0 : i32
    %gather3A_2196 = arith.constant 0 : i32
    %gather3A_2197 = tpu.memref_slice %arg6[%gather3A_2194, %gather3A_2195, %gather3A_2196] : memref<4x80x128xf32, #tpu.memory_space<vmem>> -> memref<1x80x128xf32, #tpu.memory_space<vmem>>
    %gather3A_2198 = tpu.memref_squeeze %gather3A_2197 : memref<1x80x128xf32, #tpu.memory_space<vmem>> -> memref<80x128xf32, #tpu.memory_space<vmem>>
    %gather3A_2199 = tpu.vector_load_idx %gather3A_2198[%add3A_2193, %broadcast_in_dim3A_2176] : memref<80x128xf32, #tpu.memory_space<vmem>>[vector<16xi32>, vector<16xi32>], vector<16xf32>,
    %add3A_2200 = arith.constant 16 : i32
    %add3A_2201 = vector.broadcast %add3A_2200 : i32 to vector<16xi32>
    %add3A_2202 = arith.addi %add3A_2201, %iota3A : vector<16xi32>
    %broadcast_in_dim3A_2203 = arith.constant 12 : i32
    %broadcast_in_dim3A_2204 = vector.broadcast %broadcast_in_dim3A_2203 : i32 to vector<16xi32>
    tpu.vector_store_idx %arg7[%add3A_2202, %broadcast_in_dim3A_2204], %gather3A_2199 : memref<80x16xf32, #tpu.memory_space<vmem>>[vector<16xi32>, vector<16xi32>], vector<16xf32>,
    %add3A_2205 = arith.constant 32 : i32
    %add3A_2206 = vector.broadcast %add3A_2205 : i32 to vector<16xi32>
    %add3A_2207 = arith.addi %add3A_2206, %iota3A : vector<16xi32>
    %gather3A_2208 = arith.constant 0 : i32
    %gather3A_2209 = arith.constant 0 : i32
    %gather3A_2210 = arith.constant 0 : i32
    %gather3A_2211 = tpu.memref_slice %arg6[%gather3A_2208, %gather3A_2209, %gather3A_2210] : memref<4x80x128xf32, #tpu.memory_space<vmem>> -> memref<1x80x128xf32, #tpu.memory_space<vmem>>
    %gather3A_2212 = tpu.memref_squeeze %gather3A_2211 : memref<1x80x128xf32, #tpu.memory_space<vmem>> -> memref<80x128xf32, #tpu.memory_space<vmem>>
    %gather3A_2213 = tpu.vector_load_idx %gather3A_2212[%add3A_2207, %broadcast_in_dim3A_2176] : memref<80x128xf32, #tpu.memory_space<vmem>>[vector<16xi32>, vector<16xi32>], vector<16xf32>,
    %add3A_2214 = arith.constant 32 : i32
    %add3A_2215 = vector.broadcast %add3A_2214 : i32 to vector<16xi32>
    %add3A_2216 = arith.addi %add3A_2215, %iota3A : vector<16xi32>
    %broadcast_in_dim3A_2217 = arith.constant 12 : i32
    %broadcast_in_dim3A_2218 = vector.broadcast %broadcast_in_dim3A_2217 : i32 to vector<16xi32>
    tpu.vector_store_idx %arg7[%add3A_2216, %broadcast_in_dim3A_2218], %gather3A_2213 : memref<80x16xf32, #tpu.memory_space<vmem>>[vector<16xi32>, vector<16xi32>], vector<16xf32>,
    %add3A_2219 = arith.constant 48 : i32
    %add3A_2220 = vector.broadcast %add3A_2219 : i32 to vector<16xi32>
    %add3A_2221 = arith.addi %add3A_2220, %iota3A : vector<16xi32>
    %gather3A_2222 = arith.constant 0 : i32
    %gather3A_2223 = arith.constant 0 : i32
    %gather3A_2224 = arith.constant 0 : i32
    %gather3A_2225 = tpu.memref_slice %arg6[%gather3A_2222, %gather3A_2223, %gather3A_2224] : memref<4x80x128xf32, #tpu.memory_space<vmem>> -> memref<1x80x128xf32, #tpu.memory_space<vmem>>
    %gather3A_2226 = tpu.memref_squeeze %gather3A_2225 : memref<1x80x128xf32, #tpu.memory_space<vmem>> -> memref<80x128xf32, #tpu.memory_space<vmem>>
    %gather3A_2227 = tpu.vector_load_idx %gather3A_2226[%add3A_2221, %broadcast_in_dim3A_2176] : memref<80x128xf32, #tpu.memory_space<vmem>>[vector<16xi32>, vector<16xi32>], vector<16xf32>,
    %add3A_2228 = arith.constant 48 : i32
    %add3A_2229 = vector.broadcast %add3A_2228 : i32 to vector<16xi32>
    %add3A_2230 = arith.addi %add3A_2229, %iota3A : vector<16xi32>
    %broadcast_in_dim3A_2231 = arith.constant 12 : i32
    %broadcast_in_dim3A_2232 = vector.broadcast %broadcast_in_dim3A_2231 : i32 to vector<16xi32>
    tpu.vector_store_idx %arg7[%add3A_2230, %broadcast_in_dim3A_2232], %gather3A_2227 : memref<80x16xf32, #tpu.memory_space<vmem>>[vector<16xi32>, vector<16xi32>], vector<16xf32>,
    %add3A_2233 = arith.constant 64 : i32
    %add3A_2234 = vector.broadcast %add3A_2233 : i32 to vector<16xi32>
    %add3A_2235 = arith.addi %add3A_2234, %iota3A : vector<16xi32>
    %gather3A_2236 = arith.constant 0 : i32
    %gather3A_2237 = arith.constant 0 : i32
    %gather3A_2238 = arith.constant 0 : i32
    %gather3A_2239 = tpu.memref_slice %arg6[%gather3A_2236, %gather3A_2237, %gather3A_2238] : memref<4x80x128xf32, #tpu.memory_space<vmem>> -> memref<1x80x128xf32, #tpu.memory_space<vmem>>
    %gather3A_2240 = tpu.memref_squeeze %gather3A_2239 : memref<1x80x128xf32, #tpu.memory_space<vmem>> -> memref<80x128xf32, #tpu.memory_space<vmem>>
    %gather3A_2241 = tpu.vector_load_idx %gather3A_2240[%add3A_2235, %broadcast_in_dim3A_2176] : memref<80x128xf32, #tpu.memory_space<vmem>>[vector<16xi32>, vector<16xi32>], vector<16xf32>,
    %add3A_2242 = arith.constant 64 : i32
    %add3A_2243 = vector.broadcast %add3A_2242 : i32 to vector<16xi32>
    %add3A_2244 = arith.addi %add3A_2243, %iota3A : vector<16xi32>
    %broadcast_in_dim3A_2245 = arith.constant 12 : i32
    %broadcast_in_dim3A_2246 = vector.broadcast %broadcast_in_dim3A_2245 : i32 to vector<16xi32>
    tpu.vector_store_idx %arg7[%add3A_2244, %broadcast_in_dim3A_2246], %gather3A_2241 : memref<80x16xf32, #tpu.memory_space<vmem>>[vector<16xi32>, vector<16xi32>], vector<16xf32>,
    %dma_wait3A_2247 = arith.constant 1 : i32
    %dma_wait3A_2248 = arith.constant 0 : i32
    %dma_wait3A_2249 = arith.constant 0 : i32
    %dma_wait3A_2250 = tpu.memref_slice %arg6[%dma_wait3A_2247, %dma_wait3A_2248, %dma_wait3A_2249] : memref<4x80x128xf32, #tpu.memory_space<vmem>> -> memref<1x80x128xf32, #tpu.memory_space<vmem>>
    %dma_wait3A_2251 = tpu.memref_squeeze %dma_wait3A_2250 : memref<1x80x128xf32, #tpu.memory_space<vmem>> -> memref<80x128xf32, #tpu.memory_space<vmem>>
    %dma_wait3A_2252 = tpu.memref_slice %arg2[%multiple_of3A_1795, %multiple_of3A_1815] : memref<1280x8400xf32, #tpu.memory_space<hbm>> -> memref<80x128xf32, #tpu.memory_space<hbm>>
    %dma_wait3A_2253 = arith.constant 0 : i32
    %dma_wait3A_2254 = arith.constant 0 : i32
    %dma_wait3A_2255 = tpu.memref_slice %arg6[%dma_wait3A_2247, %dma_wait3A_2253, %dma_wait3A_2254] : memref<4x80x128xf32, #tpu.memory_space<vmem>> -> memref<1x80x128xf32, #tpu.memory_space<vmem>>
    %dma_wait3A_2256 = tpu.memref_squeeze %dma_wait3A_2255 : memref<1x80x128xf32, #tpu.memory_space<vmem>> -> memref<80x128xf32, #tpu.memory_space<vmem>>
    %dma_wait3A_2257 = tpu.memref_slice %arg2[%multiple_of3A_1795, %multiple_of3A_1815] : memref<1280x8400xf32, #tpu.memory_space<hbm>> -> memref<80x128xf32, #tpu.memory_space<hbm>>
    tpu.wait_dma2 semaphore(%arg8 : memref<!tpu.dma_semaphore, #tpu.memory_space<semaphore_mem>>) src(%dma_wait3A_2257 : memref<80x128xf32, #tpu.memory_space<hbm>>) dst(%dma_wait3A_2256 : memref<80x128xf32, #tpu.memory_space<vmem>>)
    %slice3A_2258 = vector.extract_strided_slice %get3A_3 {offsets = [13], sizes = [1], strides = [1]} : vector<16xi32> to vector<1xi32>
    %squeeze3A_2259 = vector.extract %slice3A_2258[0] : i32 from vector<1xi32>
    %jit3A_2260 = arith.constant 128 : i32
    %eq3A_2261 = arith.constant 0 : i32
    %eq3A_2262 = arith.cmpi eq, %jit3A_2260, %eq3A_2261 : i32
    %jit3A_2263 = arith.constant 1 : i32
    %select_n3A_2264 = arith.select %eq3A_2262, %jit3A_2263, %jit3A_2260 : i32
    %rem3A_2265 = arith.remsi %squeeze3A_2259, %select_n3A_2264 : i32
    %ne3A_2266 = arith.constant 0 : i32
    %ne3A_2267 = arith.cmpi ne, %rem3A_2265, %ne3A_2266 : i32
    %lt3A_2268 = arith.constant 0 : i32
    %lt3A_2269 = arith.cmpi slt, %rem3A_2265, %lt3A_2268 : i32
    %lt3A_2270 = arith.constant 0 : i32
    %lt3A_2271 = arith.cmpi slt, %select_n3A_2264, %lt3A_2270 : i32
    %ne3A_2272 = arith.xori %lt3A_2269, %lt3A_2271 : i1
    %and3A_2273 = arith.andi %ne3A_2272, %ne3A_2267 : i1
    %add3A_2274 = arith.addi %rem3A_2265, %select_n3A_2264 : i32
    %select_n3A_2275 = arith.select %and3A_2273, %add3A_2274, %rem3A_2265 : i32
    %broadcast_in_dim3A_2276 = vector.broadcast %select_n3A_2275 : i32 to vector<16xi32>
    %add3A_2277 = arith.constant 0 : i32
    %add3A_2278 = vector.broadcast %add3A_2277 : i32 to vector<16xi32>
    %add3A_2279 = arith.addi %add3A_2278, %iota3A : vector<16xi32>
    %gather3A_2280 = arith.constant 1 : i32
    %gather3A_2281 = arith.constant 0 : i32
    %gather3A_2282 = arith.constant 0 : i32
    %gather3A_2283 = tpu.memref_slice %arg6[%gather3A_2280, %gather3A_2281, %gather3A_2282] : memref<4x80x128xf32, #tpu.memory_space<vmem>> -> memref<1x80x128xf32, #tpu.memory_space<vmem>>
    %gather3A_2284 = tpu.memref_squeeze %gather3A_2283 : memref<1x80x128xf32, #tpu.memory_space<vmem>> -> memref<80x128xf32, #tpu.memory_space<vmem>>
    %gather3A_2285 = tpu.vector_load_idx %gather3A_2284[%add3A_2279, %broadcast_in_dim3A_2276] : memref<80x128xf32, #tpu.memory_space<vmem>>[vector<16xi32>, vector<16xi32>], vector<16xf32>,
    %add3A_2286 = arith.constant 0 : i32
    %add3A_2287 = vector.broadcast %add3A_2286 : i32 to vector<16xi32>
    %add3A_2288 = arith.addi %add3A_2287, %iota3A : vector<16xi32>
    %broadcast_in_dim3A_2289 = arith.constant 13 : i32
    %broadcast_in_dim3A_2290 = vector.broadcast %broadcast_in_dim3A_2289 : i32 to vector<16xi32>
    tpu.vector_store_idx %arg7[%add3A_2288, %broadcast_in_dim3A_2290], %gather3A_2285 : memref<80x16xf32, #tpu.memory_space<vmem>>[vector<16xi32>, vector<16xi32>], vector<16xf32>,
    %add3A_2291 = arith.constant 16 : i32
    %add3A_2292 = vector.broadcast %add3A_2291 : i32 to vector<16xi32>
    %add3A_2293 = arith.addi %add3A_2292, %iota3A : vector<16xi32>
    %gather3A_2294 = arith.constant 1 : i32
    %gather3A_2295 = arith.constant 0 : i32
    %gather3A_2296 = arith.constant 0 : i32
    %gather3A_2297 = tpu.memref_slice %arg6[%gather3A_2294, %gather3A_2295, %gather3A_2296] : memref<4x80x128xf32, #tpu.memory_space<vmem>> -> memref<1x80x128xf32, #tpu.memory_space<vmem>>
    %gather3A_2298 = tpu.memref_squeeze %gather3A_2297 : memref<1x80x128xf32, #tpu.memory_space<vmem>> -> memref<80x128xf32, #tpu.memory_space<vmem>>
    %gather3A_2299 = tpu.vector_load_idx %gather3A_2298[%add3A_2293, %broadcast_in_dim3A_2276] : memref<80x128xf32, #tpu.memory_space<vmem>>[vector<16xi32>, vector<16xi32>], vector<16xf32>,
    %add3A_2300 = arith.constant 16 : i32
    %add3A_2301 = vector.broadcast %add3A_2300 : i32 to vector<16xi32>
    %add3A_2302 = arith.addi %add3A_2301, %iota3A : vector<16xi32>
    %broadcast_in_dim3A_2303 = arith.constant 13 : i32
    %broadcast_in_dim3A_2304 = vector.broadcast %broadcast_in_dim3A_2303 : i32 to vector<16xi32>
    tpu.vector_store_idx %arg7[%add3A_2302, %broadcast_in_dim3A_2304], %gather3A_2299 : memref<80x16xf32, #tpu.memory_space<vmem>>[vector<16xi32>, vector<16xi32>], vector<16xf32>,
    %add3A_2305 = arith.constant 32 : i32
    %add3A_2306 = vector.broadcast %add3A_2305 : i32 to vector<16xi32>
    %add3A_2307 = arith.addi %add3A_2306, %iota3A : vector<16xi32>
    %gather3A_2308 = arith.constant 1 : i32
    %gather3A_2309 = arith.constant 0 : i32
    %gather3A_2310 = arith.constant 0 : i32
    %gather3A_2311 = tpu.memref_slice %arg6[%gather3A_2308, %gather3A_2309, %gather3A_2310] : memref<4x80x128xf32, #tpu.memory_space<vmem>> -> memref<1x80x128xf32, #tpu.memory_space<vmem>>
    %gather3A_2312 = tpu.memref_squeeze %gather3A_2311 : memref<1x80x128xf32, #tpu.memory_space<vmem>> -> memref<80x128xf32, #tpu.memory_space<vmem>>
    %gather3A_2313 = tpu.vector_load_idx %gather3A_2312[%add3A_2307, %broadcast_in_dim3A_2276] : memref<80x128xf32, #tpu.memory_space<vmem>>[vector<16xi32>, vector<16xi32>], vector<16xf32>,
    %add3A_2314 = arith.constant 32 : i32
    %add3A_2315 = vector.broadcast %add3A_2314 : i32 to vector<16xi32>
    %add3A_2316 = arith.addi %add3A_2315, %iota3A : vector<16xi32>
    %broadcast_in_dim3A_2317 = arith.constant 13 : i32
    %broadcast_in_dim3A_2318 = vector.broadcast %broadcast_in_dim3A_2317 : i32 to vector<16xi32>
    tpu.vector_store_idx %arg7[%add3A_2316, %broadcast_in_dim3A_2318], %gather3A_2313 : memref<80x16xf32, #tpu.memory_space<vmem>>[vector<16xi32>, vector<16xi32>], vector<16xf32>,
    %add3A_2319 = arith.constant 48 : i32
    %add3A_2320 = vector.broadcast %add3A_2319 : i32 to vector<16xi32>
    %add3A_2321 = arith.addi %add3A_2320, %iota3A : vector<16xi32>
    %gather3A_2322 = arith.constant 1 : i32
    %gather3A_2323 = arith.constant 0 : i32
    %gather3A_2324 = arith.constant 0 : i32
    %gather3A_2325 = tpu.memref_slice %arg6[%gather3A_2322, %gather3A_2323, %gather3A_2324] : memref<4x80x128xf32, #tpu.memory_space<vmem>> -> memref<1x80x128xf32, #tpu.memory_space<vmem>>
    %gather3A_2326 = tpu.memref_squeeze %gather3A_2325 : memref<1x80x128xf32, #tpu.memory_space<vmem>> -> memref<80x128xf32, #tpu.memory_space<vmem>>
    %gather3A_2327 = tpu.vector_load_idx %gather3A_2326[%add3A_2321, %broadcast_in_dim3A_2276] : memref<80x128xf32, #tpu.memory_space<vmem>>[vector<16xi32>, vector<16xi32>], vector<16xf32>,
    %add3A_2328 = arith.constant 48 : i32
    %add3A_2329 = vector.broadcast %add3A_2328 : i32 to vector<16xi32>
    %add3A_2330 = arith.addi %add3A_2329, %iota3A : vector<16xi32>
    %broadcast_in_dim3A_2331 = arith.constant 13 : i32
    %broadcast_in_dim3A_2332 = vector.broadcast %broadcast_in_dim3A_2331 : i32 to vector<16xi32>
    tpu.vector_store_idx %arg7[%add3A_2330, %broadcast_in_dim3A_2332], %gather3A_2327 : memref<80x16xf32, #tpu.memory_space<vmem>>[vector<16xi32>, vector<16xi32>], vector<16xf32>,
    %add3A_2333 = arith.constant 64 : i32
    %add3A_2334 = vector.broadcast %add3A_2333 : i32 to vector<16xi32>
    %add3A_2335 = arith.addi %add3A_2334, %iota3A : vector<16xi32>
    %gather3A_2336 = arith.constant 1 : i32
    %gather3A_2337 = arith.constant 0 : i32
    %gather3A_2338 = arith.constant 0 : i32
    %gather3A_2339 = tpu.memref_slice %arg6[%gather3A_2336, %gather3A_2337, %gather3A_2338] : memref<4x80x128xf32, #tpu.memory_space<vmem>> -> memref<1x80x128xf32, #tpu.memory_space<vmem>>
    %gather3A_2340 = tpu.memref_squeeze %gather3A_2339 : memref<1x80x128xf32, #tpu.memory_space<vmem>> -> memref<80x128xf32, #tpu.memory_space<vmem>>
    %gather3A_2341 = tpu.vector_load_idx %gather3A_2340[%add3A_2335, %broadcast_in_dim3A_2276] : memref<80x128xf32, #tpu.memory_space<vmem>>[vector<16xi32>, vector<16xi32>], vector<16xf32>,
    %add3A_2342 = arith.constant 64 : i32
    %add3A_2343 = vector.broadcast %add3A_2342 : i32 to vector<16xi32>
    %add3A_2344 = arith.addi %add3A_2343, %iota3A : vector<16xi32>
    %broadcast_in_dim3A_2345 = arith.constant 13 : i32
    %broadcast_in_dim3A_2346 = vector.broadcast %broadcast_in_dim3A_2345 : i32 to vector<16xi32>
    tpu.vector_store_idx %arg7[%add3A_2344, %broadcast_in_dim3A_2346], %gather3A_2341 : memref<80x16xf32, #tpu.memory_space<vmem>>[vector<16xi32>, vector<16xi32>], vector<16xf32>,
    %dma_wait3A_2347 = arith.constant 2 : i32
    %dma_wait3A_2348 = arith.constant 0 : i32
    %dma_wait3A_2349 = arith.constant 0 : i32
    %dma_wait3A_2350 = tpu.memref_slice %arg6[%dma_wait3A_2347, %dma_wait3A_2348, %dma_wait3A_2349] : memref<4x80x128xf32, #tpu.memory_space<vmem>> -> memref<1x80x128xf32, #tpu.memory_space<vmem>>
    %dma_wait3A_2351 = tpu.memref_squeeze %dma_wait3A_2350 : memref<1x80x128xf32, #tpu.memory_space<vmem>> -> memref<80x128xf32, #tpu.memory_space<vmem>>
    %dma_wait3A_2352 = tpu.memref_slice %arg2[%multiple_of3A_1955, %multiple_of3A_1975] : memref<1280x8400xf32, #tpu.memory_space<hbm>> -> memref<80x128xf32, #tpu.memory_space<hbm>>
    %dma_wait3A_2353 = arith.constant 0 : i32
    %dma_wait3A_2354 = arith.constant 0 : i32
    %dma_wait3A_2355 = tpu.memref_slice %arg6[%dma_wait3A_2347, %dma_wait3A_2353, %dma_wait3A_2354] : memref<4x80x128xf32, #tpu.memory_space<vmem>> -> memref<1x80x128xf32, #tpu.memory_space<vmem>>
    %dma_wait3A_2356 = tpu.memref_squeeze %dma_wait3A_2355 : memref<1x80x128xf32, #tpu.memory_space<vmem>> -> memref<80x128xf32, #tpu.memory_space<vmem>>
    %dma_wait3A_2357 = tpu.memref_slice %arg2[%multiple_of3A_1955, %multiple_of3A_1975] : memref<1280x8400xf32, #tpu.memory_space<hbm>> -> memref<80x128xf32, #tpu.memory_space<hbm>>
    tpu.wait_dma2 semaphore(%arg8 : memref<!tpu.dma_semaphore, #tpu.memory_space<semaphore_mem>>) src(%dma_wait3A_2357 : memref<80x128xf32, #tpu.memory_space<hbm>>) dst(%dma_wait3A_2356 : memref<80x128xf32, #tpu.memory_space<vmem>>)
    %slice3A_2358 = vector.extract_strided_slice %get3A_3 {offsets = [14], sizes = [1], strides = [1]} : vector<16xi32> to vector<1xi32>
    %squeeze3A_2359 = vector.extract %slice3A_2358[0] : i32 from vector<1xi32>
    %jit3A_2360 = arith.constant 128 : i32
    %eq3A_2361 = arith.constant 0 : i32
    %eq3A_2362 = arith.cmpi eq, %jit3A_2360, %eq3A_2361 : i32
    %jit3A_2363 = arith.constant 1 : i32
    %select_n3A_2364 = arith.select %eq3A_2362, %jit3A_2363, %jit3A_2360 : i32
    %rem3A_2365 = arith.remsi %squeeze3A_2359, %select_n3A_2364 : i32
    %ne3A_2366 = arith.constant 0 : i32
    %ne3A_2367 = arith.cmpi ne, %rem3A_2365, %ne3A_2366 : i32
    %lt3A_2368 = arith.constant 0 : i32
    %lt3A_2369 = arith.cmpi slt, %rem3A_2365, %lt3A_2368 : i32
    %lt3A_2370 = arith.constant 0 : i32
    %lt3A_2371 = arith.cmpi slt, %select_n3A_2364, %lt3A_2370 : i32
    %ne3A_2372 = arith.xori %lt3A_2369, %lt3A_2371 : i1
    %and3A_2373 = arith.andi %ne3A_2372, %ne3A_2367 : i1
    %add3A_2374 = arith.addi %rem3A_2365, %select_n3A_2364 : i32
    %select_n3A_2375 = arith.select %and3A_2373, %add3A_2374, %rem3A_2365 : i32
    %broadcast_in_dim3A_2376 = vector.broadcast %select_n3A_2375 : i32 to vector<16xi32>
    %add3A_2377 = arith.constant 0 : i32
    %add3A_2378 = vector.broadcast %add3A_2377 : i32 to vector<16xi32>
    %add3A_2379 = arith.addi %add3A_2378, %iota3A : vector<16xi32>
    %gather3A_2380 = arith.constant 2 : i32
    %gather3A_2381 = arith.constant 0 : i32
    %gather3A_2382 = arith.constant 0 : i32
    %gather3A_2383 = tpu.memref_slice %arg6[%gather3A_2380, %gather3A_2381, %gather3A_2382] : memref<4x80x128xf32, #tpu.memory_space<vmem>> -> memref<1x80x128xf32, #tpu.memory_space<vmem>>
    %gather3A_2384 = tpu.memref_squeeze %gather3A_2383 : memref<1x80x128xf32, #tpu.memory_space<vmem>> -> memref<80x128xf32, #tpu.memory_space<vmem>>
    %gather3A_2385 = tpu.vector_load_idx %gather3A_2384[%add3A_2379, %broadcast_in_dim3A_2376] : memref<80x128xf32, #tpu.memory_space<vmem>>[vector<16xi32>, vector<16xi32>], vector<16xf32>,
    %add3A_2386 = arith.constant 0 : i32
    %add3A_2387 = vector.broadcast %add3A_2386 : i32 to vector<16xi32>
    %add3A_2388 = arith.addi %add3A_2387, %iota3A : vector<16xi32>
    %broadcast_in_dim3A_2389 = arith.constant 14 : i32
    %broadcast_in_dim3A_2390 = vector.broadcast %broadcast_in_dim3A_2389 : i32 to vector<16xi32>
    tpu.vector_store_idx %arg7[%add3A_2388, %broadcast_in_dim3A_2390], %gather3A_2385 : memref<80x16xf32, #tpu.memory_space<vmem>>[vector<16xi32>, vector<16xi32>], vector<16xf32>,
    %add3A_2391 = arith.constant 16 : i32
    %add3A_2392 = vector.broadcast %add3A_2391 : i32 to vector<16xi32>
    %add3A_2393 = arith.addi %add3A_2392, %iota3A : vector<16xi32>
    %gather3A_2394 = arith.constant 2 : i32
    %gather3A_2395 = arith.constant 0 : i32
    %gather3A_2396 = arith.constant 0 : i32
    %gather3A_2397 = tpu.memref_slice %arg6[%gather3A_2394, %gather3A_2395, %gather3A_2396] : memref<4x80x128xf32, #tpu.memory_space<vmem>> -> memref<1x80x128xf32, #tpu.memory_space<vmem>>
    %gather3A_2398 = tpu.memref_squeeze %gather3A_2397 : memref<1x80x128xf32, #tpu.memory_space<vmem>> -> memref<80x128xf32, #tpu.memory_space<vmem>>
    %gather3A_2399 = tpu.vector_load_idx %gather3A_2398[%add3A_2393, %broadcast_in_dim3A_2376] : memref<80x128xf32, #tpu.memory_space<vmem>>[vector<16xi32>, vector<16xi32>], vector<16xf32>,
    %add3A_2400 = arith.constant 16 : i32
    %add3A_2401 = vector.broadcast %add3A_2400 : i32 to vector<16xi32>
    %add3A_2402 = arith.addi %add3A_2401, %iota3A : vector<16xi32>
    %broadcast_in_dim3A_2403 = arith.constant 14 : i32
    %broadcast_in_dim3A_2404 = vector.broadcast %broadcast_in_dim3A_2403 : i32 to vector<16xi32>
    tpu.vector_store_idx %arg7[%add3A_2402, %broadcast_in_dim3A_2404], %gather3A_2399 : memref<80x16xf32, #tpu.memory_space<vmem>>[vector<16xi32>, vector<16xi32>], vector<16xf32>,
    %add3A_2405 = arith.constant 32 : i32
    %add3A_2406 = vector.broadcast %add3A_2405 : i32 to vector<16xi32>
    %add3A_2407 = arith.addi %add3A_2406, %iota3A : vector<16xi32>
    %gather3A_2408 = arith.constant 2 : i32
    %gather3A_2409 = arith.constant 0 : i32
    %gather3A_2410 = arith.constant 0 : i32
    %gather3A_2411 = tpu.memref_slice %arg6[%gather3A_2408, %gather3A_2409, %gather3A_2410] : memref<4x80x128xf32, #tpu.memory_space<vmem>> -> memref<1x80x128xf32, #tpu.memory_space<vmem>>
    %gather3A_2412 = tpu.memref_squeeze %gather3A_2411 : memref<1x80x128xf32, #tpu.memory_space<vmem>> -> memref<80x128xf32, #tpu.memory_space<vmem>>
    %gather3A_2413 = tpu.vector_load_idx %gather3A_2412[%add3A_2407, %broadcast_in_dim3A_2376] : memref<80x128xf32, #tpu.memory_space<vmem>>[vector<16xi32>, vector<16xi32>], vector<16xf32>,
    %add3A_2414 = arith.constant 32 : i32
    %add3A_2415 = vector.broadcast %add3A_2414 : i32 to vector<16xi32>
    %add3A_2416 = arith.addi %add3A_2415, %iota3A : vector<16xi32>
    %broadcast_in_dim3A_2417 = arith.constant 14 : i32
    %broadcast_in_dim3A_2418 = vector.broadcast %broadcast_in_dim3A_2417 : i32 to vector<16xi32>
    tpu.vector_store_idx %arg7[%add3A_2416, %broadcast_in_dim3A_2418], %gather3A_2413 : memref<80x16xf32, #tpu.memory_space<vmem>>[vector<16xi32>, vector<16xi32>], vector<16xf32>,
    %add3A_2419 = arith.constant 48 : i32
    %add3A_2420 = vector.broadcast %add3A_2419 : i32 to vector<16xi32>
    %add3A_2421 = arith.addi %add3A_2420, %iota3A : vector<16xi32>
    %gather3A_2422 = arith.constant 2 : i32
    %gather3A_2423 = arith.constant 0 : i32
    %gather3A_2424 = arith.constant 0 : i32
    %gather3A_2425 = tpu.memref_slice %arg6[%gather3A_2422, %gather3A_2423, %gather3A_2424] : memref<4x80x128xf32, #tpu.memory_space<vmem>> -> memref<1x80x128xf32, #tpu.memory_space<vmem>>
    %gather3A_2426 = tpu.memref_squeeze %gather3A_2425 : memref<1x80x128xf32, #tpu.memory_space<vmem>> -> memref<80x128xf32, #tpu.memory_space<vmem>>
    %gather3A_2427 = tpu.vector_load_idx %gather3A_2426[%add3A_2421, %broadcast_in_dim3A_2376] : memref<80x128xf32, #tpu.memory_space<vmem>>[vector<16xi32>, vector<16xi32>], vector<16xf32>,
    %add3A_2428 = arith.constant 48 : i32
    %add3A_2429 = vector.broadcast %add3A_2428 : i32 to vector<16xi32>
    %add3A_2430 = arith.addi %add3A_2429, %iota3A : vector<16xi32>
    %broadcast_in_dim3A_2431 = arith.constant 14 : i32
    %broadcast_in_dim3A_2432 = vector.broadcast %broadcast_in_dim3A_2431 : i32 to vector<16xi32>
    tpu.vector_store_idx %arg7[%add3A_2430, %broadcast_in_dim3A_2432], %gather3A_2427 : memref<80x16xf32, #tpu.memory_space<vmem>>[vector<16xi32>, vector<16xi32>], vector<16xf32>,
    %add3A_2433 = arith.constant 64 : i32
    %add3A_2434 = vector.broadcast %add3A_2433 : i32 to vector<16xi32>
    %add3A_2435 = arith.addi %add3A_2434, %iota3A : vector<16xi32>
    %gather3A_2436 = arith.constant 2 : i32
    %gather3A_2437 = arith.constant 0 : i32
    %gather3A_2438 = arith.constant 0 : i32
    %gather3A_2439 = tpu.memref_slice %arg6[%gather3A_2436, %gather3A_2437, %gather3A_2438] : memref<4x80x128xf32, #tpu.memory_space<vmem>> -> memref<1x80x128xf32, #tpu.memory_space<vmem>>
    %gather3A_2440 = tpu.memref_squeeze %gather3A_2439 : memref<1x80x128xf32, #tpu.memory_space<vmem>> -> memref<80x128xf32, #tpu.memory_space<vmem>>
    %gather3A_2441 = tpu.vector_load_idx %gather3A_2440[%add3A_2435, %broadcast_in_dim3A_2376] : memref<80x128xf32, #tpu.memory_space<vmem>>[vector<16xi32>, vector<16xi32>], vector<16xf32>,
    %add3A_2442 = arith.constant 64 : i32
    %add3A_2443 = vector.broadcast %add3A_2442 : i32 to vector<16xi32>
    %add3A_2444 = arith.addi %add3A_2443, %iota3A : vector<16xi32>
    %broadcast_in_dim3A_2445 = arith.constant 14 : i32
    %broadcast_in_dim3A_2446 = vector.broadcast %broadcast_in_dim3A_2445 : i32 to vector<16xi32>
    tpu.vector_store_idx %arg7[%add3A_2444, %broadcast_in_dim3A_2446], %gather3A_2441 : memref<80x16xf32, #tpu.memory_space<vmem>>[vector<16xi32>, vector<16xi32>], vector<16xf32>,
    %dma_wait3A_2447 = arith.constant 3 : i32
    %dma_wait3A_2448 = arith.constant 0 : i32
    %dma_wait3A_2449 = arith.constant 0 : i32
    %dma_wait3A_2450 = tpu.memref_slice %arg6[%dma_wait3A_2447, %dma_wait3A_2448, %dma_wait3A_2449] : memref<4x80x128xf32, #tpu.memory_space<vmem>> -> memref<1x80x128xf32, #tpu.memory_space<vmem>>
    %dma_wait3A_2451 = tpu.memref_squeeze %dma_wait3A_2450 : memref<1x80x128xf32, #tpu.memory_space<vmem>> -> memref<80x128xf32, #tpu.memory_space<vmem>>
    %dma_wait3A_2452 = tpu.memref_slice %arg2[%multiple_of3A_2115, %multiple_of3A_2135] : memref<1280x8400xf32, #tpu.memory_space<hbm>> -> memref<80x128xf32, #tpu.memory_space<hbm>>
    %dma_wait3A_2453 = arith.constant 0 : i32
    %dma_wait3A_2454 = arith.constant 0 : i32
    %dma_wait3A_2455 = tpu.memref_slice %arg6[%dma_wait3A_2447, %dma_wait3A_2453, %dma_wait3A_2454] : memref<4x80x128xf32, #tpu.memory_space<vmem>> -> memref<1x80x128xf32, #tpu.memory_space<vmem>>
    %dma_wait3A_2456 = tpu.memref_squeeze %dma_wait3A_2455 : memref<1x80x128xf32, #tpu.memory_space<vmem>> -> memref<80x128xf32, #tpu.memory_space<vmem>>
    %dma_wait3A_2457 = tpu.memref_slice %arg2[%multiple_of3A_2115, %multiple_of3A_2135] : memref<1280x8400xf32, #tpu.memory_space<hbm>> -> memref<80x128xf32, #tpu.memory_space<hbm>>
    tpu.wait_dma2 semaphore(%arg8 : memref<!tpu.dma_semaphore, #tpu.memory_space<semaphore_mem>>) src(%dma_wait3A_2457 : memref<80x128xf32, #tpu.memory_space<hbm>>) dst(%dma_wait3A_2456 : memref<80x128xf32, #tpu.memory_space<vmem>>)
    %slice3A_2458 = vector.extract_strided_slice %get3A_3 {offsets = [15], sizes = [1], strides = [1]} : vector<16xi32> to vector<1xi32>
    %squeeze3A_2459 = vector.extract %slice3A_2458[0] : i32 from vector<1xi32>
    %jit3A_2460 = arith.constant 128 : i32
    %eq3A_2461 = arith.constant 0 : i32
    %eq3A_2462 = arith.cmpi eq, %jit3A_2460, %eq3A_2461 : i32
    %jit3A_2463 = arith.constant 1 : i32
    %select_n3A_2464 = arith.select %eq3A_2462, %jit3A_2463, %jit3A_2460 : i32
    %rem3A_2465 = arith.remsi %squeeze3A_2459, %select_n3A_2464 : i32
    %ne3A_2466 = arith.constant 0 : i32
    %ne3A_2467 = arith.cmpi ne, %rem3A_2465, %ne3A_2466 : i32
    %lt3A_2468 = arith.constant 0 : i32
    %lt3A_2469 = arith.cmpi slt, %rem3A_2465, %lt3A_2468 : i32
    %lt3A_2470 = arith.constant 0 : i32
    %lt3A_2471 = arith.cmpi slt, %select_n3A_2464, %lt3A_2470 : i32
    %ne3A_2472 = arith.xori %lt3A_2469, %lt3A_2471 : i1
    %and3A_2473 = arith.andi %ne3A_2472, %ne3A_2467 : i1
    %add3A_2474 = arith.addi %rem3A_2465, %select_n3A_2464 : i32
    %select_n3A_2475 = arith.select %and3A_2473, %add3A_2474, %rem3A_2465 : i32
    %broadcast_in_dim3A_2476 = vector.broadcast %select_n3A_2475 : i32 to vector<16xi32>
    %add3A_2477 = arith.constant 0 : i32
    %add3A_2478 = vector.broadcast %add3A_2477 : i32 to vector<16xi32>
    %add3A_2479 = arith.addi %add3A_2478, %iota3A : vector<16xi32>
    %gather3A_2480 = arith.constant 3 : i32
    %gather3A_2481 = arith.constant 0 : i32
    %gather3A_2482 = arith.constant 0 : i32
    %gather3A_2483 = tpu.memref_slice %arg6[%gather3A_2480, %gather3A_2481, %gather3A_2482] : memref<4x80x128xf32, #tpu.memory_space<vmem>> -> memref<1x80x128xf32, #tpu.memory_space<vmem>>
    %gather3A_2484 = tpu.memref_squeeze %gather3A_2483 : memref<1x80x128xf32, #tpu.memory_space<vmem>> -> memref<80x128xf32, #tpu.memory_space<vmem>>
    %gather3A_2485 = tpu.vector_load_idx %gather3A_2484[%add3A_2479, %broadcast_in_dim3A_2476] : memref<80x128xf32, #tpu.memory_space<vmem>>[vector<16xi32>, vector<16xi32>], vector<16xf32>,
    %add3A_2486 = arith.constant 0 : i32
    %add3A_2487 = vector.broadcast %add3A_2486 : i32 to vector<16xi32>
    %add3A_2488 = arith.addi %add3A_2487, %iota3A : vector<16xi32>
    %broadcast_in_dim3A_2489 = arith.constant 15 : i32
    %broadcast_in_dim3A_2490 = vector.broadcast %broadcast_in_dim3A_2489 : i32 to vector<16xi32>
    tpu.vector_store_idx %arg7[%add3A_2488, %broadcast_in_dim3A_2490], %gather3A_2485 : memref<80x16xf32, #tpu.memory_space<vmem>>[vector<16xi32>, vector<16xi32>], vector<16xf32>,
    %add3A_2491 = arith.constant 16 : i32
    %add3A_2492 = vector.broadcast %add3A_2491 : i32 to vector<16xi32>
    %add3A_2493 = arith.addi %add3A_2492, %iota3A : vector<16xi32>
    %gather3A_2494 = arith.constant 3 : i32
    %gather3A_2495 = arith.constant 0 : i32
    %gather3A_2496 = arith.constant 0 : i32
    %gather3A_2497 = tpu.memref_slice %arg6[%gather3A_2494, %gather3A_2495, %gather3A_2496] : memref<4x80x128xf32, #tpu.memory_space<vmem>> -> memref<1x80x128xf32, #tpu.memory_space<vmem>>
    %gather3A_2498 = tpu.memref_squeeze %gather3A_2497 : memref<1x80x128xf32, #tpu.memory_space<vmem>> -> memref<80x128xf32, #tpu.memory_space<vmem>>
    %gather3A_2499 = tpu.vector_load_idx %gather3A_2498[%add3A_2493, %broadcast_in_dim3A_2476] : memref<80x128xf32, #tpu.memory_space<vmem>>[vector<16xi32>, vector<16xi32>], vector<16xf32>,
    %add3A_2500 = arith.constant 16 : i32
    %add3A_2501 = vector.broadcast %add3A_2500 : i32 to vector<16xi32>
    %add3A_2502 = arith.addi %add3A_2501, %iota3A : vector<16xi32>
    %broadcast_in_dim3A_2503 = arith.constant 15 : i32
    %broadcast_in_dim3A_2504 = vector.broadcast %broadcast_in_dim3A_2503 : i32 to vector<16xi32>
    tpu.vector_store_idx %arg7[%add3A_2502, %broadcast_in_dim3A_2504], %gather3A_2499 : memref<80x16xf32, #tpu.memory_space<vmem>>[vector<16xi32>, vector<16xi32>], vector<16xf32>,
    %add3A_2505 = arith.constant 32 : i32
    %add3A_2506 = vector.broadcast %add3A_2505 : i32 to vector<16xi32>
    %add3A_2507 = arith.addi %add3A_2506, %iota3A : vector<16xi32>
    %gather3A_2508 = arith.constant 3 : i32
    %gather3A_2509 = arith.constant 0 : i32
    %gather3A_2510 = arith.constant 0 : i32
    %gather3A_2511 = tpu.memref_slice %arg6[%gather3A_2508, %gather3A_2509, %gather3A_2510] : memref<4x80x128xf32, #tpu.memory_space<vmem>> -> memref<1x80x128xf32, #tpu.memory_space<vmem>>
    %gather3A_2512 = tpu.memref_squeeze %gather3A_2511 : memref<1x80x128xf32, #tpu.memory_space<vmem>> -> memref<80x128xf32, #tpu.memory_space<vmem>>
    %gather3A_2513 = tpu.vector_load_idx %gather3A_2512[%add3A_2507, %broadcast_in_dim3A_2476] : memref<80x128xf32, #tpu.memory_space<vmem>>[vector<16xi32>, vector<16xi32>], vector<16xf32>,
    %add3A_2514 = arith.constant 32 : i32
    %add3A_2515 = vector.broadcast %add3A_2514 : i32 to vector<16xi32>
    %add3A_2516 = arith.addi %add3A_2515, %iota3A : vector<16xi32>
    %broadcast_in_dim3A_2517 = arith.constant 15 : i32
    %broadcast_in_dim3A_2518 = vector.broadcast %broadcast_in_dim3A_2517 : i32 to vector<16xi32>
    tpu.vector_store_idx %arg7[%add3A_2516, %broadcast_in_dim3A_2518], %gather3A_2513 : memref<80x16xf32, #tpu.memory_space<vmem>>[vector<16xi32>, vector<16xi32>], vector<16xf32>,
    %add3A_2519 = arith.constant 48 : i32
    %add3A_2520 = vector.broadcast %add3A_2519 : i32 to vector<16xi32>
    %add3A_2521 = arith.addi %add3A_2520, %iota3A : vector<16xi32>
    %gather3A_2522 = arith.constant 3 : i32
    %gather3A_2523 = arith.constant 0 : i32
    %gather3A_2524 = arith.constant 0 : i32
    %gather3A_2525 = tpu.memref_slice %arg6[%gather3A_2522, %gather3A_2523, %gather3A_2524] : memref<4x80x128xf32, #tpu.memory_space<vmem>> -> memref<1x80x128xf32, #tpu.memory_space<vmem>>
    %gather3A_2526 = tpu.memref_squeeze %gather3A_2525 : memref<1x80x128xf32, #tpu.memory_space<vmem>> -> memref<80x128xf32, #tpu.memory_space<vmem>>
    %gather3A_2527 = tpu.vector_load_idx %gather3A_2526[%add3A_2521, %broadcast_in_dim3A_2476] : memref<80x128xf32, #tpu.memory_space<vmem>>[vector<16xi32>, vector<16xi32>], vector<16xf32>,
    %add3A_2528 = arith.constant 48 : i32
    %add3A_2529 = vector.broadcast %add3A_2528 : i32 to vector<16xi32>
    %add3A_2530 = arith.addi %add3A_2529, %iota3A : vector<16xi32>
    %broadcast_in_dim3A_2531 = arith.constant 15 : i32
    %broadcast_in_dim3A_2532 = vector.broadcast %broadcast_in_dim3A_2531 : i32 to vector<16xi32>
    tpu.vector_store_idx %arg7[%add3A_2530, %broadcast_in_dim3A_2532], %gather3A_2527 : memref<80x16xf32, #tpu.memory_space<vmem>>[vector<16xi32>, vector<16xi32>], vector<16xf32>,
    %add3A_2533 = arith.constant 64 : i32
    %add3A_2534 = vector.broadcast %add3A_2533 : i32 to vector<16xi32>
    %add3A_2535 = arith.addi %add3A_2534, %iota3A : vector<16xi32>
    %gather3A_2536 = arith.constant 3 : i32
    %gather3A_2537 = arith.constant 0 : i32
    %gather3A_2538 = arith.constant 0 : i32
    %gather3A_2539 = tpu.memref_slice %arg6[%gather3A_2536, %gather3A_2537, %gather3A_2538] : memref<4x80x128xf32, #tpu.memory_space<vmem>> -> memref<1x80x128xf32, #tpu.memory_space<vmem>>
    %gather3A_2540 = tpu.memref_squeeze %gather3A_2539 : memref<1x80x128xf32, #tpu.memory_space<vmem>> -> memref<80x128xf32, #tpu.memory_space<vmem>>
    %gather3A_2541 = tpu.vector_load_idx %gather3A_2540[%add3A_2535, %broadcast_in_dim3A_2476] : memref<80x128xf32, #tpu.memory_space<vmem>>[vector<16xi32>, vector<16xi32>], vector<16xf32>,
    %add3A_2542 = arith.constant 64 : i32
    %add3A_2543 = vector.broadcast %add3A_2542 : i32 to vector<16xi32>
    %add3A_2544 = arith.addi %add3A_2543, %iota3A : vector<16xi32>
    %broadcast_in_dim3A_2545 = arith.constant 15 : i32
    %broadcast_in_dim3A_2546 = vector.broadcast %broadcast_in_dim3A_2545 : i32 to vector<16xi32>
    tpu.vector_store_idx %arg7[%add3A_2544, %broadcast_in_dim3A_2546], %gather3A_2541 : memref<80x16xf32, #tpu.memory_space<vmem>>[vector<16xi32>, vector<16xi32>], vector<16xf32>,
    "tpu.region"() ({
      %run_scoped3A = tpu.sem_alloc : memref<!tpu.dma_semaphore, #tpu.memory_space<semaphore_mem>>
      %dma_start3A_2547 = arith.constant 0 : i32
      %dma_start3A_2548 = arith.constant 0 : i32
      %dma_start3A_2549 = tpu.memref_slice %arg4[%add3A, %dma_start3A_2547, %dma_start3A_2548] : memref<32x80x16xf32, #tpu.memory_space<hbm>> -> memref<1x80x16xf32, #tpu.memory_space<hbm>>
      %dma_start3A_2550 = tpu.memref_squeeze %dma_start3A_2549 : memref<1x80x16xf32, #tpu.memory_space<hbm>> -> memref<80x16xf32, #tpu.memory_space<hbm>>
      %dma_start3A_2551 = arith.constant 0 : i32
      %dma_start3A_2552 = arith.constant 0 : i32
      %dma_start3A_2553 = tpu.memref_slice %arg4[%add3A, %dma_start3A_2551, %dma_start3A_2552] : memref<32x80x16xf32, #tpu.memory_space<hbm>> -> memref<1x80x16xf32, #tpu.memory_space<hbm>>
      %dma_start3A_2554 = tpu.memref_squeeze %dma_start3A_2553 : memref<1x80x16xf32, #tpu.memory_space<hbm>> -> memref<80x16xf32, #tpu.memory_space<hbm>>
      tpu.enqueue_dma source(%arg7 : memref<80x16xf32, #tpu.memory_space<vmem>>) target(%dma_start3A_2554 : memref<80x16xf32, #tpu.memory_space<hbm>>) target_semaphore(%run_scoped3A : memref<!tpu.dma_semaphore, #tpu.memory_space<semaphore_mem>>)
      %dma_wait3A_2555 = arith.constant 0 : i32
      %dma_wait3A_2556 = arith.constant 0 : i32
      %dma_wait3A_2557 = tpu.memref_slice %arg4[%add3A, %dma_wait3A_2555, %dma_wait3A_2556] : memref<32x80x16xf32, #tpu.memory_space<hbm>> -> memref<1x80x16xf32, #tpu.memory_space<hbm>>
      %dma_wait3A_2558 = tpu.memref_squeeze %dma_wait3A_2557 : memref<1x80x16xf32, #tpu.memory_space<hbm>> -> memref<80x16xf32, #tpu.memory_space<hbm>>
      %dma_wait3A_2559 = arith.constant 0 : i32
      %dma_wait3A_2560 = arith.constant 0 : i32
      %dma_wait3A_2561 = tpu.memref_slice %arg4[%add3A, %dma_wait3A_2559, %dma_wait3A_2560] : memref<32x80x16xf32, #tpu.memory_space<hbm>> -> memref<1x80x16xf32, #tpu.memory_space<hbm>>
      %dma_wait3A_2562 = tpu.memref_squeeze %dma_wait3A_2561 : memref<1x80x16xf32, #tpu.memory_space<hbm>> -> memref<80x16xf32, #tpu.memory_space<hbm>>
      tpu.wait_dma2 semaphore(%run_scoped3A : memref<!tpu.dma_semaphore, #tpu.memory_space<semaphore_mem>>) src(%arg7 : memref<80x16xf32, #tpu.memory_space<vmem>>) dst(%dma_wait3A_2562 : memref<80x16xf32, #tpu.memory_space<hbm>>)
      tpu.yield
    }) : () -> ()
    return
  }
}

module attributes {stable_mosaic.version = 14 : i64} {
  func.func @_argmax_body(%arg0: i32, %arg1: memref<2x4x8400xf32, #tpu.memory_space<vmem>>, %arg2: memref<2x32x4xf32, #tpu.memory_space<vmem>>, %arg3: memref<2x1x32xi32, #tpu.memory_space<vmem>>, %arg4: memref<2x32x1xi32, #tpu.memory_space<vmem>>) attributes {dimension_semantics = [#tpu.dimension_semantics<parallel>], iteration_bounds = array<i64: 8>, scalar_prefetch = 0 : i64, scratch_operands = 0 : i64, tpu.core_type = #tpu.core_type<tc>, window_params = [{transform_indices = @transform_0, window_bounds = array<i64: 2, 4, 8400>}, {transform_indices = @transform_1, window_bounds = array<i64: 2, 32, 4>}, {transform_indices = @transform_2, window_bounds = array<i64: 2, 1, 32>}, {transform_indices = @transform_3, window_bounds = array<i64: 2, 32, 1>}]} {
    %get3A = arith.constant 0 : index
    %get3A_0 = arith.constant 0 : index
    %get3A_1 = arith.constant 0 : index
    %get3A_2 = vector.load %arg1[%get3A, %get3A_0, %get3A_1] : memref<2x4x8400xf32, #tpu.memory_space<vmem>>, vector<1x1x8400xf32>
    %get3A_3 = vector.shape_cast %get3A_2 : vector<1x1x8400xf32> to vector<1x8400xf32>
    %get3A_4 = arith.constant 0 : index
    %get3A_5 = arith.constant 1 : index
    %get3A_6 = arith.constant 0 : index
    %get3A_7 = vector.load %arg1[%get3A_4, %get3A_5, %get3A_6] : memref<2x4x8400xf32, #tpu.memory_space<vmem>>, vector<1x1x8400xf32>
    %get3A_8 = vector.shape_cast %get3A_7 : vector<1x1x8400xf32> to vector<1x8400xf32>
    %get3A_9 = arith.constant 0 : index
    %get3A_10 = arith.constant 2 : index
    %get3A_11 = arith.constant 0 : index
    %get3A_12 = vector.load %arg1[%get3A_9, %get3A_10, %get3A_11] : memref<2x4x8400xf32, #tpu.memory_space<vmem>>, vector<1x1x8400xf32>
    %get3A_13 = vector.shape_cast %get3A_12 : vector<1x1x8400xf32> to vector<1x8400xf32>
    %get3A_14 = arith.constant 0 : index
    %get3A_15 = arith.constant 3 : index
    %get3A_16 = arith.constant 0 : index
    %get3A_17 = vector.load %arg1[%get3A_14, %get3A_15, %get3A_16] : memref<2x4x8400xf32, #tpu.memory_space<vmem>>, vector<1x1x8400xf32>
    %get3A_18 = vector.shape_cast %get3A_17 : vector<1x1x8400xf32> to vector<1x8400xf32>
    %get3A_19 = arith.constant 0 : index
    %get3A_20 = arith.constant 0 : index
    %get3A_21 = arith.constant 0 : index
    %get3A_22 = vector.load %arg2[%get3A_19, %get3A_20, %get3A_21] : memref<2x32x4xf32, #tpu.memory_space<vmem>>, vector<1x32x4xf32>
    %get3A_23 = vector.shape_cast %get3A_22 : vector<1x32x4xf32> to vector<32x4xf32>
    %slice3A = vector.extract_strided_slice %get3A_23 {offsets = [0, 0], sizes = [32, 1], strides = [1, 1]} : vector<32x4xf32> to vector<32x1xf32>
    %slice3A_24 = vector.extract_strided_slice %get3A_23 {offsets = [0, 1], sizes = [32, 1], strides = [1, 1]} : vector<32x4xf32> to vector<32x1xf32>
    %slice3A_25 = vector.extract_strided_slice %get3A_23 {offsets = [0, 2], sizes = [32, 1], strides = [1, 1]} : vector<32x4xf32> to vector<32x1xf32>
    %slice3A_26 = vector.extract_strided_slice %get3A_23 {offsets = [0, 3], sizes = [32, 1], strides = [1, 1]} : vector<32x4xf32> to vector<32x1xf32>
    %sub3A = arith.subf %get3A_13, %get3A_3 : vector<1x8400xf32>
    %sub3A_27 = arith.subf %get3A_18, %get3A_8 : vector<1x8400xf32>
    %mul3A = arith.mulf %sub3A, %sub3A_27 : vector<1x8400xf32>
    %sub3A_28 = arith.subf %slice3A_25, %slice3A : vector<32x1xf32>
    %sub3A_29 = arith.subf %slice3A_26, %slice3A_24 : vector<32x1xf32>
    %mul3A_30 = arith.mulf %sub3A_28, %sub3A_29 : vector<32x1xf32>
    %max3A = vector.broadcast %get3A_3 : vector<1x8400xf32> to vector<32x8400xf32>
    %max3A_31 = vector.broadcast %slice3A : vector<32x1xf32> to vector<32x8400xf32>
    %max3A_32 = arith.maximumf %max3A, %max3A_31 : vector<32x8400xf32>
    %max3A_33 = vector.broadcast %get3A_8 : vector<1x8400xf32> to vector<32x8400xf32>
    %max3A_34 = vector.broadcast %slice3A_24 : vector<32x1xf32> to vector<32x8400xf32>
    %max3A_35 = arith.maximumf %max3A_33, %max3A_34 : vector<32x8400xf32>
    %min3A = vector.broadcast %get3A_13 : vector<1x8400xf32> to vector<32x8400xf32>
    %min3A_36 = vector.broadcast %slice3A_25 : vector<32x1xf32> to vector<32x8400xf32>
    %min3A_37 = arith.minimumf %min3A, %min3A_36 : vector<32x8400xf32>
    %min3A_38 = vector.broadcast %get3A_18 : vector<1x8400xf32> to vector<32x8400xf32>
    %min3A_39 = vector.broadcast %slice3A_26 : vector<32x1xf32> to vector<32x8400xf32>
    %min3A_40 = arith.minimumf %min3A_38, %min3A_39 : vector<32x8400xf32>
    %sub3A_41 = arith.subf %min3A_37, %max3A_32 : vector<32x8400xf32>
    %max3A_42 = arith.constant 0.000000e+00 : f32
    %max3A_43 = vector.broadcast %max3A_42 : f32 to vector<32x8400xf32>
    %max3A_44 = arith.maximumf %sub3A_41, %max3A_43 : vector<32x8400xf32>
    %sub3A_45 = arith.subf %min3A_40, %max3A_35 : vector<32x8400xf32>
    %max3A_46 = arith.constant 0.000000e+00 : f32
    %max3A_47 = vector.broadcast %max3A_46 : f32 to vector<32x8400xf32>
    %max3A_48 = arith.maximumf %sub3A_45, %max3A_47 : vector<32x8400xf32>
    %mul3A_49 = arith.mulf %max3A_44, %max3A_48 : vector<32x8400xf32>
    %add3A = vector.broadcast %mul3A : vector<1x8400xf32> to vector<32x8400xf32>
    %add3A_50 = vector.broadcast %mul3A_30 : vector<32x1xf32> to vector<32x8400xf32>
    %add3A_51 = arith.addf %add3A, %add3A_50 : vector<32x8400xf32>
    %sub3A_52 = arith.subf %add3A_51, %mul3A_49 : vector<32x8400xf32>
    %add3A_53 = arith.constant 9.99999997E-7 : f32
    %add3A_54 = vector.broadcast %add3A_53 : f32 to vector<32x8400xf32>
    %add3A_55 = arith.addf %sub3A_52, %add3A_54 : vector<32x8400xf32>
    %div3A = arith.divf %mul3A_49, %add3A_55 : vector<32x8400xf32>
    %reduce_max3A = arith.constant dense<0xFF800000> : vector<32xf32>
    %reduce_max3A_56 = vector.multi_reduction <maximumf>, %div3A, %reduce_max3A [1] : vector<32x8400xf32> to vector<32xf32>
    %broadcast_in_dim3A = vector.shape_cast %reduce_max3A_56 : vector<32xf32> to vector<32x1xf32>
    %iota3A = tpu.iota {dimensions = array<i32: 1>} : vector<32x8400xi32>
    %eq3A = vector.broadcast %broadcast_in_dim3A : vector<32x1xf32> to vector<32x8400xf32>
    %eq3A_57 = arith.cmpf oeq, %div3A, %eq3A : vector<32x8400xf32>
    %jit3A = arith.constant 8399 : i32
    %broadcast_in_dim3A_58 = vector.broadcast %jit3A : i32 to vector<32x8400xi32>
    %select_n3A = arith.select %eq3A_57, %iota3A, %broadcast_in_dim3A_58 : vector<32x8400xi1>, vector<32x8400xi32>
    %reduce_min3A = arith.constant dense<2147483647> : vector<32xi32>
    %reduce_min3A_59 = vector.multi_reduction <minsi>, %select_n3A, %reduce_min3A [1] : vector<32x8400xi32> to vector<32xi32>
    %broadcast_in_dim3A_60 = vector.shape_cast %reduce_min3A_59 : vector<32xi32> to vector<32x1xi32>
    %swap3A = arith.constant 0 : index
    %swap3A_61 = arith.constant 0 : index
    %swap3A_62 = arith.constant 0 : index
    %swap3A_63 = vector.load %arg4[%swap3A, %swap3A_61, %swap3A_62] : memref<2x32x1xi32, #tpu.memory_space<vmem>>, vector<1x32x1xi32>
    %swap3A_64 = vector.shape_cast %swap3A_63 : vector<1x32x1xi32> to vector<32x1xi32>
    %swap3A_65 = vector.shape_cast %broadcast_in_dim3A_60 : vector<32x1xi32> to vector<1x32x1xi32>
    tpu.vector_store %arg4[%swap3A, %swap3A_61, %swap3A_62], %swap3A_65 {strides = array<i32>} : memref<2x32x1xi32, #tpu.memory_space<vmem>>, vector<1x32x1xi32>,
    %iota3A_66 = tpu.iota {dimensions = array<i32: 0>} : vector<32x32xi32>
    %iota3A_67 = tpu.iota {dimensions = array<i32: 1>} : vector<32x32xi32>
    %eq3A_68 = arith.cmpi eq, %iota3A_66, %iota3A_67 : vector<32x32xi32>
    %broadcast_in_dim3A_69 = vector.shape_cast %broadcast_in_dim3A_60 : vector<32x1xi32> to vector<32x1xi32>
    %broadcast_in_dim3A_70 = vector.broadcast %broadcast_in_dim3A_69 : vector<32x1xi32> to vector<32x32xi32>
    %jit3A_71 = arith.constant 0 : i32
    %broadcast_in_dim3A_72 = vector.broadcast %jit3A_71 : i32 to vector<32x32xi32>
    %select_n3A_73 = arith.select %eq3A_68, %broadcast_in_dim3A_70, %broadcast_in_dim3A_72 : vector<32x32xi1>, vector<32x32xi32>
    %reduce_sum3A = arith.constant dense<0> : vector<32xi32>
    %reduce_sum3A_74 = vector.multi_reduction <add>, %select_n3A_73, %reduce_sum3A [0] : vector<32x32xi32> to vector<32xi32>
    %broadcast_in_dim3A_75 = vector.shape_cast %reduce_sum3A_74 : vector<32xi32> to vector<1x32xi32>
    %swap3A_76 = arith.constant 0 : index
    %swap3A_77 = arith.constant 0 : index
    %swap3A_78 = arith.constant 0 : index
    %swap3A_79 = vector.load %arg3[%swap3A_76, %swap3A_77, %swap3A_78] : memref<2x1x32xi32, #tpu.memory_space<vmem>>, vector<1x1x32xi32>
    %swap3A_80 = vector.shape_cast %swap3A_79 : vector<1x1x32xi32> to vector<1x32xi32>
    %swap3A_81 = vector.shape_cast %broadcast_in_dim3A_75 : vector<1x32xi32> to vector<1x1x32xi32>
    tpu.vector_store %arg3[%swap3A_76, %swap3A_77, %swap3A_78], %swap3A_81 {strides = array<i32>} : memref<2x1x32xi32, #tpu.memory_space<vmem>>, vector<1x1x32xi32>,
    %get3A_82 = arith.constant 1 : index
    %get3A_83 = arith.constant 0 : index
    %get3A_84 = arith.constant 0 : index
    %get3A_85 = vector.load %arg1[%get3A_82, %get3A_83, %get3A_84] : memref<2x4x8400xf32, #tpu.memory_space<vmem>>, vector<1x1x8400xf32>
    %get3A_86 = vector.shape_cast %get3A_85 : vector<1x1x8400xf32> to vector<1x8400xf32>
    %get3A_87 = arith.constant 1 : index
    %get3A_88 = arith.constant 1 : index
    %get3A_89 = arith.constant 0 : index
    %get3A_90 = vector.load %arg1[%get3A_87, %get3A_88, %get3A_89] : memref<2x4x8400xf32, #tpu.memory_space<vmem>>, vector<1x1x8400xf32>
    %get3A_91 = vector.shape_cast %get3A_90 : vector<1x1x8400xf32> to vector<1x8400xf32>
    %get3A_92 = arith.constant 1 : index
    %get3A_93 = arith.constant 2 : index
    %get3A_94 = arith.constant 0 : index
    %get3A_95 = vector.load %arg1[%get3A_92, %get3A_93, %get3A_94] : memref<2x4x8400xf32, #tpu.memory_space<vmem>>, vector<1x1x8400xf32>
    %get3A_96 = vector.shape_cast %get3A_95 : vector<1x1x8400xf32> to vector<1x8400xf32>
    %get3A_97 = arith.constant 1 : index
    %get3A_98 = arith.constant 3 : index
    %get3A_99 = arith.constant 0 : index
    %get3A_100 = vector.load %arg1[%get3A_97, %get3A_98, %get3A_99] : memref<2x4x8400xf32, #tpu.memory_space<vmem>>, vector<1x1x8400xf32>
    %get3A_101 = vector.shape_cast %get3A_100 : vector<1x1x8400xf32> to vector<1x8400xf32>
    %get3A_102 = arith.constant 1 : index
    %get3A_103 = arith.constant 0 : index
    %get3A_104 = arith.constant 0 : index
    %get3A_105 = vector.load %arg2[%get3A_102, %get3A_103, %get3A_104] : memref<2x32x4xf32, #tpu.memory_space<vmem>>, vector<1x32x4xf32>
    %get3A_106 = vector.shape_cast %get3A_105 : vector<1x32x4xf32> to vector<32x4xf32>
    %slice3A_107 = vector.extract_strided_slice %get3A_106 {offsets = [0, 0], sizes = [32, 1], strides = [1, 1]} : vector<32x4xf32> to vector<32x1xf32>
    %slice3A_108 = vector.extract_strided_slice %get3A_106 {offsets = [0, 1], sizes = [32, 1], strides = [1, 1]} : vector<32x4xf32> to vector<32x1xf32>
    %slice3A_109 = vector.extract_strided_slice %get3A_106 {offsets = [0, 2], sizes = [32, 1], strides = [1, 1]} : vector<32x4xf32> to vector<32x1xf32>
    %slice3A_110 = vector.extract_strided_slice %get3A_106 {offsets = [0, 3], sizes = [32, 1], strides = [1, 1]} : vector<32x4xf32> to vector<32x1xf32>
    %sub3A_111 = arith.subf %get3A_96, %get3A_86 : vector<1x8400xf32>
    %sub3A_112 = arith.subf %get3A_101, %get3A_91 : vector<1x8400xf32>
    %mul3A_113 = arith.mulf %sub3A_111, %sub3A_112 : vector<1x8400xf32>
    %sub3A_114 = arith.subf %slice3A_109, %slice3A_107 : vector<32x1xf32>
    %sub3A_115 = arith.subf %slice3A_110, %slice3A_108 : vector<32x1xf32>
    %mul3A_116 = arith.mulf %sub3A_114, %sub3A_115 : vector<32x1xf32>
    %max3A_117 = vector.broadcast %get3A_86 : vector<1x8400xf32> to vector<32x8400xf32>
    %max3A_118 = vector.broadcast %slice3A_107 : vector<32x1xf32> to vector<32x8400xf32>
    %max3A_119 = arith.maximumf %max3A_117, %max3A_118 : vector<32x8400xf32>
    %max3A_120 = vector.broadcast %get3A_91 : vector<1x8400xf32> to vector<32x8400xf32>
    %max3A_121 = vector.broadcast %slice3A_108 : vector<32x1xf32> to vector<32x8400xf32>
    %max3A_122 = arith.maximumf %max3A_120, %max3A_121 : vector<32x8400xf32>
    %min3A_123 = vector.broadcast %get3A_96 : vector<1x8400xf32> to vector<32x8400xf32>
    %min3A_124 = vector.broadcast %slice3A_109 : vector<32x1xf32> to vector<32x8400xf32>
    %min3A_125 = arith.minimumf %min3A_123, %min3A_124 : vector<32x8400xf32>
    %min3A_126 = vector.broadcast %get3A_101 : vector<1x8400xf32> to vector<32x8400xf32>
    %min3A_127 = vector.broadcast %slice3A_110 : vector<32x1xf32> to vector<32x8400xf32>
    %min3A_128 = arith.minimumf %min3A_126, %min3A_127 : vector<32x8400xf32>
    %sub3A_129 = arith.subf %min3A_125, %max3A_119 : vector<32x8400xf32>
    %max3A_130 = arith.constant 0.000000e+00 : f32
    %max3A_131 = vector.broadcast %max3A_130 : f32 to vector<32x8400xf32>
    %max3A_132 = arith.maximumf %sub3A_129, %max3A_131 : vector<32x8400xf32>
    %sub3A_133 = arith.subf %min3A_128, %max3A_122 : vector<32x8400xf32>
    %max3A_134 = arith.constant 0.000000e+00 : f32
    %max3A_135 = vector.broadcast %max3A_134 : f32 to vector<32x8400xf32>
    %max3A_136 = arith.maximumf %sub3A_133, %max3A_135 : vector<32x8400xf32>
    %mul3A_137 = arith.mulf %max3A_132, %max3A_136 : vector<32x8400xf32>
    %add3A_138 = vector.broadcast %mul3A_113 : vector<1x8400xf32> to vector<32x8400xf32>
    %add3A_139 = vector.broadcast %mul3A_116 : vector<32x1xf32> to vector<32x8400xf32>
    %add3A_140 = arith.addf %add3A_138, %add3A_139 : vector<32x8400xf32>
    %sub3A_141 = arith.subf %add3A_140, %mul3A_137 : vector<32x8400xf32>
    %add3A_142 = arith.constant 9.99999997E-7 : f32
    %add3A_143 = vector.broadcast %add3A_142 : f32 to vector<32x8400xf32>
    %add3A_144 = arith.addf %sub3A_141, %add3A_143 : vector<32x8400xf32>
    %div3A_145 = arith.divf %mul3A_137, %add3A_144 : vector<32x8400xf32>
    %reduce_max3A_146 = arith.constant dense<0xFF800000> : vector<32xf32>
    %reduce_max3A_147 = vector.multi_reduction <maximumf>, %div3A_145, %reduce_max3A_146 [1] : vector<32x8400xf32> to vector<32xf32>
    %broadcast_in_dim3A_148 = vector.shape_cast %reduce_max3A_147 : vector<32xf32> to vector<32x1xf32>
    %iota3A_149 = tpu.iota {dimensions = array<i32: 1>} : vector<32x8400xi32>
    %eq3A_150 = vector.broadcast %broadcast_in_dim3A_148 : vector<32x1xf32> to vector<32x8400xf32>
    %eq3A_151 = arith.cmpf oeq, %div3A_145, %eq3A_150 : vector<32x8400xf32>
    %jit3A_152 = arith.constant 8399 : i32
    %broadcast_in_dim3A_153 = vector.broadcast %jit3A_152 : i32 to vector<32x8400xi32>
    %select_n3A_154 = arith.select %eq3A_151, %iota3A_149, %broadcast_in_dim3A_153 : vector<32x8400xi1>, vector<32x8400xi32>
    %reduce_min3A_155 = arith.constant dense<2147483647> : vector<32xi32>
    %reduce_min3A_156 = vector.multi_reduction <minsi>, %select_n3A_154, %reduce_min3A_155 [1] : vector<32x8400xi32> to vector<32xi32>
    %broadcast_in_dim3A_157 = vector.shape_cast %reduce_min3A_156 : vector<32xi32> to vector<32x1xi32>
    %swap3A_158 = arith.constant 1 : index
    %swap3A_159 = arith.constant 0 : index
    %swap3A_160 = arith.constant 0 : index
    %swap3A_161 = vector.load %arg4[%swap3A_158, %swap3A_159, %swap3A_160] : memref<2x32x1xi32, #tpu.memory_space<vmem>>, vector<1x32x1xi32>
    %swap3A_162 = vector.shape_cast %swap3A_161 : vector<1x32x1xi32> to vector<32x1xi32>
    %swap3A_163 = vector.shape_cast %broadcast_in_dim3A_157 : vector<32x1xi32> to vector<1x32x1xi32>
    tpu.vector_store %arg4[%swap3A_158, %swap3A_159, %swap3A_160], %swap3A_163 {strides = array<i32>} : memref<2x32x1xi32, #tpu.memory_space<vmem>>, vector<1x32x1xi32>,
    %iota3A_164 = tpu.iota {dimensions = array<i32: 0>} : vector<32x32xi32>
    %iota3A_165 = tpu.iota {dimensions = array<i32: 1>} : vector<32x32xi32>
    %eq3A_166 = arith.cmpi eq, %iota3A_164, %iota3A_165 : vector<32x32xi32>
    %broadcast_in_dim3A_167 = vector.shape_cast %broadcast_in_dim3A_157 : vector<32x1xi32> to vector<32x1xi32>
    %broadcast_in_dim3A_168 = vector.broadcast %broadcast_in_dim3A_167 : vector<32x1xi32> to vector<32x32xi32>
    %jit3A_169 = arith.constant 0 : i32
    %broadcast_in_dim3A_170 = vector.broadcast %jit3A_169 : i32 to vector<32x32xi32>
    %select_n3A_171 = arith.select %eq3A_166, %broadcast_in_dim3A_168, %broadcast_in_dim3A_170 : vector<32x32xi1>, vector<32x32xi32>
    %reduce_sum3A_172 = arith.constant dense<0> : vector<32xi32>
    %reduce_sum3A_173 = vector.multi_reduction <add>, %select_n3A_171, %reduce_sum3A_172 [0] : vector<32x32xi32> to vector<32xi32>
    %broadcast_in_dim3A_174 = vector.shape_cast %reduce_sum3A_173 : vector<32xi32> to vector<1x32xi32>
    %swap3A_175 = arith.constant 1 : index
    %swap3A_176 = arith.constant 0 : index
    %swap3A_177 = arith.constant 0 : index
    %swap3A_178 = vector.load %arg3[%swap3A_175, %swap3A_176, %swap3A_177] : memref<2x1x32xi32, #tpu.memory_space<vmem>>, vector<1x1x32xi32>
    %swap3A_179 = vector.shape_cast %swap3A_178 : vector<1x1x32xi32> to vector<1x32xi32>
    %swap3A_180 = vector.shape_cast %broadcast_in_dim3A_174 : vector<1x32xi32> to vector<1x1x32xi32>
    tpu.vector_store %arg3[%swap3A_175, %swap3A_176, %swap3A_177], %swap3A_180 {strides = array<i32>} : memref<2x1x32xi32, #tpu.memory_space<vmem>>, vector<1x1x32xi32>,
    return
  }
  func.func @transform_0(%arg0: i32) -> (i32, i32, i32) {
    %c0_i32 = arith.constant 0 : i32
    %c0_i32_0 = arith.constant 0 : i32
    %c0_i32_1 = arith.constant 0 : i32
    return %arg0, %c0_i32, %c0_i32_0 : i32, i32, i32
  }
  func.func @transform_1(%arg0: i32) -> (i32, i32, i32) {
    %c0_i32 = arith.constant 0 : i32
    %c0_i32_0 = arith.constant 0 : i32
    %c0_i32_1 = arith.constant 0 : i32
    return %arg0, %c0_i32, %c0_i32_0 : i32, i32, i32
  }
  func.func @transform_2(%arg0: i32) -> (i32, i32, i32) {
    %c0_i32 = arith.constant 0 : i32
    %c0_i32_0 = arith.constant 0 : i32
    %c0_i32_1 = arith.constant 0 : i32
    return %arg0, %c0_i32, %c0_i32_0 : i32, i32, i32
  }
  func.func @transform_3(%arg0: i32) -> (i32, i32, i32) {
    %c0_i32 = arith.constant 0 : i32
    %c0_i32_0 = arith.constant 0 : i32
    %c0_i32_1 = arith.constant 0 : i32
    return %arg0, %c0_i32, %c0_i32_0 : i32, i32, i32
  }
}

module attributes {stable_mosaic.version = 14 : i64} {
  func.func @_losses_body(%arg0: i32, %arg1: memref<2x4x8400xf32, #tpu.memory_space<vmem>>, %arg2: memref<2x1x8400xf32, #tpu.memory_space<vmem>>, %arg3: memref<2x32x4xf32, #tpu.memory_space<vmem>>, %arg4: memref<2x32x1xi32, #tpu.memory_space<vmem>>, %arg5: memref<2x1x1xf32, #tpu.memory_space<vmem>>, %arg6: memref<2x1x1xf32, #tpu.memory_space<vmem>>) attributes {dimension_semantics = [#tpu.dimension_semantics<parallel>], iteration_bounds = array<i64: 8>, scalar_prefetch = 0 : i64, scratch_operands = 0 : i64, tpu.core_type = #tpu.core_type<tc>, window_params = [{transform_indices = @transform_0, window_bounds = array<i64: 2, 4, 8400>}, {transform_indices = @transform_1, window_bounds = array<i64: 2, 1, 8400>}, {transform_indices = @transform_2, window_bounds = array<i64: 2, 32, 4>}, {transform_indices = @transform_3, window_bounds = array<i64: 2, 32, 1>}, {transform_indices = @transform_4, window_bounds = array<i64: 2, 1, 1>}, {transform_indices = @transform_5, window_bounds = array<i64: 2, 1, 1>}]} {
    %get3A = arith.constant 0 : index
    %get3A_0 = arith.constant 0 : index
    %get3A_1 = arith.constant 0 : index
    %get3A_2 = vector.load %arg1[%get3A, %get3A_0, %get3A_1] : memref<2x4x8400xf32, #tpu.memory_space<vmem>>, vector<1x1x8400xf32>
    %get3A_3 = vector.shape_cast %get3A_2 : vector<1x1x8400xf32> to vector<1x8400xf32>
    %get3A_4 = arith.constant 0 : index
    %get3A_5 = arith.constant 1 : index
    %get3A_6 = arith.constant 0 : index
    %get3A_7 = vector.load %arg1[%get3A_4, %get3A_5, %get3A_6] : memref<2x4x8400xf32, #tpu.memory_space<vmem>>, vector<1x1x8400xf32>
    %get3A_8 = vector.shape_cast %get3A_7 : vector<1x1x8400xf32> to vector<1x8400xf32>
    %get3A_9 = arith.constant 0 : index
    %get3A_10 = arith.constant 2 : index
    %get3A_11 = arith.constant 0 : index
    %get3A_12 = vector.load %arg1[%get3A_9, %get3A_10, %get3A_11] : memref<2x4x8400xf32, #tpu.memory_space<vmem>>, vector<1x1x8400xf32>
    %get3A_13 = vector.shape_cast %get3A_12 : vector<1x1x8400xf32> to vector<1x8400xf32>
    %get3A_14 = arith.constant 0 : index
    %get3A_15 = arith.constant 3 : index
    %get3A_16 = arith.constant 0 : index
    %get3A_17 = vector.load %arg1[%get3A_14, %get3A_15, %get3A_16] : memref<2x4x8400xf32, #tpu.memory_space<vmem>>, vector<1x1x8400xf32>
    %get3A_18 = vector.shape_cast %get3A_17 : vector<1x1x8400xf32> to vector<1x8400xf32>
    %get3A_19 = arith.constant 0 : index
    %get3A_20 = arith.constant 0 : index
    %get3A_21 = arith.constant 0 : index
    %get3A_22 = vector.load %arg2[%get3A_19, %get3A_20, %get3A_21] : memref<2x1x8400xf32, #tpu.memory_space<vmem>>, vector<1x1x8400xf32>
    %get3A_23 = vector.shape_cast %get3A_22 : vector<1x1x8400xf32> to vector<1x8400xf32>
    %get3A_24 = arith.constant 0 : index
    %get3A_25 = arith.constant 0 : index
    %get3A_26 = arith.constant 0 : index
    %get3A_27 = vector.load %arg3[%get3A_24, %get3A_25, %get3A_26] : memref<2x32x4xf32, #tpu.memory_space<vmem>>, vector<1x32x4xf32>
    %get3A_28 = vector.shape_cast %get3A_27 : vector<1x32x4xf32> to vector<32x4xf32>
    %slice3A = vector.extract_strided_slice %get3A_28 {offsets = [0, 0], sizes = [32, 1], strides = [1, 1]} : vector<32x4xf32> to vector<32x1xf32>
    %slice3A_29 = vector.extract_strided_slice %get3A_28 {offsets = [0, 1], sizes = [32, 1], strides = [1, 1]} : vector<32x4xf32> to vector<32x1xf32>
    %slice3A_30 = vector.extract_strided_slice %get3A_28 {offsets = [0, 2], sizes = [32, 1], strides = [1, 1]} : vector<32x4xf32> to vector<32x1xf32>
    %slice3A_31 = vector.extract_strided_slice %get3A_28 {offsets = [0, 3], sizes = [32, 1], strides = [1, 1]} : vector<32x4xf32> to vector<32x1xf32>
    %sub3A = arith.subf %slice3A_30, %slice3A : vector<32x1xf32>
    %sub3A_32 = arith.subf %slice3A_31, %slice3A_29 : vector<32x1xf32>
    %mul3A = arith.mulf %sub3A, %sub3A_32 : vector<32x1xf32>
    %get3A_33 = arith.constant 0 : index
    %get3A_34 = arith.constant 0 : index
    %get3A_35 = arith.constant 0 : index
    %get3A_36 = vector.load %arg4[%get3A_33, %get3A_34, %get3A_35] : memref<2x32x1xi32, #tpu.memory_space<vmem>>, vector<1x32x1xi32>
    %get3A_37 = vector.shape_cast %get3A_36 : vector<1x32x1xi32> to vector<32x1xi32>
    %iota3A = tpu.iota {dimensions = array<i32: 1>} : vector<32x8400xi32>
    %eq3A = vector.broadcast %get3A_37 : vector<32x1xi32> to vector<32x8400xi32>
    %eq3A_38 = arith.cmpi eq, %iota3A, %eq3A : vector<32x8400xi32>
    %jit3A = arith.constant 1.000000e+00 : f32
    %jit3A_39 = arith.constant 0.000000e+00 : f32
    %broadcast_in_dim3A = vector.broadcast %jit3A : f32 to vector<32x8400xf32>
    %broadcast_in_dim3A_40 = vector.broadcast %jit3A_39 : f32 to vector<32x8400xf32>
    %select_n3A = arith.select %eq3A_38, %broadcast_in_dim3A, %broadcast_in_dim3A_40 : vector<32x8400xi1>, vector<32x8400xf32>
    %reduce_max3A = arith.constant dense<0xFF800000> : vector<8400xf32>
    %reduce_max3A_41 = vector.multi_reduction <maximumf>, %select_n3A, %reduce_max3A [0] : vector<32x8400xf32> to vector<8400xf32>
    %broadcast_in_dim3A_42 = vector.shape_cast %reduce_max3A_41 : vector<8400xf32> to vector<1x8400xf32>
    %max3A = arith.constant 0.000000e+00 : f32
    %max3A_43 = vector.broadcast %max3A : f32 to vector<1x8400xf32>
    %max3A_44 = arith.maximumf %get3A_23, %max3A_43 : vector<1x8400xf32>
    %abs3A = math.absf %get3A_23 : vector<1x8400xf32>
    %neg3A = arith.constant 0.000000e+00 : f32
    %neg3A_45 = vector.broadcast %neg3A : f32 to vector<1x8400xf32>
    %neg3A_46 = arith.subf %neg3A_45, %abs3A : vector<1x8400xf32>
    %exp3A = math.exp %neg3A_46 : vector<1x8400xf32>
    %log1p3A = math.log1p %exp3A : vector<1x8400xf32>
    %add3A = arith.addf %max3A_44, %log1p3A : vector<1x8400xf32>
    %reduce_sum3A = vector.shape_cast %add3A : vector<1x8400xf32> to vector<1x1x8400xf32>
    %reduce_sum3A_47 = arith.constant dense<0.000000e+00> : vector<1xf32>
    %reduce_sum3A_48 = vector.multi_reduction <add>, %reduce_sum3A, %reduce_sum3A_47 [1, 2] : vector<1x1x8400xf32> to vector<1xf32>
    %reduce_sum3A_49 = vector.shape_cast %reduce_sum3A_48 : vector<1xf32> to vector<1x1x1xf32>
    %reduce_sum3A_50 = vector.extract %reduce_sum3A_49[0, 0, 0] : f32 from vector<1x1x1xf32>
    %mul3A_51 = arith.mulf %broadcast_in_dim3A_42, %get3A_23 : vector<1x8400xf32>
    %reduce_sum3A_52 = vector.shape_cast %mul3A_51 : vector<1x8400xf32> to vector<1x1x8400xf32>
    %reduce_sum3A_53 = arith.constant dense<0.000000e+00> : vector<1xf32>
    %reduce_sum3A_54 = vector.multi_reduction <add>, %reduce_sum3A_52, %reduce_sum3A_53 [1, 2] : vector<1x1x8400xf32> to vector<1xf32>
    %reduce_sum3A_55 = vector.shape_cast %reduce_sum3A_54 : vector<1xf32> to vector<1x1x1xf32>
    %reduce_sum3A_56 = vector.extract %reduce_sum3A_55[0, 0, 0] : f32 from vector<1x1x1xf32>
    %sub3A_57 = arith.subf %reduce_sum3A_50, %reduce_sum3A_56 : f32
    %div3A = arith.constant 8.400000e+03 : f32
    %div3A_58 = arith.divf %sub3A_57, %div3A : f32
    %broadcast_in_dim3A_59 = vector.broadcast %div3A_58 : f32 to vector<1x1xf32>
    %swap3A = arith.constant 0 : index
    %swap3A_60 = arith.constant 0 : index
    %swap3A_61 = arith.constant 0 : index
    %swap3A_62 = vector.load %arg6[%swap3A, %swap3A_60, %swap3A_61] : memref<2x1x1xf32, #tpu.memory_space<vmem>>, vector<1x1x1xf32>
    %swap3A_63 = vector.shape_cast %swap3A_62 : vector<1x1x1xf32> to vector<1x1xf32>
    %swap3A_64 = vector.shape_cast %broadcast_in_dim3A_59 : vector<1x1xf32> to vector<1x1x1xf32>
    tpu.vector_store %arg6[%swap3A, %swap3A_60, %swap3A_61], %swap3A_64 {strides = array<i32>} : memref<2x1x1xf32, #tpu.memory_space<vmem>>, vector<1x1x1xf32>,
    %jit3A_65 = arith.constant 0.000000e+00 : f32
    %broadcast_in_dim3A_66 = vector.shape_cast %get3A_3 : vector<1x8400xf32> to vector<1x8400xf32>
    %broadcast_in_dim3A_67 = vector.broadcast %broadcast_in_dim3A_66 : vector<1x8400xf32> to vector<32x8400xf32>
    %broadcast_in_dim3A_68 = vector.broadcast %jit3A_65 : f32 to vector<32x8400xf32>
    %select_n3A_69 = arith.select %eq3A_38, %broadcast_in_dim3A_67, %broadcast_in_dim3A_68 : vector<32x8400xi1>, vector<32x8400xf32>
    %reduce_sum3A_70 = arith.constant dense<0.000000e+00> : vector<32xf32>
    %reduce_sum3A_71 = vector.multi_reduction <add>, %select_n3A_69, %reduce_sum3A_70 [1] : vector<32x8400xf32> to vector<32xf32>
    %broadcast_in_dim3A_72 = vector.shape_cast %reduce_sum3A_71 : vector<32xf32> to vector<32x1xf32>
    %jit3A_73 = arith.constant 0.000000e+00 : f32
    %broadcast_in_dim3A_74 = vector.shape_cast %get3A_8 : vector<1x8400xf32> to vector<1x8400xf32>
    %broadcast_in_dim3A_75 = vector.broadcast %broadcast_in_dim3A_74 : vector<1x8400xf32> to vector<32x8400xf32>
    %broadcast_in_dim3A_76 = vector.broadcast %jit3A_73 : f32 to vector<32x8400xf32>
    %select_n3A_77 = arith.select %eq3A_38, %broadcast_in_dim3A_75, %broadcast_in_dim3A_76 : vector<32x8400xi1>, vector<32x8400xf32>
    %reduce_sum3A_78 = arith.constant dense<0.000000e+00> : vector<32xf32>
    %reduce_sum3A_79 = vector.multi_reduction <add>, %select_n3A_77, %reduce_sum3A_78 [1] : vector<32x8400xf32> to vector<32xf32>
    %broadcast_in_dim3A_80 = vector.shape_cast %reduce_sum3A_79 : vector<32xf32> to vector<32x1xf32>
    %jit3A_81 = arith.constant 0.000000e+00 : f32
    %broadcast_in_dim3A_82 = vector.shape_cast %get3A_13 : vector<1x8400xf32> to vector<1x8400xf32>
    %broadcast_in_dim3A_83 = vector.broadcast %broadcast_in_dim3A_82 : vector<1x8400xf32> to vector<32x8400xf32>
    %broadcast_in_dim3A_84 = vector.broadcast %jit3A_81 : f32 to vector<32x8400xf32>
    %select_n3A_85 = arith.select %eq3A_38, %broadcast_in_dim3A_83, %broadcast_in_dim3A_84 : vector<32x8400xi1>, vector<32x8400xf32>
    %reduce_sum3A_86 = arith.constant dense<0.000000e+00> : vector<32xf32>
    %reduce_sum3A_87 = vector.multi_reduction <add>, %select_n3A_85, %reduce_sum3A_86 [1] : vector<32x8400xf32> to vector<32xf32>
    %broadcast_in_dim3A_88 = vector.shape_cast %reduce_sum3A_87 : vector<32xf32> to vector<32x1xf32>
    %jit3A_89 = arith.constant 0.000000e+00 : f32
    %broadcast_in_dim3A_90 = vector.shape_cast %get3A_18 : vector<1x8400xf32> to vector<1x8400xf32>
    %broadcast_in_dim3A_91 = vector.broadcast %broadcast_in_dim3A_90 : vector<1x8400xf32> to vector<32x8400xf32>
    %broadcast_in_dim3A_92 = vector.broadcast %jit3A_89 : f32 to vector<32x8400xf32>
    %select_n3A_93 = arith.select %eq3A_38, %broadcast_in_dim3A_91, %broadcast_in_dim3A_92 : vector<32x8400xi1>, vector<32x8400xf32>
    %reduce_sum3A_94 = arith.constant dense<0.000000e+00> : vector<32xf32>
    %reduce_sum3A_95 = vector.multi_reduction <add>, %select_n3A_93, %reduce_sum3A_94 [1] : vector<32x8400xf32> to vector<32xf32>
    %broadcast_in_dim3A_96 = vector.shape_cast %reduce_sum3A_95 : vector<32xf32> to vector<32x1xf32>
    %sub3A_97 = arith.subf %broadcast_in_dim3A_88, %broadcast_in_dim3A_72 : vector<32x1xf32>
    %sub3A_98 = arith.subf %broadcast_in_dim3A_96, %broadcast_in_dim3A_80 : vector<32x1xf32>
    %mul3A_99 = arith.mulf %sub3A_97, %sub3A_98 : vector<32x1xf32>
    %max3A_100 = arith.maximumf %broadcast_in_dim3A_72, %slice3A : vector<32x1xf32>
    %max3A_101 = arith.maximumf %broadcast_in_dim3A_80, %slice3A_29 : vector<32x1xf32>
    %min3A = arith.minimumf %broadcast_in_dim3A_88, %slice3A_30 : vector<32x1xf32>
    %min3A_102 = arith.minimumf %broadcast_in_dim3A_96, %slice3A_31 : vector<32x1xf32>
    %sub3A_103 = arith.subf %min3A, %max3A_100 : vector<32x1xf32>
    %max3A_104 = arith.constant 0.000000e+00 : f32
    %max3A_105 = vector.broadcast %max3A_104 : f32 to vector<32x1xf32>
    %max3A_106 = arith.maximumf %sub3A_103, %max3A_105 : vector<32x1xf32>
    %sub3A_107 = arith.subf %min3A_102, %max3A_101 : vector<32x1xf32>
    %max3A_108 = arith.constant 0.000000e+00 : f32
    %max3A_109 = vector.broadcast %max3A_108 : f32 to vector<32x1xf32>
    %max3A_110 = arith.maximumf %sub3A_107, %max3A_109 : vector<32x1xf32>
    %mul3A_111 = arith.mulf %max3A_106, %max3A_110 : vector<32x1xf32>
    %add3A_112 = arith.addf %mul3A_99, %mul3A : vector<32x1xf32>
    %sub3A_113 = arith.subf %add3A_112, %mul3A_111 : vector<32x1xf32>
    %add3A_114 = arith.constant 9.99999997E-7 : f32
    %add3A_115 = vector.broadcast %add3A_114 : f32 to vector<32x1xf32>
    %add3A_116 = arith.addf %sub3A_113, %add3A_115 : vector<32x1xf32>
    %div3A_117 = arith.divf %mul3A_111, %add3A_116 : vector<32x1xf32>
    %add3A_118 = arith.addf %broadcast_in_dim3A_72, %broadcast_in_dim3A_88 : vector<32x1xf32>
    %mul3A_119 = arith.constant 5.000000e-01 : f32
    %mul3A_120 = vector.broadcast %mul3A_119 : f32 to vector<32x1xf32>
    %mul3A_121 = arith.mulf %add3A_118, %mul3A_120 : vector<32x1xf32>
    %add3A_122 = arith.addf %broadcast_in_dim3A_80, %broadcast_in_dim3A_96 : vector<32x1xf32>
    %mul3A_123 = arith.constant 5.000000e-01 : f32
    %mul3A_124 = vector.broadcast %mul3A_123 : f32 to vector<32x1xf32>
    %mul3A_125 = arith.mulf %add3A_122, %mul3A_124 : vector<32x1xf32>
    %add3A_126 = arith.addf %slice3A, %slice3A_30 : vector<32x1xf32>
    %mul3A_127 = arith.constant 5.000000e-01 : f32
    %mul3A_128 = vector.broadcast %mul3A_127 : f32 to vector<32x1xf32>
    %mul3A_129 = arith.mulf %add3A_126, %mul3A_128 : vector<32x1xf32>
    %add3A_130 = arith.addf %slice3A_29, %slice3A_31 : vector<32x1xf32>
    %mul3A_131 = arith.constant 5.000000e-01 : f32
    %mul3A_132 = vector.broadcast %mul3A_131 : f32 to vector<32x1xf32>
    %mul3A_133 = arith.mulf %add3A_130, %mul3A_132 : vector<32x1xf32>
    %min3A_134 = arith.minimumf %broadcast_in_dim3A_72, %slice3A : vector<32x1xf32>
    %min3A_135 = arith.minimumf %broadcast_in_dim3A_80, %slice3A_29 : vector<32x1xf32>
    %max3A_136 = arith.maximumf %broadcast_in_dim3A_88, %slice3A_30 : vector<32x1xf32>
    %max3A_137 = arith.maximumf %broadcast_in_dim3A_96, %slice3A_31 : vector<32x1xf32>
    %sub3A_138 = arith.subf %max3A_136, %min3A_134 : vector<32x1xf32>
    %integer_pow3A = arith.mulf %sub3A_138, %sub3A_138 : vector<32x1xf32>
    %sub3A_139 = arith.subf %max3A_137, %min3A_135 : vector<32x1xf32>
    %integer_pow3A_140 = arith.mulf %sub3A_139, %sub3A_139 : vector<32x1xf32>
    %add3A_141 = arith.addf %integer_pow3A, %integer_pow3A_140 : vector<32x1xf32>
    %sub3A_142 = arith.subf %mul3A_121, %mul3A_129 : vector<32x1xf32>
    %integer_pow3A_143 = arith.mulf %sub3A_142, %sub3A_142 : vector<32x1xf32>
    %sub3A_144 = arith.subf %mul3A_125, %mul3A_133 : vector<32x1xf32>
    %integer_pow3A_145 = arith.mulf %sub3A_144, %sub3A_144 : vector<32x1xf32>
    %add3A_146 = arith.addf %integer_pow3A_143, %integer_pow3A_145 : vector<32x1xf32>
    %sub3A_147 = arith.subf %broadcast_in_dim3A_88, %broadcast_in_dim3A_72 : vector<32x1xf32>
    %sub3A_148 = arith.subf %broadcast_in_dim3A_96, %broadcast_in_dim3A_80 : vector<32x1xf32>
    %sub3A_149 = arith.subf %slice3A_30, %slice3A : vector<32x1xf32>
    %sub3A_150 = arith.subf %slice3A_31, %slice3A_29 : vector<32x1xf32>
    %div3A_151 = arith.divf %sub3A_149, %sub3A_150 : vector<32x1xf32>
    %abs3A_152 = math.absf %div3A_151 : vector<32x1xf32>
    %gt3A = arith.constant 1.000000e+00 : f32
    %gt3A_153 = vector.broadcast %gt3A : f32 to vector<32x1xf32>
    %gt3A_154 = arith.cmpf ogt, %abs3A_152, %gt3A_153 : vector<32x1xf32>
    %div3A_155 = arith.constant 1.000000e+00 : f32
    %div3A_156 = vector.broadcast %div3A_155 : f32 to vector<32x1xf32>
    %div3A_157 = arith.divf %div3A_156, %abs3A_152 : vector<32x1xf32>
    %select_n3A_158 = arith.select %gt3A_154, %div3A_157, %abs3A_152 : vector<32x1xi1>, vector<32x1xf32>
    %mul3A_159 = arith.mulf %select_n3A_158, %select_n3A_158 : vector<32x1xf32>
    %broadcast_in_dim3A_160 = arith.constant 0.0023981391 : f32
    %broadcast_in_dim3A_161 = vector.broadcast %broadcast_in_dim3A_160 : f32 to vector<32x1xf32>
    %mul3A_162 = arith.mulf %broadcast_in_dim3A_161, %mul3A_159 : vector<32x1xf32>
    %add3A_163 = arith.constant -0.014152348 : f32
    %add3A_164 = vector.broadcast %add3A_163 : f32 to vector<32x1xf32>
    %add3A_165 = arith.addf %mul3A_162, %add3A_164 : vector<32x1xf32>
    %mul3A_166 = arith.mulf %add3A_165, %mul3A_159 : vector<32x1xf32>
    %add3A_167 = arith.constant 0.0393454134 : f32
    %add3A_168 = vector.broadcast %add3A_167 : f32 to vector<32x1xf32>
    %add3A_169 = arith.addf %mul3A_166, %add3A_168 : vector<32x1xf32>
    %mul3A_170 = arith.mulf %add3A_169, %mul3A_159 : vector<32x1xf32>
    %add3A_171 = arith.constant -0.0719438419 : f32
    %add3A_172 = vector.broadcast %add3A_171 : f32 to vector<32x1xf32>
    %add3A_173 = arith.addf %mul3A_170, %add3A_172 : vector<32x1xf32>
    %mul3A_174 = arith.mulf %add3A_173, %mul3A_159 : vector<32x1xf32>
    %add3A_175 = arith.constant 0.104775392 : f32
    %add3A_176 = vector.broadcast %add3A_175 : f32 to vector<32x1xf32>
    %add3A_177 = arith.addf %mul3A_174, %add3A_176 : vector<32x1xf32>
    %mul3A_178 = arith.mulf %add3A_177, %mul3A_159 : vector<32x1xf32>
    %add3A_179 = arith.constant -0.141548067 : f32
    %add3A_180 = vector.broadcast %add3A_179 : f32 to vector<32x1xf32>
    %add3A_181 = arith.addf %mul3A_178, %add3A_180 : vector<32x1xf32>
    %mul3A_182 = arith.mulf %add3A_181, %mul3A_159 : vector<32x1xf32>
    %add3A_183 = arith.constant 0.199848846 : f32
    %add3A_184 = vector.broadcast %add3A_183 : f32 to vector<32x1xf32>
    %add3A_185 = arith.addf %mul3A_182, %add3A_184 : vector<32x1xf32>
    %mul3A_186 = arith.mulf %add3A_185, %mul3A_159 : vector<32x1xf32>
    %add3A_187 = arith.constant -0.333325237 : f32
    %add3A_188 = vector.broadcast %add3A_187 : f32 to vector<32x1xf32>
    %add3A_189 = arith.addf %mul3A_186, %add3A_188 : vector<32x1xf32>
    %mul3A_190 = arith.mulf %add3A_189, %mul3A_159 : vector<32x1xf32>
    %add3A_191 = arith.constant 0.99999988 : f32
    %add3A_192 = vector.broadcast %add3A_191 : f32 to vector<32x1xf32>
    %add3A_193 = arith.addf %mul3A_190, %add3A_192 : vector<32x1xf32>
    %mul3A_194 = arith.mulf %add3A_193, %select_n3A_158 : vector<32x1xf32>
    %sub3A_195 = arith.constant 1.57079637 : f32
    %sub3A_196 = vector.broadcast %sub3A_195 : f32 to vector<32x1xf32>
    %sub3A_197 = arith.subf %sub3A_196, %mul3A_194 : vector<32x1xf32>
    %select_n3A_198 = arith.select %gt3A_154, %sub3A_197, %mul3A_194 : vector<32x1xi1>, vector<32x1xf32>
    %sign3A = tpu.bitcast %div3A_151 : vector<32x1xf32> -> vector<32x1xi32>
    %sign3A_199 = arith.constant -2147483648 : i32
    %sign3A_200 = vector.broadcast %sign3A_199 : i32 to vector<32x1xi32>
    %sign3A_201 = arith.andi %sign3A, %sign3A_200 : vector<32x1xi32>
    %sign3A_202 = arith.constant 1065353216 : i32
    %sign3A_203 = vector.broadcast %sign3A_202 : i32 to vector<32x1xi32>
    %sign3A_204 = arith.ori %sign3A_203, %sign3A_201 : vector<32x1xi32>
    %sign3A_205 = tpu.bitcast %sign3A_204 : vector<32x1xi32> -> vector<32x1xf32>
    %sign3A_206 = math.absf %div3A_151 : vector<32x1xf32>
    %sign3A_207 = arith.constant 0.000000e+00 : f32
    %sign3A_208 = vector.broadcast %sign3A_207 : f32 to vector<32x1xf32>
    %sign3A_209 = arith.cmpf ogt, %sign3A_206, %sign3A_208 : vector<32x1xf32>
    %sign3A_210 = arith.select %sign3A_209, %sign3A_205, %div3A_151 : vector<32x1xi1>, vector<32x1xf32>
    %mul3A_211 = arith.mulf %sign3A_210, %select_n3A_198 : vector<32x1xf32>
    %div3A_212 = arith.divf %sub3A_147, %sub3A_148 : vector<32x1xf32>
    %abs3A_213 = math.absf %div3A_212 : vector<32x1xf32>
    %gt3A_214 = arith.constant 1.000000e+00 : f32
    %gt3A_215 = vector.broadcast %gt3A_214 : f32 to vector<32x1xf32>
    %gt3A_216 = arith.cmpf ogt, %abs3A_213, %gt3A_215 : vector<32x1xf32>
    %div3A_217 = arith.constant 1.000000e+00 : f32
    %div3A_218 = vector.broadcast %div3A_217 : f32 to vector<32x1xf32>
    %div3A_219 = arith.divf %div3A_218, %abs3A_213 : vector<32x1xf32>
    %select_n3A_220 = arith.select %gt3A_216, %div3A_219, %abs3A_213 : vector<32x1xi1>, vector<32x1xf32>
    %mul3A_221 = arith.mulf %select_n3A_220, %select_n3A_220 : vector<32x1xf32>
    %broadcast_in_dim3A_222 = arith.constant 0.0023981391 : f32
    %broadcast_in_dim3A_223 = vector.broadcast %broadcast_in_dim3A_222 : f32 to vector<32x1xf32>
    %mul3A_224 = arith.mulf %broadcast_in_dim3A_223, %mul3A_221 : vector<32x1xf32>
    %add3A_225 = arith.constant -0.014152348 : f32
    %add3A_226 = vector.broadcast %add3A_225 : f32 to vector<32x1xf32>
    %add3A_227 = arith.addf %mul3A_224, %add3A_226 : vector<32x1xf32>
    %mul3A_228 = arith.mulf %add3A_227, %mul3A_221 : vector<32x1xf32>
    %add3A_229 = arith.constant 0.0393454134 : f32
    %add3A_230 = vector.broadcast %add3A_229 : f32 to vector<32x1xf32>
    %add3A_231 = arith.addf %mul3A_228, %add3A_230 : vector<32x1xf32>
    %mul3A_232 = arith.mulf %add3A_231, %mul3A_221 : vector<32x1xf32>
    %add3A_233 = arith.constant -0.0719438419 : f32
    %add3A_234 = vector.broadcast %add3A_233 : f32 to vector<32x1xf32>
    %add3A_235 = arith.addf %mul3A_232, %add3A_234 : vector<32x1xf32>
    %mul3A_236 = arith.mulf %add3A_235, %mul3A_221 : vector<32x1xf32>
    %add3A_237 = arith.constant 0.104775392 : f32
    %add3A_238 = vector.broadcast %add3A_237 : f32 to vector<32x1xf32>
    %add3A_239 = arith.addf %mul3A_236, %add3A_238 : vector<32x1xf32>
    %mul3A_240 = arith.mulf %add3A_239, %mul3A_221 : vector<32x1xf32>
    %add3A_241 = arith.constant -0.141548067 : f32
    %add3A_242 = vector.broadcast %add3A_241 : f32 to vector<32x1xf32>
    %add3A_243 = arith.addf %mul3A_240, %add3A_242 : vector<32x1xf32>
    %mul3A_244 = arith.mulf %add3A_243, %mul3A_221 : vector<32x1xf32>
    %add3A_245 = arith.constant 0.199848846 : f32
    %add3A_246 = vector.broadcast %add3A_245 : f32 to vector<32x1xf32>
    %add3A_247 = arith.addf %mul3A_244, %add3A_246 : vector<32x1xf32>
    %mul3A_248 = arith.mulf %add3A_247, %mul3A_221 : vector<32x1xf32>
    %add3A_249 = arith.constant -0.333325237 : f32
    %add3A_250 = vector.broadcast %add3A_249 : f32 to vector<32x1xf32>
    %add3A_251 = arith.addf %mul3A_248, %add3A_250 : vector<32x1xf32>
    %mul3A_252 = arith.mulf %add3A_251, %mul3A_221 : vector<32x1xf32>
    %add3A_253 = arith.constant 0.99999988 : f32
    %add3A_254 = vector.broadcast %add3A_253 : f32 to vector<32x1xf32>
    %add3A_255 = arith.addf %mul3A_252, %add3A_254 : vector<32x1xf32>
    %mul3A_256 = arith.mulf %add3A_255, %select_n3A_220 : vector<32x1xf32>
    %sub3A_257 = arith.constant 1.57079637 : f32
    %sub3A_258 = vector.broadcast %sub3A_257 : f32 to vector<32x1xf32>
    %sub3A_259 = arith.subf %sub3A_258, %mul3A_256 : vector<32x1xf32>
    %select_n3A_260 = arith.select %gt3A_216, %sub3A_259, %mul3A_256 : vector<32x1xi1>, vector<32x1xf32>
    %sign3A_261 = tpu.bitcast %div3A_212 : vector<32x1xf32> -> vector<32x1xi32>
    %sign3A_262 = arith.constant -2147483648 : i32
    %sign3A_263 = vector.broadcast %sign3A_262 : i32 to vector<32x1xi32>
    %sign3A_264 = arith.andi %sign3A_261, %sign3A_263 : vector<32x1xi32>
    %sign3A_265 = arith.constant 1065353216 : i32
    %sign3A_266 = vector.broadcast %sign3A_265 : i32 to vector<32x1xi32>
    %sign3A_267 = arith.ori %sign3A_266, %sign3A_264 : vector<32x1xi32>
    %sign3A_268 = tpu.bitcast %sign3A_267 : vector<32x1xi32> -> vector<32x1xf32>
    %sign3A_269 = math.absf %div3A_212 : vector<32x1xf32>
    %sign3A_270 = arith.constant 0.000000e+00 : f32
    %sign3A_271 = vector.broadcast %sign3A_270 : f32 to vector<32x1xf32>
    %sign3A_272 = arith.cmpf ogt, %sign3A_269, %sign3A_271 : vector<32x1xf32>
    %sign3A_273 = arith.select %sign3A_272, %sign3A_268, %div3A_212 : vector<32x1xi1>, vector<32x1xf32>
    %mul3A_274 = arith.mulf %sign3A_273, %select_n3A_260 : vector<32x1xf32>
    %sub3A_275 = arith.subf %mul3A_211, %mul3A_274 : vector<32x1xf32>
    %integer_pow3A_276 = arith.mulf %sub3A_275, %sub3A_275 : vector<32x1xf32>
    %mul3A_277 = arith.constant 0.405284733 : f32
    %mul3A_278 = vector.broadcast %mul3A_277 : f32 to vector<32x1xf32>
    %mul3A_279 = arith.mulf %mul3A_278, %integer_pow3A_276 : vector<32x1xf32>
    %sub3A_280 = arith.constant 1.000000e+00 : f32
    %sub3A_281 = vector.broadcast %sub3A_280 : f32 to vector<32x1xf32>
    %sub3A_282 = arith.subf %sub3A_281, %div3A_117 : vector<32x1xf32>
    %add3A_283 = arith.addf %sub3A_282, %mul3A_279 : vector<32x1xf32>
    %add3A_284 = arith.constant 9.99999997E-7 : f32
    %add3A_285 = vector.broadcast %add3A_284 : f32 to vector<32x1xf32>
    %add3A_286 = arith.addf %add3A_283, %add3A_285 : vector<32x1xf32>
    %div3A_287 = arith.divf %mul3A_279, %add3A_286 : vector<32x1xf32>
    %div3A_288 = arith.divf %add3A_146, %add3A_141 : vector<32x1xf32>
    %sub3A_289 = arith.subf %div3A_117, %div3A_288 : vector<32x1xf32>
    %mul3A_290 = arith.mulf %div3A_287, %mul3A_279 : vector<32x1xf32>
    %sub3A_291 = arith.subf %sub3A_289, %mul3A_290 : vector<32x1xf32>
    %sub3A_292 = arith.constant 1.000000e+00 : f32
    %sub3A_293 = vector.broadcast %sub3A_292 : f32 to vector<32x1xf32>
    %sub3A_294 = arith.subf %sub3A_293, %sub3A_291 : vector<32x1xf32>
    %reduce_sum3A_295 = vector.shape_cast %sub3A_294 : vector<32x1xf32> to vector<1x32x1xf32>
    %reduce_sum3A_296 = arith.constant dense<0.000000e+00> : vector<1xf32>
    %reduce_sum3A_297 = vector.multi_reduction <add>, %reduce_sum3A_295, %reduce_sum3A_296 [1, 2] : vector<1x32x1xf32> to vector<1xf32>
    %reduce_sum3A_298 = vector.shape_cast %reduce_sum3A_297 : vector<1xf32> to vector<1x1x1xf32>
    %reduce_sum3A_299 = vector.extract %reduce_sum3A_298[0, 0, 0] : f32 from vector<1x1x1xf32>
    %div3A_300 = arith.constant 3.200000e+01 : f32
    %div3A_301 = arith.divf %reduce_sum3A_299, %div3A_300 : f32
    %broadcast_in_dim3A_302 = vector.broadcast %div3A_301 : f32 to vector<1x1xf32>
    %swap3A_303 = arith.constant 0 : index
    %swap3A_304 = arith.constant 0 : index
    %swap3A_305 = arith.constant 0 : index
    %swap3A_306 = vector.load %arg5[%swap3A_303, %swap3A_304, %swap3A_305] : memref<2x1x1xf32, #tpu.memory_space<vmem>>, vector<1x1x1xf32>
    %swap3A_307 = vector.shape_cast %swap3A_306 : vector<1x1x1xf32> to vector<1x1xf32>
    %swap3A_308 = vector.shape_cast %broadcast_in_dim3A_302 : vector<1x1xf32> to vector<1x1x1xf32>
    tpu.vector_store %arg5[%swap3A_303, %swap3A_304, %swap3A_305], %swap3A_308 {strides = array<i32>} : memref<2x1x1xf32, #tpu.memory_space<vmem>>, vector<1x1x1xf32>,
    %get3A_309 = arith.constant 1 : index
    %get3A_310 = arith.constant 0 : index
    %get3A_311 = arith.constant 0 : index
    %get3A_312 = vector.load %arg1[%get3A_309, %get3A_310, %get3A_311] : memref<2x4x8400xf32, #tpu.memory_space<vmem>>, vector<1x1x8400xf32>
    %get3A_313 = vector.shape_cast %get3A_312 : vector<1x1x8400xf32> to vector<1x8400xf32>
    %get3A_314 = arith.constant 1 : index
    %get3A_315 = arith.constant 1 : index
    %get3A_316 = arith.constant 0 : index
    %get3A_317 = vector.load %arg1[%get3A_314, %get3A_315, %get3A_316] : memref<2x4x8400xf32, #tpu.memory_space<vmem>>, vector<1x1x8400xf32>
    %get3A_318 = vector.shape_cast %get3A_317 : vector<1x1x8400xf32> to vector<1x8400xf32>
    %get3A_319 = arith.constant 1 : index
    %get3A_320 = arith.constant 2 : index
    %get3A_321 = arith.constant 0 : index
    %get3A_322 = vector.load %arg1[%get3A_319, %get3A_320, %get3A_321] : memref<2x4x8400xf32, #tpu.memory_space<vmem>>, vector<1x1x8400xf32>
    %get3A_323 = vector.shape_cast %get3A_322 : vector<1x1x8400xf32> to vector<1x8400xf32>
    %get3A_324 = arith.constant 1 : index
    %get3A_325 = arith.constant 3 : index
    %get3A_326 = arith.constant 0 : index
    %get3A_327 = vector.load %arg1[%get3A_324, %get3A_325, %get3A_326] : memref<2x4x8400xf32, #tpu.memory_space<vmem>>, vector<1x1x8400xf32>
    %get3A_328 = vector.shape_cast %get3A_327 : vector<1x1x8400xf32> to vector<1x8400xf32>
    %get3A_329 = arith.constant 1 : index
    %get3A_330 = arith.constant 0 : index
    %get3A_331 = arith.constant 0 : index
    %get3A_332 = vector.load %arg2[%get3A_329, %get3A_330, %get3A_331] : memref<2x1x8400xf32, #tpu.memory_space<vmem>>, vector<1x1x8400xf32>
    %get3A_333 = vector.shape_cast %get3A_332 : vector<1x1x8400xf32> to vector<1x8400xf32>
    %get3A_334 = arith.constant 1 : index
    %get3A_335 = arith.constant 0 : index
    %get3A_336 = arith.constant 0 : index
    %get3A_337 = vector.load %arg3[%get3A_334, %get3A_335, %get3A_336] : memref<2x32x4xf32, #tpu.memory_space<vmem>>, vector<1x32x4xf32>
    %get3A_338 = vector.shape_cast %get3A_337 : vector<1x32x4xf32> to vector<32x4xf32>
    %slice3A_339 = vector.extract_strided_slice %get3A_338 {offsets = [0, 0], sizes = [32, 1], strides = [1, 1]} : vector<32x4xf32> to vector<32x1xf32>
    %slice3A_340 = vector.extract_strided_slice %get3A_338 {offsets = [0, 1], sizes = [32, 1], strides = [1, 1]} : vector<32x4xf32> to vector<32x1xf32>
    %slice3A_341 = vector.extract_strided_slice %get3A_338 {offsets = [0, 2], sizes = [32, 1], strides = [1, 1]} : vector<32x4xf32> to vector<32x1xf32>
    %slice3A_342 = vector.extract_strided_slice %get3A_338 {offsets = [0, 3], sizes = [32, 1], strides = [1, 1]} : vector<32x4xf32> to vector<32x1xf32>
    %sub3A_343 = arith.subf %slice3A_341, %slice3A_339 : vector<32x1xf32>
    %sub3A_344 = arith.subf %slice3A_342, %slice3A_340 : vector<32x1xf32>
    %mul3A_345 = arith.mulf %sub3A_343, %sub3A_344 : vector<32x1xf32>
    %get3A_346 = arith.constant 1 : index
    %get3A_347 = arith.constant 0 : index
    %get3A_348 = arith.constant 0 : index
    %get3A_349 = vector.load %arg4[%get3A_346, %get3A_347, %get3A_348] : memref<2x32x1xi32, #tpu.memory_space<vmem>>, vector<1x32x1xi32>
    %get3A_350 = vector.shape_cast %get3A_349 : vector<1x32x1xi32> to vector<32x1xi32>
    %iota3A_351 = tpu.iota {dimensions = array<i32: 1>} : vector<32x8400xi32>
    %eq3A_352 = vector.broadcast %get3A_350 : vector<32x1xi32> to vector<32x8400xi32>
    %eq3A_353 = arith.cmpi eq, %iota3A_351, %eq3A_352 : vector<32x8400xi32>
    %jit3A_354 = arith.constant 1.000000e+00 : f32
    %jit3A_355 = arith.constant 0.000000e+00 : f32
    %broadcast_in_dim3A_356 = vector.broadcast %jit3A_354 : f32 to vector<32x8400xf32>
    %broadcast_in_dim3A_357 = vector.broadcast %jit3A_355 : f32 to vector<32x8400xf32>
    %select_n3A_358 = arith.select %eq3A_353, %broadcast_in_dim3A_356, %broadcast_in_dim3A_357 : vector<32x8400xi1>, vector<32x8400xf32>
    %reduce_max3A_359 = arith.constant dense<0xFF800000> : vector<8400xf32>
    %reduce_max3A_360 = vector.multi_reduction <maximumf>, %select_n3A_358, %reduce_max3A_359 [0] : vector<32x8400xf32> to vector<8400xf32>
    %broadcast_in_dim3A_361 = vector.shape_cast %reduce_max3A_360 : vector<8400xf32> to vector<1x8400xf32>
    %max3A_362 = arith.constant 0.000000e+00 : f32
    %max3A_363 = vector.broadcast %max3A_362 : f32 to vector<1x8400xf32>
    %max3A_364 = arith.maximumf %get3A_333, %max3A_363 : vector<1x8400xf32>
    %abs3A_365 = math.absf %get3A_333 : vector<1x8400xf32>
    %neg3A_366 = arith.constant 0.000000e+00 : f32
    %neg3A_367 = vector.broadcast %neg3A_366 : f32 to vector<1x8400xf32>
    %neg3A_368 = arith.subf %neg3A_367, %abs3A_365 : vector<1x8400xf32>
    %exp3A_369 = math.exp %neg3A_368 : vector<1x8400xf32>
    %log1p3A_370 = math.log1p %exp3A_369 : vector<1x8400xf32>
    %add3A_371 = arith.addf %max3A_364, %log1p3A_370 : vector<1x8400xf32>
    %reduce_sum3A_372 = vector.shape_cast %add3A_371 : vector<1x8400xf32> to vector<1x1x8400xf32>
    %reduce_sum3A_373 = arith.constant dense<0.000000e+00> : vector<1xf32>
    %reduce_sum3A_374 = vector.multi_reduction <add>, %reduce_sum3A_372, %reduce_sum3A_373 [1, 2] : vector<1x1x8400xf32> to vector<1xf32>
    %reduce_sum3A_375 = vector.shape_cast %reduce_sum3A_374 : vector<1xf32> to vector<1x1x1xf32>
    %reduce_sum3A_376 = vector.extract %reduce_sum3A_375[0, 0, 0] : f32 from vector<1x1x1xf32>
    %mul3A_377 = arith.mulf %broadcast_in_dim3A_361, %get3A_333 : vector<1x8400xf32>
    %reduce_sum3A_378 = vector.shape_cast %mul3A_377 : vector<1x8400xf32> to vector<1x1x8400xf32>
    %reduce_sum3A_379 = arith.constant dense<0.000000e+00> : vector<1xf32>
    %reduce_sum3A_380 = vector.multi_reduction <add>, %reduce_sum3A_378, %reduce_sum3A_379 [1, 2] : vector<1x1x8400xf32> to vector<1xf32>
    %reduce_sum3A_381 = vector.shape_cast %reduce_sum3A_380 : vector<1xf32> to vector<1x1x1xf32>
    %reduce_sum3A_382 = vector.extract %reduce_sum3A_381[0, 0, 0] : f32 from vector<1x1x1xf32>
    %sub3A_383 = arith.subf %reduce_sum3A_376, %reduce_sum3A_382 : f32
    %div3A_384 = arith.constant 8.400000e+03 : f32
    %div3A_385 = arith.divf %sub3A_383, %div3A_384 : f32
    %broadcast_in_dim3A_386 = vector.broadcast %div3A_385 : f32 to vector<1x1xf32>
    %swap3A_387 = arith.constant 1 : index
    %swap3A_388 = arith.constant 0 : index
    %swap3A_389 = arith.constant 0 : index
    %swap3A_390 = vector.load %arg6[%swap3A_387, %swap3A_388, %swap3A_389] : memref<2x1x1xf32, #tpu.memory_space<vmem>>, vector<1x1x1xf32>
    %swap3A_391 = vector.shape_cast %swap3A_390 : vector<1x1x1xf32> to vector<1x1xf32>
    %swap3A_392 = vector.shape_cast %broadcast_in_dim3A_386 : vector<1x1xf32> to vector<1x1x1xf32>
    tpu.vector_store %arg6[%swap3A_387, %swap3A_388, %swap3A_389], %swap3A_392 {strides = array<i32>} : memref<2x1x1xf32, #tpu.memory_space<vmem>>, vector<1x1x1xf32>,
    %jit3A_393 = arith.constant 0.000000e+00 : f32
    %broadcast_in_dim3A_394 = vector.shape_cast %get3A_313 : vector<1x8400xf32> to vector<1x8400xf32>
    %broadcast_in_dim3A_395 = vector.broadcast %broadcast_in_dim3A_394 : vector<1x8400xf32> to vector<32x8400xf32>
    %broadcast_in_dim3A_396 = vector.broadcast %jit3A_393 : f32 to vector<32x8400xf32>
    %select_n3A_397 = arith.select %eq3A_353, %broadcast_in_dim3A_395, %broadcast_in_dim3A_396 : vector<32x8400xi1>, vector<32x8400xf32>
    %reduce_sum3A_398 = arith.constant dense<0.000000e+00> : vector<32xf32>
    %reduce_sum3A_399 = vector.multi_reduction <add>, %select_n3A_397, %reduce_sum3A_398 [1] : vector<32x8400xf32> to vector<32xf32>
    %broadcast_in_dim3A_400 = vector.shape_cast %reduce_sum3A_399 : vector<32xf32> to vector<32x1xf32>
    %jit3A_401 = arith.constant 0.000000e+00 : f32
    %broadcast_in_dim3A_402 = vector.shape_cast %get3A_318 : vector<1x8400xf32> to vector<1x8400xf32>
    %broadcast_in_dim3A_403 = vector.broadcast %broadcast_in_dim3A_402 : vector<1x8400xf32> to vector<32x8400xf32>
    %broadcast_in_dim3A_404 = vector.broadcast %jit3A_401 : f32 to vector<32x8400xf32>
    %select_n3A_405 = arith.select %eq3A_353, %broadcast_in_dim3A_403, %broadcast_in_dim3A_404 : vector<32x8400xi1>, vector<32x8400xf32>
    %reduce_sum3A_406 = arith.constant dense<0.000000e+00> : vector<32xf32>
    %reduce_sum3A_407 = vector.multi_reduction <add>, %select_n3A_405, %reduce_sum3A_406 [1] : vector<32x8400xf32> to vector<32xf32>
    %broadcast_in_dim3A_408 = vector.shape_cast %reduce_sum3A_407 : vector<32xf32> to vector<32x1xf32>
    %jit3A_409 = arith.constant 0.000000e+00 : f32
    %broadcast_in_dim3A_410 = vector.shape_cast %get3A_323 : vector<1x8400xf32> to vector<1x8400xf32>
    %broadcast_in_dim3A_411 = vector.broadcast %broadcast_in_dim3A_410 : vector<1x8400xf32> to vector<32x8400xf32>
    %broadcast_in_dim3A_412 = vector.broadcast %jit3A_409 : f32 to vector<32x8400xf32>
    %select_n3A_413 = arith.select %eq3A_353, %broadcast_in_dim3A_411, %broadcast_in_dim3A_412 : vector<32x8400xi1>, vector<32x8400xf32>
    %reduce_sum3A_414 = arith.constant dense<0.000000e+00> : vector<32xf32>
    %reduce_sum3A_415 = vector.multi_reduction <add>, %select_n3A_413, %reduce_sum3A_414 [1] : vector<32x8400xf32> to vector<32xf32>
    %broadcast_in_dim3A_416 = vector.shape_cast %reduce_sum3A_415 : vector<32xf32> to vector<32x1xf32>
    %jit3A_417 = arith.constant 0.000000e+00 : f32
    %broadcast_in_dim3A_418 = vector.shape_cast %get3A_328 : vector<1x8400xf32> to vector<1x8400xf32>
    %broadcast_in_dim3A_419 = vector.broadcast %broadcast_in_dim3A_418 : vector<1x8400xf32> to vector<32x8400xf32>
    %broadcast_in_dim3A_420 = vector.broadcast %jit3A_417 : f32 to vector<32x8400xf32>
    %select_n3A_421 = arith.select %eq3A_353, %broadcast_in_dim3A_419, %broadcast_in_dim3A_420 : vector<32x8400xi1>, vector<32x8400xf32>
    %reduce_sum3A_422 = arith.constant dense<0.000000e+00> : vector<32xf32>
    %reduce_sum3A_423 = vector.multi_reduction <add>, %select_n3A_421, %reduce_sum3A_422 [1] : vector<32x8400xf32> to vector<32xf32>
    %broadcast_in_dim3A_424 = vector.shape_cast %reduce_sum3A_423 : vector<32xf32> to vector<32x1xf32>
    %sub3A_425 = arith.subf %broadcast_in_dim3A_416, %broadcast_in_dim3A_400 : vector<32x1xf32>
    %sub3A_426 = arith.subf %broadcast_in_dim3A_424, %broadcast_in_dim3A_408 : vector<32x1xf32>
    %mul3A_427 = arith.mulf %sub3A_425, %sub3A_426 : vector<32x1xf32>
    %max3A_428 = arith.maximumf %broadcast_in_dim3A_400, %slice3A_339 : vector<32x1xf32>
    %max3A_429 = arith.maximumf %broadcast_in_dim3A_408, %slice3A_340 : vector<32x1xf32>
    %min3A_430 = arith.minimumf %broadcast_in_dim3A_416, %slice3A_341 : vector<32x1xf32>
    %min3A_431 = arith.minimumf %broadcast_in_dim3A_424, %slice3A_342 : vector<32x1xf32>
    %sub3A_432 = arith.subf %min3A_430, %max3A_428 : vector<32x1xf32>
    %max3A_433 = arith.constant 0.000000e+00 : f32
    %max3A_434 = vector.broadcast %max3A_433 : f32 to vector<32x1xf32>
    %max3A_435 = arith.maximumf %sub3A_432, %max3A_434 : vector<32x1xf32>
    %sub3A_436 = arith.subf %min3A_431, %max3A_429 : vector<32x1xf32>
    %max3A_437 = arith.constant 0.000000e+00 : f32
    %max3A_438 = vector.broadcast %max3A_437 : f32 to vector<32x1xf32>
    %max3A_439 = arith.maximumf %sub3A_436, %max3A_438 : vector<32x1xf32>
    %mul3A_440 = arith.mulf %max3A_435, %max3A_439 : vector<32x1xf32>
    %add3A_441 = arith.addf %mul3A_427, %mul3A_345 : vector<32x1xf32>
    %sub3A_442 = arith.subf %add3A_441, %mul3A_440 : vector<32x1xf32>
    %add3A_443 = arith.constant 9.99999997E-7 : f32
    %add3A_444 = vector.broadcast %add3A_443 : f32 to vector<32x1xf32>
    %add3A_445 = arith.addf %sub3A_442, %add3A_444 : vector<32x1xf32>
    %div3A_446 = arith.divf %mul3A_440, %add3A_445 : vector<32x1xf32>
    %add3A_447 = arith.addf %broadcast_in_dim3A_400, %broadcast_in_dim3A_416 : vector<32x1xf32>
    %mul3A_448 = arith.constant 5.000000e-01 : f32
    %mul3A_449 = vector.broadcast %mul3A_448 : f32 to vector<32x1xf32>
    %mul3A_450 = arith.mulf %add3A_447, %mul3A_449 : vector<32x1xf32>
    %add3A_451 = arith.addf %broadcast_in_dim3A_408, %broadcast_in_dim3A_424 : vector<32x1xf32>
    %mul3A_452 = arith.constant 5.000000e-01 : f32
    %mul3A_453 = vector.broadcast %mul3A_452 : f32 to vector<32x1xf32>
    %mul3A_454 = arith.mulf %add3A_451, %mul3A_453 : vector<32x1xf32>
    %add3A_455 = arith.addf %slice3A_339, %slice3A_341 : vector<32x1xf32>
    %mul3A_456 = arith.constant 5.000000e-01 : f32
    %mul3A_457 = vector.broadcast %mul3A_456 : f32 to vector<32x1xf32>
    %mul3A_458 = arith.mulf %add3A_455, %mul3A_457 : vector<32x1xf32>
    %add3A_459 = arith.addf %slice3A_340, %slice3A_342 : vector<32x1xf32>
    %mul3A_460 = arith.constant 5.000000e-01 : f32
    %mul3A_461 = vector.broadcast %mul3A_460 : f32 to vector<32x1xf32>
    %mul3A_462 = arith.mulf %add3A_459, %mul3A_461 : vector<32x1xf32>
    %min3A_463 = arith.minimumf %broadcast_in_dim3A_400, %slice3A_339 : vector<32x1xf32>
    %min3A_464 = arith.minimumf %broadcast_in_dim3A_408, %slice3A_340 : vector<32x1xf32>
    %max3A_465 = arith.maximumf %broadcast_in_dim3A_416, %slice3A_341 : vector<32x1xf32>
    %max3A_466 = arith.maximumf %broadcast_in_dim3A_424, %slice3A_342 : vector<32x1xf32>
    %sub3A_467 = arith.subf %max3A_465, %min3A_463 : vector<32x1xf32>
    %integer_pow3A_468 = arith.mulf %sub3A_467, %sub3A_467 : vector<32x1xf32>
    %sub3A_469 = arith.subf %max3A_466, %min3A_464 : vector<32x1xf32>
    %integer_pow3A_470 = arith.mulf %sub3A_469, %sub3A_469 : vector<32x1xf32>
    %add3A_471 = arith.addf %integer_pow3A_468, %integer_pow3A_470 : vector<32x1xf32>
    %sub3A_472 = arith.subf %mul3A_450, %mul3A_458 : vector<32x1xf32>
    %integer_pow3A_473 = arith.mulf %sub3A_472, %sub3A_472 : vector<32x1xf32>
    %sub3A_474 = arith.subf %mul3A_454, %mul3A_462 : vector<32x1xf32>
    %integer_pow3A_475 = arith.mulf %sub3A_474, %sub3A_474 : vector<32x1xf32>
    %add3A_476 = arith.addf %integer_pow3A_473, %integer_pow3A_475 : vector<32x1xf32>
    %sub3A_477 = arith.subf %broadcast_in_dim3A_416, %broadcast_in_dim3A_400 : vector<32x1xf32>
    %sub3A_478 = arith.subf %broadcast_in_dim3A_424, %broadcast_in_dim3A_408 : vector<32x1xf32>
    %sub3A_479 = arith.subf %slice3A_341, %slice3A_339 : vector<32x1xf32>
    %sub3A_480 = arith.subf %slice3A_342, %slice3A_340 : vector<32x1xf32>
    %div3A_481 = arith.divf %sub3A_479, %sub3A_480 : vector<32x1xf32>
    %abs3A_482 = math.absf %div3A_481 : vector<32x1xf32>
    %gt3A_483 = arith.constant 1.000000e+00 : f32
    %gt3A_484 = vector.broadcast %gt3A_483 : f32 to vector<32x1xf32>
    %gt3A_485 = arith.cmpf ogt, %abs3A_482, %gt3A_484 : vector<32x1xf32>
    %div3A_486 = arith.constant 1.000000e+00 : f32
    %div3A_487 = vector.broadcast %div3A_486 : f32 to vector<32x1xf32>
    %div3A_488 = arith.divf %div3A_487, %abs3A_482 : vector<32x1xf32>
    %select_n3A_489 = arith.select %gt3A_485, %div3A_488, %abs3A_482 : vector<32x1xi1>, vector<32x1xf32>
    %mul3A_490 = arith.mulf %select_n3A_489, %select_n3A_489 : vector<32x1xf32>
    %broadcast_in_dim3A_491 = arith.constant 0.0023981391 : f32
    %broadcast_in_dim3A_492 = vector.broadcast %broadcast_in_dim3A_491 : f32 to vector<32x1xf32>
    %mul3A_493 = arith.mulf %broadcast_in_dim3A_492, %mul3A_490 : vector<32x1xf32>
    %add3A_494 = arith.constant -0.014152348 : f32
    %add3A_495 = vector.broadcast %add3A_494 : f32 to vector<32x1xf32>
    %add3A_496 = arith.addf %mul3A_493, %add3A_495 : vector<32x1xf32>
    %mul3A_497 = arith.mulf %add3A_496, %mul3A_490 : vector<32x1xf32>
    %add3A_498 = arith.constant 0.0393454134 : f32
    %add3A_499 = vector.broadcast %add3A_498 : f32 to vector<32x1xf32>
    %add3A_500 = arith.addf %mul3A_497, %add3A_499 : vector<32x1xf32>
    %mul3A_501 = arith.mulf %add3A_500, %mul3A_490 : vector<32x1xf32>
    %add3A_502 = arith.constant -0.0719438419 : f32
    %add3A_503 = vector.broadcast %add3A_502 : f32 to vector<32x1xf32>
    %add3A_504 = arith.addf %mul3A_501, %add3A_503 : vector<32x1xf32>
    %mul3A_505 = arith.mulf %add3A_504, %mul3A_490 : vector<32x1xf32>
    %add3A_506 = arith.constant 0.104775392 : f32
    %add3A_507 = vector.broadcast %add3A_506 : f32 to vector<32x1xf32>
    %add3A_508 = arith.addf %mul3A_505, %add3A_507 : vector<32x1xf32>
    %mul3A_509 = arith.mulf %add3A_508, %mul3A_490 : vector<32x1xf32>
    %add3A_510 = arith.constant -0.141548067 : f32
    %add3A_511 = vector.broadcast %add3A_510 : f32 to vector<32x1xf32>
    %add3A_512 = arith.addf %mul3A_509, %add3A_511 : vector<32x1xf32>
    %mul3A_513 = arith.mulf %add3A_512, %mul3A_490 : vector<32x1xf32>
    %add3A_514 = arith.constant 0.199848846 : f32
    %add3A_515 = vector.broadcast %add3A_514 : f32 to vector<32x1xf32>
    %add3A_516 = arith.addf %mul3A_513, %add3A_515 : vector<32x1xf32>
    %mul3A_517 = arith.mulf %add3A_516, %mul3A_490 : vector<32x1xf32>
    %add3A_518 = arith.constant -0.333325237 : f32
    %add3A_519 = vector.broadcast %add3A_518 : f32 to vector<32x1xf32>
    %add3A_520 = arith.addf %mul3A_517, %add3A_519 : vector<32x1xf32>
    %mul3A_521 = arith.mulf %add3A_520, %mul3A_490 : vector<32x1xf32>
    %add3A_522 = arith.constant 0.99999988 : f32
    %add3A_523 = vector.broadcast %add3A_522 : f32 to vector<32x1xf32>
    %add3A_524 = arith.addf %mul3A_521, %add3A_523 : vector<32x1xf32>
    %mul3A_525 = arith.mulf %add3A_524, %select_n3A_489 : vector<32x1xf32>
    %sub3A_526 = arith.constant 1.57079637 : f32
    %sub3A_527 = vector.broadcast %sub3A_526 : f32 to vector<32x1xf32>
    %sub3A_528 = arith.subf %sub3A_527, %mul3A_525 : vector<32x1xf32>
    %select_n3A_529 = arith.select %gt3A_485, %sub3A_528, %mul3A_525 : vector<32x1xi1>, vector<32x1xf32>
    %sign3A_530 = tpu.bitcast %div3A_481 : vector<32x1xf32> -> vector<32x1xi32>
    %sign3A_531 = arith.constant -2147483648 : i32
    %sign3A_532 = vector.broadcast %sign3A_531 : i32 to vector<32x1xi32>
    %sign3A_533 = arith.andi %sign3A_530, %sign3A_532 : vector<32x1xi32>
    %sign3A_534 = arith.constant 1065353216 : i32
    %sign3A_535 = vector.broadcast %sign3A_534 : i32 to vector<32x1xi32>
    %sign3A_536 = arith.ori %sign3A_535, %sign3A_533 : vector<32x1xi32>
    %sign3A_537 = tpu.bitcast %sign3A_536 : vector<32x1xi32> -> vector<32x1xf32>
    %sign3A_538 = math.absf %div3A_481 : vector<32x1xf32>
    %sign3A_539 = arith.constant 0.000000e+00 : f32
    %sign3A_540 = vector.broadcast %sign3A_539 : f32 to vector<32x1xf32>
    %sign3A_541 = arith.cmpf ogt, %sign3A_538, %sign3A_540 : vector<32x1xf32>
    %sign3A_542 = arith.select %sign3A_541, %sign3A_537, %div3A_481 : vector<32x1xi1>, vector<32x1xf32>
    %mul3A_543 = arith.mulf %sign3A_542, %select_n3A_529 : vector<32x1xf32>
    %div3A_544 = arith.divf %sub3A_477, %sub3A_478 : vector<32x1xf32>
    %abs3A_545 = math.absf %div3A_544 : vector<32x1xf32>
    %gt3A_546 = arith.constant 1.000000e+00 : f32
    %gt3A_547 = vector.broadcast %gt3A_546 : f32 to vector<32x1xf32>
    %gt3A_548 = arith.cmpf ogt, %abs3A_545, %gt3A_547 : vector<32x1xf32>
    %div3A_549 = arith.constant 1.000000e+00 : f32
    %div3A_550 = vector.broadcast %div3A_549 : f32 to vector<32x1xf32>
    %div3A_551 = arith.divf %div3A_550, %abs3A_545 : vector<32x1xf32>
    %select_n3A_552 = arith.select %gt3A_548, %div3A_551, %abs3A_545 : vector<32x1xi1>, vector<32x1xf32>
    %mul3A_553 = arith.mulf %select_n3A_552, %select_n3A_552 : vector<32x1xf32>
    %broadcast_in_dim3A_554 = arith.constant 0.0023981391 : f32
    %broadcast_in_dim3A_555 = vector.broadcast %broadcast_in_dim3A_554 : f32 to vector<32x1xf32>
    %mul3A_556 = arith.mulf %broadcast_in_dim3A_555, %mul3A_553 : vector<32x1xf32>
    %add3A_557 = arith.constant -0.014152348 : f32
    %add3A_558 = vector.broadcast %add3A_557 : f32 to vector<32x1xf32>
    %add3A_559 = arith.addf %mul3A_556, %add3A_558 : vector<32x1xf32>
    %mul3A_560 = arith.mulf %add3A_559, %mul3A_553 : vector<32x1xf32>
    %add3A_561 = arith.constant 0.0393454134 : f32
    %add3A_562 = vector.broadcast %add3A_561 : f32 to vector<32x1xf32>
    %add3A_563 = arith.addf %mul3A_560, %add3A_562 : vector<32x1xf32>
    %mul3A_564 = arith.mulf %add3A_563, %mul3A_553 : vector<32x1xf32>
    %add3A_565 = arith.constant -0.0719438419 : f32
    %add3A_566 = vector.broadcast %add3A_565 : f32 to vector<32x1xf32>
    %add3A_567 = arith.addf %mul3A_564, %add3A_566 : vector<32x1xf32>
    %mul3A_568 = arith.mulf %add3A_567, %mul3A_553 : vector<32x1xf32>
    %add3A_569 = arith.constant 0.104775392 : f32
    %add3A_570 = vector.broadcast %add3A_569 : f32 to vector<32x1xf32>
    %add3A_571 = arith.addf %mul3A_568, %add3A_570 : vector<32x1xf32>
    %mul3A_572 = arith.mulf %add3A_571, %mul3A_553 : vector<32x1xf32>
    %add3A_573 = arith.constant -0.141548067 : f32
    %add3A_574 = vector.broadcast %add3A_573 : f32 to vector<32x1xf32>
    %add3A_575 = arith.addf %mul3A_572, %add3A_574 : vector<32x1xf32>
    %mul3A_576 = arith.mulf %add3A_575, %mul3A_553 : vector<32x1xf32>
    %add3A_577 = arith.constant 0.199848846 : f32
    %add3A_578 = vector.broadcast %add3A_577 : f32 to vector<32x1xf32>
    %add3A_579 = arith.addf %mul3A_576, %add3A_578 : vector<32x1xf32>
    %mul3A_580 = arith.mulf %add3A_579, %mul3A_553 : vector<32x1xf32>
    %add3A_581 = arith.constant -0.333325237 : f32
    %add3A_582 = vector.broadcast %add3A_581 : f32 to vector<32x1xf32>
    %add3A_583 = arith.addf %mul3A_580, %add3A_582 : vector<32x1xf32>
    %mul3A_584 = arith.mulf %add3A_583, %mul3A_553 : vector<32x1xf32>
    %add3A_585 = arith.constant 0.99999988 : f32
    %add3A_586 = vector.broadcast %add3A_585 : f32 to vector<32x1xf32>
    %add3A_587 = arith.addf %mul3A_584, %add3A_586 : vector<32x1xf32>
    %mul3A_588 = arith.mulf %add3A_587, %select_n3A_552 : vector<32x1xf32>
    %sub3A_589 = arith.constant 1.57079637 : f32
    %sub3A_590 = vector.broadcast %sub3A_589 : f32 to vector<32x1xf32>
    %sub3A_591 = arith.subf %sub3A_590, %mul3A_588 : vector<32x1xf32>
    %select_n3A_592 = arith.select %gt3A_548, %sub3A_591, %mul3A_588 : vector<32x1xi1>, vector<32x1xf32>
    %sign3A_593 = tpu.bitcast %div3A_544 : vector<32x1xf32> -> vector<32x1xi32>
    %sign3A_594 = arith.constant -2147483648 : i32
    %sign3A_595 = vector.broadcast %sign3A_594 : i32 to vector<32x1xi32>
    %sign3A_596 = arith.andi %sign3A_593, %sign3A_595 : vector<32x1xi32>
    %sign3A_597 = arith.constant 1065353216 : i32
    %sign3A_598 = vector.broadcast %sign3A_597 : i32 to vector<32x1xi32>
    %sign3A_599 = arith.ori %sign3A_598, %sign3A_596 : vector<32x1xi32>
    %sign3A_600 = tpu.bitcast %sign3A_599 : vector<32x1xi32> -> vector<32x1xf32>
    %sign3A_601 = math.absf %div3A_544 : vector<32x1xf32>
    %sign3A_602 = arith.constant 0.000000e+00 : f32
    %sign3A_603 = vector.broadcast %sign3A_602 : f32 to vector<32x1xf32>
    %sign3A_604 = arith.cmpf ogt, %sign3A_601, %sign3A_603 : vector<32x1xf32>
    %sign3A_605 = arith.select %sign3A_604, %sign3A_600, %div3A_544 : vector<32x1xi1>, vector<32x1xf32>
    %mul3A_606 = arith.mulf %sign3A_605, %select_n3A_592 : vector<32x1xf32>
    %sub3A_607 = arith.subf %mul3A_543, %mul3A_606 : vector<32x1xf32>
    %integer_pow3A_608 = arith.mulf %sub3A_607, %sub3A_607 : vector<32x1xf32>
    %mul3A_609 = arith.constant 0.405284733 : f32
    %mul3A_610 = vector.broadcast %mul3A_609 : f32 to vector<32x1xf32>
    %mul3A_611 = arith.mulf %mul3A_610, %integer_pow3A_608 : vector<32x1xf32>
    %sub3A_612 = arith.constant 1.000000e+00 : f32
    %sub3A_613 = vector.broadcast %sub3A_612 : f32 to vector<32x1xf32>
    %sub3A_614 = arith.subf %sub3A_613, %div3A_446 : vector<32x1xf32>
    %add3A_615 = arith.addf %sub3A_614, %mul3A_611 : vector<32x1xf32>
    %add3A_616 = arith.constant 9.99999997E-7 : f32
    %add3A_617 = vector.broadcast %add3A_616 : f32 to vector<32x1xf32>
    %add3A_618 = arith.addf %add3A_615, %add3A_617 : vector<32x1xf32>
    %div3A_619 = arith.divf %mul3A_611, %add3A_618 : vector<32x1xf32>
    %div3A_620 = arith.divf %add3A_476, %add3A_471 : vector<32x1xf32>
    %sub3A_621 = arith.subf %div3A_446, %div3A_620 : vector<32x1xf32>
    %mul3A_622 = arith.mulf %div3A_619, %mul3A_611 : vector<32x1xf32>
    %sub3A_623 = arith.subf %sub3A_621, %mul3A_622 : vector<32x1xf32>
    %sub3A_624 = arith.constant 1.000000e+00 : f32
    %sub3A_625 = vector.broadcast %sub3A_624 : f32 to vector<32x1xf32>
    %sub3A_626 = arith.subf %sub3A_625, %sub3A_623 : vector<32x1xf32>
    %reduce_sum3A_627 = vector.shape_cast %sub3A_626 : vector<32x1xf32> to vector<1x32x1xf32>
    %reduce_sum3A_628 = arith.constant dense<0.000000e+00> : vector<1xf32>
    %reduce_sum3A_629 = vector.multi_reduction <add>, %reduce_sum3A_627, %reduce_sum3A_628 [1, 2] : vector<1x32x1xf32> to vector<1xf32>
    %reduce_sum3A_630 = vector.shape_cast %reduce_sum3A_629 : vector<1xf32> to vector<1x1x1xf32>
    %reduce_sum3A_631 = vector.extract %reduce_sum3A_630[0, 0, 0] : f32 from vector<1x1x1xf32>
    %div3A_632 = arith.constant 3.200000e+01 : f32
    %div3A_633 = arith.divf %reduce_sum3A_631, %div3A_632 : f32
    %broadcast_in_dim3A_634 = vector.broadcast %div3A_633 : f32 to vector<1x1xf32>
    %swap3A_635 = arith.constant 1 : index
    %swap3A_636 = arith.constant 0 : index
    %swap3A_637 = arith.constant 0 : index
    %swap3A_638 = vector.load %arg5[%swap3A_635, %swap3A_636, %swap3A_637] : memref<2x1x1xf32, #tpu.memory_space<vmem>>, vector<1x1x1xf32>
    %swap3A_639 = vector.shape_cast %swap3A_638 : vector<1x1x1xf32> to vector<1x1xf32>
    %swap3A_640 = vector.shape_cast %broadcast_in_dim3A_634 : vector<1x1xf32> to vector<1x1x1xf32>
    tpu.vector_store %arg5[%swap3A_635, %swap3A_636, %swap3A_637], %swap3A_640 {strides = array<i32>} : memref<2x1x1xf32, #tpu.memory_space<vmem>>, vector<1x1x1xf32>,
    return
  }
  func.func @transform_0(%arg0: i32) -> (i32, i32, i32) {
    %c0_i32 = arith.constant 0 : i32
    %c0_i32_0 = arith.constant 0 : i32
    %c0_i32_1 = arith.constant 0 : i32
    return %arg0, %c0_i32, %c0_i32_0 : i32, i32, i32
  }
  func.func @transform_1(%arg0: i32) -> (i32, i32, i32) {
    %c0_i32 = arith.constant 0 : i32
    %c0_i32_0 = arith.constant 0 : i32
    %c0_i32_1 = arith.constant 0 : i32
    return %arg0, %c0_i32, %c0_i32_0 : i32, i32, i32
  }
  func.func @transform_2(%arg0: i32) -> (i32, i32, i32) {
    %c0_i32 = arith.constant 0 : i32
    %c0_i32_0 = arith.constant 0 : i32
    %c0_i32_1 = arith.constant 0 : i32
    return %arg0, %c0_i32, %c0_i32_0 : i32, i32, i32
  }
  func.func @transform_3(%arg0: i32) -> (i32, i32, i32) {
    %c0_i32 = arith.constant 0 : i32
    %c0_i32_0 = arith.constant 0 : i32
    %c0_i32_1 = arith.constant 0 : i32
    return %arg0, %c0_i32, %c0_i32_0 : i32, i32, i32
  }
  func.func @transform_4(%arg0: i32) -> (i32, i32, i32) {
    %c0_i32 = arith.constant 0 : i32
    %c0_i32_0 = arith.constant 0 : i32
    %c0_i32_1 = arith.constant 0 : i32
    return %arg0, %c0_i32, %c0_i32_0 : i32, i32, i32
  }
  func.func @transform_5(%arg0: i32) -> (i32, i32, i32) {
    %c0_i32 = arith.constant 0 : i32
    %c0_i32_0 = arith.constant 0 : i32
    %c0_i32_1 = arith.constant 0 : i32
    return %arg0, %c0_i32, %c0_i32_0 : i32, i32, i32
  }
}

module attributes {stable_mosaic.version = 14 : i64} {
  func.func @_finish_body(%arg0: memref<32x80x16xf32, #tpu.memory_space<vmem>>, %arg1: memref<32x1x16xi32, #tpu.memory_space<vmem>>, %arg2: memref<16x1xf32, #tpu.memory_space<vmem>>, %arg3: memref<16x1xf32, #tpu.memory_space<vmem>>, %arg4: memref<1x1xf32, #tpu.memory_space<vmem>>) attributes {dimension_semantics = [], scalar_prefetch = 0 : i64, scratch_operands = 0 : i64, tpu.core_type = #tpu.core_type<tc>} {
    %get3A = arith.constant 0 : index
    %get3A_0 = arith.constant 0 : index
    %get3A_1 = arith.constant 0 : index
    %get3A_2 = vector.load %arg0[%get3A, %get3A_0, %get3A_1] : memref<32x80x16xf32, #tpu.memory_space<vmem>>, vector<32x80x16xf32>
    %get3A_3 = arith.constant 0 : index
    %get3A_4 = arith.constant 0 : index
    %get3A_5 = arith.constant 0 : index
    %get3A_6 = vector.load %arg1[%get3A_3, %get3A_4, %get3A_5] : memref<32x1x16xi32, #tpu.memory_space<vmem>>, vector<32x1x16xi32>
    %iota3A = tpu.iota {dimensions = array<i32: 1>} : vector<32x80x16xi32>
    %eq3A = vector.broadcast %get3A_6 : vector<32x1x16xi32> to vector<32x80x16xi32>
    %eq3A_7 = arith.cmpi eq, %iota3A, %eq3A : vector<32x80x16xi32>
    %jit3A = arith.constant 0.000000e+00 : f32
    %broadcast_in_dim3A = vector.broadcast %jit3A : f32 to vector<32x80x16xf32>
    %select_n3A = arith.select %eq3A_7, %get3A_2, %broadcast_in_dim3A : vector<32x80x16xi1>, vector<32x80x16xf32>
    %reduce_sum3A = vector.shape_cast %select_n3A : vector<32x80x16xf32> to vector<1x32x80x16xf32>
    %reduce_sum3A_8 = arith.constant dense<0.000000e+00> : vector<1xf32>
    %reduce_sum3A_9 = vector.multi_reduction <add>, %reduce_sum3A, %reduce_sum3A_8 [1, 2, 3] : vector<1x32x80x16xf32> to vector<1xf32>
    %reduce_sum3A_10 = vector.shape_cast %reduce_sum3A_9 : vector<1xf32> to vector<1x1x1x1xf32>
    %reduce_sum3A_11 = vector.extract %reduce_sum3A_10[0, 0, 0, 0] : f32 from vector<1x1x1x1xf32>
    %max3A = arith.constant 0.000000e+00 : f32
    %max3A_12 = vector.broadcast %max3A : f32 to vector<32x80x16xf32>
    %max3A_13 = arith.maximumf %get3A_2, %max3A_12 : vector<32x80x16xf32>
    %abs3A = math.absf %get3A_2 : vector<32x80x16xf32>
    %neg3A = arith.constant 0.000000e+00 : f32
    %neg3A_14 = vector.broadcast %neg3A : f32 to vector<32x80x16xf32>
    %neg3A_15 = arith.subf %neg3A_14, %abs3A : vector<32x80x16xf32>
    %exp3A = math.exp %neg3A_15 : vector<32x80x16xf32>
    %log1p3A = math.log1p %exp3A : vector<32x80x16xf32>
    %add3A = arith.addf %max3A_13, %log1p3A : vector<32x80x16xf32>
    %reduce_sum3A_16 = vector.shape_cast %add3A : vector<32x80x16xf32> to vector<1x32x80x16xf32>
    %reduce_sum3A_17 = arith.constant dense<0.000000e+00> : vector<1xf32>
    %reduce_sum3A_18 = vector.multi_reduction <add>, %reduce_sum3A_16, %reduce_sum3A_17 [1, 2, 3] : vector<1x32x80x16xf32> to vector<1xf32>
    %reduce_sum3A_19 = vector.shape_cast %reduce_sum3A_18 : vector<1xf32> to vector<1x1x1x1xf32>
    %reduce_sum3A_20 = vector.extract %reduce_sum3A_19[0, 0, 0, 0] : f32 from vector<1x1x1x1xf32>
    %sub3A = arith.subf %reduce_sum3A_20, %reduce_sum3A_11 : f32
    %div3A = arith.constant 4.096000e+04 : f32
    %div3A_21 = arith.divf %sub3A, %div3A : f32
    %get3A_22 = arith.constant 0 : index
    %get3A_23 = arith.constant 0 : index
    %get3A_24 = vector.load %arg2[%get3A_22, %get3A_23] : memref<16x1xf32, #tpu.memory_space<vmem>>, vector<16x1xf32>
    %reduce_sum3A_25 = vector.shape_cast %get3A_24 : vector<16x1xf32> to vector<1x16x1xf32>
    %reduce_sum3A_26 = arith.constant dense<0.000000e+00> : vector<1xf32>
    %reduce_sum3A_27 = vector.multi_reduction <add>, %reduce_sum3A_25, %reduce_sum3A_26 [1, 2] : vector<1x16x1xf32> to vector<1xf32>
    %reduce_sum3A_28 = vector.shape_cast %reduce_sum3A_27 : vector<1xf32> to vector<1x1x1xf32>
    %reduce_sum3A_29 = vector.extract %reduce_sum3A_28[0, 0, 0] : f32 from vector<1x1x1xf32>
    %div3A_30 = arith.constant 1.600000e+01 : f32
    %div3A_31 = arith.divf %reduce_sum3A_29, %div3A_30 : f32
    %get3A_32 = arith.constant 0 : index
    %get3A_33 = arith.constant 0 : index
    %get3A_34 = vector.load %arg3[%get3A_32, %get3A_33] : memref<16x1xf32, #tpu.memory_space<vmem>>, vector<16x1xf32>
    %reduce_sum3A_35 = vector.shape_cast %get3A_34 : vector<16x1xf32> to vector<1x16x1xf32>
    %reduce_sum3A_36 = arith.constant dense<0.000000e+00> : vector<1xf32>
    %reduce_sum3A_37 = vector.multi_reduction <add>, %reduce_sum3A_35, %reduce_sum3A_36 [1, 2] : vector<1x16x1xf32> to vector<1xf32>
    %reduce_sum3A_38 = vector.shape_cast %reduce_sum3A_37 : vector<1xf32> to vector<1x1x1xf32>
    %reduce_sum3A_39 = vector.extract %reduce_sum3A_38[0, 0, 0] : f32 from vector<1x1x1xf32>
    %div3A_40 = arith.constant 1.600000e+01 : f32
    %div3A_41 = arith.divf %reduce_sum3A_39, %div3A_40 : f32
    %mul3A = arith.constant 5.000000e+00 : f32
    %mul3A_42 = arith.mulf %mul3A, %div3A_31 : f32
    %add3A_43 = arith.addf %mul3A_42, %div3A_41 : f32
    %add3A_44 = arith.addf %add3A_43, %div3A_21 : f32
    %broadcast_in_dim3A_45 = vector.broadcast %add3A_44 : f32 to vector<1x1xf32>
    %swap3A = arith.constant 0 : index
    %swap3A_46 = arith.constant 0 : index
    %swap3A_47 = vector.load %arg4[%swap3A, %swap3A_46] : memref<1x1xf32, #tpu.memory_space<vmem>>, vector<1x1xf32>
    tpu.vector_store %arg4[%swap3A, %swap3A_46], %broadcast_in_dim3A_45 {strides = array<i32>} : memref<1x1xf32, #tpu.memory_space<vmem>>, vector<1x1xf32>,
    return
  }
}

</mosaic_0001>

<sc_bundles>
// kernel: kernel.6.cloned.1.call-start
scs
__scs_entry_jumppad:
0x0: {  	(pc) =	sbr.rel $0x88, $3  }
0x1: {  	(tag) =	ssettag $0x0;
	lr =	simm.s32 $0x1  }
0x2: {  	[smem:$0x3F9C] =	sst lr;
	_ =	strace $0xD0000000  }
0x3: {  	_ = 	snop  }
0x4: {  	_ = 	snop  }
0x5: {  	_ = 	snop  }
0x6: {  	_ = 	snop  }
0x7: {  	_ = 	snop  }
__scs_overlays_trampoline_lowered:
0x8: {  	[smem:$0x3FAB] =	sst s0  }
0x9: {  	[smem:$0x3FAC] =	sst s1  }
0xa: {  	[smem:$0x3FAD] =	sst s2  }
0xb: {  	[smem:$0x3FAE] =	sst s3  }
0xc: {  	[smem:$0x3FAF] =	sst s4  }
0xd: {  	[smem:$0x3FB0] =	sst s5  }
0xe: {  	[smem:$0x3FB1] =	sst s6  }
0xf: {  	[smem:$0x3FB2] =	sst s7  }
0x10: {  	[smem:$0x3FB3] =	sst s8  }
0x11: {  	[smem:$0x3FB4] =	sst s9;
	s0 =	simm.s32 @!p0 $0x0  }
0x12: {  	s1 =	sld [smem:$0x3F9A];
	s0 =	simm.s32 @p0 $0x1  }
0x13: {  	[smem:$0x3FB5] =	sst s0;
	s0 =	simm.s32 @!p1 $0x0  }
0x14: {  	s2 =	sld [smem:$0x3F99];
	s0 =	simm.s32 @p1 $0x1  }
0x15: {  	[smem:$0x3FB6] =	sst s0;
	s0 =	simm.s32 @!p2 $0x0  }
0x16: {  	s3 =	sld [smem:$0x3FDB];
	s0 =	simm.s32 @p2 $0x1  }
0x17: {  	s4 =	simm.s32 $0x1BF5;
	[smem:$0x3FB8] =	sst s0  }
0x18: {  	s0 =	sld [smem:$0x3F9B];
	_ =	swait.ge [sflag:s4], $0x0  }
0x19: {  	s7 =	sld [smem:$0x3F9C]  }
0x1a: {  	s8 =	sadd.s32 $0xFFFFE003, lr  }
0x1b: {  	s9 =	sadd.s32 $0xFFFFFEF7, lr;
	s5 =	simm.s32 $0xFFFFFFFF;
	p2 =	slt.u32 s8, $0xFFFFF086  }
0x1c: {  	p1 =	slt.u32 s9, $0xF7A;
	s5 =	simm.s32 @!p2 $0x0  }
0x1d: {  	s5 =	simm.s32 @p1 $0x1;
	p0 =	seq.s32 s7, s2  }
0x1e: {  	s7 =	smul.u32 @!p0 $0xF7A, s2;
	p2 =	seq.s32 @!p0 s5, $0x0  }
0x1f: {  	s9 =	smul.u32 $0xF7A, s1;
	s8 =	simm.s32 @!p0 $0x1BF5;
	p2 =	por !p2, p0  }
0x20: {  	[sflag:s8] =	ssyncset.s32 @!p0 $0xFFFFF086;
	s6 =	sadd.s32 @!p0 s3, s7;
	s7 =	simm.s32 @!p0 $0x108  }
0x21: {  	s3 =	sadd.s32 s3, s9;
	s6 =	sadd.s32 @!p0 $0x88, s6;
	s7 =	simm.s32 @p2 $0x1082  }
0x22: {  	[simem:s7], [sflag:s8] =	dma.local @!p0 [hbm:s6], $0xF7A  }
0x23: {  	s9 =	sor.u32 $0xD0000000, s2;
	s6 =	simm.s32 $0x108;
	_ =	swait.ge @!p0 [sflag:s8], $0x0  }
0x24: {  	s3 =	sadd.s32 $0x88, s3;
	s6 =	simm.s32 @!p1 $0x1082;
	[sflag:s4] =	ssyncset.s32 $0xFFFFF086  }
0x25: {  	[simem:s6], [sflag:s4] =	dma.local [hbm:s3], $0xF7A  }
0x26: {  	[smem:$0x3F9C] =	sst s1;
	(tag) =	ssettag s2;
	_ =	strace s9  }
0x27: {  	s1 =	sld [smem:$0x3FAC]  }
0x28: {  	s2 =	sld [smem:$0x3FAD]  }
0x29: {  	s4 =	sld [smem:$0x3FAF]  }
0x2a: {  	p0 =	seq.s32 s5, $0x0;
	s5 =	sld [smem:$0x3FB0]  }
0x2b: {  	s6 =	sld [smem:$0x3FB1]  }
0x2c: {  	s7 =	sld [smem:$0x3FB2]  }
0x2d: {  	s3 =	simm.s32 $0x108;
	s8 =	sld [smem:$0x3FB3]  }
0x2e: {  	s3 =	simm.s32 @!p0 $0x1082;
	s9 =	sld [smem:$0x3FB4]  }
0x2f: {  	lr =	sadd.s32 s0, s3;
	s0 =	sld [smem:$0x3FAB]  }
0x30: {  	s3 =	sld [smem:$0x3FAE]  }
0x31: {  	[smem:$0x3FB7] =	sst s10  }
0x32: {  	s10 =	sld [smem:$0x3FB5];
	_ =	sdelay $0x3  }
0x33: {  	p0 =	seq.s32 s10, $0x1;
	s10 =	sld [smem:$0x3FB7];
	_ =	sdelay $0x3  }
0x34: {  	[smem:$0x3FB7] =	sst s10  }
0x35: {  	s10 =	sld [smem:$0x3FB6];
	_ =	sdelay $0x3  }
0x36: {  	p1 =	seq.s32 s10, $0x1;
	s10 =	sld [smem:$0x3FB7];
	_ =	sdelay $0x3  }
0x37: {  	[smem:$0x3FB7] =	sst s10  }
0x38: {  	s10 =	sld [smem:$0x3FB8]  }
0x39: {  	_ = 	snop;
	(pc) =	sbr.ind lr, $3  }
0x3a: {  	_ = 	snop  }
0x3b: {  	_ = 	snop  }
0x3c: {  	p2 =	seq.s32 s10, $0x1;
	s10 =	sld [smem:$0x3FB7]  }
0x3d: {  	_ =	shalt  }
0x3e: {  	_ =	shalt  }
0x3f: {  	_ =	shalt  }
0x40: {  	_ =	shalt  }
0x41: {  	_ =	shalt  }
0x42: {  	_ =	shalt  }
0x43: {  	_ =	shalt  }
0x44: {  	_ =	shalt  }
0x45: {  	_ =	shalt  }
0x46: {  	_ =	shalt  }
0x47: {  	_ =	shalt  }
0x48: {  	_ =	shalt  }
0x49: {  	_ =	shalt  }
0x4a: {  	_ =	shalt  }
0x4b: {  	_ =	shalt  }
0x4c: {  	_ =	shalt  }
0x4d: {  	_ =	shalt  }
0x4e: {  	_ =	shalt  }
0x4f: {  	_ =	shalt  }
0x50: {  	_ =	shalt  }
0x51: {  	_ =	shalt  }
0x52: {  	_ =	shalt  }
0x53: {  	_ =	shalt  }
0x54: {  	_ =	shalt  }
0x55: {  	_ =	shalt  }
0x56: {  	_ =	shalt  }
0x57: {  	_ =	shalt  }
0x58: {  	_ =	shalt  }
0x59: {  	_ =	shalt  }
0x5a: {  	_ =	shalt  }
0x5b: {  	_ =	shalt  }
0x5c: {  	_ =	shalt  }
0x5d: {  	_ =	shalt  }
0x5e: {  	_ =	shalt  }
0x5f: {  	_ =	shalt  }
0x60: {  	_ =	shalt  }
0x61: {  	_ =	shalt  }
0x62: {  	_ =	shalt  }
0x63: {  	_ =	shalt  }
0x64: {  	_ =	shalt  }
0x65: {  	_ =	shalt  }
0x66: {  	_ =	shalt  }
0x67: {  	_ =	shalt  }
0x68: {  	_ =	shalt  }
0x69: {  	_ =	shalt  }
0x6a: {  	_ =	shalt  }
0x6b: {  	_ =	shalt  }
0x6c: {  	_ =	shalt  }
0x6d: {  	_ =	shalt  }
0x6e: {  	_ =	shalt  }
0x6f: {  	_ =	shalt  }
0x70: {  	_ =	shalt  }
0x71: {  	_ =	shalt  }
0x72: {  	_ =	shalt  }
0x73: {  	_ =	shalt  }
0x74: {  	_ =	shalt  }
0x75: {  	_ =	shalt  }
0x76: {  	_ =	shalt  }
0x77: {  	_ =	shalt  }
0x78: {  	_ =	shalt  }
0x79: {  	_ =	shalt  }
0x7a: {  	_ =	shalt  }
0x7b: {  	_ =	shalt  }
0x7c: {  	_ =	shalt  }
0x7d: {  	_ =	shalt  }
0x7e: {  	_ =	shalt  }
0x7f: {  	_ =	shalt  }
0x80: {  	_ =	shalt  }
0x81: {  	_ =	shalt  }
0x82: {  	_ =	shalt  }
0x83: {  	_ =	shalt  }
0x84: {  	_ =	shalt  }
0x85: {  	_ =	shalt  }
0x86: {  	_ =	shalt  }
0x87: {  	_ =	shalt  }
.Lfunc_end0:
.L_simem_size_0:
called_computation_lowered:
.L_overlay_start_0:
0x88: {  	s2 =	sld [smem:$0x3FD9]  }
0x89: {  	s3 =	sld [smem:$0x3FFE];
	_ =	sdelay $0x1  }
0x8a: {  	s1 =	srdreg.scid  }
0x8b: {  	s0 =	sand.u32 $0x1, s1  }
0x8c: {  	s17 =	sshll.u32 s0, $0xA;
	s2 =	sadd.s32 s3, s2  }
0x8d: {  	s2 =	sadd.s32 s2, s17  }
0x8e: {  	[smem:$0x3FC3] =	sst s2  }
0x8f: {  	_ = 	snop  }
0x90: {  	s2 =	sld [smem:$0x3FC7];
	(tm) =	ssettm $0x1  }
0x91: {  	s18 =	sld [smem:$0x3FFB];
	_ =	sdelay $0x3  }
0x92: {  	_ =	strace s18  }
0x93: {  	s3 =	sld [smem:$0x3FFC];
	_ =	sdelay $0x3  }
0x94: {  	_ =	strace s3  }
0x95: {  	s3 =	sld [smem:$0x3FFD];
	_ =	sdelay $0x3  }
0x96: {  	_ =	strace s3  }
0x97: {  	_ =	strace $0x8FFFFFFF  }
0x98: {  	s19 =	sld [smem:$0x3FDB];
	_ =	sdelay $0x1  }
0x99: {  	s4 =	simm.s32 $_scs_section_size  }
0x9a: {  	s5 =	simm.s32 $_size__tile_overlayer_lowered;
	s6 =	simm.s32 $_tile_overlayer_lowered  }
0x9b: {  	s22 =	simm.s32 $0x1BFF;
	s21 =	sshll.u32 s6, $0x1;
	s3 =	sadd.s32 s4, s19  }
0x9c: {  	s7 =	simm.s32 $0x0;
	s20 =	sshll.u32 s5, $0x1;
	s5 =	sadd.s32 s21, s3  }
0x9d: {  	[timem:s7], [sflag:s22] =	dma.local [hbm:s5], s20  }
0x9e: {  	_ =	swait.ge [sflag:s22], s20  }
0x9f: {  	s4 =	ssub.s32 $0x0, s20;
	[sflag:s22] =	ssyncset.done $0x0  }
0xa0: {  	[sflag:s22] =	ssyncadd.s32 s4;
	_ =	sdelay $0x1  }
0xa1: {  	s23 =	simm.s32 $0x1B8B  }
0xa2: {  	_ =	swait.ge [sflag:s23], $0x1  }
0xa3: {  	[sflag:s23] =	ssyncset.done $0x0  }
0xa4: {  	s25 =	simm.s32 $0x1B8E;
	s24 =	sld [smem:$0x3FFE];
	[sflag:s23] =	ssyncadd.s32 $0xFFFFFFFF  }
0xa5: {  	s26 =	simm.s32 $execute0_lowered;
	[smem:$0x3FD2] =	sst s25  }
0xa6: {  	s5 =	sshll.u32 s26, $0x1;
	_ =	strace $0x80000046;
	[dreg:$0x1] =	wrdreg $0xFFFFFFFF  }
0xa7: {  	s28 =	simm.s32 $_size_execute0_lowered;
	s3 =	sadd.s32 s3, s5;
	[dreg:$0x0] =	wrdreg $0x0  }
0xa8: {  	s5 =	sshll.u32 s28, $0x1;
	[dreg:$0x2] =	wrdreg s3  }
0xa9: {  	[dreg:$0x3] =	wrdreg s5  }
0xaa: {  	[dreg:$0x4] =	wrdreg $0xC0  }
0xab: {  	_ =	task [dreg:s7], $0x5FFFF  }
0xac: {  	[dreg:$0x1] =	wrdreg $0xFFFFFFFF  }
0xad: {  	[dreg:$0x0] =	wrdreg $0x60  }
0xae: {  	[dreg:$0x2] =	wrdreg s2  }
0xaf: {  	[dreg:$0x3] =	wrdreg s24  }
0xb0: {  	[dreg:$0x4] =	wrdreg $0x9  }
0xb1: {  	_ =	task.clear_ibuf [dreg:s7], $0x5FFFF;
	_ =	strace $0x90000046  }
0xb2: {  	s29 =	simm.s32 $0x9;
	_ =	strace $0x80000048  }
0xb3: {  	_ =	swait.ge [sflag:s29], $0x1  }
0xb4: {  	[sflag:s29] =	ssyncadd.s32 $0xFFFFFFFF  }
0xb5: {  	_ =	strace $0x90000048  }
0xb6: {  	_ =	sfence  }
0xb7: {  	s30 =	sld [smem:$0x0];
	_ =	sdelay $0x2  }
0xb8: {  	s31 =	sshll.u32 s1, $0xD;
	s1 =	sshrl.u32 s1, $0x2  }
0xb9: {  	s3 =	sand.u32 $0x4000, s31;
	s1 =	sadd.s32 s1, s30  }
0xba: {  	s0 =	sor.u32 s3, s0;
	s1 =	sshll.u32 s1, $0x11  }
0xbb: {  	s0 =	sor.u32 s1, s0  }
0xbc: {  	s0 =	sadd.s32 $0x8F2B, s0  }
0xbd: {  	[sflag:s0] =	ssyncadd.remote.s32 $0x1  }
0xbe: {  	_ =	sfence.sel $0xFFFF  }
0xbf: {  	[dreg:$0x0] =	wrdreg $0xFFFFFFFF;
	(pc) =	sbr.abs _section_cstart, $3  }
0xc0: {  	[dreg:$0x1] =	wrdreg $0xFFFFFFFF  }
0xc1: {  	_ =	task.clear_ibuf [dreg:s7], $0x2FFFF;
	_ =	strace $0x9FFFFFFF  }
0xc2: {  	(tm) =	ssettm $0x7FFFFFFF  }
0xc3: {  	_ =	shalt  }
tec
execute0_lowered:
.L_overlay_start_1:
0x0: {  	(tag) =	ssettag $0x1  }
0x1: {  	v0 =	vlaneseq.u32  }
0x2: {  	v0 =	vmul.u32 $0x80, v0;
	_ =	sdelay $0x1  }
0x3: {  	v1 =	vor.u32 $0x800, v0;
	v2 =	vor.u32 $0x1000, v0;
	v3 =	vor.u32 $0x1800, v0  }
0x4: {  	v4 =	vor.u32 $0x2000, v0;
	v5 =	vor.u32 $0x1, v0;
	v9 =	vor.u32 $0x2001, v0  }
0x5: {  	v10 =	vor.u32 $0x2, v0;
	v11 =	vor.u32 $0x802, v0;
	v12 =	vor.u32 $0x1002, v0  }
0x6: {  	v13 =	vor.u32 $0x1802, v0;
	v14 =	vor.u32 $0x2002, v0;
	v15 =	vor.u32 $0x3, v0  }
0x7: {  	v16 =	vor.u32 $0x803, v0;
	v17 =	vor.u32 $0x1003, v0;
	v18 =	vor.u32 $0x1803, v0  }
0x8: {  	v19 =	vor.u32 $0x2003, v0;
	v20 =	vor.u32 $0x4, v0;
	v21 =	vor.u32 $0x804, v0  }
0x9: {  	s1 =	srdreg.scid;
	s7 =	rddreg [dreg:$0x1];
	v22 =	vor.u32 $0x1004, v0;
	v23 =	vor.u32 $0x1804, v0;
	v24 =	vor.u32 $0x2004, v0  }
0xa: {  	s0 =	stileid.u32;
	s6 =	simm.s32 $0x1;
	s2 =	rddreg [dreg:$0x2];
	v25 =	vor.u32 $0x5, v0;
	v26 =	vor.u32 $0x805, v0;
	v27 =	vor.u32 $0x1005, v0  }
0xb: {  	s3 =	simm.s32 $0x0;
	s4 =	sand.u32 $0x1, s1;
	s29 =	sshll.u32 s0, $0x1;
	v28 =	vor.u32 $0x1805, v0;
	v29 =	vor.u32 $0x2005, v0;
	v30 =	vor.u32 $0x6, v0  }
0xc: {  	s9 =	simm.s32 $0x10800;
	s10 =	simm.s32 $0x80;
	s5 =	sor.u32 s4, s29;
	v31 =	vor.u32 $0x806, v0;
	v32 =	vor.u32 $0x1006, v0;
	v33 =	vor.u32 $0x1806, v0  }
0xd: {  	s11 =	simm.s32 $0x2880;
	p1 =	seq.s32 s4, $0x1;
	p0 =	seq.s32 s5, $0x0;
	v34 =	vor.u32 $0x2006, v0;
	v35 =	vor.u32 $0x7, v0;
	v36 =	vor.u32 $0x807, v0  }
0xe: {  	s12 =	simm.s32 $0x5080;
	s13 =	simm.s32 $0x7880;
	v37 =	vor.u32 $0x1007, v0;
	v38 =	vor.u32 $0x1807, v0;
	v39 =	vor.u32 $0x2007, v0;
	p0 =	por !p0, !p1  }
0xf: {  	s14 =	simm.s32 $0xA080;
	s1 =	rddreg [dreg:$0x0];
	v40 =	vor.u32 $0x8, v0;
	v41 =	vor.u32 $0x808, v0;
	v42 =	vor.u32 $0x1008, v0;
	p0 =	por !p0, !p0  }
0x10: {  	[smem:$0x7FF] =	sst s3;
	s4 =	ssub.s32 $0x2, s4;
	v43 =	vor.u32 $0x1808, v0;
	v44 =	vor.u32 $0x2008, v0;
	v45 =	vor.u32 $0x9, v0;
	s6 =	simm.s32 @!p0 $0x0  }
0x11: {  	s8 =	sshll.u32 s5, $0x1;
	s5 =	smul.u32 $0x500, s5;
	v46 =	vor.u32 $0x809, v0;
	v47 =	vor.u32 $0x1009, v0;
	[tilespmem:$0x1FFC0] =	vst v5;
	v5 =	vor.u32 $0x801, v0;
	s6 =	ssub.s32 s0, s6  }
0x12: {  	s30 =	sshrl.u32 s4, $0x1;
	v48 =	vor.u32 $0x1809, v0;
	v49 =	vor.u32 $0x2009, v0;
	s8 =	sadd.s32 s8, s7;
	[tilespmem:$0x1FFD0] =	vst v5;
	v5 =	vor.u32 $0x1001, v0;
	s6 =	smul.u32 $0x50, s6  }
0x13: {  	v50 =	vor.u32 $0xA, v0;
	v51 =	vor.u32 $0x80A, v0;
	s8 =	sadd.s32 $0xC00, s8;
	s5 =	sadd.s32 s5, s7;
	s7 =	ssub.s32 s4, s30;
	[tilespmem:$0x1FFE0] =	vst v5;
	v5 =	vor.u32 $0x1801, v0  }
0x14: {  	v52 =	vor.u32 $0x100A, v0;
	v53 =	vor.u32 $0x180A, v0;
	v54 =	vor.u32 $0x200A, v0;
	s4 =	simm.s32 $0x1;
	s31 =	sadd.s32 $0xE00, s5;
	[tilespmem:$0x1FFF0] =	vst v5;
	s6 =	sshrl.u32 s6, $0x3  }
0x15: {  	v55 =	vor.u32 $0xB, v0;
	v56 =	vor.u32 $0x80B, v0;
	v57 =	vor.u32 $0x100B, v0;
	_ =	strace $0x80000047;
	[dreg:$0x3] =	wrdreg s8;
	s6 =	smul.u32 $0x10800, s6  }
0x16: {  	v58 =	vor.u32 $0x180B, v0;
	v59 =	vor.u32 $0x200B, v0;
	v60 =	vor.u32 $0xC, v0;
	s5 =	smul.u32 $0xA5000, s0;
	[dreg:$0x5] =	wrdreg s31;
	s8 =	simm.s32 $0x400  }
0x17: {  	v61 =	vor.u32 $0x80C, v0;
	v62 =	vor.u32 $0x100C, v0;
	v63 =	vor.u32 $0x180C, v0;
	[dreg:$0x4] =	wrdreg s6;
	s6 =	smax.u32 s7, $0x1;
	s7 =	simm.s32 $0x2  }
.LBB2_1:
0x18: {  	s15 =	rddreg [dreg:$0x3]  }
0x19: {  	[tilespmem:s3], [sflag:$0x2] =	stream.linear.gather [hbm4b:s15+s3], $0x10, $0x38;
	[tilespmem:$0xC880] =	vst v63  }
0x1a: {  	_ =	swait.ge [sflag:s7], $0x10  }
0x1b: {  	[sflag:s7] =	ssyncset.done $0x0  }
0x1c: {  	[sflag:s7] =	ssyncadd.s32 $0xFFFFFFF0  }
0x1d: {  	v5 =	vld [tilespmem:$0x0];
	_ =	sdelay $0x4  }
0x1e: {  	(v2sf) =	vpush v5, $0x0;
	_ =	sdelay $0x3  }
0x1f: {  	(v2sf) =	vpush v5, $0x1;
	_ =	sdelay $0x4  }
0x20: {  	(v2sf) =	vpush v5, $0x2;
	_ =	sdelay $0x5  }
0x21: {  	s20 =	spop (v2sf)  }
0x22: {  	s17 =	sshll.u32 s20, $0x3  }
0x23: {  	s16 =	rddreg [dreg:$0x4];
	(v2sf) =	vpush v5, $0x3;
	s17 =	sand.u32 $0x7FFFFC00, s17  }
0x24: {  	s16 =	sadd.s32 s16, s17  }
0x25: {  	s19 =	spop (v2sf);
	s16 =	sshrl.u32 s16, $0x3  }
0x26: {  	s21 =	sshll.u32 s19, $0x3;
	s16 =	sadd.s32 s1, s16  }
0x27: {  	[tilespmem:s10], [sflag:$0x1] =	stream.strided.gather [hbm4b:s16+s8], $0x2800, s9, s8, $0x38;
	[tilespmem:$0xC880] =	vst v63  }
0x28: {  	s16 =	sand.u32 $0x7FFFFC00, s21  }
0x29: {  	s16 =	sadd.s32 s5, s16  }
0x2a: {  	s22 =	spop (v2sf);
	s16 =	sshrl.u32 s16, $0x3  }
0x2b: {  	s23 =	sshll.u32 s22, $0x3;
	s16 =	sadd.s32 s1, s16  }
0x2c: {  	[tilespmem:s11], [sflag:$0x1] =	stream.strided.gather [hbm4b:s16+s8], $0x2800, s9, s8, $0x38;
	[tilespmem:$0xC880] =	vst v63  }
0x2d: {  	s16 =	sand.u32 $0x7FFFFC00, s23  }
0x2e: {  	s16 =	sadd.s32 s5, s16  }
0x2f: {  	s16 =	sshrl.u32 s16, $0x3  }
0x30: {  	s16 =	sadd.s32 s1, s16  }
0x31: {  	[tilespmem:s12], [sflag:$0x1] =	stream.strided.gather [hbm4b:s16+s8], $0x2800, s9, s8, $0x38;
	[tilespmem:$0xC880] =	vst v63  }
0x32: {  	s18 =	spop (v2sf)  }
0x33: {  	s24 =	sshll.u32 s18, $0x3  }
0x34: {  	s16 =	sand.u32 $0x7FFFFC00, s24  }
0x35: {  	s16 =	sadd.s32 s5, s16  }
0x36: {  	s15 =	sand.u32 $0x7F, s20;
	s16 =	sshrl.u32 s16, $0x3  }
0x37: {  	v6 =	vor.u32 s15, v0;
	s16 =	sadd.s32 s1, s16  }
0x38: {  	[tilespmem:s13], [sflag:$0x1] =	stream.strided.gather [hbm4b:s16+s8], $0x2800, s9, s8, $0x38;
	[tilespmem:$0xC880] =	vst v63  }
0x39: {  	_ =	swait.ge [sflag:s4], $0x2800  }
0x3a: {  	[sflag:s4] =	ssyncset.done $0x0  }
0x3b: {  	[sflag:s4] =	ssyncadd.s32 $0xFFFFD800  }
0x3c: {  	v6 =	vld.idx.msk [tilespmem:v6+s10+$0x0], $0xffff  }
0x3d: {  	v7 =	vor.u32 s15, v1;
	_ =	sdelay $0x3  }
0x3e: {  	[tilespmem:v0+s14+$0x0] =	vst.idx.msk $0xffff, v6  }
0x3f: {  	v6 =	vld.idx.msk [tilespmem:v7+s10+$0x0], $0xffff  }
0x40: {  	v7 =	vor.u32 s15, v2;
	_ =	sdelay $0x1  }
0x41: {  	(v2sf) =	vpush v5, $0x4;
	_ =	sdelay $0x1  }
0x42: {  	[tilespmem:v1+s14+$0x0] =	vst.idx.msk $0xffff, v6  }
0x43: {  	v6 =	vld.idx.msk [tilespmem:v7+s10+$0x0], $0xffff  }
0x44: {  	v7 =	vor.u32 s15, v3;
	_ =	sdelay $0x3  }
0x45: {  	[tilespmem:v2+s14+$0x0] =	vst.idx.msk $0xffff, v6  }
0x46: {  	v6 =	vld.idx.msk [tilespmem:v7+s10+$0x0], $0xffff  }
0x47: {  	v7 =	vor.u32 s15, v4;
	_ =	sdelay $0x3  }
0x48: {  	[tilespmem:v3+s14+$0x0] =	vst.idx.msk $0xffff, v6  }
0x49: {  	s25 =	spop (v2sf);
	v6 =	vld.idx.msk [tilespmem:v7+s10+$0x0], $0xffff  }
0x4a: {  	s26 =	sshll.u32 s25, $0x3  }
0x4b: {  	s16 =	sand.u32 $0x7FFFFC00, s26  }
0x4c: {  	s16 =	sadd.s32 s5, s16  }
0x4d: {  	s16 =	sshrl.u32 s16, $0x3  }
0x4e: {  	s19 =	sand.u32 $0x7F, s19;
	s16 =	sadd.s32 s1, s16;
	[tilespmem:v4+s14+$0x0] =	vst.idx.msk $0xffff, v6  }
0x4f: {  	v6 =	vor.u32 s19, v0;
	[tilespmem:s10], [sflag:$0x1] =	stream.strided.gather [hbm4b:s16+s8], $0x2800, s9, s8, $0x38;
	[tilespmem:$0xC880] =	vst v63  }
0x50: {  	_ =	swait.ge [sflag:s4], $0x2800  }
0x51: {  	v8 =	vld [tilespmem:$0x1FFC0]  }
0x52: {  	[sflag:s4] =	ssyncset.done $0x0  }
0x53: {  	[sflag:s4] =	ssyncadd.s32 $0xFFFFD800  }
0x54: {  	v6 =	vld.idx.msk [tilespmem:v6+s11+$0x0], $0xffff;
	_ =	sdelay $0x2  }
0x55: {  	v7 =	vor.u32 s19, v1;
	_ =	sdelay $0x1  }
0x56: {  	[tilespmem:v8+s14+$0x0] =	vst.idx.msk $0xffff, v6;
	v8 =	vld [tilespmem:$0x1FFD0];
	_ =	sdelay $0x2  }
0x57: {  	v6 =	vld.idx.msk [tilespmem:v7+s11+$0x0], $0xffff;
	_ =	sdelay $0x2  }
0x58: {  	v7 =	vor.u32 s19, v2;
	_ =	sdelay $0x1  }
0x59: {  	[tilespmem:v8+s14+$0x0] =	vst.idx.msk $0xffff, v6;
	v8 =	vld [tilespmem:$0x1FFE0];
	_ =	sdelay $0x1  }
0x5a: {  	(v2sf) =	vpush v5, $0x5  }
0x5b: {  	v6 =	vld.idx.msk [tilespmem:v7+s11+$0x0], $0xffff;
	_ =	sdelay $0x2  }
0x5c: {  	v7 =	vor.u32 s19, v3;
	_ =	sdelay $0x1  }
0x5d: {  	[tilespmem:v8+s14+$0x0] =	vst.idx.msk $0xffff, v6;
	v8 =	vld [tilespmem:$0x1FFF0];
	_ =	sdelay $0x2  }
0x5e: {  	v6 =	vld.idx.msk [tilespmem:v7+s11+$0x0], $0xffff  }
0x5f: {  	v7 =	vor.u32 s19, v4;
	_ =	sdelay $0x3  }
0x60: {  	[tilespmem:v8+s14+$0x0] =	vst.idx.msk $0xffff, v6  }
0x61: {  	s28 =	spop (v2sf);
	v6 =	vld.idx.msk [tilespmem:v7+s11+$0x0], $0xffff  }
0x62: {  	s29 =	sshll.u32 s28, $0x3  }
0x63: {  	s19 =	sand.u32 $0x7FFFFC00, s29  }
0x64: {  	s19 =	sadd.s32 s5, s19  }
0x65: {  	s17 =	sand.u32 $0x7F, s22;
	s19 =	sshrl.u32 s19, $0x3  }
0x66: {  	s19 =	sadd.s32 s1, s19;
	[tilespmem:v9+s14+$0x0] =	vst.idx.msk $0xffff, v6;
	v6 =	vor.u32 s17, v0  }
0x67: {  	[tilespmem:s11], [sflag:$0x1] =	stream.strided.gather [hbm4b:s19+s8], $0x2800, s9, s8, $0x38;
	[tilespmem:$0xC880] =	vst v63  }
0x68: {  	_ =	swait.ge [sflag:s4], $0x2800  }
0x69: {  	[sflag:s4] =	ssyncset.done $0x0  }
0x6a: {  	[sflag:s4] =	ssyncadd.s32 $0xFFFFD800  }
0x6b: {  	v6 =	vld.idx.msk [tilespmem:v6+s12+$0x0], $0xffff  }
0x6c: {  	v7 =	vor.u32 s17, v1;
	_ =	sdelay $0x3  }
0x6d: {  	[tilespmem:v10+s14+$0x0] =	vst.idx.msk $0xffff, v6  }
0x6e: {  	v6 =	vld.idx.msk [tilespmem:v7+s12+$0x0], $0xffff  }
0x6f: {  	v7 =	vor.u32 s17, v2;
	_ =	sdelay $0x1  }
0x70: {  	(v2sf) =	vpush v5, $0x6;
	_ =	sdelay $0x1  }
0x71: {  	[tilespmem:v11+s14+$0x0] =	vst.idx.msk $0xffff, v6  }
0x72: {  	v6 =	vld.idx.msk [tilespmem:v7+s12+$0x0], $0xffff  }
0x73: {  	v7 =	vor.u32 s17, v3;
	_ =	sdelay $0x3  }
0x74: {  	[tilespmem:v12+s14+$0x0] =	vst.idx.msk $0xffff, v6  }
0x75: {  	v6 =	vld.idx.msk [tilespmem:v7+s12+$0x0], $0xffff  }
0x76: {  	v7 =	vor.u32 s17, v4;
	_ =	sdelay $0x3  }
0x77: {  	[tilespmem:v13+s14+$0x0] =	vst.idx.msk $0xffff, v6  }
0x78: {  	s30 =	spop (v2sf);
	v6 =	vld.idx.msk [tilespmem:v7+s12+$0x0], $0xffff  }
0x79: {  	s31 =	sshll.u32 s30, $0x3  }
0x7a: {  	s19 =	sand.u32 $0x7FFFFC00, s31  }
0x7b: {  	s19 =	sadd.s32 s5, s19  }
0x7c: {  	s18 =	sand.u32 $0x7F, s18;
	s19 =	sshrl.u32 s19, $0x3  }
0x7d: {  	s19 =	sadd.s32 s1, s19;
	[tilespmem:v14+s14+$0x0] =	vst.idx.msk $0xffff, v6;
	v6 =	vor.u32 s18, v0  }
0x7e: {  	[tilespmem:s12], [sflag:$0x1] =	stream.strided.gather [hbm4b:s19+s8], $0x2800, s9, s8, $0x38;
	[tilespmem:$0xC880] =	vst v63  }
0x7f: {  	_ =	swait.ge [sflag:s4], $0x2800  }
0x80: {  	[sflag:s4] =	ssyncset.done $0x0  }
0x81: {  	[sflag:s4] =	ssyncadd.s32 $0xFFFFD800  }
0x82: {  	v6 =	vld.idx.msk [tilespmem:v6+s13+$0x0], $0xffff  }
0x83: {  	v7 =	vor.u32 s18, v1;
	_ =	sdelay $0x3  }
0x84: {  	[tilespmem:v15+s14+$0x0] =	vst.idx.msk $0xffff, v6  }
0x85: {  	v6 =	vld.idx.msk [tilespmem:v7+s13+$0x0], $0xffff  }
0x86: {  	v7 =	vor.u32 s18, v2;
	_ =	sdelay $0x1  }
0x87: {  	(v2sf) =	vpush v5, $0x7;
	_ =	sdelay $0x1  }
0x88: {  	[tilespmem:v16+s14+$0x0] =	vst.idx.msk $0xffff, v6  }
0x89: {  	v6 =	vld.idx.msk [tilespmem:v7+s13+$0x0], $0xffff  }
0x8a: {  	v7 =	vor.u32 s18, v3;
	_ =	sdelay $0x3  }
0x8b: {  	[tilespmem:v17+s14+$0x0] =	vst.idx.msk $0xffff, v6  }
0x8c: {  	v6 =	vld.idx.msk [tilespmem:v7+s13+$0x0], $0xffff  }
0x8d: {  	v7 =	vor.u32 s18, v4;
	_ =	sdelay $0x3  }
0x8e: {  	[tilespmem:v18+s14+$0x0] =	vst.idx.msk $0xffff, v6  }
0x8f: {  	s20 =	spop (v2sf);
	v6 =	vld.idx.msk [tilespmem:v7+s13+$0x0], $0xffff  }
0x90: {  	s21 =	sshll.u32 s20, $0x3  }
0x91: {  	s19 =	sand.u32 $0x7FFFFC00, s21  }
0x92: {  	s19 =	sadd.s32 s5, s19  }
0x93: {  	s15 =	sand.u32 $0x7F, s25;
	s19 =	sshrl.u32 s19, $0x3  }
0x94: {  	s19 =	sadd.s32 s1, s19;
	[tilespmem:v19+s14+$0x0] =	vst.idx.msk $0xffff, v6;
	v6 =	vor.u32 s15, v0  }
0x95: {  	[tilespmem:s13], [sflag:$0x1] =	stream.strided.gather [hbm4b:s19+s8], $0x2800, s9, s8, $0x38;
	[tilespmem:$0xC880] =	vst v63  }
0x96: {  	_ =	swait.ge [sflag:s4], $0x2800  }
0x97: {  	[sflag:s4] =	ssyncset.done $0x0  }
0x98: {  	[sflag:s4] =	ssyncadd.s32 $0xFFFFD800  }
0x99: {  	v6 =	vld.idx.msk [tilespmem:v6+s10+$0x0], $0xffff  }
0x9a: {  	v7 =	vor.u32 s15, v1;
	_ =	sdelay $0x3  }
0x9b: {  	[tilespmem:v20+s14+$0x0] =	vst.idx.msk $0xffff, v6  }
0x9c: {  	v6 =	vld.idx.msk [tilespmem:v7+s10+$0x0], $0xffff  }
0x9d: {  	v7 =	vor.u32 s15, v2;
	_ =	sdelay $0x1  }
0x9e: {  	(v2sf) =	vpush v5, $0x8;
	_ =	sdelay $0x1  }
0x9f: {  	[tilespmem:v21+s14+$0x0] =	vst.idx.msk $0xffff, v6  }
0xa0: {  	v6 =	vld.idx.msk [tilespmem:v7+s10+$0x0], $0xffff  }
0xa1: {  	v7 =	vor.u32 s15, v3;
	_ =	sdelay $0x3  }
0xa2: {  	[tilespmem:v22+s14+$0x0] =	vst.idx.msk $0xffff, v6  }
0xa3: {  	v6 =	vld.idx.msk [tilespmem:v7+s10+$0x0], $0xffff  }
0xa4: {  	v7 =	vor.u32 s15, v4;
	_ =	sdelay $0x3  }
0xa5: {  	[tilespmem:v23+s14+$0x0] =	vst.idx.msk $0xffff, v6  }
0xa6: {  	s22 =	spop (v2sf);
	v6 =	vld.idx.msk [tilespmem:v7+s10+$0x0], $0xffff  }
0xa7: {  	s23 =	sshll.u32 s22, $0x3  }
0xa8: {  	s19 =	sand.u32 $0x7FFFFC00, s23  }
0xa9: {  	s19 =	sadd.s32 s5, s19  }
0xaa: {  	s16 =	sand.u32 $0x7F, s28;
	s19 =	sshrl.u32 s19, $0x3  }
0xab: {  	s19 =	sadd.s32 s1, s19;
	[tilespmem:v24+s14+$0x0] =	vst.idx.msk $0xffff, v6;
	v6 =	vor.u32 s16, v0  }
0xac: {  	[tilespmem:s10], [sflag:$0x1] =	stream.strided.gather [hbm4b:s19+s8], $0x2800, s9, s8, $0x38;
	[tilespmem:$0xC880] =	vst v63  }
0xad: {  	_ =	swait.ge [sflag:s4], $0x2800  }
0xae: {  	[sflag:s4] =	ssyncset.done $0x0  }
0xaf: {  	[sflag:s4] =	ssyncadd.s32 $0xFFFFD800  }
0xb0: {  	v6 =	vld.idx.msk [tilespmem:v6+s11+$0x0], $0xffff  }
0xb1: {  	v7 =	vor.u32 s16, v1;
	_ =	sdelay $0x3  }
0xb2: {  	[tilespmem:v25+s14+$0x0] =	vst.idx.msk $0xffff, v6  }
0xb3: {  	v6 =	vld.idx.msk [tilespmem:v7+s11+$0x0], $0xffff  }
0xb4: {  	v7 =	vor.u32 s16, v2;
	_ =	sdelay $0x1  }
0xb5: {  	(v2sf) =	vpush v5, $0x9;
	_ =	sdelay $0x1  }
0xb6: {  	[tilespmem:v26+s14+$0x0] =	vst.idx.msk $0xffff, v6  }
0xb7: {  	v6 =	vld.idx.msk [tilespmem:v7+s11+$0x0], $0xffff  }
0xb8: {  	v7 =	vor.u32 s16, v3;
	_ =	sdelay $0x3  }
0xb9: {  	[tilespmem:v27+s14+$0x0] =	vst.idx.msk $0xffff, v6  }
0xba: {  	v6 =	vld.idx.msk [tilespmem:v7+s11+$0x0], $0xffff  }
0xbb: {  	v7 =	vor.u32 s16, v4;
	_ =	sdelay $0x3  }
0xbc: {  	[tilespmem:v28+s14+$0x0] =	vst.idx.msk $0xffff, v6  }
0xbd: {  	s24 =	spop (v2sf);
	v6 =	vld.idx.msk [tilespmem:v7+s11+$0x0], $0xffff  }
0xbe: {  	s25 =	sshll.u32 s24, $0x3  }
0xbf: {  	s19 =	sand.u32 $0x7FFFFC00, s25  }
0xc0: {  	s19 =	sadd.s32 s5, s19  }
0xc1: {  	s17 =	sand.u32 $0x7F, s30;
	s19 =	sshrl.u32 s19, $0x3  }
0xc2: {  	s19 =	sadd.s32 s1, s19;
	[tilespmem:v29+s14+$0x0] =	vst.idx.msk $0xffff, v6;
	v6 =	vor.u32 s17, v0  }
0xc3: {  	[tilespmem:s11], [sflag:$0x1] =	stream.strided.gather [hbm4b:s19+s8], $0x2800, s9, s8, $0x38;
	[tilespmem:$0xC880] =	vst v63  }
0xc4: {  	_ =	swait.ge [sflag:s4], $0x2800  }
0xc5: {  	[sflag:s4] =	ssyncset.done $0x0  }
0xc6: {  	[sflag:s4] =	ssyncadd.s32 $0xFFFFD800  }
0xc7: {  	v6 =	vld.idx.msk [tilespmem:v6+s12+$0x0], $0xffff  }
0xc8: {  	v7 =	vor.u32 s17, v1;
	_ =	sdelay $0x3  }
0xc9: {  	[tilespmem:v30+s14+$0x0] =	vst.idx.msk $0xffff, v6  }
0xca: {  	v6 =	vld.idx.msk [tilespmem:v7+s12+$0x0], $0xffff  }
0xcb: {  	v7 =	vor.u32 s17, v2;
	_ =	sdelay $0x1  }
0xcc: {  	(v2sf) =	vpush v5, $0xA;
	_ =	sdelay $0x1  }
0xcd: {  	[tilespmem:v31+s14+$0x0] =	vst.idx.msk $0xffff, v6  }
0xce: {  	v6 =	vld.idx.msk [tilespmem:v7+s12+$0x0], $0xffff  }
0xcf: {  	v7 =	vor.u32 s17, v3;
	_ =	sdelay $0x3  }
0xd0: {  	[tilespmem:v32+s14+$0x0] =	vst.idx.msk $0xffff, v6  }
0xd1: {  	v6 =	vld.idx.msk [tilespmem:v7+s12+$0x0], $0xffff  }
0xd2: {  	v7 =	vor.u32 s17, v4;
	_ =	sdelay $0x3  }
0xd3: {  	[tilespmem:v33+s14+$0x0] =	vst.idx.msk $0xffff, v6  }
0xd4: {  	s26 =	spop (v2sf);
	v6 =	vld.idx.msk [tilespmem:v7+s12+$0x0], $0xffff  }
0xd5: {  	s28 =	sshll.u32 s26, $0x3  }
0xd6: {  	s19 =	sand.u32 $0x7FFFFC00, s28  }
0xd7: {  	s19 =	sadd.s32 s5, s19  }
0xd8: {  	s18 =	sand.u32 $0x7F, s20;
	s19 =	sshrl.u32 s19, $0x3  }
0xd9: {  	s19 =	sadd.s32 s1, s19;
	[tilespmem:v34+s14+$0x0] =	vst.idx.msk $0xffff, v6;
	v6 =	vor.u32 s18, v0  }
0xda: {  	[tilespmem:s12], [sflag:$0x1] =	stream.strided.gather [hbm4b:s19+s8], $0x2800, s9, s8, $0x38;
	[tilespmem:$0xC880] =	vst v63  }
0xdb: {  	_ =	swait.ge [sflag:s4], $0x2800  }
0xdc: {  	[sflag:s4] =	ssyncset.done $0x0  }
0xdd: {  	[sflag:s4] =	ssyncadd.s32 $0xFFFFD800  }
0xde: {  	v6 =	vld.idx.msk [tilespmem:v6+s13+$0x0], $0xffff  }
0xdf: {  	v7 =	vor.u32 s18, v1;
	_ =	sdelay $0x3  }
0xe0: {  	[tilespmem:v35+s14+$0x0] =	vst.idx.msk $0xffff, v6  }
0xe1: {  	v6 =	vld.idx.msk [tilespmem:v7+s13+$0x0], $0xffff  }
0xe2: {  	v7 =	vor.u32 s18, v2;
	_ =	sdelay $0x1  }
0xe3: {  	(v2sf) =	vpush v5, $0xB;
	_ =	sdelay $0x1  }
0xe4: {  	[tilespmem:v36+s14+$0x0] =	vst.idx.msk $0xffff, v6  }
0xe5: {  	v6 =	vld.idx.msk [tilespmem:v7+s13+$0x0], $0xffff  }
0xe6: {  	v7 =	vor.u32 s18, v3;
	_ =	sdelay $0x3  }
0xe7: {  	[tilespmem:v37+s14+$0x0] =	vst.idx.msk $0xffff, v6  }
0xe8: {  	v6 =	vld.idx.msk [tilespmem:v7+s13+$0x0], $0xffff  }
0xe9: {  	v7 =	vor.u32 s18, v4;
	_ =	sdelay $0x3  }
0xea: {  	[tilespmem:v38+s14+$0x0] =	vst.idx.msk $0xffff, v6  }
0xeb: {  	s29 =	spop (v2sf);
	v6 =	vld.idx.msk [tilespmem:v7+s13+$0x0], $0xffff  }
0xec: {  	s30 =	sshll.u32 s29, $0x3  }
0xed: {  	s19 =	sand.u32 $0x7FFFFC00, s30  }
0xee: {  	s19 =	sadd.s32 s5, s19  }
0xef: {  	s15 =	sand.u32 $0x7F, s22;
	s19 =	sshrl.u32 s19, $0x3  }
0xf0: {  	s19 =	sadd.s32 s1, s19;
	[tilespmem:v39+s14+$0x0] =	vst.idx.msk $0xffff, v6;
	v6 =	vor.u32 s15, v0  }
0xf1: {  	[tilespmem:s13], [sflag:$0x1] =	stream.strided.gather [hbm4b:s19+s8], $0x2800, s9, s8, $0x38;
	[tilespmem:$0xC880] =	vst v63  }
0xf2: {  	_ =	swait.ge [sflag:s4], $0x2800  }
0xf3: {  	[sflag:s4] =	ssyncset.done $0x0  }
0xf4: {  	[sflag:s4] =	ssyncadd.s32 $0xFFFFD800  }
0xf5: {  	v6 =	vld.idx.msk [tilespmem:v6+s10+$0x0], $0xffff  }
0xf6: {  	v7 =	vor.u32 s15, v1;
	_ =	sdelay $0x3  }
0xf7: {  	[tilespmem:v40+s14+$0x0] =	vst.idx.msk $0xffff, v6  }
0xf8: {  	v6 =	vld.idx.msk [tilespmem:v7+s10+$0x0], $0xffff  }
0xf9: {  	v7 =	vor.u32 s15, v2;
	_ =	sdelay $0x1  }
0xfa: {  	(v2sf) =	vpush v5, $0xC;
	_ =	sdelay $0x1  }
0xfb: {  	[tilespmem:v41+s14+$0x0] =	vst.idx.msk $0xffff, v6  }
0xfc: {  	v6 =	vld.idx.msk [tilespmem:v7+s10+$0x0], $0xffff  }
0xfd: {  	v7 =	vor.u32 s15, v3;
	_ =	sdelay $0x3  }
0xfe: {  	[tilespmem:v42+s14+$0x0] =	vst.idx.msk $0xffff, v6  }
0xff: {  	v6 =	vld.idx.msk [tilespmem:v7+s10+$0x0], $0xffff  }
0x100: {  	v7 =	vor.u32 s15, v4;
	_ =	sdelay $0x3  }
0x101: {  	[tilespmem:v43+s14+$0x0] =	vst.idx.msk $0xffff, v6  }
0x102: {  	s31 =	spop (v2sf);
	v6 =	vld.idx.msk [tilespmem:v7+s10+$0x0], $0xffff  }
0x103: {  	s20 =	sshll.u32 s31, $0x3  }
0x104: {  	s19 =	sand.u32 $0x7FFFFC00, s20  }
0x105: {  	s19 =	sadd.s32 s5, s19  }
0x106: {  	s16 =	sand.u32 $0x7F, s24;
	s19 =	sshrl.u32 s19, $0x3  }
0x107: {  	s19 =	sadd.s32 s1, s19;
	[tilespmem:v44+s14+$0x0] =	vst.idx.msk $0xffff, v6;
	v6 =	vor.u32 s16, v0  }
0x108: {  	[tilespmem:s10], [sflag:$0x1] =	stream.strided.gather [hbm4b:s19+s8], $0x2800, s9, s8, $0x38;
	[tilespmem:$0xC880] =	vst v63  }
0x109: {  	_ =	swait.ge [sflag:s4], $0x2800  }
0x10a: {  	[sflag:s4] =	ssyncset.done $0x0  }
0x10b: {  	[sflag:s4] =	ssyncadd.s32 $0xFFFFD800  }
0x10c: {  	v6 =	vld.idx.msk [tilespmem:v6+s11+$0x0], $0xffff  }
0x10d: {  	v7 =	vor.u32 s16, v1;
	_ =	sdelay $0x3  }
0x10e: {  	[tilespmem:v45+s14+$0x0] =	vst.idx.msk $0xffff, v6  }
0x10f: {  	v6 =	vld.idx.msk [tilespmem:v7+s11+$0x0], $0xffff  }
0x110: {  	v7 =	vor.u32 s16, v2;
	_ =	sdelay $0x1  }
0x111: {  	(v2sf) =	vpush v5, $0xD;
	_ =	sdelay $0x1  }
0x112: {  	[tilespmem:v46+s14+$0x0] =	vst.idx.msk $0xffff, v6  }
0x113: {  	v6 =	vld.idx.msk [tilespmem:v7+s11+$0x0], $0xffff  }
0x114: {  	v7 =	vor.u32 s16, v3;
	_ =	sdelay $0x3  }
0x115: {  	[tilespmem:v47+s14+$0x0] =	vst.idx.msk $0xffff, v6  }
0x116: {  	v6 =	vld.idx.msk [tilespmem:v7+s11+$0x0], $0xffff  }
0x117: {  	v7 =	vor.u32 s16, v4;
	_ =	sdelay $0x3  }
0x118: {  	[tilespmem:v48+s14+$0x0] =	vst.idx.msk $0xffff, v6  }
0x119: {  	s21 =	spop (v2sf);
	v6 =	vld.idx.msk [tilespmem:v7+s11+$0x0], $0xffff  }
0x11a: {  	s22 =	sshll.u32 s21, $0x3  }
0x11b: {  	s19 =	sand.u32 $0x7FFFFC00, s22  }
0x11c: {  	s19 =	sadd.s32 s5, s19  }
0x11d: {  	s17 =	sand.u32 $0x7F, s26;
	s19 =	sshrl.u32 s19, $0x3  }
0x11e: {  	s19 =	sadd.s32 s1, s19;
	[tilespmem:v49+s14+$0x0] =	vst.idx.msk $0xffff, v6;
	v6 =	vor.u32 s17, v0  }
0x11f: {  	[tilespmem:s11], [sflag:$0x1] =	stream.strided.gather [hbm4b:s19+s8], $0x2800, s9, s8, $0x38;
	[tilespmem:$0xC880] =	vst v63  }
0x120: {  	_ =	swait.ge [sflag:s4], $0x2800  }
0x121: {  	[sflag:s4] =	ssyncset.done $0x0  }
0x122: {  	[sflag:s4] =	ssyncadd.s32 $0xFFFFD800  }
0x123: {  	v6 =	vld.idx.msk [tilespmem:v6+s12+$0x0], $0xffff  }
0x124: {  	v7 =	vor.u32 s17, v1;
	_ =	sdelay $0x3  }
0x125: {  	[tilespmem:v50+s14+$0x0] =	vst.idx.msk $0xffff, v6  }
0x126: {  	v6 =	vld.idx.msk [tilespmem:v7+s12+$0x0], $0xffff  }
0x127: {  	v7 =	vor.u32 s17, v2;
	_ =	sdelay $0x1  }
0x128: {  	(v2sf) =	vpush v5, $0xE;
	_ =	sdelay $0x1  }
0x129: {  	[tilespmem:v51+s14+$0x0] =	vst.idx.msk $0xffff, v6  }
0x12a: {  	v6 =	vld.idx.msk [tilespmem:v7+s12+$0x0], $0xffff  }
0x12b: {  	v7 =	vor.u32 s17, v3;
	_ =	sdelay $0x3  }
0x12c: {  	[tilespmem:v52+s14+$0x0] =	vst.idx.msk $0xffff, v6  }
0x12d: {  	v6 =	vld.idx.msk [tilespmem:v7+s12+$0x0], $0xffff  }
0x12e: {  	v7 =	vor.u32 s17, v4;
	_ =	sdelay $0x3  }
0x12f: {  	[tilespmem:v53+s14+$0x0] =	vst.idx.msk $0xffff, v6  }
0x130: {  	s23 =	spop (v2sf);
	v6 =	vld.idx.msk [tilespmem:v7+s12+$0x0], $0xffff  }
0x131: {  	s24 =	sshll.u32 s23, $0x3  }
0x132: {  	s19 =	sand.u32 $0x7FFFFC00, s24  }
0x133: {  	s19 =	sadd.s32 s5, s19  }
0x134: {  	s18 =	sand.u32 $0x7F, s29;
	s19 =	sshrl.u32 s19, $0x3  }
0x135: {  	s19 =	sadd.s32 s1, s19;
	[tilespmem:v54+s14+$0x0] =	vst.idx.msk $0xffff, v6;
	v6 =	vor.u32 s18, v0  }
0x136: {  	[tilespmem:s12], [sflag:$0x1] =	stream.strided.gather [hbm4b:s19+s8], $0x2800, s9, s8, $0x38;
	[tilespmem:$0xC880] =	vst v63  }
0x137: {  	_ =	swait.ge [sflag:s4], $0x2800  }
0x138: {  	[sflag:s4] =	ssyncset.done $0x0  }
0x139: {  	[sflag:s4] =	ssyncadd.s32 $0xFFFFD800  }
0x13a: {  	v6 =	vld.idx.msk [tilespmem:v6+s13+$0x0], $0xffff  }
0x13b: {  	v7 =	vor.u32 s18, v1;
	_ =	sdelay $0x3  }
0x13c: {  	[tilespmem:v55+s14+$0x0] =	vst.idx.msk $0xffff, v6  }
0x13d: {  	v6 =	vld.idx.msk [tilespmem:v7+s13+$0x0], $0xffff  }
0x13e: {  	v7 =	vor.u32 s18, v2;
	_ =	sdelay $0x1  }
0x13f: {  	(v2sf) =	vpush v5, $0xF;
	_ =	sdelay $0x1  }
0x140: {  	[tilespmem:v56+s14+$0x0] =	vst.idx.msk $0xffff, v6  }
0x141: {  	v5 =	vld.idx.msk [tilespmem:v7+s13+$0x0], $0xffff  }
0x142: {  	v6 =	vor.u32 s18, v3;
	_ =	sdelay $0x3  }
0x143: {  	[tilespmem:v57+s14+$0x0] =	vst.idx.msk $0xffff, v5  }
0x144: {  	v5 =	vld.idx.msk [tilespmem:v6+s13+$0x0], $0xffff  }
0x145: {  	v6 =	vor.u32 s18, v4;
	_ =	sdelay $0x3  }
0x146: {  	[tilespmem:v58+s14+$0x0] =	vst.idx.msk $0xffff, v5  }
0x147: {  	s25 =	spop (v2sf);
	v5 =	vld.idx.msk [tilespmem:v6+s13+$0x0], $0xffff  }
0x148: {  	s26 =	sshll.u32 s25, $0x3  }
0x149: {  	s19 =	sand.u32 $0x7FFFFC00, s26  }
0x14a: {  	s19 =	sadd.s32 s5, s19  }
0x14b: {  	s15 =	sand.u32 $0x7F, s31;
	s19 =	sshrl.u32 s19, $0x3  }
0x14c: {  	s19 =	sadd.s32 s1, s19;
	[tilespmem:v59+s14+$0x0] =	vst.idx.msk $0xffff, v5;
	v5 =	vor.u32 s15, v0  }
0x14d: {  	[tilespmem:s13], [sflag:$0x1] =	stream.strided.gather [hbm4b:s19+s8], $0x2800, s9, s8, $0x38;
	[tilespmem:$0xC880] =	vst v63  }
0x14e: {  	_ =	swait.ge [sflag:s4], $0x2800  }
0x14f: {  	[sflag:s4] =	ssyncset.done $0x0  }
0x150: {  	[sflag:s4] =	ssyncadd.s32 $0xFFFFD800  }
0x151: {  	v5 =	vld.idx.msk [tilespmem:v5+s10+$0x0], $0xffff  }
0x152: {  	v6 =	vor.u32 s15, v1;
	_ =	sdelay $0x3  }
0x153: {  	[tilespmem:v60+s14+$0x0] =	vst.idx.msk $0xffff, v5  }
0x154: {  	v5 =	vld.idx.msk [tilespmem:v6+s10+$0x0], $0xffff  }
0x155: {  	v6 =	vor.u32 s15, v2;
	_ =	sdelay $0x3  }
0x156: {  	[tilespmem:v61+s14+$0x0] =	vst.idx.msk $0xffff, v5  }
0x157: {  	v5 =	vld.idx.msk [tilespmem:v6+s10+$0x0], $0xffff  }
0x158: {  	v6 =	vor.u32 s15, v3;
	_ =	sdelay $0x3  }
0x159: {  	[tilespmem:v62+s14+$0x0] =	vst.idx.msk $0xffff, v5  }
0x15a: {  	v5 =	vld.idx.msk [tilespmem:v6+s10+$0x0], $0xffff  }
0x15b: {  	v6 =	vor.u32 s15, v4;
	_ =	sdelay $0x3  }
0x15c: {  	[tilespmem:v63+s14+$0x0] =	vst.idx.msk $0xffff, v5  }
0x15d: {  	v5 =	vld.idx.msk [tilespmem:v6+s10+$0x0], $0xffff;
	v6 =	vor.u32 $0x200C, v0;
	_ =	sdelay $0x2  }
0x15e: {  	s28 =	sand.u32 $0x7F, s21  }
0x15f: {  	v7 =	vor.u32 s28, v0  }
0x160: {  	[tilespmem:v6+s14+$0x0] =	vst.idx.msk $0xffff, v5  }
0x161: {  	_ =	swait.ge [sflag:s4], $0x2800  }
0x162: {  	[sflag:s4] =	ssyncset.done $0x0  }
0x163: {  	[sflag:s4] =	ssyncadd.s32 $0xFFFFD800  }
0x164: {  	v6 =	vor.u32 $0xD, v0;
	v5 =	vld.idx.msk [tilespmem:v7+s11+$0x0], $0xffff  }
0x165: {  	v7 =	vor.u32 s28, v1;
	_ =	sdelay $0x3  }
0x166: {  	[tilespmem:v6+s14+$0x0] =	vst.idx.msk $0xffff, v5  }
0x167: {  	v6 =	vor.u32 $0x80D, v0;
	v5 =	vld.idx.msk [tilespmem:v7+s11+$0x0], $0xffff  }
0x168: {  	v7 =	vor.u32 s28, v2;
	_ =	sdelay $0x3  }
0x169: {  	[tilespmem:v6+s14+$0x0] =	vst.idx.msk $0xffff, v5  }
0x16a: {  	v6 =	vor.u32 $0x100D, v0;
	v5 =	vld.idx.msk [tilespmem:v7+s11+$0x0], $0xffff  }
0x16b: {  	v7 =	vor.u32 s28, v3;
	_ =	sdelay $0x3  }
0x16c: {  	[tilespmem:v6+s14+$0x0] =	vst.idx.msk $0xffff, v5  }
0x16d: {  	v6 =	vor.u32 $0x180D, v0;
	v5 =	vld.idx.msk [tilespmem:v7+s11+$0x0], $0xffff  }
0x16e: {  	v7 =	vor.u32 s28, v4;
	_ =	sdelay $0x3  }
0x16f: {  	[tilespmem:v6+s14+$0x0] =	vst.idx.msk $0xffff, v5  }
0x170: {  	v6 =	vor.u32 $0x200D, v0;
	v5 =	vld.idx.msk [tilespmem:v7+s11+$0x0], $0xffff;
	_ =	sdelay $0x2  }
0x171: {  	s29 =	sand.u32 $0x7F, s23  }
0x172: {  	v7 =	vor.u32 s29, v0  }
0x173: {  	[tilespmem:v6+s14+$0x0] =	vst.idx.msk $0xffff, v5  }
0x174: {  	_ =	swait.ge [sflag:s4], $0x2800  }
0x175: {  	[sflag:s4] =	ssyncset.done $0x0  }
0x176: {  	[sflag:s4] =	ssyncadd.s32 $0xFFFFD800  }
0x177: {  	v6 =	vor.u32 $0xE, v0;
	v5 =	vld.idx.msk [tilespmem:v7+s12+$0x0], $0xffff  }
0x178: {  	v7 =	vor.u32 s29, v1;
	_ =	sdelay $0x3  }
0x179: {  	[tilespmem:v6+s14+$0x0] =	vst.idx.msk $0xffff, v5  }
0x17a: {  	v6 =	vor.u32 $0x80E, v0;
	v5 =	vld.idx.msk [tilespmem:v7+s12+$0x0], $0xffff  }
0x17b: {  	v7 =	vor.u32 s29, v2;
	_ =	sdelay $0x3  }
0x17c: {  	[tilespmem:v6+s14+$0x0] =	vst.idx.msk $0xffff, v5  }
0x17d: {  	v6 =	vor.u32 $0x100E, v0;
	v5 =	vld.idx.msk [tilespmem:v7+s12+$0x0], $0xffff  }
0x17e: {  	v7 =	vor.u32 s29, v3;
	_ =	sdelay $0x3  }
0x17f: {  	[tilespmem:v6+s14+$0x0] =	vst.idx.msk $0xffff, v5  }
0x180: {  	v6 =	vor.u32 $0x180E, v0;
	v5 =	vld.idx.msk [tilespmem:v7+s12+$0x0], $0xffff  }
0x181: {  	v7 =	vor.u32 s29, v4;
	_ =	sdelay $0x3  }
0x182: {  	[tilespmem:v6+s14+$0x0] =	vst.idx.msk $0xffff, v5  }
0x183: {  	v6 =	vor.u32 $0x200E, v0;
	v5 =	vld.idx.msk [tilespmem:v7+s12+$0x0], $0xffff;
	_ =	sdelay $0x2  }
0x184: {  	s30 =	sand.u32 $0x7F, s25  }
0x185: {  	v7 =	vor.u32 s30, v0  }
0x186: {  	[tilespmem:v6+s14+$0x0] =	vst.idx.msk $0xffff, v5  }
0x187: {  	_ =	swait.ge [sflag:s4], $0x2800  }
0x188: {  	[sflag:s4] =	ssyncset.done $0x0  }
0x189: {  	[sflag:s4] =	ssyncadd.s32 $0xFFFFD800  }
0x18a: {  	v6 =	vor.u32 $0xF, v0;
	v5 =	vld.idx.msk [tilespmem:v7+s13+$0x0], $0xffff  }
0x18b: {  	v7 =	vor.u32 s30, v1;
	_ =	sdelay $0x3  }
0x18c: {  	[tilespmem:v6+s14+$0x0] =	vst.idx.msk $0xffff, v5  }
0x18d: {  	v6 =	vor.u32 $0x80F, v0;
	v5 =	vld.idx.msk [tilespmem:v7+s13+$0x0], $0xffff  }
0x18e: {  	v7 =	vor.u32 s30, v2;
	_ =	sdelay $0x3  }
0x18f: {  	[tilespmem:v6+s14+$0x0] =	vst.idx.msk $0xffff, v5  }
0x190: {  	v6 =	vor.u32 $0x100F, v0;
	v5 =	vld.idx.msk [tilespmem:v7+s13+$0x0], $0xffff  }
0x191: {  	v7 =	vor.u32 s30, v3;
	_ =	sdelay $0x3  }
0x192: {  	[tilespmem:v6+s14+$0x0] =	vst.idx.msk $0xffff, v5  }
0x193: {  	v6 =	vor.u32 $0x180F, v0;
	v5 =	vld.idx.msk [tilespmem:v7+s13+$0x0], $0xffff  }
0x194: {  	v7 =	vor.u32 s30, v4;
	_ =	sdelay $0x3  }
0x195: {  	[tilespmem:v6+s14+$0x0] =	vst.idx.msk $0xffff, v5  }
0x196: {  	v6 =	vor.u32 $0x200F, v0;
	v5 =	vld.idx.msk [tilespmem:v7+s13+$0x0], $0xffff;
	_ =	sdelay $0x3  }
0x197: {  	p0 =	sne.s32 s6, $0x1  }
.Ltmp0:
0x198: {  	s31 =	rddreg [dreg:$0x5];
	[tilespmem:v6+s14+$0x0] =	vst.idx.msk $0xffff, v5;
	(pc) =	sbr.rel @p0 .LBB2_1-.Ltmp0, $4  }
0x199: {  	[hbm4b:s31+s3] =	stream.linear.scatter [tilespmem:s14], [sflag:$0x2], $0x2800, $0x38;
	[tilespmem:$0xC880] =	vst v63  }
0x19a: {  	_ =	swait.ge [sflag:s7], $0x2800  }
0x19b: {  	[sflag:s7] =	ssyncset.done $0x0  }
0x19c: {  	s6 =	sadd.s32 $0xFFFFFFFF, s6;
	[sflag:s7] =	ssyncadd.s32 $0xFFFFD800  }
0x19d: {  	_ =	sfence.sel $0x180000  }
0x19e: {  	[bflag:$0x0] =	sbarrier.arrive $0xFFFF  }
0x19f: {  	p0 =	sne.s32 s0, $0x0;
	_ =	strace $0x90000047  }
0x1a0: {  	s0 =	sadd.s32 @!p0 $0x100000, s2;
	[bflag:$0x2] =	sbarrier.arrive $0xFFFF  }
0x1a1: {  	[sflag:s0] =	ssyncadd.tile.s32 @!p0 $0x1;
	_ =	shalt  }
.Lfunc_end2:
_tile_overlayer_lowered:
.L_overlay_start_2:
0x1a2: {  	(tag) =	ssettag $0x2  }
0x1a3: {  	s0 =	rddreg [dreg:$0x0];
	s2 =	stileid.u32  }
0x1a4: {  	s1 =	rddreg [dreg:$0x1];
	p0 =	sne.s32 s2, $0x0  }
0x1a5: {  	s3 =	rddreg [dreg:$0x2];
	[bflag:$0x3] =	sbarrier.arrive $0xFFFF;
	s2 =	simm.s32 @!p0 $0x1C02  }
0x1a6: {  	[timem:s3], [sflag:s2] =	dma.local @!p0 [hbm:s0], s1  }
0x1a7: {  	s0 =	simm.s32 @!p0 $0x2  }
0x1a8: {  	_ =	swait.ge @!p0 [sflag:s0], s1  }
0x1a9: {  	s1 =	ssub.s32 @!p0 $0x0, s1;
	[sflag:s0] =	ssyncset.done @!p0 $0x0  }
0x1aa: {  	[sflag:s0] =	ssyncadd.s32 @!p0 s1  }
0x1ab: {  	[bflag:$0x3] =	sbarrier.arrive $0xFFFF  }
0x1ac: {  	_ =	shalt  }

</sc_bundles>
